<compile_context>
chip_gen: v7x
topology: tpu7x:2x2x1
jax: 0.10.2.dev20260603
libtpu: 0.0.44.dev20260713+nightly
codegen_flags: <defaults>
</compile_context>

<pallas_src>
import functools

import jax
import jax.numpy as jnp
from jax import lax
from jax.experimental import pallas as pl
from jax.experimental.pallas import tpu as pltpu
from jax.experimental.pallas import tpu_sc as plsc

PAD = 1
B = 4
S = 4096
D = 1024

NC = 2
NS = 16
L = 16
NW = NC * NS
TOK_PER_W = (B * S) // NW
TILES_PER_BATCH = S // TOK_PER_W
NGROUP = TOK_PER_W // L
K = 32
NCHUNK = TOK_PER_W // K
KGROUP = K // L

_mesh = plsc.VectorSubcoreMesh(core_axis_name="c", subcore_axis_name="s")


@functools.partial(
    pl.kernel,
    out_type=jax.ShapeDtypeStruct((B * S, D), jnp.float32),
    mesh=_mesh,
    compiler_params=pltpu.CompilerParams(needs_layout_passes=False),
    scratch_types=[
        pltpu.VMEM((TOK_PER_W,), jnp.int32),
        pltpu.VMEM((NCHUNK, K), jnp.int32),
        pltpu.VMEM((L,), jnp.int32),
        pltpu.VMEM((NS, L), jnp.int32),
        pltpu.VMEM_SHARED((NS, L), jnp.int32),
        pltpu.VMEM((K, D), jnp.float32),
        pltpu.VMEM((K, D), jnp.float32),
        pltpu.VMEM((K, D), jnp.float32),
        pltpu.SemaphoreType.DMA,
        pltpu.SemaphoreType.DMA,
    ],
)
def _emb_kernel(inp_hbm, table_hbm, out_hbm,
                tok_v, idx_v, stage_v, totals_v, totals_sh,
                rows0_v, rows1_v, rows2_v, gsem, wsem):
    cid = lax.axis_index("c")
    sid = lax.axis_index("s")
    w = cid * NS + sid
    base = w * TOK_PER_W

    pltpu.sync_copy(inp_hbm.at[pl.ds(base, TOK_PER_W)], tok_v)
    pref = jnp.int32(0)
    for i in range(NGROUP):
        tok = tok_v[pl.ds(i * L, L)]
        m = jnp.minimum(jnp.abs(tok - PAD), 1)
        c = plsc.cumsum(m)
        pos = (pref + c) * m + PAD
        idx_v[i // KGROUP, pl.ds((i % KGROUP) * L, L)] = pos
        pref = pref + jnp.max(c)

    stage_v[...] = jnp.full((L,), pref, jnp.int32)
    pltpu.sync_copy(stage_v, totals_sh.at[sid])
    plsc.subcore_barrier()
    pltpu.sync_copy(totals_sh, totals_v)
    lb = sid // TILES_PER_BATCH
    acc = jnp.zeros((L,), jnp.int32)
    for p in range(NS):
        same_row = jnp.int32(1) - jnp.minimum(
            jnp.abs(jnp.int32(p // TILES_PER_BATCH) - lb), 1)
        before = jnp.minimum(jnp.maximum(sid - jnp.int32(p), 0), 1)
        acc = acc + totals_v[p, :] * (same_row * before)
    gpref = jnp.max(acc)

    for r in range(NCHUNK):
        for o in range(KGROUP):
            v = idx_v[r, pl.ds(o * L, L)]
            v = v + gpref * jnp.minimum(v - PAD, 1)
            idx_v[r, pl.ds(o * L, L)] = v

    bufs = (rows0_v, rows1_v, rows2_v)
    gco = [None] * NCHUNK
    wco = [None] * NCHUNK
    gco[0] = pltpu.async_copy(table_hbm.at[idx_v.at[0]], bufs[0], gsem)
    for c in range(NCHUNK):
        cur = bufs[c % 3]
        gco[c].wait()
        if c + 1 < NCHUNK:
            if c >= 2:
                wco[c - 2].wait()
            gco[c + 1] = pltpu.async_copy(
                table_hbm.at[idx_v.at[c + 1]], bufs[(c + 1) % 3], gsem)
        wco[c] = pltpu.async_copy(cur, out_hbm.at[pl.ds(base + c * K, K)], wsem)
    wco[NCHUNK - 2].wait()
    wco[NCHUNK - 1].wait()


def kernel(input, table):
    out = _emb_kernel(input.reshape(-1), table)
    return out.reshape(B, S, D)

# --- scband reference (transcript-rebuilt; emitter-appended) ---
"""Pipeline reference for scband-learned-positional-embedding-1769526526284 (READ-ONLY COPY).

The authoritative reference and input builder live on the scoring server;
editing this copy changes nothing except your own understanding.
"""

import jax, jax.numpy as jnp
import numpy as np

NUM_EMBEDDINGS = 4100
EMBED_DIM = 1024
PAD_INDEX = 1
BATCH = 4
SEQ_LEN = 4096


def setup_inputs(seed: int = 0) -> dict:
    key = jax.random.key(seed)
    k1, k2 = jax.random.split(key)
    # token ids; values in [0, 32000) -- occurrences equal to PAD_INDEX are treated as padding
    inp = jax.random.randint(k1, (BATCH, SEQ_LEN), 0, 32000, dtype=jnp.int32)
    # learned positional embedding table (nn.Embedding with padding_idx => pad row zeroed)
    table = jax.random.normal(k2, (NUM_EMBEDDINGS, EMBED_DIM), dtype=jnp.float32) * 0.02
    table = table.at[PAD_INDEX].set(0.0)
    return {"input": inp, "table": table}


def reference(input, table):
    # _make_positions: positions = cumsum(tensor != pad, dim=1) * mask + pad_index
    masked = (input != PAD_INDEX).astype(jnp.int32)
    positions = jnp.cumsum(masked, axis=1) * masked + PAD_INDEX
    # embedding lookup (gather rows)
    return jnp.take(table, positions, axis=0)

if __name__ == "__main__":
    import jax
    _d = setup_inputs()
    print(jax.jit(kernel)(*tuple(_d.values())))

</pallas_src>

<mosaic_0001>
#map = affine_map<(d0, d1) -> (0)>
#map1 = affine_map<(d0, d1) -> (0, 0)>
module attributes {stable_mosaic.version = 14 : i64} {
  func.func @_emb_kernel(%arg0: i32, %arg1: i32, %arg2: memref<16384xi32, #tpu.memory_space<hbm>>, %arg3: memref<4100x1024xf32, #tpu.memory_space<hbm>>, %arg4: memref<16384x1024xf32, #tpu.memory_space<hbm>>, %arg5: memref<512xi32, #tpu.memory_space<vmem>>, %arg6: memref<16x32xi32, #tpu.memory_space<vmem>>, %arg7: memref<16xi32, #tpu.memory_space<vmem>>, %arg8: memref<16x16xi32, #tpu.memory_space<vmem>>, %arg9: memref<16x16xi32, #tpu.memory_space<vmem_shared>>, %arg10: memref<32x1024xf32, #tpu.memory_space<vmem>>, %arg11: memref<32x1024xf32, #tpu.memory_space<vmem>>, %arg12: memref<32x1024xf32, #tpu.memory_space<vmem>>, %arg13: memref<!tpu.dma_semaphore, #tpu.memory_space<semaphore_mem>>, %arg14: memref<!tpu.dma_semaphore, #tpu.memory_space<semaphore_mem>>) attributes {dimension_semantics = [#tpu.dimension_semantics<core_parallel>, #tpu.dimension_semantics<subcore_parallel>], iteration_bounds = array<i64: 2, 16>, scalar_prefetch = 0 : i64, scratch_operands = 10 : i64, tpu.core_type = #tpu.core_type<sc_vector_subcore>, window_params = [{transform_indices = #map}, {transform_indices = #map1}, {transform_indices = #map1}]} {
    %mul3A = arith.constant 16 : i32
    %mul3A_0 = arith.muli %arg0, %mul3A : i32
    %add3A = arith.addi %mul3A_0, %arg1 : i32
    %mul3A_1 = arith.constant 512 : i32
    %mul3A_2 = arith.muli %add3A, %mul3A_1 : i32
    "tpu.region"() ({
      %run_scoped3A = tpu.sem_alloc : memref<!tpu.dma_semaphore, #tpu.memory_space<semaphore_mem>>
      %dma_start3A_2276 = tpu.memref_slice %arg2[%mul3A_2] : memref<16384xi32, #tpu.memory_space<hbm>> -> memref<512xi32, #tpu.memory_space<hbm>>
      %dma_start3A_2277 = tpu.memref_slice %arg2[%mul3A_2] : memref<16384xi32, #tpu.memory_space<hbm>> -> memref<512xi32, #tpu.memory_space<hbm>>
      tpu.enqueue_dma source(%dma_start3A_2277 : memref<512xi32, #tpu.memory_space<hbm>>) target(%arg5 : memref<512xi32, #tpu.memory_space<vmem>>) target_semaphore(%run_scoped3A : memref<!tpu.dma_semaphore, #tpu.memory_space<semaphore_mem>>)
      %dma_wait3A_2278 = tpu.memref_slice %arg2[%mul3A_2] : memref<16384xi32, #tpu.memory_space<hbm>> -> memref<512xi32, #tpu.memory_space<hbm>>
      %dma_wait3A_2279 = tpu.memref_slice %arg2[%mul3A_2] : memref<16384xi32, #tpu.memory_space<hbm>> -> memref<512xi32, #tpu.memory_space<hbm>>
      tpu.wait_dma2 semaphore(%run_scoped3A : memref<!tpu.dma_semaphore, #tpu.memory_space<semaphore_mem>>) src(%dma_wait3A_2279 : memref<512xi32, #tpu.memory_space<hbm>>) dst(%arg5 : memref<512xi32, #tpu.memory_space<vmem>>)
      tpu.yield
    }) : () -> ()
    %get3A = arith.constant 0 : index
    %get3A_3 = tpu.vector_load %arg5[%get3A] {strides = array<i32>} : memref<512xi32, #tpu.memory_space<vmem>>, vector<16xi32>,
    %sub3A = arith.constant 1 : i32
    %sub3A_4 = vector.broadcast %sub3A : i32 to vector<16xi32>
    %sub3A_5 = arith.subi %get3A_3, %sub3A_4 : vector<16xi32>
    %abs3A = math.absi %sub3A_5 : vector<16xi32>
    %min3A = arith.constant 1 : i32
    %min3A_6 = vector.broadcast %min3A : i32 to vector<16xi32>
    %min3A_7 = arith.minsi %abs3A, %min3A_6 : vector<16xi32>
    %broadcast_in_dim3A = arith.constant true
    %broadcast_in_dim3A_8 = vector.broadcast %broadcast_in_dim3A : i1 to vector<16xi1>
    %masked_cumsum3A = tpu.scan <sum>, %min3A_7 masked %broadcast_in_dim3A_8 : vector<16xi32>, vector<16xi1> -> vector<16xi32>
    %add3A_9 = arith.constant 0 : i32
    %add3A_10 = vector.broadcast %add3A_9 : i32 to vector<16xi32>
    %add3A_11 = arith.addi %add3A_10, %masked_cumsum3A : vector<16xi32>
    %mul3A_12 = arith.muli %add3A_11, %min3A_7 : vector<16xi32>
    %add3A_13 = arith.constant 1 : i32
    %add3A_14 = vector.broadcast %add3A_13 : i32 to vector<16xi32>
    %add3A_15 = arith.addi %mul3A_12, %add3A_14 : vector<16xi32>
    %swap3A = arith.constant 0 : i32
    %swap3A_16 = arith.index_cast %swap3A : i32 to index
    %swap3A_17 = arith.constant 0 : index
    %swap3A_18 = tpu.vector_load %arg6[%swap3A_16, %swap3A_17] {strides = array<i32>} : memref<16x32xi32, #tpu.memory_space<vmem>>, vector<16xi32>,
    tpu.vector_store %arg6[%swap3A_16, %swap3A_17], %add3A_15 {strides = array<i32>} : memref<16x32xi32, #tpu.memory_space<vmem>>, vector<16xi32>,
    %reduce_max3A = arith.constant true
    %reduce_max3A_19 = vector.broadcast %reduce_max3A : i1 to vector<16xi1>
    %reduce_max3A_20 = arith.constant -2147483648 : i32
    %reduce_max3A_21 = vector.broadcast %reduce_max3A_20 : i32 to vector<16xi32>
    %reduce_max3A_22 = arith.xori %masked_cumsum3A, %reduce_max3A_21 : vector<16xi32>
    %reduce_max3A_23 = tpu.scan <max>, %reduce_max3A_22 masked %reduce_max3A_19 : vector<16xi32>, vector<16xi1> -> vector<16xi32>
    %reduce_max3A_24 = arith.xori %reduce_max3A_23, %reduce_max3A_21 : vector<16xi32>
    %reduce_max3A_25 = vector.extract %reduce_max3A_24[15] : i32 from vector<16xi32>
    %add3A_26 = arith.constant 0 : i32
    %add3A_27 = arith.addi %add3A_26, %reduce_max3A_25 : i32
    %get3A_28 = arith.constant 16 : index
    %get3A_29 = tpu.vector_load %arg5[%get3A_28] {strides = array<i32>} : memref<512xi32, #tpu.memory_space<vmem>>, vector<16xi32>,
    %sub3A_30 = arith.constant 1 : i32
    %sub3A_31 = vector.broadcast %sub3A_30 : i32 to vector<16xi32>
    %sub3A_32 = arith.subi %get3A_29, %sub3A_31 : vector<16xi32>
    %abs3A_33 = math.absi %sub3A_32 : vector<16xi32>
    %min3A_34 = arith.constant 1 : i32
    %min3A_35 = vector.broadcast %min3A_34 : i32 to vector<16xi32>
    %min3A_36 = arith.minsi %abs3A_33, %min3A_35 : vector<16xi32>
    %broadcast_in_dim3A_37 = arith.constant true
    %broadcast_in_dim3A_38 = vector.broadcast %broadcast_in_dim3A_37 : i1 to vector<16xi1>
    %masked_cumsum3A_39 = tpu.scan <sum>, %min3A_36 masked %broadcast_in_dim3A_38 : vector<16xi32>, vector<16xi1> -> vector<16xi32>
    %add3A_40 = vector.broadcast %add3A_27 : i32 to vector<16xi32>
    %add3A_41 = arith.addi %add3A_40, %masked_cumsum3A_39 : vector<16xi32>
    %mul3A_42 = arith.muli %add3A_41, %min3A_36 : vector<16xi32>
    %add3A_43 = arith.constant 1 : i32
    %add3A_44 = vector.broadcast %add3A_43 : i32 to vector<16xi32>
    %add3A_45 = arith.addi %mul3A_42, %add3A_44 : vector<16xi32>
    %swap3A_46 = arith.constant 0 : i32
    %swap3A_47 = arith.index_cast %swap3A_46 : i32 to index
    %swap3A_48 = arith.constant 16 : index
    %swap3A_49 = tpu.vector_load %arg6[%swap3A_47, %swap3A_48] {strides = array<i32>} : memref<16x32xi32, #tpu.memory_space<vmem>>, vector<16xi32>,
    tpu.vector_store %arg6[%swap3A_47, %swap3A_48], %add3A_45 {strides = array<i32>} : memref<16x32xi32, #tpu.memory_space<vmem>>, vector<16xi32>,
    %reduce_max3A_50 = arith.constant true
    %reduce_max3A_51 = vector.broadcast %reduce_max3A_50 : i1 to vector<16xi1>
    %reduce_max3A_52 = arith.constant -2147483648 : i32
    %reduce_max3A_53 = vector.broadcast %reduce_max3A_52 : i32 to vector<16xi32>
    %reduce_max3A_54 = arith.xori %masked_cumsum3A_39, %reduce_max3A_53 : vector<16xi32>
    %reduce_max3A_55 = tpu.scan <max>, %reduce_max3A_54 masked %reduce_max3A_51 : vector<16xi32>, vector<16xi1> -> vector<16xi32>
    %reduce_max3A_56 = arith.xori %reduce_max3A_55, %reduce_max3A_53 : vector<16xi32>
    %reduce_max3A_57 = vector.extract %reduce_max3A_56[15] : i32 from vector<16xi32>
    %add3A_58 = arith.addi %add3A_27, %reduce_max3A_57 : i32
    %get3A_59 = arith.constant 32 : index
    %get3A_60 = tpu.vector_load %arg5[%get3A_59] {strides = array<i32>} : memref<512xi32, #tpu.memory_space<vmem>>, vector<16xi32>,
    %sub3A_61 = arith.constant 1 : i32
    %sub3A_62 = vector.broadcast %sub3A_61 : i32 to vector<16xi32>
    %sub3A_63 = arith.subi %get3A_60, %sub3A_62 : vector<16xi32>
    %abs3A_64 = math.absi %sub3A_63 : vector<16xi32>
    %min3A_65 = arith.constant 1 : i32
    %min3A_66 = vector.broadcast %min3A_65 : i32 to vector<16xi32>
    %min3A_67 = arith.minsi %abs3A_64, %min3A_66 : vector<16xi32>
    %broadcast_in_dim3A_68 = arith.constant true
    %broadcast_in_dim3A_69 = vector.broadcast %broadcast_in_dim3A_68 : i1 to vector<16xi1>
    %masked_cumsum3A_70 = tpu.scan <sum>, %min3A_67 masked %broadcast_in_dim3A_69 : vector<16xi32>, vector<16xi1> -> vector<16xi32>
    %add3A_71 = vector.broadcast %add3A_58 : i32 to vector<16xi32>
    %add3A_72 = arith.addi %add3A_71, %masked_cumsum3A_70 : vector<16xi32>
    %mul3A_73 = arith.muli %add3A_72, %min3A_67 : vector<16xi32>
    %add3A_74 = arith.constant 1 : i32
    %add3A_75 = vector.broadcast %add3A_74 : i32 to vector<16xi32>
    %add3A_76 = arith.addi %mul3A_73, %add3A_75 : vector<16xi32>
    %swap3A_77 = arith.constant 1 : i32
    %swap3A_78 = arith.index_cast %swap3A_77 : i32 to index
    %swap3A_79 = arith.constant 0 : index
    %swap3A_80 = tpu.vector_load %arg6[%swap3A_78, %swap3A_79] {strides = array<i32>} : memref<16x32xi32, #tpu.memory_space<vmem>>, vector<16xi32>,
    tpu.vector_store %arg6[%swap3A_78, %swap3A_79], %add3A_76 {strides = array<i32>} : memref<16x32xi32, #tpu.memory_space<vmem>>, vector<16xi32>,
    %reduce_max3A_81 = arith.constant true
    %reduce_max3A_82 = vector.broadcast %reduce_max3A_81 : i1 to vector<16xi1>
    %reduce_max3A_83 = arith.constant -2147483648 : i32
    %reduce_max3A_84 = vector.broadcast %reduce_max3A_83 : i32 to vector<16xi32>
    %reduce_max3A_85 = arith.xori %masked_cumsum3A_70, %reduce_max3A_84 : vector<16xi32>
    %reduce_max3A_86 = tpu.scan <max>, %reduce_max3A_85 masked %reduce_max3A_82 : vector<16xi32>, vector<16xi1> -> vector<16xi32>
    %reduce_max3A_87 = arith.xori %reduce_max3A_86, %reduce_max3A_84 : vector<16xi32>
    %reduce_max3A_88 = vector.extract %reduce_max3A_87[15] : i32 from vector<16xi32>
    %add3A_89 = arith.addi %add3A_58, %reduce_max3A_88 : i32
    %get3A_90 = arith.constant 48 : index
    %get3A_91 = tpu.vector_load %arg5[%get3A_90] {strides = array<i32>} : memref<512xi32, #tpu.memory_space<vmem>>, vector<16xi32>,
    %sub3A_92 = arith.constant 1 : i32
    %sub3A_93 = vector.broadcast %sub3A_92 : i32 to vector<16xi32>
    %sub3A_94 = arith.subi %get3A_91, %sub3A_93 : vector<16xi32>
    %abs3A_95 = math.absi %sub3A_94 : vector<16xi32>
    %min3A_96 = arith.constant 1 : i32
    %min3A_97 = vector.broadcast %min3A_96 : i32 to vector<16xi32>
    %min3A_98 = arith.minsi %abs3A_95, %min3A_97 : vector<16xi32>
    %broadcast_in_dim3A_99 = arith.constant true
    %broadcast_in_dim3A_100 = vector.broadcast %broadcast_in_dim3A_99 : i1 to vector<16xi1>
    %masked_cumsum3A_101 = tpu.scan <sum>, %min3A_98 masked %broadcast_in_dim3A_100 : vector<16xi32>, vector<16xi1> -> vector<16xi32>
    %add3A_102 = vector.broadcast %add3A_89 : i32 to vector<16xi32>
    %add3A_103 = arith.addi %add3A_102, %masked_cumsum3A_101 : vector<16xi32>
    %mul3A_104 = arith.muli %add3A_103, %min3A_98 : vector<16xi32>
    %add3A_105 = arith.constant 1 : i32
    %add3A_106 = vector.broadcast %add3A_105 : i32 to vector<16xi32>
    %add3A_107 = arith.addi %mul3A_104, %add3A_106 : vector<16xi32>
    %swap3A_108 = arith.constant 1 : i32
    %swap3A_109 = arith.index_cast %swap3A_108 : i32 to index
    %swap3A_110 = arith.constant 16 : index
    %swap3A_111 = tpu.vector_load %arg6[%swap3A_109, %swap3A_110] {strides = array<i32>} : memref<16x32xi32, #tpu.memory_space<vmem>>, vector<16xi32>,
    tpu.vector_store %arg6[%swap3A_109, %swap3A_110], %add3A_107 {strides = array<i32>} : memref<16x32xi32, #tpu.memory_space<vmem>>, vector<16xi32>,
    %reduce_max3A_112 = arith.constant true
    %reduce_max3A_113 = vector.broadcast %reduce_max3A_112 : i1 to vector<16xi1>
    %reduce_max3A_114 = arith.constant -2147483648 : i32
    %reduce_max3A_115 = vector.broadcast %reduce_max3A_114 : i32 to vector<16xi32>
    %reduce_max3A_116 = arith.xori %masked_cumsum3A_101, %reduce_max3A_115 : vector<16xi32>
    %reduce_max3A_117 = tpu.scan <max>, %reduce_max3A_116 masked %reduce_max3A_113 : vector<16xi32>, vector<16xi1> -> vector<16xi32>
    %reduce_max3A_118 = arith.xori %reduce_max3A_117, %reduce_max3A_115 : vector<16xi32>
    %reduce_max3A_119 = vector.extract %reduce_max3A_118[15] : i32 from vector<16xi32>
    %add3A_120 = arith.addi %add3A_89, %reduce_max3A_119 : i32
    %get3A_121 = arith.constant 64 : index
    %get3A_122 = tpu.vector_load %arg5[%get3A_121] {strides = array<i32>} : memref<512xi32, #tpu.memory_space<vmem>>, vector<16xi32>,
    %sub3A_123 = arith.constant 1 : i32
    %sub3A_124 = vector.broadcast %sub3A_123 : i32 to vector<16xi32>
    %sub3A_125 = arith.subi %get3A_122, %sub3A_124 : vector<16xi32>
    %abs3A_126 = math.absi %sub3A_125 : vector<16xi32>
    %min3A_127 = arith.constant 1 : i32
    %min3A_128 = vector.broadcast %min3A_127 : i32 to vector<16xi32>
    %min3A_129 = arith.minsi %abs3A_126, %min3A_128 : vector<16xi32>
    %broadcast_in_dim3A_130 = arith.constant true
    %broadcast_in_dim3A_131 = vector.broadcast %broadcast_in_dim3A_130 : i1 to vector<16xi1>
    %masked_cumsum3A_132 = tpu.scan <sum>, %min3A_129 masked %broadcast_in_dim3A_131 : vector<16xi32>, vector<16xi1> -> vector<16xi32>
    %add3A_133 = vector.broadcast %add3A_120 : i32 to vector<16xi32>
    %add3A_134 = arith.addi %add3A_133, %masked_cumsum3A_132 : vector<16xi32>
    %mul3A_135 = arith.muli %add3A_134, %min3A_129 : vector<16xi32>
    %add3A_136 = arith.constant 1 : i32
    %add3A_137 = vector.broadcast %add3A_136 : i32 to vector<16xi32>
    %add3A_138 = arith.addi %mul3A_135, %add3A_137 : vector<16xi32>
    %swap3A_139 = arith.constant 2 : i32
    %swap3A_140 = arith.index_cast %swap3A_139 : i32 to index
    %swap3A_141 = arith.constant 0 : index
    %swap3A_142 = tpu.vector_load %arg6[%swap3A_140, %swap3A_141] {strides = array<i32>} : memref<16x32xi32, #tpu.memory_space<vmem>>, vector<16xi32>,
    tpu.vector_store %arg6[%swap3A_140, %swap3A_141], %add3A_138 {strides = array<i32>} : memref<16x32xi32, #tpu.memory_space<vmem>>, vector<16xi32>,
    %reduce_max3A_143 = arith.constant true
    %reduce_max3A_144 = vector.broadcast %reduce_max3A_143 : i1 to vector<16xi1>
    %reduce_max3A_145 = arith.constant -2147483648 : i32
    %reduce_max3A_146 = vector.broadcast %reduce_max3A_145 : i32 to vector<16xi32>
    %reduce_max3A_147 = arith.xori %masked_cumsum3A_132, %reduce_max3A_146 : vector<16xi32>
    %reduce_max3A_148 = tpu.scan <max>, %reduce_max3A_147 masked %reduce_max3A_144 : vector<16xi32>, vector<16xi1> -> vector<16xi32>
    %reduce_max3A_149 = arith.xori %reduce_max3A_148, %reduce_max3A_146 : vector<16xi32>
    %reduce_max3A_150 = vector.extract %reduce_max3A_149[15] : i32 from vector<16xi32>
    %add3A_151 = arith.addi %add3A_120, %reduce_max3A_150 : i32
    %get3A_152 = arith.constant 80 : index
    %get3A_153 = tpu.vector_load %arg5[%get3A_152] {strides = array<i32>} : memref<512xi32, #tpu.memory_space<vmem>>, vector<16xi32>,
    %sub3A_154 = arith.constant 1 : i32
    %sub3A_155 = vector.broadcast %sub3A_154 : i32 to vector<16xi32>
    %sub3A_156 = arith.subi %get3A_153, %sub3A_155 : vector<16xi32>
    %abs3A_157 = math.absi %sub3A_156 : vector<16xi32>
    %min3A_158 = arith.constant 1 : i32
    %min3A_159 = vector.broadcast %min3A_158 : i32 to vector<16xi32>
    %min3A_160 = arith.minsi %abs3A_157, %min3A_159 : vector<16xi32>
    %broadcast_in_dim3A_161 = arith.constant true
    %broadcast_in_dim3A_162 = vector.broadcast %broadcast_in_dim3A_161 : i1 to vector<16xi1>
    %masked_cumsum3A_163 = tpu.scan <sum>, %min3A_160 masked %broadcast_in_dim3A_162 : vector<16xi32>, vector<16xi1> -> vector<16xi32>
    %add3A_164 = vector.broadcast %add3A_151 : i32 to vector<16xi32>
    %add3A_165 = arith.addi %add3A_164, %masked_cumsum3A_163 : vector<16xi32>
    %mul3A_166 = arith.muli %add3A_165, %min3A_160 : vector<16xi32>
    %add3A_167 = arith.constant 1 : i32
    %add3A_168 = vector.broadcast %add3A_167 : i32 to vector<16xi32>
    %add3A_169 = arith.addi %mul3A_166, %add3A_168 : vector<16xi32>
    %swap3A_170 = arith.constant 2 : i32
    %swap3A_171 = arith.index_cast %swap3A_170 : i32 to index
    %swap3A_172 = arith.constant 16 : index
    %swap3A_173 = tpu.vector_load %arg6[%swap3A_171, %swap3A_172] {strides = array<i32>} : memref<16x32xi32, #tpu.memory_space<vmem>>, vector<16xi32>,
    tpu.vector_store %arg6[%swap3A_171, %swap3A_172], %add3A_169 {strides = array<i32>} : memref<16x32xi32, #tpu.memory_space<vmem>>, vector<16xi32>,
    %reduce_max3A_174 = arith.constant true
    %reduce_max3A_175 = vector.broadcast %reduce_max3A_174 : i1 to vector<16xi1>
    %reduce_max3A_176 = arith.constant -2147483648 : i32
    %reduce_max3A_177 = vector.broadcast %reduce_max3A_176 : i32 to vector<16xi32>
    %reduce_max3A_178 = arith.xori %masked_cumsum3A_163, %reduce_max3A_177 : vector<16xi32>
    %reduce_max3A_179 = tpu.scan <max>, %reduce_max3A_178 masked %reduce_max3A_175 : vector<16xi32>, vector<16xi1> -> vector<16xi32>
    %reduce_max3A_180 = arith.xori %reduce_max3A_179, %reduce_max3A_177 : vector<16xi32>
    %reduce_max3A_181 = vector.extract %reduce_max3A_180[15] : i32 from vector<16xi32>
    %add3A_182 = arith.addi %add3A_151, %reduce_max3A_181 : i32
    %get3A_183 = arith.constant 96 : index
    %get3A_184 = tpu.vector_load %arg5[%get3A_183] {strides = array<i32>} : memref<512xi32, #tpu.memory_space<vmem>>, vector<16xi32>,
    %sub3A_185 = arith.constant 1 : i32
    %sub3A_186 = vector.broadcast %sub3A_185 : i32 to vector<16xi32>
    %sub3A_187 = arith.subi %get3A_184, %sub3A_186 : vector<16xi32>
    %abs3A_188 = math.absi %sub3A_187 : vector<16xi32>
    %min3A_189 = arith.constant 1 : i32
    %min3A_190 = vector.broadcast %min3A_189 : i32 to vector<16xi32>
    %min3A_191 = arith.minsi %abs3A_188, %min3A_190 : vector<16xi32>
    %broadcast_in_dim3A_192 = arith.constant true
    %broadcast_in_dim3A_193 = vector.broadcast %broadcast_in_dim3A_192 : i1 to vector<16xi1>
    %masked_cumsum3A_194 = tpu.scan <sum>, %min3A_191 masked %broadcast_in_dim3A_193 : vector<16xi32>, vector<16xi1> -> vector<16xi32>
    %add3A_195 = vector.broadcast %add3A_182 : i32 to vector<16xi32>
    %add3A_196 = arith.addi %add3A_195, %masked_cumsum3A_194 : vector<16xi32>
    %mul3A_197 = arith.muli %add3A_196, %min3A_191 : vector<16xi32>
    %add3A_198 = arith.constant 1 : i32
    %add3A_199 = vector.broadcast %add3A_198 : i32 to vector<16xi32>
    %add3A_200 = arith.addi %mul3A_197, %add3A_199 : vector<16xi32>
    %swap3A_201 = arith.constant 3 : i32
    %swap3A_202 = arith.index_cast %swap3A_201 : i32 to index
    %swap3A_203 = arith.constant 0 : index
    %swap3A_204 = tpu.vector_load %arg6[%swap3A_202, %swap3A_203] {strides = array<i32>} : memref<16x32xi32, #tpu.memory_space<vmem>>, vector<16xi32>,
    tpu.vector_store %arg6[%swap3A_202, %swap3A_203], %add3A_200 {strides = array<i32>} : memref<16x32xi32, #tpu.memory_space<vmem>>, vector<16xi32>,
    %reduce_max3A_205 = arith.constant true
    %reduce_max3A_206 = vector.broadcast %reduce_max3A_205 : i1 to vector<16xi1>
    %reduce_max3A_207 = arith.constant -2147483648 : i32
    %reduce_max3A_208 = vector.broadcast %reduce_max3A_207 : i32 to vector<16xi32>
    %reduce_max3A_209 = arith.xori %masked_cumsum3A_194, %reduce_max3A_208 : vector<16xi32>
    %reduce_max3A_210 = tpu.scan <max>, %reduce_max3A_209 masked %reduce_max3A_206 : vector<16xi32>, vector<16xi1> -> vector<16xi32>
    %reduce_max3A_211 = arith.xori %reduce_max3A_210, %reduce_max3A_208 : vector<16xi32>
    %reduce_max3A_212 = vector.extract %reduce_max3A_211[15] : i32 from vector<16xi32>
    %add3A_213 = arith.addi %add3A_182, %reduce_max3A_212 : i32
    %get3A_214 = arith.constant 112 : index
    %get3A_215 = tpu.vector_load %arg5[%get3A_214] {strides = array<i32>} : memref<512xi32, #tpu.memory_space<vmem>>, vector<16xi32>,
    %sub3A_216 = arith.constant 1 : i32
    %sub3A_217 = vector.broadcast %sub3A_216 : i32 to vector<16xi32>
    %sub3A_218 = arith.subi %get3A_215, %sub3A_217 : vector<16xi32>
    %abs3A_219 = math.absi %sub3A_218 : vector<16xi32>
    %min3A_220 = arith.constant 1 : i32
    %min3A_221 = vector.broadcast %min3A_220 : i32 to vector<16xi32>
    %min3A_222 = arith.minsi %abs3A_219, %min3A_221 : vector<16xi32>
    %broadcast_in_dim3A_223 = arith.constant true
    %broadcast_in_dim3A_224 = vector.broadcast %broadcast_in_dim3A_223 : i1 to vector<16xi1>
    %masked_cumsum3A_225 = tpu.scan <sum>, %min3A_222 masked %broadcast_in_dim3A_224 : vector<16xi32>, vector<16xi1> -> vector<16xi32>
    %add3A_226 = vector.broadcast %add3A_213 : i32 to vector<16xi32>
    %add3A_227 = arith.addi %add3A_226, %masked_cumsum3A_225 : vector<16xi32>
    %mul3A_228 = arith.muli %add3A_227, %min3A_222 : vector<16xi32>
    %add3A_229 = arith.constant 1 : i32
    %add3A_230 = vector.broadcast %add3A_229 : i32 to vector<16xi32>
    %add3A_231 = arith.addi %mul3A_228, %add3A_230 : vector<16xi32>
    %swap3A_232 = arith.constant 3 : i32
    %swap3A_233 = arith.index_cast %swap3A_232 : i32 to index
    %swap3A_234 = arith.constant 16 : index
    %swap3A_235 = tpu.vector_load %arg6[%swap3A_233, %swap3A_234] {strides = array<i32>} : memref<16x32xi32, #tpu.memory_space<vmem>>, vector<16xi32>,
    tpu.vector_store %arg6[%swap3A_233, %swap3A_234], %add3A_231 {strides = array<i32>} : memref<16x32xi32, #tpu.memory_space<vmem>>, vector<16xi32>,
    %reduce_max3A_236 = arith.constant true
    %reduce_max3A_237 = vector.broadcast %reduce_max3A_236 : i1 to vector<16xi1>
    %reduce_max3A_238 = arith.constant -2147483648 : i32
    %reduce_max3A_239 = vector.broadcast %reduce_max3A_238 : i32 to vector<16xi32>
    %reduce_max3A_240 = arith.xori %masked_cumsum3A_225, %reduce_max3A_239 : vector<16xi32>
    %reduce_max3A_241 = tpu.scan <max>, %reduce_max3A_240 masked %reduce_max3A_237 : vector<16xi32>, vector<16xi1> -> vector<16xi32>
    %reduce_max3A_242 = arith.xori %reduce_max3A_241, %reduce_max3A_239 : vector<16xi32>
    %reduce_max3A_243 = vector.extract %reduce_max3A_242[15] : i32 from vector<16xi32>
    %add3A_244 = arith.addi %add3A_213, %reduce_max3A_243 : i32
    %get3A_245 = arith.constant 128 : index
    %get3A_246 = tpu.vector_load %arg5[%get3A_245] {strides = array<i32>} : memref<512xi32, #tpu.memory_space<vmem>>, vector<16xi32>,
    %sub3A_247 = arith.constant 1 : i32
    %sub3A_248 = vector.broadcast %sub3A_247 : i32 to vector<16xi32>
    %sub3A_249 = arith.subi %get3A_246, %sub3A_248 : vector<16xi32>
    %abs3A_250 = math.absi %sub3A_249 : vector<16xi32>
    %min3A_251 = arith.constant 1 : i32
    %min3A_252 = vector.broadcast %min3A_251 : i32 to vector<16xi32>
    %min3A_253 = arith.minsi %abs3A_250, %min3A_252 : vector<16xi32>
    %broadcast_in_dim3A_254 = arith.constant true
    %broadcast_in_dim3A_255 = vector.broadcast %broadcast_in_dim3A_254 : i1 to vector<16xi1>
    %masked_cumsum3A_256 = tpu.scan <sum>, %min3A_253 masked %broadcast_in_dim3A_255 : vector<16xi32>, vector<16xi1> -> vector<16xi32>
    %add3A_257 = vector.broadcast %add3A_244 : i32 to vector<16xi32>
    %add3A_258 = arith.addi %add3A_257, %masked_cumsum3A_256 : vector<16xi32>
    %mul3A_259 = arith.muli %add3A_258, %min3A_253 : vector<16xi32>
    %add3A_260 = arith.constant 1 : i32
    %add3A_261 = vector.broadcast %add3A_260 : i32 to vector<16xi32>
    %add3A_262 = arith.addi %mul3A_259, %add3A_261 : vector<16xi32>
    %swap3A_263 = arith.constant 4 : i32
    %swap3A_264 = arith.index_cast %swap3A_263 : i32 to index
    %swap3A_265 = arith.constant 0 : index
    %swap3A_266 = tpu.vector_load %arg6[%swap3A_264, %swap3A_265] {strides = array<i32>} : memref<16x32xi32, #tpu.memory_space<vmem>>, vector<16xi32>,
    tpu.vector_store %arg6[%swap3A_264, %swap3A_265], %add3A_262 {strides = array<i32>} : memref<16x32xi32, #tpu.memory_space<vmem>>, vector<16xi32>,
    %reduce_max3A_267 = arith.constant true
    %reduce_max3A_268 = vector.broadcast %reduce_max3A_267 : i1 to vector<16xi1>
    %reduce_max3A_269 = arith.constant -2147483648 : i32
    %reduce_max3A_270 = vector.broadcast %reduce_max3A_269 : i32 to vector<16xi32>
    %reduce_max3A_271 = arith.xori %masked_cumsum3A_256, %reduce_max3A_270 : vector<16xi32>
    %reduce_max3A_272 = tpu.scan <max>, %reduce_max3A_271 masked %reduce_max3A_268 : vector<16xi32>, vector<16xi1> -> vector<16xi32>
    %reduce_max3A_273 = arith.xori %reduce_max3A_272, %reduce_max3A_270 : vector<16xi32>
    %reduce_max3A_274 = vector.extract %reduce_max3A_273[15] : i32 from vector<16xi32>
    %add3A_275 = arith.addi %add3A_244, %reduce_max3A_274 : i32
    %get3A_276 = arith.constant 144 : index
    %get3A_277 = tpu.vector_load %arg5[%get3A_276] {strides = array<i32>} : memref<512xi32, #tpu.memory_space<vmem>>, vector<16xi32>,
    %sub3A_278 = arith.constant 1 : i32
    %sub3A_279 = vector.broadcast %sub3A_278 : i32 to vector<16xi32>
    %sub3A_280 = arith.subi %get3A_277, %sub3A_279 : vector<16xi32>
    %abs3A_281 = math.absi %sub3A_280 : vector<16xi32>
    %min3A_282 = arith.constant 1 : i32
    %min3A_283 = vector.broadcast %min3A_282 : i32 to vector<16xi32>
    %min3A_284 = arith.minsi %abs3A_281, %min3A_283 : vector<16xi32>
    %broadcast_in_dim3A_285 = arith.constant true
    %broadcast_in_dim3A_286 = vector.broadcast %broadcast_in_dim3A_285 : i1 to vector<16xi1>
    %masked_cumsum3A_287 = tpu.scan <sum>, %min3A_284 masked %broadcast_in_dim3A_286 : vector<16xi32>, vector<16xi1> -> vector<16xi32>
    %add3A_288 = vector.broadcast %add3A_275 : i32 to vector<16xi32>
    %add3A_289 = arith.addi %add3A_288, %masked_cumsum3A_287 : vector<16xi32>
    %mul3A_290 = arith.muli %add3A_289, %min3A_284 : vector<16xi32>
    %add3A_291 = arith.constant 1 : i32
    %add3A_292 = vector.broadcast %add3A_291 : i32 to vector<16xi32>
    %add3A_293 = arith.addi %mul3A_290, %add3A_292 : vector<16xi32>
    %swap3A_294 = arith.constant 4 : i32
    %swap3A_295 = arith.index_cast %swap3A_294 : i32 to index
    %swap3A_296 = arith.constant 16 : index
    %swap3A_297 = tpu.vector_load %arg6[%swap3A_295, %swap3A_296] {strides = array<i32>} : memref<16x32xi32, #tpu.memory_space<vmem>>, vector<16xi32>,
    tpu.vector_store %arg6[%swap3A_295, %swap3A_296], %add3A_293 {strides = array<i32>} : memref<16x32xi32, #tpu.memory_space<vmem>>, vector<16xi32>,
    %reduce_max3A_298 = arith.constant true
    %reduce_max3A_299 = vector.broadcast %reduce_max3A_298 : i1 to vector<16xi1>
    %reduce_max3A_300 = arith.constant -2147483648 : i32
    %reduce_max3A_301 = vector.broadcast %reduce_max3A_300 : i32 to vector<16xi32>
    %reduce_max3A_302 = arith.xori %masked_cumsum3A_287, %reduce_max3A_301 : vector<16xi32>
    %reduce_max3A_303 = tpu.scan <max>, %reduce_max3A_302 masked %reduce_max3A_299 : vector<16xi32>, vector<16xi1> -> vector<16xi32>
    %reduce_max3A_304 = arith.xori %reduce_max3A_303, %reduce_max3A_301 : vector<16xi32>
    %reduce_max3A_305 = vector.extract %reduce_max3A_304[15] : i32 from vector<16xi32>
    %add3A_306 = arith.addi %add3A_275, %reduce_max3A_305 : i32
    %get3A_307 = arith.constant 160 : index
    %get3A_308 = tpu.vector_load %arg5[%get3A_307] {strides = array<i32>} : memref<512xi32, #tpu.memory_space<vmem>>, vector<16xi32>,
    %sub3A_309 = arith.constant 1 : i32
    %sub3A_310 = vector.broadcast %sub3A_309 : i32 to vector<16xi32>
    %sub3A_311 = arith.subi %get3A_308, %sub3A_310 : vector<16xi32>
    %abs3A_312 = math.absi %sub3A_311 : vector<16xi32>
    %min3A_313 = arith.constant 1 : i32
    %min3A_314 = vector.broadcast %min3A_313 : i32 to vector<16xi32>
    %min3A_315 = arith.minsi %abs3A_312, %min3A_314 : vector<16xi32>
    %broadcast_in_dim3A_316 = arith.constant true
    %broadcast_in_dim3A_317 = vector.broadcast %broadcast_in_dim3A_316 : i1 to vector<16xi1>
    %masked_cumsum3A_318 = tpu.scan <sum>, %min3A_315 masked %broadcast_in_dim3A_317 : vector<16xi32>, vector<16xi1> -> vector<16xi32>
    %add3A_319 = vector.broadcast %add3A_306 : i32 to vector<16xi32>
    %add3A_320 = arith.addi %add3A_319, %masked_cumsum3A_318 : vector<16xi32>
    %mul3A_321 = arith.muli %add3A_320, %min3A_315 : vector<16xi32>
    %add3A_322 = arith.constant 1 : i32
    %add3A_323 = vector.broadcast %add3A_322 : i32 to vector<16xi32>
    %add3A_324 = arith.addi %mul3A_321, %add3A_323 : vector<16xi32>
    %swap3A_325 = arith.constant 5 : i32
    %swap3A_326 = arith.index_cast %swap3A_325 : i32 to index
    %swap3A_327 = arith.constant 0 : index
    %swap3A_328 = tpu.vector_load %arg6[%swap3A_326, %swap3A_327] {strides = array<i32>} : memref<16x32xi32, #tpu.memory_space<vmem>>, vector<16xi32>,
    tpu.vector_store %arg6[%swap3A_326, %swap3A_327], %add3A_324 {strides = array<i32>} : memref<16x32xi32, #tpu.memory_space<vmem>>, vector<16xi32>,
    %reduce_max3A_329 = arith.constant true
    %reduce_max3A_330 = vector.broadcast %reduce_max3A_329 : i1 to vector<16xi1>
    %reduce_max3A_331 = arith.constant -2147483648 : i32
    %reduce_max3A_332 = vector.broadcast %reduce_max3A_331 : i32 to vector<16xi32>
    %reduce_max3A_333 = arith.xori %masked_cumsum3A_318, %reduce_max3A_332 : vector<16xi32>
    %reduce_max3A_334 = tpu.scan <max>, %reduce_max3A_333 masked %reduce_max3A_330 : vector<16xi32>, vector<16xi1> -> vector<16xi32>
    %reduce_max3A_335 = arith.xori %reduce_max3A_334, %reduce_max3A_332 : vector<16xi32>
    %reduce_max3A_336 = vector.extract %reduce_max3A_335[15] : i32 from vector<16xi32>
    %add3A_337 = arith.addi %add3A_306, %reduce_max3A_336 : i32
    %get3A_338 = arith.constant 176 : index
    %get3A_339 = tpu.vector_load %arg5[%get3A_338] {strides = array<i32>} : memref<512xi32, #tpu.memory_space<vmem>>, vector<16xi32>,
    %sub3A_340 = arith.constant 1 : i32
    %sub3A_341 = vector.broadcast %sub3A_340 : i32 to vector<16xi32>
    %sub3A_342 = arith.subi %get3A_339, %sub3A_341 : vector<16xi32>
    %abs3A_343 = math.absi %sub3A_342 : vector<16xi32>
    %min3A_344 = arith.constant 1 : i32
    %min3A_345 = vector.broadcast %min3A_344 : i32 to vector<16xi32>
    %min3A_346 = arith.minsi %abs3A_343, %min3A_345 : vector<16xi32>
    %broadcast_in_dim3A_347 = arith.constant true
    %broadcast_in_dim3A_348 = vector.broadcast %broadcast_in_dim3A_347 : i1 to vector<16xi1>
    %masked_cumsum3A_349 = tpu.scan <sum>, %min3A_346 masked %broadcast_in_dim3A_348 : vector<16xi32>, vector<16xi1> -> vector<16xi32>
    %add3A_350 = vector.broadcast %add3A_337 : i32 to vector<16xi32>
    %add3A_351 = arith.addi %add3A_350, %masked_cumsum3A_349 : vector<16xi32>
    %mul3A_352 = arith.muli %add3A_351, %min3A_346 : vector<16xi32>
    %add3A_353 = arith.constant 1 : i32
    %add3A_354 = vector.broadcast %add3A_353 : i32 to vector<16xi32>
    %add3A_355 = arith.addi %mul3A_352, %add3A_354 : vector<16xi32>
    %swap3A_356 = arith.constant 5 : i32
    %swap3A_357 = arith.index_cast %swap3A_356 : i32 to index
    %swap3A_358 = arith.constant 16 : index
    %swap3A_359 = tpu.vector_load %arg6[%swap3A_357, %swap3A_358] {strides = array<i32>} : memref<16x32xi32, #tpu.memory_space<vmem>>, vector<16xi32>,
    tpu.vector_store %arg6[%swap3A_357, %swap3A_358], %add3A_355 {strides = array<i32>} : memref<16x32xi32, #tpu.memory_space<vmem>>, vector<16xi32>,
    %reduce_max3A_360 = arith.constant true
    %reduce_max3A_361 = vector.broadcast %reduce_max3A_360 : i1 to vector<16xi1>
    %reduce_max3A_362 = arith.constant -2147483648 : i32
    %reduce_max3A_363 = vector.broadcast %reduce_max3A_362 : i32 to vector<16xi32>
    %reduce_max3A_364 = arith.xori %masked_cumsum3A_349, %reduce_max3A_363 : vector<16xi32>
    %reduce_max3A_365 = tpu.scan <max>, %reduce_max3A_364 masked %reduce_max3A_361 : vector<16xi32>, vector<16xi1> -> vector<16xi32>
    %reduce_max3A_366 = arith.xori %reduce_max3A_365, %reduce_max3A_363 : vector<16xi32>
    %reduce_max3A_367 = vector.extract %reduce_max3A_366[15] : i32 from vector<16xi32>
    %add3A_368 = arith.addi %add3A_337, %reduce_max3A_367 : i32
    %get3A_369 = arith.constant 192 : index
    %get3A_370 = tpu.vector_load %arg5[%get3A_369] {strides = array<i32>} : memref<512xi32, #tpu.memory_space<vmem>>, vector<16xi32>,
    %sub3A_371 = arith.constant 1 : i32
    %sub3A_372 = vector.broadcast %sub3A_371 : i32 to vector<16xi32>
    %sub3A_373 = arith.subi %get3A_370, %sub3A_372 : vector<16xi32>
    %abs3A_374 = math.absi %sub3A_373 : vector<16xi32>
    %min3A_375 = arith.constant 1 : i32
    %min3A_376 = vector.broadcast %min3A_375 : i32 to vector<16xi32>
    %min3A_377 = arith.minsi %abs3A_374, %min3A_376 : vector<16xi32>
    %broadcast_in_dim3A_378 = arith.constant true
    %broadcast_in_dim3A_379 = vector.broadcast %broadcast_in_dim3A_378 : i1 to vector<16xi1>
    %masked_cumsum3A_380 = tpu.scan <sum>, %min3A_377 masked %broadcast_in_dim3A_379 : vector<16xi32>, vector<16xi1> -> vector<16xi32>
    %add3A_381 = vector.broadcast %add3A_368 : i32 to vector<16xi32>
    %add3A_382 = arith.addi %add3A_381, %masked_cumsum3A_380 : vector<16xi32>
    %mul3A_383 = arith.muli %add3A_382, %min3A_377 : vector<16xi32>
    %add3A_384 = arith.constant 1 : i32
    %add3A_385 = vector.broadcast %add3A_384 : i32 to vector<16xi32>
    %add3A_386 = arith.addi %mul3A_383, %add3A_385 : vector<16xi32>
    %swap3A_387 = arith.constant 6 : i32
    %swap3A_388 = arith.index_cast %swap3A_387 : i32 to index
    %swap3A_389 = arith.constant 0 : index
    %swap3A_390 = tpu.vector_load %arg6[%swap3A_388, %swap3A_389] {strides = array<i32>} : memref<16x32xi32, #tpu.memory_space<vmem>>, vector<16xi32>,
    tpu.vector_store %arg6[%swap3A_388, %swap3A_389], %add3A_386 {strides = array<i32>} : memref<16x32xi32, #tpu.memory_space<vmem>>, vector<16xi32>,
    %reduce_max3A_391 = arith.constant true
    %reduce_max3A_392 = vector.broadcast %reduce_max3A_391 : i1 to vector<16xi1>
    %reduce_max3A_393 = arith.constant -2147483648 : i32
    %reduce_max3A_394 = vector.broadcast %reduce_max3A_393 : i32 to vector<16xi32>
    %reduce_max3A_395 = arith.xori %masked_cumsum3A_380, %reduce_max3A_394 : vector<16xi32>
    %reduce_max3A_396 = tpu.scan <max>, %reduce_max3A_395 masked %reduce_max3A_392 : vector<16xi32>, vector<16xi1> -> vector<16xi32>
    %reduce_max3A_397 = arith.xori %reduce_max3A_396, %reduce_max3A_394 : vector<16xi32>
    %reduce_max3A_398 = vector.extract %reduce_max3A_397[15] : i32 from vector<16xi32>
    %add3A_399 = arith.addi %add3A_368, %reduce_max3A_398 : i32
    %get3A_400 = arith.constant 208 : index
    %get3A_401 = tpu.vector_load %arg5[%get3A_400] {strides = array<i32>} : memref<512xi32, #tpu.memory_space<vmem>>, vector<16xi32>,
    %sub3A_402 = arith.constant 1 : i32
    %sub3A_403 = vector.broadcast %sub3A_402 : i32 to vector<16xi32>
    %sub3A_404 = arith.subi %get3A_401, %sub3A_403 : vector<16xi32>
    %abs3A_405 = math.absi %sub3A_404 : vector<16xi32>
    %min3A_406 = arith.constant 1 : i32
    %min3A_407 = vector.broadcast %min3A_406 : i32 to vector<16xi32>
    %min3A_408 = arith.minsi %abs3A_405, %min3A_407 : vector<16xi32>
    %broadcast_in_dim3A_409 = arith.constant true
    %broadcast_in_dim3A_410 = vector.broadcast %broadcast_in_dim3A_409 : i1 to vector<16xi1>
    %masked_cumsum3A_411 = tpu.scan <sum>, %min3A_408 masked %broadcast_in_dim3A_410 : vector<16xi32>, vector<16xi1> -> vector<16xi32>
    %add3A_412 = vector.broadcast %add3A_399 : i32 to vector<16xi32>
    %add3A_413 = arith.addi %add3A_412, %masked_cumsum3A_411 : vector<16xi32>
    %mul3A_414 = arith.muli %add3A_413, %min3A_408 : vector<16xi32>
    %add3A_415 = arith.constant 1 : i32
    %add3A_416 = vector.broadcast %add3A_415 : i32 to vector<16xi32>
    %add3A_417 = arith.addi %mul3A_414, %add3A_416 : vector<16xi32>
    %swap3A_418 = arith.constant 6 : i32
    %swap3A_419 = arith.index_cast %swap3A_418 : i32 to index
    %swap3A_420 = arith.constant 16 : index
    %swap3A_421 = tpu.vector_load %arg6[%swap3A_419, %swap3A_420] {strides = array<i32>} : memref<16x32xi32, #tpu.memory_space<vmem>>, vector<16xi32>,
    tpu.vector_store %arg6[%swap3A_419, %swap3A_420], %add3A_417 {strides = array<i32>} : memref<16x32xi32, #tpu.memory_space<vmem>>, vector<16xi32>,
    %reduce_max3A_422 = arith.constant true
    %reduce_max3A_423 = vector.broadcast %reduce_max3A_422 : i1 to vector<16xi1>
    %reduce_max3A_424 = arith.constant -2147483648 : i32
    %reduce_max3A_425 = vector.broadcast %reduce_max3A_424 : i32 to vector<16xi32>
    %reduce_max3A_426 = arith.xori %masked_cumsum3A_411, %reduce_max3A_425 : vector<16xi32>
    %reduce_max3A_427 = tpu.scan <max>, %reduce_max3A_426 masked %reduce_max3A_423 : vector<16xi32>, vector<16xi1> -> vector<16xi32>
    %reduce_max3A_428 = arith.xori %reduce_max3A_427, %reduce_max3A_425 : vector<16xi32>
    %reduce_max3A_429 = vector.extract %reduce_max3A_428[15] : i32 from vector<16xi32>
    %add3A_430 = arith.addi %add3A_399, %reduce_max3A_429 : i32
    %get3A_431 = arith.constant 224 : index
    %get3A_432 = tpu.vector_load %arg5[%get3A_431] {strides = array<i32>} : memref<512xi32, #tpu.memory_space<vmem>>, vector<16xi32>,
    %sub3A_433 = arith.constant 1 : i32
    %sub3A_434 = vector.broadcast %sub3A_433 : i32 to vector<16xi32>
    %sub3A_435 = arith.subi %get3A_432, %sub3A_434 : vector<16xi32>
    %abs3A_436 = math.absi %sub3A_435 : vector<16xi32>
    %min3A_437 = arith.constant 1 : i32
    %min3A_438 = vector.broadcast %min3A_437 : i32 to vector<16xi32>
    %min3A_439 = arith.minsi %abs3A_436, %min3A_438 : vector<16xi32>
    %broadcast_in_dim3A_440 = arith.constant true
    %broadcast_in_dim3A_441 = vector.broadcast %broadcast_in_dim3A_440 : i1 to vector<16xi1>
    %masked_cumsum3A_442 = tpu.scan <sum>, %min3A_439 masked %broadcast_in_dim3A_441 : vector<16xi32>, vector<16xi1> -> vector<16xi32>
    %add3A_443 = vector.broadcast %add3A_430 : i32 to vector<16xi32>
    %add3A_444 = arith.addi %add3A_443, %masked_cumsum3A_442 : vector<16xi32>
    %mul3A_445 = arith.muli %add3A_444, %min3A_439 : vector<16xi32>
    %add3A_446 = arith.constant 1 : i32
    %add3A_447 = vector.broadcast %add3A_446 : i32 to vector<16xi32>
    %add3A_448 = arith.addi %mul3A_445, %add3A_447 : vector<16xi32>
    %swap3A_449 = arith.constant 7 : i32
    %swap3A_450 = arith.index_cast %swap3A_449 : i32 to index
    %swap3A_451 = arith.constant 0 : index
    %swap3A_452 = tpu.vector_load %arg6[%swap3A_450, %swap3A_451] {strides = array<i32>} : memref<16x32xi32, #tpu.memory_space<vmem>>, vector<16xi32>,
    tpu.vector_store %arg6[%swap3A_450, %swap3A_451], %add3A_448 {strides = array<i32>} : memref<16x32xi32, #tpu.memory_space<vmem>>, vector<16xi32>,
    %reduce_max3A_453 = arith.constant true
    %reduce_max3A_454 = vector.broadcast %reduce_max3A_453 : i1 to vector<16xi1>
    %reduce_max3A_455 = arith.constant -2147483648 : i32
    %reduce_max3A_456 = vector.broadcast %reduce_max3A_455 : i32 to vector<16xi32>
    %reduce_max3A_457 = arith.xori %masked_cumsum3A_442, %reduce_max3A_456 : vector<16xi32>
    %reduce_max3A_458 = tpu.scan <max>, %reduce_max3A_457 masked %reduce_max3A_454 : vector<16xi32>, vector<16xi1> -> vector<16xi32>
    %reduce_max3A_459 = arith.xori %reduce_max3A_458, %reduce_max3A_456 : vector<16xi32>
    %reduce_max3A_460 = vector.extract %reduce_max3A_459[15] : i32 from vector<16xi32>
    %add3A_461 = arith.addi %add3A_430, %reduce_max3A_460 : i32
    %get3A_462 = arith.constant 240 : index
    %get3A_463 = tpu.vector_load %arg5[%get3A_462] {strides = array<i32>} : memref<512xi32, #tpu.memory_space<vmem>>, vector<16xi32>,
    %sub3A_464 = arith.constant 1 : i32
    %sub3A_465 = vector.broadcast %sub3A_464 : i32 to vector<16xi32>
    %sub3A_466 = arith.subi %get3A_463, %sub3A_465 : vector<16xi32>
    %abs3A_467 = math.absi %sub3A_466 : vector<16xi32>
    %min3A_468 = arith.constant 1 : i32
    %min3A_469 = vector.broadcast %min3A_468 : i32 to vector<16xi32>
    %min3A_470 = arith.minsi %abs3A_467, %min3A_469 : vector<16xi32>
    %broadcast_in_dim3A_471 = arith.constant true
    %broadcast_in_dim3A_472 = vector.broadcast %broadcast_in_dim3A_471 : i1 to vector<16xi1>
    %masked_cumsum3A_473 = tpu.scan <sum>, %min3A_470 masked %broadcast_in_dim3A_472 : vector<16xi32>, vector<16xi1> -> vector<16xi32>
    %add3A_474 = vector.broadcast %add3A_461 : i32 to vector<16xi32>
    %add3A_475 = arith.addi %add3A_474, %masked_cumsum3A_473 : vector<16xi32>
    %mul3A_476 = arith.muli %add3A_475, %min3A_470 : vector<16xi32>
    %add3A_477 = arith.constant 1 : i32
    %add3A_478 = vector.broadcast %add3A_477 : i32 to vector<16xi32>
    %add3A_479 = arith.addi %mul3A_476, %add3A_478 : vector<16xi32>
    %swap3A_480 = arith.constant 7 : i32
    %swap3A_481 = arith.index_cast %swap3A_480 : i32 to index
    %swap3A_482 = arith.constant 16 : index
    %swap3A_483 = tpu.vector_load %arg6[%swap3A_481, %swap3A_482] {strides = array<i32>} : memref<16x32xi32, #tpu.memory_space<vmem>>, vector<16xi32>,
    tpu.vector_store %arg6[%swap3A_481, %swap3A_482], %add3A_479 {strides = array<i32>} : memref<16x32xi32, #tpu.memory_space<vmem>>, vector<16xi32>,
    %reduce_max3A_484 = arith.constant true
    %reduce_max3A_485 = vector.broadcast %reduce_max3A_484 : i1 to vector<16xi1>
    %reduce_max3A_486 = arith.constant -2147483648 : i32
    %reduce_max3A_487 = vector.broadcast %reduce_max3A_486 : i32 to vector<16xi32>
    %reduce_max3A_488 = arith.xori %masked_cumsum3A_473, %reduce_max3A_487 : vector<16xi32>
    %reduce_max3A_489 = tpu.scan <max>, %reduce_max3A_488 masked %reduce_max3A_485 : vector<16xi32>, vector<16xi1> -> vector<16xi32>
    %reduce_max3A_490 = arith.xori %reduce_max3A_489, %reduce_max3A_487 : vector<16xi32>
    %reduce_max3A_491 = vector.extract %reduce_max3A_490[15] : i32 from vector<16xi32>
    %add3A_492 = arith.addi %add3A_461, %reduce_max3A_491 : i32
    %get3A_493 = arith.constant 256 : index
    %get3A_494 = tpu.vector_load %arg5[%get3A_493] {strides = array<i32>} : memref<512xi32, #tpu.memory_space<vmem>>, vector<16xi32>,
    %sub3A_495 = arith.constant 1 : i32
    %sub3A_496 = vector.broadcast %sub3A_495 : i32 to vector<16xi32>
    %sub3A_497 = arith.subi %get3A_494, %sub3A_496 : vector<16xi32>
    %abs3A_498 = math.absi %sub3A_497 : vector<16xi32>
    %min3A_499 = arith.constant 1 : i32
    %min3A_500 = vector.broadcast %min3A_499 : i32 to vector<16xi32>
    %min3A_501 = arith.minsi %abs3A_498, %min3A_500 : vector<16xi32>
    %broadcast_in_dim3A_502 = arith.constant true
    %broadcast_in_dim3A_503 = vector.broadcast %broadcast_in_dim3A_502 : i1 to vector<16xi1>
    %masked_cumsum3A_504 = tpu.scan <sum>, %min3A_501 masked %broadcast_in_dim3A_503 : vector<16xi32>, vector<16xi1> -> vector<16xi32>
    %add3A_505 = vector.broadcast %add3A_492 : i32 to vector<16xi32>
    %add3A_506 = arith.addi %add3A_505, %masked_cumsum3A_504 : vector<16xi32>
    %mul3A_507 = arith.muli %add3A_506, %min3A_501 : vector<16xi32>
    %add3A_508 = arith.constant 1 : i32
    %add3A_509 = vector.broadcast %add3A_508 : i32 to vector<16xi32>
    %add3A_510 = arith.addi %mul3A_507, %add3A_509 : vector<16xi32>
    %swap3A_511 = arith.constant 8 : i32
    %swap3A_512 = arith.index_cast %swap3A_511 : i32 to index
    %swap3A_513 = arith.constant 0 : index
    %swap3A_514 = tpu.vector_load %arg6[%swap3A_512, %swap3A_513] {strides = array<i32>} : memref<16x32xi32, #tpu.memory_space<vmem>>, vector<16xi32>,
    tpu.vector_store %arg6[%swap3A_512, %swap3A_513], %add3A_510 {strides = array<i32>} : memref<16x32xi32, #tpu.memory_space<vmem>>, vector<16xi32>,
    %reduce_max3A_515 = arith.constant true
    %reduce_max3A_516 = vector.broadcast %reduce_max3A_515 : i1 to vector<16xi1>
    %reduce_max3A_517 = arith.constant -2147483648 : i32
    %reduce_max3A_518 = vector.broadcast %reduce_max3A_517 : i32 to vector<16xi32>
    %reduce_max3A_519 = arith.xori %masked_cumsum3A_504, %reduce_max3A_518 : vector<16xi32>
    %reduce_max3A_520 = tpu.scan <max>, %reduce_max3A_519 masked %reduce_max3A_516 : vector<16xi32>, vector<16xi1> -> vector<16xi32>
    %reduce_max3A_521 = arith.xori %reduce_max3A_520, %reduce_max3A_518 : vector<16xi32>
    %reduce_max3A_522 = vector.extract %reduce_max3A_521[15] : i32 from vector<16xi32>
    %add3A_523 = arith.addi %add3A_492, %reduce_max3A_522 : i32
    %get3A_524 = arith.constant 272 : index
    %get3A_525 = tpu.vector_load %arg5[%get3A_524] {strides = array<i32>} : memref<512xi32, #tpu.memory_space<vmem>>, vector<16xi32>,
    %sub3A_526 = arith.constant 1 : i32
    %sub3A_527 = vector.broadcast %sub3A_526 : i32 to vector<16xi32>
    %sub3A_528 = arith.subi %get3A_525, %sub3A_527 : vector<16xi32>
    %abs3A_529 = math.absi %sub3A_528 : vector<16xi32>
    %min3A_530 = arith.constant 1 : i32
    %min3A_531 = vector.broadcast %min3A_530 : i32 to vector<16xi32>
    %min3A_532 = arith.minsi %abs3A_529, %min3A_531 : vector<16xi32>
    %broadcast_in_dim3A_533 = arith.constant true
    %broadcast_in_dim3A_534 = vector.broadcast %broadcast_in_dim3A_533 : i1 to vector<16xi1>
    %masked_cumsum3A_535 = tpu.scan <sum>, %min3A_532 masked %broadcast_in_dim3A_534 : vector<16xi32>, vector<16xi1> -> vector<16xi32>
    %add3A_536 = vector.broadcast %add3A_523 : i32 to vector<16xi32>
    %add3A_537 = arith.addi %add3A_536, %masked_cumsum3A_535 : vector<16xi32>
    %mul3A_538 = arith.muli %add3A_537, %min3A_532 : vector<16xi32>
    %add3A_539 = arith.constant 1 : i32
    %add3A_540 = vector.broadcast %add3A_539 : i32 to vector<16xi32>
    %add3A_541 = arith.addi %mul3A_538, %add3A_540 : vector<16xi32>
    %swap3A_542 = arith.constant 8 : i32
    %swap3A_543 = arith.index_cast %swap3A_542 : i32 to index
    %swap3A_544 = arith.constant 16 : index
    %swap3A_545 = tpu.vector_load %arg6[%swap3A_543, %swap3A_544] {strides = array<i32>} : memref<16x32xi32, #tpu.memory_space<vmem>>, vector<16xi32>,
    tpu.vector_store %arg6[%swap3A_543, %swap3A_544], %add3A_541 {strides = array<i32>} : memref<16x32xi32, #tpu.memory_space<vmem>>, vector<16xi32>,
    %reduce_max3A_546 = arith.constant true
    %reduce_max3A_547 = vector.broadcast %reduce_max3A_546 : i1 to vector<16xi1>
    %reduce_max3A_548 = arith.constant -2147483648 : i32
    %reduce_max3A_549 = vector.broadcast %reduce_max3A_548 : i32 to vector<16xi32>
    %reduce_max3A_550 = arith.xori %masked_cumsum3A_535, %reduce_max3A_549 : vector<16xi32>
    %reduce_max3A_551 = tpu.scan <max>, %reduce_max3A_550 masked %reduce_max3A_547 : vector<16xi32>, vector<16xi1> -> vector<16xi32>
    %reduce_max3A_552 = arith.xori %reduce_max3A_551, %reduce_max3A_549 : vector<16xi32>
    %reduce_max3A_553 = vector.extract %reduce_max3A_552[15] : i32 from vector<16xi32>
    %add3A_554 = arith.addi %add3A_523, %reduce_max3A_553 : i32
    %get3A_555 = arith.constant 288 : index
    %get3A_556 = tpu.vector_load %arg5[%get3A_555] {strides = array<i32>} : memref<512xi32, #tpu.memory_space<vmem>>, vector<16xi32>,
    %sub3A_557 = arith.constant 1 : i32
    %sub3A_558 = vector.broadcast %sub3A_557 : i32 to vector<16xi32>
    %sub3A_559 = arith.subi %get3A_556, %sub3A_558 : vector<16xi32>
    %abs3A_560 = math.absi %sub3A_559 : vector<16xi32>
    %min3A_561 = arith.constant 1 : i32
    %min3A_562 = vector.broadcast %min3A_561 : i32 to vector<16xi32>
    %min3A_563 = arith.minsi %abs3A_560, %min3A_562 : vector<16xi32>
    %broadcast_in_dim3A_564 = arith.constant true
    %broadcast_in_dim3A_565 = vector.broadcast %broadcast_in_dim3A_564 : i1 to vector<16xi1>
    %masked_cumsum3A_566 = tpu.scan <sum>, %min3A_563 masked %broadcast_in_dim3A_565 : vector<16xi32>, vector<16xi1> -> vector<16xi32>
    %add3A_567 = vector.broadcast %add3A_554 : i32 to vector<16xi32>
    %add3A_568 = arith.addi %add3A_567, %masked_cumsum3A_566 : vector<16xi32>
    %mul3A_569 = arith.muli %add3A_568, %min3A_563 : vector<16xi32>
    %add3A_570 = arith.constant 1 : i32
    %add3A_571 = vector.broadcast %add3A_570 : i32 to vector<16xi32>
    %add3A_572 = arith.addi %mul3A_569, %add3A_571 : vector<16xi32>
    %swap3A_573 = arith.constant 9 : i32
    %swap3A_574 = arith.index_cast %swap3A_573 : i32 to index
    %swap3A_575 = arith.constant 0 : index
    %swap3A_576 = tpu.vector_load %arg6[%swap3A_574, %swap3A_575] {strides = array<i32>} : memref<16x32xi32, #tpu.memory_space<vmem>>, vector<16xi32>,
    tpu.vector_store %arg6[%swap3A_574, %swap3A_575], %add3A_572 {strides = array<i32>} : memref<16x32xi32, #tpu.memory_space<vmem>>, vector<16xi32>,
    %reduce_max3A_577 = arith.constant true
    %reduce_max3A_578 = vector.broadcast %reduce_max3A_577 : i1 to vector<16xi1>
    %reduce_max3A_579 = arith.constant -2147483648 : i32
    %reduce_max3A_580 = vector.broadcast %reduce_max3A_579 : i32 to vector<16xi32>
    %reduce_max3A_581 = arith.xori %masked_cumsum3A_566, %reduce_max3A_580 : vector<16xi32>
    %reduce_max3A_582 = tpu.scan <max>, %reduce_max3A_581 masked %reduce_max3A_578 : vector<16xi32>, vector<16xi1> -> vector<16xi32>
    %reduce_max3A_583 = arith.xori %reduce_max3A_582, %reduce_max3A_580 : vector<16xi32>
    %reduce_max3A_584 = vector.extract %reduce_max3A_583[15] : i32 from vector<16xi32>
    %add3A_585 = arith.addi %add3A_554, %reduce_max3A_584 : i32
    %get3A_586 = arith.constant 304 : index
    %get3A_587 = tpu.vector_load %arg5[%get3A_586] {strides = array<i32>} : memref<512xi32, #tpu.memory_space<vmem>>, vector<16xi32>,
    %sub3A_588 = arith.constant 1 : i32
    %sub3A_589 = vector.broadcast %sub3A_588 : i32 to vector<16xi32>
    %sub3A_590 = arith.subi %get3A_587, %sub3A_589 : vector<16xi32>
    %abs3A_591 = math.absi %sub3A_590 : vector<16xi32>
    %min3A_592 = arith.constant 1 : i32
    %min3A_593 = vector.broadcast %min3A_592 : i32 to vector<16xi32>
    %min3A_594 = arith.minsi %abs3A_591, %min3A_593 : vector<16xi32>
    %broadcast_in_dim3A_595 = arith.constant true
    %broadcast_in_dim3A_596 = vector.broadcast %broadcast_in_dim3A_595 : i1 to vector<16xi1>
    %masked_cumsum3A_597 = tpu.scan <sum>, %min3A_594 masked %broadcast_in_dim3A_596 : vector<16xi32>, vector<16xi1> -> vector<16xi32>
    %add3A_598 = vector.broadcast %add3A_585 : i32 to vector<16xi32>
    %add3A_599 = arith.addi %add3A_598, %masked_cumsum3A_597 : vector<16xi32>
    %mul3A_600 = arith.muli %add3A_599, %min3A_594 : vector<16xi32>
    %add3A_601 = arith.constant 1 : i32
    %add3A_602 = vector.broadcast %add3A_601 : i32 to vector<16xi32>
    %add3A_603 = arith.addi %mul3A_600, %add3A_602 : vector<16xi32>
    %swap3A_604 = arith.constant 9 : i32
    %swap3A_605 = arith.index_cast %swap3A_604 : i32 to index
    %swap3A_606 = arith.constant 16 : index
    %swap3A_607 = tpu.vector_load %arg6[%swap3A_605, %swap3A_606] {strides = array<i32>} : memref<16x32xi32, #tpu.memory_space<vmem>>, vector<16xi32>,
    tpu.vector_store %arg6[%swap3A_605, %swap3A_606], %add3A_603 {strides = array<i32>} : memref<16x32xi32, #tpu.memory_space<vmem>>, vector<16xi32>,
    %reduce_max3A_608 = arith.constant true
    %reduce_max3A_609 = vector.broadcast %reduce_max3A_608 : i1 to vector<16xi1>
    %reduce_max3A_610 = arith.constant -2147483648 : i32
    %reduce_max3A_611 = vector.broadcast %reduce_max3A_610 : i32 to vector<16xi32>
    %reduce_max3A_612 = arith.xori %masked_cumsum3A_597, %reduce_max3A_611 : vector<16xi32>
    %reduce_max3A_613 = tpu.scan <max>, %reduce_max3A_612 masked %reduce_max3A_609 : vector<16xi32>, vector<16xi1> -> vector<16xi32>
    %reduce_max3A_614 = arith.xori %reduce_max3A_613, %reduce_max3A_611 : vector<16xi32>
    %reduce_max3A_615 = vector.extract %reduce_max3A_614[15] : i32 from vector<16xi32>
    %add3A_616 = arith.addi %add3A_585, %reduce_max3A_615 : i32
    %get3A_617 = arith.constant 320 : index
    %get3A_618 = tpu.vector_load %arg5[%get3A_617] {strides = array<i32>} : memref<512xi32, #tpu.memory_space<vmem>>, vector<16xi32>,
    %sub3A_619 = arith.constant 1 : i32
    %sub3A_620 = vector.broadcast %sub3A_619 : i32 to vector<16xi32>
    %sub3A_621 = arith.subi %get3A_618, %sub3A_620 : vector<16xi32>
    %abs3A_622 = math.absi %sub3A_621 : vector<16xi32>
    %min3A_623 = arith.constant 1 : i32
    %min3A_624 = vector.broadcast %min3A_623 : i32 to vector<16xi32>
    %min3A_625 = arith.minsi %abs3A_622, %min3A_624 : vector<16xi32>
    %broadcast_in_dim3A_626 = arith.constant true
    %broadcast_in_dim3A_627 = vector.broadcast %broadcast_in_dim3A_626 : i1 to vector<16xi1>
    %masked_cumsum3A_628 = tpu.scan <sum>, %min3A_625 masked %broadcast_in_dim3A_627 : vector<16xi32>, vector<16xi1> -> vector<16xi32>
    %add3A_629 = vector.broadcast %add3A_616 : i32 to vector<16xi32>
    %add3A_630 = arith.addi %add3A_629, %masked_cumsum3A_628 : vector<16xi32>
    %mul3A_631 = arith.muli %add3A_630, %min3A_625 : vector<16xi32>
    %add3A_632 = arith.constant 1 : i32
    %add3A_633 = vector.broadcast %add3A_632 : i32 to vector<16xi32>
    %add3A_634 = arith.addi %mul3A_631, %add3A_633 : vector<16xi32>
    %swap3A_635 = arith.constant 10 : i32
    %swap3A_636 = arith.index_cast %swap3A_635 : i32 to index
    %swap3A_637 = arith.constant 0 : index
    %swap3A_638 = tpu.vector_load %arg6[%swap3A_636, %swap3A_637] {strides = array<i32>} : memref<16x32xi32, #tpu.memory_space<vmem>>, vector<16xi32>,
    tpu.vector_store %arg6[%swap3A_636, %swap3A_637], %add3A_634 {strides = array<i32>} : memref<16x32xi32, #tpu.memory_space<vmem>>, vector<16xi32>,
    %reduce_max3A_639 = arith.constant true
    %reduce_max3A_640 = vector.broadcast %reduce_max3A_639 : i1 to vector<16xi1>
    %reduce_max3A_641 = arith.constant -2147483648 : i32
    %reduce_max3A_642 = vector.broadcast %reduce_max3A_641 : i32 to vector<16xi32>
    %reduce_max3A_643 = arith.xori %masked_cumsum3A_628, %reduce_max3A_642 : vector<16xi32>
    %reduce_max3A_644 = tpu.scan <max>, %reduce_max3A_643 masked %reduce_max3A_640 : vector<16xi32>, vector<16xi1> -> vector<16xi32>
    %reduce_max3A_645 = arith.xori %reduce_max3A_644, %reduce_max3A_642 : vector<16xi32>
    %reduce_max3A_646 = vector.extract %reduce_max3A_645[15] : i32 from vector<16xi32>
    %add3A_647 = arith.addi %add3A_616, %reduce_max3A_646 : i32
    %get3A_648 = arith.constant 336 : index
    %get3A_649 = tpu.vector_load %arg5[%get3A_648] {strides = array<i32>} : memref<512xi32, #tpu.memory_space<vmem>>, vector<16xi32>,
    %sub3A_650 = arith.constant 1 : i32
    %sub3A_651 = vector.broadcast %sub3A_650 : i32 to vector<16xi32>
    %sub3A_652 = arith.subi %get3A_649, %sub3A_651 : vector<16xi32>
    %abs3A_653 = math.absi %sub3A_652 : vector<16xi32>
    %min3A_654 = arith.constant 1 : i32
    %min3A_655 = vector.broadcast %min3A_654 : i32 to vector<16xi32>
    %min3A_656 = arith.minsi %abs3A_653, %min3A_655 : vector<16xi32>
    %broadcast_in_dim3A_657 = arith.constant true
    %broadcast_in_dim3A_658 = vector.broadcast %broadcast_in_dim3A_657 : i1 to vector<16xi1>
    %masked_cumsum3A_659 = tpu.scan <sum>, %min3A_656 masked %broadcast_in_dim3A_658 : vector<16xi32>, vector<16xi1> -> vector<16xi32>
    %add3A_660 = vector.broadcast %add3A_647 : i32 to vector<16xi32>
    %add3A_661 = arith.addi %add3A_660, %masked_cumsum3A_659 : vector<16xi32>
    %mul3A_662 = arith.muli %add3A_661, %min3A_656 : vector<16xi32>
    %add3A_663 = arith.constant 1 : i32
    %add3A_664 = vector.broadcast %add3A_663 : i32 to vector<16xi32>
    %add3A_665 = arith.addi %mul3A_662, %add3A_664 : vector<16xi32>
    %swap3A_666 = arith.constant 10 : i32
    %swap3A_667 = arith.index_cast %swap3A_666 : i32 to index
    %swap3A_668 = arith.constant 16 : index
    %swap3A_669 = tpu.vector_load %arg6[%swap3A_667, %swap3A_668] {strides = array<i32>} : memref<16x32xi32, #tpu.memory_space<vmem>>, vector<16xi32>,
    tpu.vector_store %arg6[%swap3A_667, %swap3A_668], %add3A_665 {strides = array<i32>} : memref<16x32xi32, #tpu.memory_space<vmem>>, vector<16xi32>,
    %reduce_max3A_670 = arith.constant true
    %reduce_max3A_671 = vector.broadcast %reduce_max3A_670 : i1 to vector<16xi1>
    %reduce_max3A_672 = arith.constant -2147483648 : i32
    %reduce_max3A_673 = vector.broadcast %reduce_max3A_672 : i32 to vector<16xi32>
    %reduce_max3A_674 = arith.xori %masked_cumsum3A_659, %reduce_max3A_673 : vector<16xi32>
    %reduce_max3A_675 = tpu.scan <max>, %reduce_max3A_674 masked %reduce_max3A_671 : vector<16xi32>, vector<16xi1> -> vector<16xi32>
    %reduce_max3A_676 = arith.xori %reduce_max3A_675, %reduce_max3A_673 : vector<16xi32>
    %reduce_max3A_677 = vector.extract %reduce_max3A_676[15] : i32 from vector<16xi32>
    %add3A_678 = arith.addi %add3A_647, %reduce_max3A_677 : i32
    %get3A_679 = arith.constant 352 : index
    %get3A_680 = tpu.vector_load %arg5[%get3A_679] {strides = array<i32>} : memref<512xi32, #tpu.memory_space<vmem>>, vector<16xi32>,
    %sub3A_681 = arith.constant 1 : i32
    %sub3A_682 = vector.broadcast %sub3A_681 : i32 to vector<16xi32>
    %sub3A_683 = arith.subi %get3A_680, %sub3A_682 : vector<16xi32>
    %abs3A_684 = math.absi %sub3A_683 : vector<16xi32>
    %min3A_685 = arith.constant 1 : i32
    %min3A_686 = vector.broadcast %min3A_685 : i32 to vector<16xi32>
    %min3A_687 = arith.minsi %abs3A_684, %min3A_686 : vector<16xi32>
    %broadcast_in_dim3A_688 = arith.constant true
    %broadcast_in_dim3A_689 = vector.broadcast %broadcast_in_dim3A_688 : i1 to vector<16xi1>
    %masked_cumsum3A_690 = tpu.scan <sum>, %min3A_687 masked %broadcast_in_dim3A_689 : vector<16xi32>, vector<16xi1> -> vector<16xi32>
    %add3A_691 = vector.broadcast %add3A_678 : i32 to vector<16xi32>
    %add3A_692 = arith.addi %add3A_691, %masked_cumsum3A_690 : vector<16xi32>
    %mul3A_693 = arith.muli %add3A_692, %min3A_687 : vector<16xi32>
    %add3A_694 = arith.constant 1 : i32
    %add3A_695 = vector.broadcast %add3A_694 : i32 to vector<16xi32>
    %add3A_696 = arith.addi %mul3A_693, %add3A_695 : vector<16xi32>
    %swap3A_697 = arith.constant 11 : i32
    %swap3A_698 = arith.index_cast %swap3A_697 : i32 to index
    %swap3A_699 = arith.constant 0 : index
    %swap3A_700 = tpu.vector_load %arg6[%swap3A_698, %swap3A_699] {strides = array<i32>} : memref<16x32xi32, #tpu.memory_space<vmem>>, vector<16xi32>,
    tpu.vector_store %arg6[%swap3A_698, %swap3A_699], %add3A_696 {strides = array<i32>} : memref<16x32xi32, #tpu.memory_space<vmem>>, vector<16xi32>,
    %reduce_max3A_701 = arith.constant true
    %reduce_max3A_702 = vector.broadcast %reduce_max3A_701 : i1 to vector<16xi1>
    %reduce_max3A_703 = arith.constant -2147483648 : i32
    %reduce_max3A_704 = vector.broadcast %reduce_max3A_703 : i32 to vector<16xi32>
    %reduce_max3A_705 = arith.xori %masked_cumsum3A_690, %reduce_max3A_704 : vector<16xi32>
    %reduce_max3A_706 = tpu.scan <max>, %reduce_max3A_705 masked %reduce_max3A_702 : vector<16xi32>, vector<16xi1> -> vector<16xi32>
    %reduce_max3A_707 = arith.xori %reduce_max3A_706, %reduce_max3A_704 : vector<16xi32>
    %reduce_max3A_708 = vector.extract %reduce_max3A_707[15] : i32 from vector<16xi32>
    %add3A_709 = arith.addi %add3A_678, %reduce_max3A_708 : i32
    %get3A_710 = arith.constant 368 : index
    %get3A_711 = tpu.vector_load %arg5[%get3A_710] {strides = array<i32>} : memref<512xi32, #tpu.memory_space<vmem>>, vector<16xi32>,
    %sub3A_712 = arith.constant 1 : i32
    %sub3A_713 = vector.broadcast %sub3A_712 : i32 to vector<16xi32>
    %sub3A_714 = arith.subi %get3A_711, %sub3A_713 : vector<16xi32>
    %abs3A_715 = math.absi %sub3A_714 : vector<16xi32>
    %min3A_716 = arith.constant 1 : i32
    %min3A_717 = vector.broadcast %min3A_716 : i32 to vector<16xi32>
    %min3A_718 = arith.minsi %abs3A_715, %min3A_717 : vector<16xi32>
    %broadcast_in_dim3A_719 = arith.constant true
    %broadcast_in_dim3A_720 = vector.broadcast %broadcast_in_dim3A_719 : i1 to vector<16xi1>
    %masked_cumsum3A_721 = tpu.scan <sum>, %min3A_718 masked %broadcast_in_dim3A_720 : vector<16xi32>, vector<16xi1> -> vector<16xi32>
    %add3A_722 = vector.broadcast %add3A_709 : i32 to vector<16xi32>
    %add3A_723 = arith.addi %add3A_722, %masked_cumsum3A_721 : vector<16xi32>
    %mul3A_724 = arith.muli %add3A_723, %min3A_718 : vector<16xi32>
    %add3A_725 = arith.constant 1 : i32
    %add3A_726 = vector.broadcast %add3A_725 : i32 to vector<16xi32>
    %add3A_727 = arith.addi %mul3A_724, %add3A_726 : vector<16xi32>
    %swap3A_728 = arith.constant 11 : i32
    %swap3A_729 = arith.index_cast %swap3A_728 : i32 to index
    %swap3A_730 = arith.constant 16 : index
    %swap3A_731 = tpu.vector_load %arg6[%swap3A_729, %swap3A_730] {strides = array<i32>} : memref<16x32xi32, #tpu.memory_space<vmem>>, vector<16xi32>,
    tpu.vector_store %arg6[%swap3A_729, %swap3A_730], %add3A_727 {strides = array<i32>} : memref<16x32xi32, #tpu.memory_space<vmem>>, vector<16xi32>,
    %reduce_max3A_732 = arith.constant true
    %reduce_max3A_733 = vector.broadcast %reduce_max3A_732 : i1 to vector<16xi1>
    %reduce_max3A_734 = arith.constant -2147483648 : i32
    %reduce_max3A_735 = vector.broadcast %reduce_max3A_734 : i32 to vector<16xi32>
    %reduce_max3A_736 = arith.xori %masked_cumsum3A_721, %reduce_max3A_735 : vector<16xi32>
    %reduce_max3A_737 = tpu.scan <max>, %reduce_max3A_736 masked %reduce_max3A_733 : vector<16xi32>, vector<16xi1> -> vector<16xi32>
    %reduce_max3A_738 = arith.xori %reduce_max3A_737, %reduce_max3A_735 : vector<16xi32>
    %reduce_max3A_739 = vector.extract %reduce_max3A_738[15] : i32 from vector<16xi32>
    %add3A_740 = arith.addi %add3A_709, %reduce_max3A_739 : i32
    %get3A_741 = arith.constant 384 : index
    %get3A_742 = tpu.vector_load %arg5[%get3A_741] {strides = array<i32>} : memref<512xi32, #tpu.memory_space<vmem>>, vector<16xi32>,
    %sub3A_743 = arith.constant 1 : i32
    %sub3A_744 = vector.broadcast %sub3A_743 : i32 to vector<16xi32>
    %sub3A_745 = arith.subi %get3A_742, %sub3A_744 : vector<16xi32>
    %abs3A_746 = math.absi %sub3A_745 : vector<16xi32>
    %min3A_747 = arith.constant 1 : i32
    %min3A_748 = vector.broadcast %min3A_747 : i32 to vector<16xi32>
    %min3A_749 = arith.minsi %abs3A_746, %min3A_748 : vector<16xi32>
    %broadcast_in_dim3A_750 = arith.constant true
    %broadcast_in_dim3A_751 = vector.broadcast %broadcast_in_dim3A_750 : i1 to vector<16xi1>
    %masked_cumsum3A_752 = tpu.scan <sum>, %min3A_749 masked %broadcast_in_dim3A_751 : vector<16xi32>, vector<16xi1> -> vector<16xi32>
    %add3A_753 = vector.broadcast %add3A_740 : i32 to vector<16xi32>
    %add3A_754 = arith.addi %add3A_753, %masked_cumsum3A_752 : vector<16xi32>
    %mul3A_755 = arith.muli %add3A_754, %min3A_749 : vector<16xi32>
    %add3A_756 = arith.constant 1 : i32
    %add3A_757 = vector.broadcast %add3A_756 : i32 to vector<16xi32>
    %add3A_758 = arith.addi %mul3A_755, %add3A_757 : vector<16xi32>
    %swap3A_759 = arith.constant 12 : i32
    %swap3A_760 = arith.index_cast %swap3A_759 : i32 to index
    %swap3A_761 = arith.constant 0 : index
    %swap3A_762 = tpu.vector_load %arg6[%swap3A_760, %swap3A_761] {strides = array<i32>} : memref<16x32xi32, #tpu.memory_space<vmem>>, vector<16xi32>,
    tpu.vector_store %arg6[%swap3A_760, %swap3A_761], %add3A_758 {strides = array<i32>} : memref<16x32xi32, #tpu.memory_space<vmem>>, vector<16xi32>,
    %reduce_max3A_763 = arith.constant true
    %reduce_max3A_764 = vector.broadcast %reduce_max3A_763 : i1 to vector<16xi1>
    %reduce_max3A_765 = arith.constant -2147483648 : i32
    %reduce_max3A_766 = vector.broadcast %reduce_max3A_765 : i32 to vector<16xi32>
    %reduce_max3A_767 = arith.xori %masked_cumsum3A_752, %reduce_max3A_766 : vector<16xi32>
    %reduce_max3A_768 = tpu.scan <max>, %reduce_max3A_767 masked %reduce_max3A_764 : vector<16xi32>, vector<16xi1> -> vector<16xi32>
    %reduce_max3A_769 = arith.xori %reduce_max3A_768, %reduce_max3A_766 : vector<16xi32>
    %reduce_max3A_770 = vector.extract %reduce_max3A_769[15] : i32 from vector<16xi32>
    %add3A_771 = arith.addi %add3A_740, %reduce_max3A_770 : i32
    %get3A_772 = arith.constant 400 : index
    %get3A_773 = tpu.vector_load %arg5[%get3A_772] {strides = array<i32>} : memref<512xi32, #tpu.memory_space<vmem>>, vector<16xi32>,
    %sub3A_774 = arith.constant 1 : i32
    %sub3A_775 = vector.broadcast %sub3A_774 : i32 to vector<16xi32>
    %sub3A_776 = arith.subi %get3A_773, %sub3A_775 : vector<16xi32>
    %abs3A_777 = math.absi %sub3A_776 : vector<16xi32>
    %min3A_778 = arith.constant 1 : i32
    %min3A_779 = vector.broadcast %min3A_778 : i32 to vector<16xi32>
    %min3A_780 = arith.minsi %abs3A_777, %min3A_779 : vector<16xi32>
    %broadcast_in_dim3A_781 = arith.constant true
    %broadcast_in_dim3A_782 = vector.broadcast %broadcast_in_dim3A_781 : i1 to vector<16xi1>
    %masked_cumsum3A_783 = tpu.scan <sum>, %min3A_780 masked %broadcast_in_dim3A_782 : vector<16xi32>, vector<16xi1> -> vector<16xi32>
    %add3A_784 = vector.broadcast %add3A_771 : i32 to vector<16xi32>
    %add3A_785 = arith.addi %add3A_784, %masked_cumsum3A_783 : vector<16xi32>
    %mul3A_786 = arith.muli %add3A_785, %min3A_780 : vector<16xi32>
    %add3A_787 = arith.constant 1 : i32
    %add3A_788 = vector.broadcast %add3A_787 : i32 to vector<16xi32>
    %add3A_789 = arith.addi %mul3A_786, %add3A_788 : vector<16xi32>
    %swap3A_790 = arith.constant 12 : i32
    %swap3A_791 = arith.index_cast %swap3A_790 : i32 to index
    %swap3A_792 = arith.constant 16 : index
    %swap3A_793 = tpu.vector_load %arg6[%swap3A_791, %swap3A_792] {strides = array<i32>} : memref<16x32xi32, #tpu.memory_space<vmem>>, vector<16xi32>,
    tpu.vector_store %arg6[%swap3A_791, %swap3A_792], %add3A_789 {strides = array<i32>} : memref<16x32xi32, #tpu.memory_space<vmem>>, vector<16xi32>,
    %reduce_max3A_794 = arith.constant true
    %reduce_max3A_795 = vector.broadcast %reduce_max3A_794 : i1 to vector<16xi1>
    %reduce_max3A_796 = arith.constant -2147483648 : i32
    %reduce_max3A_797 = vector.broadcast %reduce_max3A_796 : i32 to vector<16xi32>
    %reduce_max3A_798 = arith.xori %masked_cumsum3A_783, %reduce_max3A_797 : vector<16xi32>
    %reduce_max3A_799 = tpu.scan <max>, %reduce_max3A_798 masked %reduce_max3A_795 : vector<16xi32>, vector<16xi1> -> vector<16xi32>
    %reduce_max3A_800 = arith.xori %reduce_max3A_799, %reduce_max3A_797 : vector<16xi32>
    %reduce_max3A_801 = vector.extract %reduce_max3A_800[15] : i32 from vector<16xi32>
    %add3A_802 = arith.addi %add3A_771, %reduce_max3A_801 : i32
    %get3A_803 = arith.constant 416 : index
    %get3A_804 = tpu.vector_load %arg5[%get3A_803] {strides = array<i32>} : memref<512xi32, #tpu.memory_space<vmem>>, vector<16xi32>,
    %sub3A_805 = arith.constant 1 : i32
    %sub3A_806 = vector.broadcast %sub3A_805 : i32 to vector<16xi32>
    %sub3A_807 = arith.subi %get3A_804, %sub3A_806 : vector<16xi32>
    %abs3A_808 = math.absi %sub3A_807 : vector<16xi32>
    %min3A_809 = arith.constant 1 : i32
    %min3A_810 = vector.broadcast %min3A_809 : i32 to vector<16xi32>
    %min3A_811 = arith.minsi %abs3A_808, %min3A_810 : vector<16xi32>
    %broadcast_in_dim3A_812 = arith.constant true
    %broadcast_in_dim3A_813 = vector.broadcast %broadcast_in_dim3A_812 : i1 to vector<16xi1>
    %masked_cumsum3A_814 = tpu.scan <sum>, %min3A_811 masked %broadcast_in_dim3A_813 : vector<16xi32>, vector<16xi1> -> vector<16xi32>
    %add3A_815 = vector.broadcast %add3A_802 : i32 to vector<16xi32>
    %add3A_816 = arith.addi %add3A_815, %masked_cumsum3A_814 : vector<16xi32>
    %mul3A_817 = arith.muli %add3A_816, %min3A_811 : vector<16xi32>
    %add3A_818 = arith.constant 1 : i32
    %add3A_819 = vector.broadcast %add3A_818 : i32 to vector<16xi32>
    %add3A_820 = arith.addi %mul3A_817, %add3A_819 : vector<16xi32>
    %swap3A_821 = arith.constant 13 : i32
    %swap3A_822 = arith.index_cast %swap3A_821 : i32 to index
    %swap3A_823 = arith.constant 0 : index
    %swap3A_824 = tpu.vector_load %arg6[%swap3A_822, %swap3A_823] {strides = array<i32>} : memref<16x32xi32, #tpu.memory_space<vmem>>, vector<16xi32>,
    tpu.vector_store %arg6[%swap3A_822, %swap3A_823], %add3A_820 {strides = array<i32>} : memref<16x32xi32, #tpu.memory_space<vmem>>, vector<16xi32>,
    %reduce_max3A_825 = arith.constant true
    %reduce_max3A_826 = vector.broadcast %reduce_max3A_825 : i1 to vector<16xi1>
    %reduce_max3A_827 = arith.constant -2147483648 : i32
    %reduce_max3A_828 = vector.broadcast %reduce_max3A_827 : i32 to vector<16xi32>
    %reduce_max3A_829 = arith.xori %masked_cumsum3A_814, %reduce_max3A_828 : vector<16xi32>
    %reduce_max3A_830 = tpu.scan <max>, %reduce_max3A_829 masked %reduce_max3A_826 : vector<16xi32>, vector<16xi1> -> vector<16xi32>
    %reduce_max3A_831 = arith.xori %reduce_max3A_830, %reduce_max3A_828 : vector<16xi32>
    %reduce_max3A_832 = vector.extract %reduce_max3A_831[15] : i32 from vector<16xi32>
    %add3A_833 = arith.addi %add3A_802, %reduce_max3A_832 : i32
    %get3A_834 = arith.constant 432 : index
    %get3A_835 = tpu.vector_load %arg5[%get3A_834] {strides = array<i32>} : memref<512xi32, #tpu.memory_space<vmem>>, vector<16xi32>,
    %sub3A_836 = arith.constant 1 : i32
    %sub3A_837 = vector.broadcast %sub3A_836 : i32 to vector<16xi32>
    %sub3A_838 = arith.subi %get3A_835, %sub3A_837 : vector<16xi32>
    %abs3A_839 = math.absi %sub3A_838 : vector<16xi32>
    %min3A_840 = arith.constant 1 : i32
    %min3A_841 = vector.broadcast %min3A_840 : i32 to vector<16xi32>
    %min3A_842 = arith.minsi %abs3A_839, %min3A_841 : vector<16xi32>
    %broadcast_in_dim3A_843 = arith.constant true
    %broadcast_in_dim3A_844 = vector.broadcast %broadcast_in_dim3A_843 : i1 to vector<16xi1>
    %masked_cumsum3A_845 = tpu.scan <sum>, %min3A_842 masked %broadcast_in_dim3A_844 : vector<16xi32>, vector<16xi1> -> vector<16xi32>
    %add3A_846 = vector.broadcast %add3A_833 : i32 to vector<16xi32>
    %add3A_847 = arith.addi %add3A_846, %masked_cumsum3A_845 : vector<16xi32>
    %mul3A_848 = arith.muli %add3A_847, %min3A_842 : vector<16xi32>
    %add3A_849 = arith.constant 1 : i32
    %add3A_850 = vector.broadcast %add3A_849 : i32 to vector<16xi32>
    %add3A_851 = arith.addi %mul3A_848, %add3A_850 : vector<16xi32>
    %swap3A_852 = arith.constant 13 : i32
    %swap3A_853 = arith.index_cast %swap3A_852 : i32 to index
    %swap3A_854 = arith.constant 16 : index
    %swap3A_855 = tpu.vector_load %arg6[%swap3A_853, %swap3A_854] {strides = array<i32>} : memref<16x32xi32, #tpu.memory_space<vmem>>, vector<16xi32>,
    tpu.vector_store %arg6[%swap3A_853, %swap3A_854], %add3A_851 {strides = array<i32>} : memref<16x32xi32, #tpu.memory_space<vmem>>, vector<16xi32>,
    %reduce_max3A_856 = arith.constant true
    %reduce_max3A_857 = vector.broadcast %reduce_max3A_856 : i1 to vector<16xi1>
    %reduce_max3A_858 = arith.constant -2147483648 : i32
    %reduce_max3A_859 = vector.broadcast %reduce_max3A_858 : i32 to vector<16xi32>
    %reduce_max3A_860 = arith.xori %masked_cumsum3A_845, %reduce_max3A_859 : vector<16xi32>
    %reduce_max3A_861 = tpu.scan <max>, %reduce_max3A_860 masked %reduce_max3A_857 : vector<16xi32>, vector<16xi1> -> vector<16xi32>
    %reduce_max3A_862 = arith.xori %reduce_max3A_861, %reduce_max3A_859 : vector<16xi32>
    %reduce_max3A_863 = vector.extract %reduce_max3A_862[15] : i32 from vector<16xi32>
    %add3A_864 = arith.addi %add3A_833, %reduce_max3A_863 : i32
    %get3A_865 = arith.constant 448 : index
    %get3A_866 = tpu.vector_load %arg5[%get3A_865] {strides = array<i32>} : memref<512xi32, #tpu.memory_space<vmem>>, vector<16xi32>,
    %sub3A_867 = arith.constant 1 : i32
    %sub3A_868 = vector.broadcast %sub3A_867 : i32 to vector<16xi32>
    %sub3A_869 = arith.subi %get3A_866, %sub3A_868 : vector<16xi32>
    %abs3A_870 = math.absi %sub3A_869 : vector<16xi32>
    %min3A_871 = arith.constant 1 : i32
    %min3A_872 = vector.broadcast %min3A_871 : i32 to vector<16xi32>
    %min3A_873 = arith.minsi %abs3A_870, %min3A_872 : vector<16xi32>
    %broadcast_in_dim3A_874 = arith.constant true
    %broadcast_in_dim3A_875 = vector.broadcast %broadcast_in_dim3A_874 : i1 to vector<16xi1>
    %masked_cumsum3A_876 = tpu.scan <sum>, %min3A_873 masked %broadcast_in_dim3A_875 : vector<16xi32>, vector<16xi1> -> vector<16xi32>
    %add3A_877 = vector.broadcast %add3A_864 : i32 to vector<16xi32>
    %add3A_878 = arith.addi %add3A_877, %masked_cumsum3A_876 : vector<16xi32>
    %mul3A_879 = arith.muli %add3A_878, %min3A_873 : vector<16xi32>
    %add3A_880 = arith.constant 1 : i32
    %add3A_881 = vector.broadcast %add3A_880 : i32 to vector<16xi32>
    %add3A_882 = arith.addi %mul3A_879, %add3A_881 : vector<16xi32>
    %swap3A_883 = arith.constant 14 : i32
    %swap3A_884 = arith.index_cast %swap3A_883 : i32 to index
    %swap3A_885 = arith.constant 0 : index
    %swap3A_886 = tpu.vector_load %arg6[%swap3A_884, %swap3A_885] {strides = array<i32>} : memref<16x32xi32, #tpu.memory_space<vmem>>, vector<16xi32>,
    tpu.vector_store %arg6[%swap3A_884, %swap3A_885], %add3A_882 {strides = array<i32>} : memref<16x32xi32, #tpu.memory_space<vmem>>, vector<16xi32>,
    %reduce_max3A_887 = arith.constant true
    %reduce_max3A_888 = vector.broadcast %reduce_max3A_887 : i1 to vector<16xi1>
    %reduce_max3A_889 = arith.constant -2147483648 : i32
    %reduce_max3A_890 = vector.broadcast %reduce_max3A_889 : i32 to vector<16xi32>
    %reduce_max3A_891 = arith.xori %masked_cumsum3A_876, %reduce_max3A_890 : vector<16xi32>
    %reduce_max3A_892 = tpu.scan <max>, %reduce_max3A_891 masked %reduce_max3A_888 : vector<16xi32>, vector<16xi1> -> vector<16xi32>
    %reduce_max3A_893 = arith.xori %reduce_max3A_892, %reduce_max3A_890 : vector<16xi32>
    %reduce_max3A_894 = vector.extract %reduce_max3A_893[15] : i32 from vector<16xi32>
    %add3A_895 = arith.addi %add3A_864, %reduce_max3A_894 : i32
    %get3A_896 = arith.constant 464 : index
    %get3A_897 = tpu.vector_load %arg5[%get3A_896] {strides = array<i32>} : memref<512xi32, #tpu.memory_space<vmem>>, vector<16xi32>,
    %sub3A_898 = arith.constant 1 : i32
    %sub3A_899 = vector.broadcast %sub3A_898 : i32 to vector<16xi32>
    %sub3A_900 = arith.subi %get3A_897, %sub3A_899 : vector<16xi32>
    %abs3A_901 = math.absi %sub3A_900 : vector<16xi32>
    %min3A_902 = arith.constant 1 : i32
    %min3A_903 = vector.broadcast %min3A_902 : i32 to vector<16xi32>
    %min3A_904 = arith.minsi %abs3A_901, %min3A_903 : vector<16xi32>
    %broadcast_in_dim3A_905 = arith.constant true
    %broadcast_in_dim3A_906 = vector.broadcast %broadcast_in_dim3A_905 : i1 to vector<16xi1>
    %masked_cumsum3A_907 = tpu.scan <sum>, %min3A_904 masked %broadcast_in_dim3A_906 : vector<16xi32>, vector<16xi1> -> vector<16xi32>
    %add3A_908 = vector.broadcast %add3A_895 : i32 to vector<16xi32>
    %add3A_909 = arith.addi %add3A_908, %masked_cumsum3A_907 : vector<16xi32>
    %mul3A_910 = arith.muli %add3A_909, %min3A_904 : vector<16xi32>
    %add3A_911 = arith.constant 1 : i32
    %add3A_912 = vector.broadcast %add3A_911 : i32 to vector<16xi32>
    %add3A_913 = arith.addi %mul3A_910, %add3A_912 : vector<16xi32>
    %swap3A_914 = arith.constant 14 : i32
    %swap3A_915 = arith.index_cast %swap3A_914 : i32 to index
    %swap3A_916 = arith.constant 16 : index
    %swap3A_917 = tpu.vector_load %arg6[%swap3A_915, %swap3A_916] {strides = array<i32>} : memref<16x32xi32, #tpu.memory_space<vmem>>, vector<16xi32>,
    tpu.vector_store %arg6[%swap3A_915, %swap3A_916], %add3A_913 {strides = array<i32>} : memref<16x32xi32, #tpu.memory_space<vmem>>, vector<16xi32>,
    %reduce_max3A_918 = arith.constant true
    %reduce_max3A_919 = vector.broadcast %reduce_max3A_918 : i1 to vector<16xi1>
    %reduce_max3A_920 = arith.constant -2147483648 : i32
    %reduce_max3A_921 = vector.broadcast %reduce_max3A_920 : i32 to vector<16xi32>
    %reduce_max3A_922 = arith.xori %masked_cumsum3A_907, %reduce_max3A_921 : vector<16xi32>
    %reduce_max3A_923 = tpu.scan <max>, %reduce_max3A_922 masked %reduce_max3A_919 : vector<16xi32>, vector<16xi1> -> vector<16xi32>
    %reduce_max3A_924 = arith.xori %reduce_max3A_923, %reduce_max3A_921 : vector<16xi32>
    %reduce_max3A_925 = vector.extract %reduce_max3A_924[15] : i32 from vector<16xi32>
    %add3A_926 = arith.addi %add3A_895, %reduce_max3A_925 : i32
    %get3A_927 = arith.constant 480 : index
    %get3A_928 = tpu.vector_load %arg5[%get3A_927] {strides = array<i32>} : memref<512xi32, #tpu.memory_space<vmem>>, vector<16xi32>,
    %sub3A_929 = arith.constant 1 : i32
    %sub3A_930 = vector.broadcast %sub3A_929 : i32 to vector<16xi32>
    %sub3A_931 = arith.subi %get3A_928, %sub3A_930 : vector<16xi32>
    %abs3A_932 = math.absi %sub3A_931 : vector<16xi32>
    %min3A_933 = arith.constant 1 : i32
    %min3A_934 = vector.broadcast %min3A_933 : i32 to vector<16xi32>
    %min3A_935 = arith.minsi %abs3A_932, %min3A_934 : vector<16xi32>
    %broadcast_in_dim3A_936 = arith.constant true
    %broadcast_in_dim3A_937 = vector.broadcast %broadcast_in_dim3A_936 : i1 to vector<16xi1>
    %masked_cumsum3A_938 = tpu.scan <sum>, %min3A_935 masked %broadcast_in_dim3A_937 : vector<16xi32>, vector<16xi1> -> vector<16xi32>
    %add3A_939 = vector.broadcast %add3A_926 : i32 to vector<16xi32>
    %add3A_940 = arith.addi %add3A_939, %masked_cumsum3A_938 : vector<16xi32>
    %mul3A_941 = arith.muli %add3A_940, %min3A_935 : vector<16xi32>
    %add3A_942 = arith.constant 1 : i32
    %add3A_943 = vector.broadcast %add3A_942 : i32 to vector<16xi32>
    %add3A_944 = arith.addi %mul3A_941, %add3A_943 : vector<16xi32>
    %swap3A_945 = arith.constant 15 : i32
    %swap3A_946 = arith.index_cast %swap3A_945 : i32 to index
    %swap3A_947 = arith.constant 0 : index
    %swap3A_948 = tpu.vector_load %arg6[%swap3A_946, %swap3A_947] {strides = array<i32>} : memref<16x32xi32, #tpu.memory_space<vmem>>, vector<16xi32>,
    tpu.vector_store %arg6[%swap3A_946, %swap3A_947], %add3A_944 {strides = array<i32>} : memref<16x32xi32, #tpu.memory_space<vmem>>, vector<16xi32>,
    %reduce_max3A_949 = arith.constant true
    %reduce_max3A_950 = vector.broadcast %reduce_max3A_949 : i1 to vector<16xi1>
    %reduce_max3A_951 = arith.constant -2147483648 : i32
    %reduce_max3A_952 = vector.broadcast %reduce_max3A_951 : i32 to vector<16xi32>
    %reduce_max3A_953 = arith.xori %masked_cumsum3A_938, %reduce_max3A_952 : vector<16xi32>
    %reduce_max3A_954 = tpu.scan <max>, %reduce_max3A_953 masked %reduce_max3A_950 : vector<16xi32>, vector<16xi1> -> vector<16xi32>
    %reduce_max3A_955 = arith.xori %reduce_max3A_954, %reduce_max3A_952 : vector<16xi32>
    %reduce_max3A_956 = vector.extract %reduce_max3A_955[15] : i32 from vector<16xi32>
    %add3A_957 = arith.addi %add3A_926, %reduce_max3A_956 : i32
    %get3A_958 = arith.constant 496 : index
    %get3A_959 = tpu.vector_load %arg5[%get3A_958] {strides = array<i32>} : memref<512xi32, #tpu.memory_space<vmem>>, vector<16xi32>,
    %sub3A_960 = arith.constant 1 : i32
    %sub3A_961 = vector.broadcast %sub3A_960 : i32 to vector<16xi32>
    %sub3A_962 = arith.subi %get3A_959, %sub3A_961 : vector<16xi32>
    %abs3A_963 = math.absi %sub3A_962 : vector<16xi32>
    %min3A_964 = arith.constant 1 : i32
    %min3A_965 = vector.broadcast %min3A_964 : i32 to vector<16xi32>
    %min3A_966 = arith.minsi %abs3A_963, %min3A_965 : vector<16xi32>
    %broadcast_in_dim3A_967 = arith.constant true
    %broadcast_in_dim3A_968 = vector.broadcast %broadcast_in_dim3A_967 : i1 to vector<16xi1>
    %masked_cumsum3A_969 = tpu.scan <sum>, %min3A_966 masked %broadcast_in_dim3A_968 : vector<16xi32>, vector<16xi1> -> vector<16xi32>
    %add3A_970 = vector.broadcast %add3A_957 : i32 to vector<16xi32>
    %add3A_971 = arith.addi %add3A_970, %masked_cumsum3A_969 : vector<16xi32>
    %mul3A_972 = arith.muli %add3A_971, %min3A_966 : vector<16xi32>
    %add3A_973 = arith.constant 1 : i32
    %add3A_974 = vector.broadcast %add3A_973 : i32 to vector<16xi32>
    %add3A_975 = arith.addi %mul3A_972, %add3A_974 : vector<16xi32>
    %swap3A_976 = arith.constant 15 : i32
    %swap3A_977 = arith.index_cast %swap3A_976 : i32 to index
    %swap3A_978 = arith.constant 16 : index
    %swap3A_979 = tpu.vector_load %arg6[%swap3A_977, %swap3A_978] {strides = array<i32>} : memref<16x32xi32, #tpu.memory_space<vmem>>, vector<16xi32>,
    tpu.vector_store %arg6[%swap3A_977, %swap3A_978], %add3A_975 {strides = array<i32>} : memref<16x32xi32, #tpu.memory_space<vmem>>, vector<16xi32>,
    %reduce_max3A_980 = arith.constant true
    %reduce_max3A_981 = vector.broadcast %reduce_max3A_980 : i1 to vector<16xi1>
    %reduce_max3A_982 = arith.constant -2147483648 : i32
    %reduce_max3A_983 = vector.broadcast %reduce_max3A_982 : i32 to vector<16xi32>
    %reduce_max3A_984 = arith.xori %masked_cumsum3A_969, %reduce_max3A_983 : vector<16xi32>
    %reduce_max3A_985 = tpu.scan <max>, %reduce_max3A_984 masked %reduce_max3A_981 : vector<16xi32>, vector<16xi1> -> vector<16xi32>
    %reduce_max3A_986 = arith.xori %reduce_max3A_985, %reduce_max3A_983 : vector<16xi32>
    %reduce_max3A_987 = vector.extract %reduce_max3A_986[15] : i32 from vector<16xi32>
    %add3A_988 = arith.addi %add3A_957, %reduce_max3A_987 : i32
    %broadcast_in_dim3A_989 = vector.broadcast %add3A_988 : i32 to vector<16xi32>
    %swap3A_990 = arith.constant 0 : index
    %swap3A_991 = tpu.vector_load %arg7[%swap3A_990] {strides = array<i32>} : memref<16xi32, #tpu.memory_space<vmem>>, vector<16xi32>,
    tpu.vector_store %arg7[%swap3A_990], %broadcast_in_dim3A_989 {strides = array<i32>} : memref<16xi32, #tpu.memory_space<vmem>>, vector<16xi32>,
    "tpu.region"() ({
      %run_scoped3A = tpu.sem_alloc : memref<!tpu.dma_semaphore, #tpu.memory_space<semaphore_mem>>
      %dma_start3A_2276 = arith.constant 0 : i32
      %dma_start3A_2277 = tpu.memref_slice %arg9[%arg1, %dma_start3A_2276] : memref<16x16xi32, #tpu.memory_space<vmem_shared>> -> memref<1x16xi32, #tpu.memory_space<vmem_shared>>
      %dma_start3A_2278 = tpu.memref_squeeze %dma_start3A_2277 : memref<1x16xi32, #tpu.memory_space<vmem_shared>> -> memref<16xi32, #tpu.memory_space<vmem_shared>>
      %dma_start3A_2279 = arith.constant 0 : i32
      %dma_start3A_2280 = tpu.memref_slice %arg9[%arg1, %dma_start3A_2279] : memref<16x16xi32, #tpu.memory_space<vmem_shared>> -> memref<1x16xi32, #tpu.memory_space<vmem_shared>>
      %dma_start3A_2281 = tpu.memref_squeeze %dma_start3A_2280 : memref<1x16xi32, #tpu.memory_space<vmem_shared>> -> memref<16xi32, #tpu.memory_space<vmem_shared>>
      tpu.enqueue_dma source(%arg7 : memref<16xi32, #tpu.memory_space<vmem>>) target(%dma_start3A_2281 : memref<16xi32, #tpu.memory_space<vmem_shared>>) target_semaphore(%run_scoped3A : memref<!tpu.dma_semaphore, #tpu.memory_space<semaphore_mem>>)
      %dma_wait3A_2282 = arith.constant 0 : i32
      %dma_wait3A_2283 = tpu.memref_slice %arg9[%arg1, %dma_wait3A_2282] : memref<16x16xi32, #tpu.memory_space<vmem_shared>> -> memref<1x16xi32, #tpu.memory_space<vmem_shared>>
      %dma_wait3A_2284 = tpu.memref_squeeze %dma_wait3A_2283 : memref<1x16xi32, #tpu.memory_space<vmem_shared>> -> memref<16xi32, #tpu.memory_space<vmem_shared>>
      %dma_wait3A_2285 = arith.constant 0 : i32
      %dma_wait3A_2286 = tpu.memref_slice %arg9[%arg1, %dma_wait3A_2285] : memref<16x16xi32, #tpu.memory_space<vmem_shared>> -> memref<1x16xi32, #tpu.memory_space<vmem_shared>>
      %dma_wait3A_2287 = tpu.memref_squeeze %dma_wait3A_2286 : memref<1x16xi32, #tpu.memory_space<vmem_shared>> -> memref<16xi32, #tpu.memory_space<vmem_shared>>
      tpu.wait_dma2 semaphore(%run_scoped3A : memref<!tpu.dma_semaphore, #tpu.memory_space<semaphore_mem>>) src(%arg7 : memref<16xi32, #tpu.memory_space<vmem>>) dst(%dma_wait3A_2287 : memref<16xi32, #tpu.memory_space<vmem_shared>>)
      tpu.yield
    }) : () -> ()
    %barrier3A = arith.constant 0 : index
    tpu.barrier barrier_id(%barrier3A)
    "tpu.region"() ({
      %run_scoped3A = tpu.sem_alloc : memref<!tpu.dma_semaphore, #tpu.memory_space<semaphore_mem>>
      tpu.enqueue_dma source(%arg9 : memref<16x16xi32, #tpu.memory_space<vmem_shared>>) target(%arg8 : memref<16x16xi32, #tpu.memory_space<vmem>>) target_semaphore(%run_scoped3A : memref<!tpu.dma_semaphore, #tpu.memory_space<semaphore_mem>>)
      tpu.wait_dma2 semaphore(%run_scoped3A : memref<!tpu.dma_semaphore, #tpu.memory_space<semaphore_mem>>) src(%arg9 : memref<16x16xi32, #tpu.memory_space<vmem_shared>>) dst(%arg8 : memref<16x16xi32, #tpu.memory_space<vmem>>)
      tpu.yield
    }) : () -> ()
    %jit3A = arith.constant 8 : i32
    %div3A = arith.divsi %arg1, %jit3A : i32
    %sign3A = arith.constant 0 : i32
    %sign3A_992 = arith.cmpi sgt, %arg1, %sign3A : i32
    %sign3A_993 = arith.extui %sign3A_992 : i1 to i32
    %sign3A_994 = arith.constant 0 : i32
    %sign3A_995 = arith.cmpi slt, %arg1, %sign3A_994 : i32
    %sign3A_996 = arith.extui %sign3A_995 : i1 to i32
    %sign3A_997 = arith.subi %sign3A_993, %sign3A_996 : i32
    %sign3A_998 = arith.constant 0 : i32
    %sign3A_999 = arith.cmpi sgt, %jit3A, %sign3A_998 : i32
    %sign3A_1000 = arith.extui %sign3A_999 : i1 to i32
    %sign3A_1001 = arith.constant 0 : i32
    %sign3A_1002 = arith.cmpi slt, %jit3A, %sign3A_1001 : i32
    %sign3A_1003 = arith.extui %sign3A_1002 : i1 to i32
    %sign3A_1004 = arith.subi %sign3A_1000, %sign3A_1003 : i32
    %ne3A = arith.cmpi ne, %sign3A_997, %sign3A_1004 : i32
    %rem3A = arith.remsi %arg1, %jit3A : i32
    %ne3A_1005 = arith.constant 0 : i32
    %ne3A_1006 = arith.cmpi ne, %rem3A, %ne3A_1005 : i32
    %and3A = arith.andi %ne3A, %ne3A_1006 : i1
    %sub3A_1007 = arith.constant 1 : i32
    %sub3A_1008 = arith.subi %div3A, %sub3A_1007 : i32
    %select_n3A = arith.select %and3A, %sub3A_1008, %div3A : i32
    %broadcast_in_dim3A_1009 = arith.constant 0 : i32
    %broadcast_in_dim3A_1010 = vector.broadcast %broadcast_in_dim3A_1009 : i32 to vector<16xi32>
    %sub3A_1011 = arith.constant 0 : i32
    %sub3A_1012 = arith.subi %sub3A_1011, %select_n3A : i32
    %abs3A_1013 = math.absi %sub3A_1012 : i32
    %min3A_1014 = arith.constant 1 : i32
    %min3A_1015 = arith.minsi %abs3A_1013, %min3A_1014 : i32
    %sub3A_1016 = arith.constant 1 : i32
    %sub3A_1017 = arith.subi %sub3A_1016, %min3A_1015 : i32
    %sub3A_1018 = arith.constant 0 : i32
    %sub3A_1019 = arith.subi %arg1, %sub3A_1018 : i32
    %max3A = arith.constant 0 : i32
    %max3A_1020 = arith.maxsi %sub3A_1019, %max3A : i32
    %min3A_1021 = arith.constant 1 : i32
    %min3A_1022 = arith.minsi %max3A_1020, %min3A_1021 : i32
    %get3A_1023 = arith.constant 0 : i32
    %get3A_1024 = arith.index_cast %get3A_1023 : i32 to index
    %get3A_1025 = arith.constant 0 : index
    %get3A_1026 = tpu.vector_load %arg8[%get3A_1024, %get3A_1025] {strides = array<i32>} : memref<16x16xi32, #tpu.memory_space<vmem>>, vector<16xi32>,
    %mul3A_1027 = arith.muli %sub3A_1017, %min3A_1022 : i32
    %mul3A_1028 = vector.broadcast %mul3A_1027 : i32 to vector<16xi32>
    %mul3A_1029 = arith.muli %get3A_1026, %mul3A_1028 : vector<16xi32>
    %add3A_1030 = arith.addi %broadcast_in_dim3A_1010, %mul3A_1029 : vector<16xi32>
    %sub3A_1031 = arith.constant 0 : i32
    %sub3A_1032 = arith.subi %sub3A_1031, %select_n3A : i32
    %abs3A_1033 = math.absi %sub3A_1032 : i32
    %min3A_1034 = arith.constant 1 : i32
    %min3A_1035 = arith.minsi %abs3A_1033, %min3A_1034 : i32
    %sub3A_1036 = arith.constant 1 : i32
    %sub3A_1037 = arith.subi %sub3A_1036, %min3A_1035 : i32
    %sub3A_1038 = arith.constant 1 : i32
    %sub3A_1039 = arith.subi %arg1, %sub3A_1038 : i32
    %max3A_1040 = arith.constant 0 : i32
    %max3A_1041 = arith.maxsi %sub3A_1039, %max3A_1040 : i32
    %min3A_1042 = arith.constant 1 : i32
    %min3A_1043 = arith.minsi %max3A_1041, %min3A_1042 : i32
    %get3A_1044 = arith.constant 1 : i32
    %get3A_1045 = arith.index_cast %get3A_1044 : i32 to index
    %get3A_1046 = arith.constant 0 : index
    %get3A_1047 = tpu.vector_load %arg8[%get3A_1045, %get3A_1046] {strides = array<i32>} : memref<16x16xi32, #tpu.memory_space<vmem>>, vector<16xi32>,
    %mul3A_1048 = arith.muli %sub3A_1037, %min3A_1043 : i32
    %mul3A_1049 = vector.broadcast %mul3A_1048 : i32 to vector<16xi32>
    %mul3A_1050 = arith.muli %get3A_1047, %mul3A_1049 : vector<16xi32>
    %add3A_1051 = arith.addi %add3A_1030, %mul3A_1050 : vector<16xi32>
    %sub3A_1052 = arith.constant 0 : i32
    %sub3A_1053 = arith.subi %sub3A_1052, %select_n3A : i32
    %abs3A_1054 = math.absi %sub3A_1053 : i32
    %min3A_1055 = arith.constant 1 : i32
    %min3A_1056 = arith.minsi %abs3A_1054, %min3A_1055 : i32
    %sub3A_1057 = arith.constant 1 : i32
    %sub3A_1058 = arith.subi %sub3A_1057, %min3A_1056 : i32
    %sub3A_1059 = arith.constant 2 : i32
    %sub3A_1060 = arith.subi %arg1, %sub3A_1059 : i32
    %max3A_1061 = arith.constant 0 : i32
    %max3A_1062 = arith.maxsi %sub3A_1060, %max3A_1061 : i32
    %min3A_1063 = arith.constant 1 : i32
    %min3A_1064 = arith.minsi %max3A_1062, %min3A_1063 : i32
    %get3A_1065 = arith.constant 2 : i32
    %get3A_1066 = arith.index_cast %get3A_1065 : i32 to index
    %get3A_1067 = arith.constant 0 : index
    %get3A_1068 = tpu.vector_load %arg8[%get3A_1066, %get3A_1067] {strides = array<i32>} : memref<16x16xi32, #tpu.memory_space<vmem>>, vector<16xi32>,
    %mul3A_1069 = arith.muli %sub3A_1058, %min3A_1064 : i32
    %mul3A_1070 = vector.broadcast %mul3A_1069 : i32 to vector<16xi32>
    %mul3A_1071 = arith.muli %get3A_1068, %mul3A_1070 : vector<16xi32>
    %add3A_1072 = arith.addi %add3A_1051, %mul3A_1071 : vector<16xi32>
    %sub3A_1073 = arith.constant 0 : i32
    %sub3A_1074 = arith.subi %sub3A_1073, %select_n3A : i32
    %abs3A_1075 = math.absi %sub3A_1074 : i32
    %min3A_1076 = arith.constant 1 : i32
    %min3A_1077 = arith.minsi %abs3A_1075, %min3A_1076 : i32
    %sub3A_1078 = arith.constant 1 : i32
    %sub3A_1079 = arith.subi %sub3A_1078, %min3A_1077 : i32
    %sub3A_1080 = arith.constant 3 : i32
    %sub3A_1081 = arith.subi %arg1, %sub3A_1080 : i32
    %max3A_1082 = arith.constant 0 : i32
    %max3A_1083 = arith.maxsi %sub3A_1081, %max3A_1082 : i32
    %min3A_1084 = arith.constant 1 : i32
    %min3A_1085 = arith.minsi %max3A_1083, %min3A_1084 : i32
    %get3A_1086 = arith.constant 3 : i32
    %get3A_1087 = arith.index_cast %get3A_1086 : i32 to index
    %get3A_1088 = arith.constant 0 : index
    %get3A_1089 = tpu.vector_load %arg8[%get3A_1087, %get3A_1088] {strides = array<i32>} : memref<16x16xi32, #tpu.memory_space<vmem>>, vector<16xi32>,
    %mul3A_1090 = arith.muli %sub3A_1079, %min3A_1085 : i32
    %mul3A_1091 = vector.broadcast %mul3A_1090 : i32 to vector<16xi32>
    %mul3A_1092 = arith.muli %get3A_1089, %mul3A_1091 : vector<16xi32>
    %add3A_1093 = arith.addi %add3A_1072, %mul3A_1092 : vector<16xi32>
    %sub3A_1094 = arith.constant 0 : i32
    %sub3A_1095 = arith.subi %sub3A_1094, %select_n3A : i32
    %abs3A_1096 = math.absi %sub3A_1095 : i32
    %min3A_1097 = arith.constant 1 : i32
    %min3A_1098 = arith.minsi %abs3A_1096, %min3A_1097 : i32
    %sub3A_1099 = arith.constant 1 : i32
    %sub3A_1100 = arith.subi %sub3A_1099, %min3A_1098 : i32
    %sub3A_1101 = arith.constant 4 : i32
    %sub3A_1102 = arith.subi %arg1, %sub3A_1101 : i32
    %max3A_1103 = arith.constant 0 : i32
    %max3A_1104 = arith.maxsi %sub3A_1102, %max3A_1103 : i32
    %min3A_1105 = arith.constant 1 : i32
    %min3A_1106 = arith.minsi %max3A_1104, %min3A_1105 : i32
    %get3A_1107 = arith.constant 4 : i32
    %get3A_1108 = arith.index_cast %get3A_1107 : i32 to index
    %get3A_1109 = arith.constant 0 : index
    %get3A_1110 = tpu.vector_load %arg8[%get3A_1108, %get3A_1109] {strides = array<i32>} : memref<16x16xi32, #tpu.memory_space<vmem>>, vector<16xi32>,
    %mul3A_1111 = arith.muli %sub3A_1100, %min3A_1106 : i32
    %mul3A_1112 = vector.broadcast %mul3A_1111 : i32 to vector<16xi32>
    %mul3A_1113 = arith.muli %get3A_1110, %mul3A_1112 : vector<16xi32>
    %add3A_1114 = arith.addi %add3A_1093, %mul3A_1113 : vector<16xi32>
    %sub3A_1115 = arith.constant 0 : i32
    %sub3A_1116 = arith.subi %sub3A_1115, %select_n3A : i32
    %abs3A_1117 = math.absi %sub3A_1116 : i32
    %min3A_1118 = arith.constant 1 : i32
    %min3A_1119 = arith.minsi %abs3A_1117, %min3A_1118 : i32
    %sub3A_1120 = arith.constant 1 : i32
    %sub3A_1121 = arith.subi %sub3A_1120, %min3A_1119 : i32
    %sub3A_1122 = arith.constant 5 : i32
    %sub3A_1123 = arith.subi %arg1, %sub3A_1122 : i32
    %max3A_1124 = arith.constant 0 : i32
    %max3A_1125 = arith.maxsi %sub3A_1123, %max3A_1124 : i32
    %min3A_1126 = arith.constant 1 : i32
    %min3A_1127 = arith.minsi %max3A_1125, %min3A_1126 : i32
    %get3A_1128 = arith.constant 5 : i32
    %get3A_1129 = arith.index_cast %get3A_1128 : i32 to index
    %get3A_1130 = arith.constant 0 : index
    %get3A_1131 = tpu.vector_load %arg8[%get3A_1129, %get3A_1130] {strides = array<i32>} : memref<16x16xi32, #tpu.memory_space<vmem>>, vector<16xi32>,
    %mul3A_1132 = arith.muli %sub3A_1121, %min3A_1127 : i32
    %mul3A_1133 = vector.broadcast %mul3A_1132 : i32 to vector<16xi32>
    %mul3A_1134 = arith.muli %get3A_1131, %mul3A_1133 : vector<16xi32>
    %add3A_1135 = arith.addi %add3A_1114, %mul3A_1134 : vector<16xi32>
    %sub3A_1136 = arith.constant 0 : i32
    %sub3A_1137 = arith.subi %sub3A_1136, %select_n3A : i32
    %abs3A_1138 = math.absi %sub3A_1137 : i32
    %min3A_1139 = arith.constant 1 : i32
    %min3A_1140 = arith.minsi %abs3A_1138, %min3A_1139 : i32
    %sub3A_1141 = arith.constant 1 : i32
    %sub3A_1142 = arith.subi %sub3A_1141, %min3A_1140 : i32
    %sub3A_1143 = arith.constant 6 : i32
    %sub3A_1144 = arith.subi %arg1, %sub3A_1143 : i32
    %max3A_1145 = arith.constant 0 : i32
    %max3A_1146 = arith.maxsi %sub3A_1144, %max3A_1145 : i32
    %min3A_1147 = arith.constant 1 : i32
    %min3A_1148 = arith.minsi %max3A_1146, %min3A_1147 : i32
    %get3A_1149 = arith.constant 6 : i32
    %get3A_1150 = arith.index_cast %get3A_1149 : i32 to index
    %get3A_1151 = arith.constant 0 : index
    %get3A_1152 = tpu.vector_load %arg8[%get3A_1150, %get3A_1151] {strides = array<i32>} : memref<16x16xi32, #tpu.memory_space<vmem>>, vector<16xi32>,
    %mul3A_1153 = arith.muli %sub3A_1142, %min3A_1148 : i32
    %mul3A_1154 = vector.broadcast %mul3A_1153 : i32 to vector<16xi32>
    %mul3A_1155 = arith.muli %get3A_1152, %mul3A_1154 : vector<16xi32>
    %add3A_1156 = arith.addi %add3A_1135, %mul3A_1155 : vector<16xi32>
    %sub3A_1157 = arith.constant 0 : i32
    %sub3A_1158 = arith.subi %sub3A_1157, %select_n3A : i32
    %abs3A_1159 = math.absi %sub3A_1158 : i32
    %min3A_1160 = arith.constant 1 : i32
    %min3A_1161 = arith.minsi %abs3A_1159, %min3A_1160 : i32
    %sub3A_1162 = arith.constant 1 : i32
    %sub3A_1163 = arith.subi %sub3A_1162, %min3A_1161 : i32
    %sub3A_1164 = arith.constant 7 : i32
    %sub3A_1165 = arith.subi %arg1, %sub3A_1164 : i32
    %max3A_1166 = arith.constant 0 : i32
    %max3A_1167 = arith.maxsi %sub3A_1165, %max3A_1166 : i32
    %min3A_1168 = arith.constant 1 : i32
    %min3A_1169 = arith.minsi %max3A_1167, %min3A_1168 : i32
    %get3A_1170 = arith.constant 7 : i32
    %get3A_1171 = arith.index_cast %get3A_1170 : i32 to index
    %get3A_1172 = arith.constant 0 : index
    %get3A_1173 = tpu.vector_load %arg8[%get3A_1171, %get3A_1172] {strides = array<i32>} : memref<16x16xi32, #tpu.memory_space<vmem>>, vector<16xi32>,
    %mul3A_1174 = arith.muli %sub3A_1163, %min3A_1169 : i32
    %mul3A_1175 = vector.broadcast %mul3A_1174 : i32 to vector<16xi32>
    %mul3A_1176 = arith.muli %get3A_1173, %mul3A_1175 : vector<16xi32>
    %add3A_1177 = arith.addi %add3A_1156, %mul3A_1176 : vector<16xi32>
    %sub3A_1178 = arith.constant 1 : i32
    %sub3A_1179 = arith.subi %sub3A_1178, %select_n3A : i32
    %abs3A_1180 = math.absi %sub3A_1179 : i32
    %min3A_1181 = arith.constant 1 : i32
    %min3A_1182 = arith.minsi %abs3A_1180, %min3A_1181 : i32
    %sub3A_1183 = arith.constant 1 : i32
    %sub3A_1184 = arith.subi %sub3A_1183, %min3A_1182 : i32
    %sub3A_1185 = arith.constant 8 : i32
    %sub3A_1186 = arith.subi %arg1, %sub3A_1185 : i32
    %max3A_1187 = arith.constant 0 : i32
    %max3A_1188 = arith.maxsi %sub3A_1186, %max3A_1187 : i32
    %min3A_1189 = arith.constant 1 : i32
    %min3A_1190 = arith.minsi %max3A_1188, %min3A_1189 : i32
    %get3A_1191 = arith.constant 8 : i32
    %get3A_1192 = arith.index_cast %get3A_1191 : i32 to index
    %get3A_1193 = arith.constant 0 : index
    %get3A_1194 = tpu.vector_load %arg8[%get3A_1192, %get3A_1193] {strides = array<i32>} : memref<16x16xi32, #tpu.memory_space<vmem>>, vector<16xi32>,
    %mul3A_1195 = arith.muli %sub3A_1184, %min3A_1190 : i32
    %mul3A_1196 = vector.broadcast %mul3A_1195 : i32 to vector<16xi32>
    %mul3A_1197 = arith.muli %get3A_1194, %mul3A_1196 : vector<16xi32>
    %add3A_1198 = arith.addi %add3A_1177, %mul3A_1197 : vector<16xi32>
    %sub3A_1199 = arith.constant 1 : i32
    %sub3A_1200 = arith.subi %sub3A_1199, %select_n3A : i32
    %abs3A_1201 = math.absi %sub3A_1200 : i32
    %min3A_1202 = arith.constant 1 : i32
    %min3A_1203 = arith.minsi %abs3A_1201, %min3A_1202 : i32
    %sub3A_1204 = arith.constant 1 : i32
    %sub3A_1205 = arith.subi %sub3A_1204, %min3A_1203 : i32
    %sub3A_1206 = arith.constant 9 : i32
    %sub3A_1207 = arith.subi %arg1, %sub3A_1206 : i32
    %max3A_1208 = arith.constant 0 : i32
    %max3A_1209 = arith.maxsi %sub3A_1207, %max3A_1208 : i32
    %min3A_1210 = arith.constant 1 : i32
    %min3A_1211 = arith.minsi %max3A_1209, %min3A_1210 : i32
    %get3A_1212 = arith.constant 9 : i32
    %get3A_1213 = arith.index_cast %get3A_1212 : i32 to index
    %get3A_1214 = arith.constant 0 : index
    %get3A_1215 = tpu.vector_load %arg8[%get3A_1213, %get3A_1214] {strides = array<i32>} : memref<16x16xi32, #tpu.memory_space<vmem>>, vector<16xi32>,
    %mul3A_1216 = arith.muli %sub3A_1205, %min3A_1211 : i32
    %mul3A_1217 = vector.broadcast %mul3A_1216 : i32 to vector<16xi32>
    %mul3A_1218 = arith.muli %get3A_1215, %mul3A_1217 : vector<16xi32>
    %add3A_1219 = arith.addi %add3A_1198, %mul3A_1218 : vector<16xi32>
    %sub3A_1220 = arith.constant 1 : i32
    %sub3A_1221 = arith.subi %sub3A_1220, %select_n3A : i32
    %abs3A_1222 = math.absi %sub3A_1221 : i32
    %min3A_1223 = arith.constant 1 : i32
    %min3A_1224 = arith.minsi %abs3A_1222, %min3A_1223 : i32
    %sub3A_1225 = arith.constant 1 : i32
    %sub3A_1226 = arith.subi %sub3A_1225, %min3A_1224 : i32
    %sub3A_1227 = arith.constant 10 : i32
    %sub3A_1228 = arith.subi %arg1, %sub3A_1227 : i32
    %max3A_1229 = arith.constant 0 : i32
    %max3A_1230 = arith.maxsi %sub3A_1228, %max3A_1229 : i32
    %min3A_1231 = arith.constant 1 : i32
    %min3A_1232 = arith.minsi %max3A_1230, %min3A_1231 : i32
    %get3A_1233 = arith.constant 10 : i32
    %get3A_1234 = arith.index_cast %get3A_1233 : i32 to index
    %get3A_1235 = arith.constant 0 : index
    %get3A_1236 = tpu.vector_load %arg8[%get3A_1234, %get3A_1235] {strides = array<i32>} : memref<16x16xi32, #tpu.memory_space<vmem>>, vector<16xi32>,
    %mul3A_1237 = arith.muli %sub3A_1226, %min3A_1232 : i32
    %mul3A_1238 = vector.broadcast %mul3A_1237 : i32 to vector<16xi32>
    %mul3A_1239 = arith.muli %get3A_1236, %mul3A_1238 : vector<16xi32>
    %add3A_1240 = arith.addi %add3A_1219, %mul3A_1239 : vector<16xi32>
    %sub3A_1241 = arith.constant 1 : i32
    %sub3A_1242 = arith.subi %sub3A_1241, %select_n3A : i32
    %abs3A_1243 = math.absi %sub3A_1242 : i32
    %min3A_1244 = arith.constant 1 : i32
    %min3A_1245 = arith.minsi %abs3A_1243, %min3A_1244 : i32
    %sub3A_1246 = arith.constant 1 : i32
    %sub3A_1247 = arith.subi %sub3A_1246, %min3A_1245 : i32
    %sub3A_1248 = arith.constant 11 : i32
    %sub3A_1249 = arith.subi %arg1, %sub3A_1248 : i32
    %max3A_1250 = arith.constant 0 : i32
    %max3A_1251 = arith.maxsi %sub3A_1249, %max3A_1250 : i32
    %min3A_1252 = arith.constant 1 : i32
    %min3A_1253 = arith.minsi %max3A_1251, %min3A_1252 : i32
    %get3A_1254 = arith.constant 11 : i32
    %get3A_1255 = arith.index_cast %get3A_1254 : i32 to index
    %get3A_1256 = arith.constant 0 : index
    %get3A_1257 = tpu.vector_load %arg8[%get3A_1255, %get3A_1256] {strides = array<i32>} : memref<16x16xi32, #tpu.memory_space<vmem>>, vector<16xi32>,
    %mul3A_1258 = arith.muli %sub3A_1247, %min3A_1253 : i32
    %mul3A_1259 = vector.broadcast %mul3A_1258 : i32 to vector<16xi32>
    %mul3A_1260 = arith.muli %get3A_1257, %mul3A_1259 : vector<16xi32>
    %add3A_1261 = arith.addi %add3A_1240, %mul3A_1260 : vector<16xi32>
    %sub3A_1262 = arith.constant 1 : i32
    %sub3A_1263 = arith.subi %sub3A_1262, %select_n3A : i32
    %abs3A_1264 = math.absi %sub3A_1263 : i32
    %min3A_1265 = arith.constant 1 : i32
    %min3A_1266 = arith.minsi %abs3A_1264, %min3A_1265 : i32
    %sub3A_1267 = arith.constant 1 : i32
    %sub3A_1268 = arith.subi %sub3A_1267, %min3A_1266 : i32
    %sub3A_1269 = arith.constant 12 : i32
    %sub3A_1270 = arith.subi %arg1, %sub3A_1269 : i32
    %max3A_1271 = arith.constant 0 : i32
    %max3A_1272 = arith.maxsi %sub3A_1270, %max3A_1271 : i32
    %min3A_1273 = arith.constant 1 : i32
    %min3A_1274 = arith.minsi %max3A_1272, %min3A_1273 : i32
    %get3A_1275 = arith.constant 12 : i32
    %get3A_1276 = arith.index_cast %get3A_1275 : i32 to index
    %get3A_1277 = arith.constant 0 : index
    %get3A_1278 = tpu.vector_load %arg8[%get3A_1276, %get3A_1277] {strides = array<i32>} : memref<16x16xi32, #tpu.memory_space<vmem>>, vector<16xi32>,
    %mul3A_1279 = arith.muli %sub3A_1268, %min3A_1274 : i32
    %mul3A_1280 = vector.broadcast %mul3A_1279 : i32 to vector<16xi32>
    %mul3A_1281 = arith.muli %get3A_1278, %mul3A_1280 : vector<16xi32>
    %add3A_1282 = arith.addi %add3A_1261, %mul3A_1281 : vector<16xi32>
    %sub3A_1283 = arith.constant 1 : i32
    %sub3A_1284 = arith.subi %sub3A_1283, %select_n3A : i32
    %abs3A_1285 = math.absi %sub3A_1284 : i32
    %min3A_1286 = arith.constant 1 : i32
    %min3A_1287 = arith.minsi %abs3A_1285, %min3A_1286 : i32
    %sub3A_1288 = arith.constant 1 : i32
    %sub3A_1289 = arith.subi %sub3A_1288, %min3A_1287 : i32
    %sub3A_1290 = arith.constant 13 : i32
    %sub3A_1291 = arith.subi %arg1, %sub3A_1290 : i32
    %max3A_1292 = arith.constant 0 : i32
    %max3A_1293 = arith.maxsi %sub3A_1291, %max3A_1292 : i32
    %min3A_1294 = arith.constant 1 : i32
    %min3A_1295 = arith.minsi %max3A_1293, %min3A_1294 : i32
    %get3A_1296 = arith.constant 13 : i32
    %get3A_1297 = arith.index_cast %get3A_1296 : i32 to index
    %get3A_1298 = arith.constant 0 : index
    %get3A_1299 = tpu.vector_load %arg8[%get3A_1297, %get3A_1298] {strides = array<i32>} : memref<16x16xi32, #tpu.memory_space<vmem>>, vector<16xi32>,
    %mul3A_1300 = arith.muli %sub3A_1289, %min3A_1295 : i32
    %mul3A_1301 = vector.broadcast %mul3A_1300 : i32 to vector<16xi32>
    %mul3A_1302 = arith.muli %get3A_1299, %mul3A_1301 : vector<16xi32>
    %add3A_1303 = arith.addi %add3A_1282, %mul3A_1302 : vector<16xi32>
    %sub3A_1304 = arith.constant 1 : i32
    %sub3A_1305 = arith.subi %sub3A_1304, %select_n3A : i32
    %abs3A_1306 = math.absi %sub3A_1305 : i32
    %min3A_1307 = arith.constant 1 : i32
    %min3A_1308 = arith.minsi %abs3A_1306, %min3A_1307 : i32
    %sub3A_1309 = arith.constant 1 : i32
    %sub3A_1310 = arith.subi %sub3A_1309, %min3A_1308 : i32
    %sub3A_1311 = arith.constant 14 : i32
    %sub3A_1312 = arith.subi %arg1, %sub3A_1311 : i32
    %max3A_1313 = arith.constant 0 : i32
    %max3A_1314 = arith.maxsi %sub3A_1312, %max3A_1313 : i32
    %min3A_1315 = arith.constant 1 : i32
    %min3A_1316 = arith.minsi %max3A_1314, %min3A_1315 : i32
    %get3A_1317 = arith.constant 14 : i32
    %get3A_1318 = arith.index_cast %get3A_1317 : i32 to index
    %get3A_1319 = arith.constant 0 : index
    %get3A_1320 = tpu.vector_load %arg8[%get3A_1318, %get3A_1319] {strides = array<i32>} : memref<16x16xi32, #tpu.memory_space<vmem>>, vector<16xi32>,
    %mul3A_1321 = arith.muli %sub3A_1310, %min3A_1316 : i32
    %mul3A_1322 = vector.broadcast %mul3A_1321 : i32 to vector<16xi32>
    %mul3A_1323 = arith.muli %get3A_1320, %mul3A_1322 : vector<16xi32>
    %add3A_1324 = arith.addi %add3A_1303, %mul3A_1323 : vector<16xi32>
    %sub3A_1325 = arith.constant 1 : i32
    %sub3A_1326 = arith.subi %sub3A_1325, %select_n3A : i32
    %abs3A_1327 = math.absi %sub3A_1326 : i32
    %min3A_1328 = arith.constant 1 : i32
    %min3A_1329 = arith.minsi %abs3A_1327, %min3A_1328 : i32
    %sub3A_1330 = arith.constant 1 : i32
    %sub3A_1331 = arith.subi %sub3A_1330, %min3A_1329 : i32
    %sub3A_1332 = arith.constant 15 : i32
    %sub3A_1333 = arith.subi %arg1, %sub3A_1332 : i32
    %max3A_1334 = arith.constant 0 : i32
    %max3A_1335 = arith.maxsi %sub3A_1333, %max3A_1334 : i32
    %min3A_1336 = arith.constant 1 : i32
    %min3A_1337 = arith.minsi %max3A_1335, %min3A_1336 : i32
    %get3A_1338 = arith.constant 15 : i32
    %get3A_1339 = arith.index_cast %get3A_1338 : i32 to index
    %get3A_1340 = arith.constant 0 : index
    %get3A_1341 = tpu.vector_load %arg8[%get3A_1339, %get3A_1340] {strides = array<i32>} : memref<16x16xi32, #tpu.memory_space<vmem>>, vector<16xi32>,
    %mul3A_1342 = arith.muli %sub3A_1331, %min3A_1337 : i32
    %mul3A_1343 = vector.broadcast %mul3A_1342 : i32 to vector<16xi32>
    %mul3A_1344 = arith.muli %get3A_1341, %mul3A_1343 : vector<16xi32>
    %add3A_1345 = arith.addi %add3A_1324, %mul3A_1344 : vector<16xi32>
    %reduce_max3A_1346 = arith.constant true
    %reduce_max3A_1347 = vector.broadcast %reduce_max3A_1346 : i1 to vector<16xi1>
    %reduce_max3A_1348 = arith.constant -2147483648 : i32
    %reduce_max3A_1349 = vector.broadcast %reduce_max3A_1348 : i32 to vector<16xi32>
    %reduce_max3A_1350 = arith.xori %add3A_1345, %reduce_max3A_1349 : vector<16xi32>
    %reduce_max3A_1351 = tpu.scan <max>, %reduce_max3A_1350 masked %reduce_max3A_1347 : vector<16xi32>, vector<16xi1> -> vector<16xi32>
    %reduce_max3A_1352 = arith.xori %reduce_max3A_1351, %reduce_max3A_1349 : vector<16xi32>
    %reduce_max3A_1353 = vector.extract %reduce_max3A_1352[15] : i32 from vector<16xi32>
    %get3A_1354 = arith.constant 0 : i32
    %get3A_1355 = arith.index_cast %get3A_1354 : i32 to index
    %get3A_1356 = arith.constant 0 : index
    %get3A_1357 = tpu.vector_load %arg6[%get3A_1355, %get3A_1356] {strides = array<i32>} : memref<16x32xi32, #tpu.memory_space<vmem>>, vector<16xi32>,
    %sub3A_1358 = arith.constant 1 : i32
    %sub3A_1359 = vector.broadcast %sub3A_1358 : i32 to vector<16xi32>
    %sub3A_1360 = arith.subi %get3A_1357, %sub3A_1359 : vector<16xi32>
    %min3A_1361 = arith.constant 1 : i32
    %min3A_1362 = vector.broadcast %min3A_1361 : i32 to vector<16xi32>
    %min3A_1363 = arith.minsi %sub3A_1360, %min3A_1362 : vector<16xi32>
    %mul3A_1364 = vector.broadcast %reduce_max3A_1353 : i32 to vector<16xi32>
    %mul3A_1365 = arith.muli %mul3A_1364, %min3A_1363 : vector<16xi32>
    %add3A_1366 = arith.addi %get3A_1357, %mul3A_1365 : vector<16xi32>
    %swap3A_1367 = arith.constant 0 : i32
    %swap3A_1368 = arith.index_cast %swap3A_1367 : i32 to index
    %swap3A_1369 = arith.constant 0 : index
    %swap3A_1370 = tpu.vector_load %arg6[%swap3A_1368, %swap3A_1369] {strides = array<i32>} : memref<16x32xi32, #tpu.memory_space<vmem>>, vector<16xi32>,
    tpu.vector_store %arg6[%swap3A_1368, %swap3A_1369], %add3A_1366 {strides = array<i32>} : memref<16x32xi32, #tpu.memory_space<vmem>>, vector<16xi32>,
    %get3A_1371 = arith.constant 0 : i32
    %get3A_1372 = arith.index_cast %get3A_1371 : i32 to index
    %get3A_1373 = arith.constant 16 : index
    %get3A_1374 = tpu.vector_load %arg6[%get3A_1372, %get3A_1373] {strides = array<i32>} : memref<16x32xi32, #tpu.memory_space<vmem>>, vector<16xi32>,
    %sub3A_1375 = arith.constant 1 : i32
    %sub3A_1376 = vector.broadcast %sub3A_1375 : i32 to vector<16xi32>
    %sub3A_1377 = arith.subi %get3A_1374, %sub3A_1376 : vector<16xi32>
    %min3A_1378 = arith.constant 1 : i32
    %min3A_1379 = vector.broadcast %min3A_1378 : i32 to vector<16xi32>
    %min3A_1380 = arith.minsi %sub3A_1377, %min3A_1379 : vector<16xi32>
    %mul3A_1381 = vector.broadcast %reduce_max3A_1353 : i32 to vector<16xi32>
    %mul3A_1382 = arith.muli %mul3A_1381, %min3A_1380 : vector<16xi32>
    %add3A_1383 = arith.addi %get3A_1374, %mul3A_1382 : vector<16xi32>
    %swap3A_1384 = arith.constant 0 : i32
    %swap3A_1385 = arith.index_cast %swap3A_1384 : i32 to index
    %swap3A_1386 = arith.constant 16 : index
    %swap3A_1387 = tpu.vector_load %arg6[%swap3A_1385, %swap3A_1386] {strides = array<i32>} : memref<16x32xi32, #tpu.memory_space<vmem>>, vector<16xi32>,
    tpu.vector_store %arg6[%swap3A_1385, %swap3A_1386], %add3A_1383 {strides = array<i32>} : memref<16x32xi32, #tpu.memory_space<vmem>>, vector<16xi32>,
    %get3A_1388 = arith.constant 1 : i32
    %get3A_1389 = arith.index_cast %get3A_1388 : i32 to index
    %get3A_1390 = arith.constant 0 : index
    %get3A_1391 = tpu.vector_load %arg6[%get3A_1389, %get3A_1390] {strides = array<i32>} : memref<16x32xi32, #tpu.memory_space<vmem>>, vector<16xi32>,
    %sub3A_1392 = arith.constant 1 : i32
    %sub3A_1393 = vector.broadcast %sub3A_1392 : i32 to vector<16xi32>
    %sub3A_1394 = arith.subi %get3A_1391, %sub3A_1393 : vector<16xi32>
    %min3A_1395 = arith.constant 1 : i32
    %min3A_1396 = vector.broadcast %min3A_1395 : i32 to vector<16xi32>
    %min3A_1397 = arith.minsi %sub3A_1394, %min3A_1396 : vector<16xi32>
    %mul3A_1398 = vector.broadcast %reduce_max3A_1353 : i32 to vector<16xi32>
    %mul3A_1399 = arith.muli %mul3A_1398, %min3A_1397 : vector<16xi32>
    %add3A_1400 = arith.addi %get3A_1391, %mul3A_1399 : vector<16xi32>
    %swap3A_1401 = arith.constant 1 : i32
    %swap3A_1402 = arith.index_cast %swap3A_1401 : i32 to index
    %swap3A_1403 = arith.constant 0 : index
    %swap3A_1404 = tpu.vector_load %arg6[%swap3A_1402, %swap3A_1403] {strides = array<i32>} : memref<16x32xi32, #tpu.memory_space<vmem>>, vector<16xi32>,
    tpu.vector_store %arg6[%swap3A_1402, %swap3A_1403], %add3A_1400 {strides = array<i32>} : memref<16x32xi32, #tpu.memory_space<vmem>>, vector<16xi32>,
    %get3A_1405 = arith.constant 1 : i32
    %get3A_1406 = arith.index_cast %get3A_1405 : i32 to index
    %get3A_1407 = arith.constant 16 : index
    %get3A_1408 = tpu.vector_load %arg6[%get3A_1406, %get3A_1407] {strides = array<i32>} : memref<16x32xi32, #tpu.memory_space<vmem>>, vector<16xi32>,
    %sub3A_1409 = arith.constant 1 : i32
    %sub3A_1410 = vector.broadcast %sub3A_1409 : i32 to vector<16xi32>
    %sub3A_1411 = arith.subi %get3A_1408, %sub3A_1410 : vector<16xi32>
    %min3A_1412 = arith.constant 1 : i32
    %min3A_1413 = vector.broadcast %min3A_1412 : i32 to vector<16xi32>
    %min3A_1414 = arith.minsi %sub3A_1411, %min3A_1413 : vector<16xi32>
    %mul3A_1415 = vector.broadcast %reduce_max3A_1353 : i32 to vector<16xi32>
    %mul3A_1416 = arith.muli %mul3A_1415, %min3A_1414 : vector<16xi32>
    %add3A_1417 = arith.addi %get3A_1408, %mul3A_1416 : vector<16xi32>
    %swap3A_1418 = arith.constant 1 : i32
    %swap3A_1419 = arith.index_cast %swap3A_1418 : i32 to index
    %swap3A_1420 = arith.constant 16 : index
    %swap3A_1421 = tpu.vector_load %arg6[%swap3A_1419, %swap3A_1420] {strides = array<i32>} : memref<16x32xi32, #tpu.memory_space<vmem>>, vector<16xi32>,
    tpu.vector_store %arg6[%swap3A_1419, %swap3A_1420], %add3A_1417 {strides = array<i32>} : memref<16x32xi32, #tpu.memory_space<vmem>>, vector<16xi32>,
    %get3A_1422 = arith.constant 2 : i32
    %get3A_1423 = arith.index_cast %get3A_1422 : i32 to index
    %get3A_1424 = arith.constant 0 : index
    %get3A_1425 = tpu.vector_load %arg6[%get3A_1423, %get3A_1424] {strides = array<i32>} : memref<16x32xi32, #tpu.memory_space<vmem>>, vector<16xi32>,
    %sub3A_1426 = arith.constant 1 : i32
    %sub3A_1427 = vector.broadcast %sub3A_1426 : i32 to vector<16xi32>
    %sub3A_1428 = arith.subi %get3A_1425, %sub3A_1427 : vector<16xi32>
    %min3A_1429 = arith.constant 1 : i32
    %min3A_1430 = vector.broadcast %min3A_1429 : i32 to vector<16xi32>
    %min3A_1431 = arith.minsi %sub3A_1428, %min3A_1430 : vector<16xi32>
    %mul3A_1432 = vector.broadcast %reduce_max3A_1353 : i32 to vector<16xi32>
    %mul3A_1433 = arith.muli %mul3A_1432, %min3A_1431 : vector<16xi32>
    %add3A_1434 = arith.addi %get3A_1425, %mul3A_1433 : vector<16xi32>
    %swap3A_1435 = arith.constant 2 : i32
    %swap3A_1436 = arith.index_cast %swap3A_1435 : i32 to index
    %swap3A_1437 = arith.constant 0 : index
    %swap3A_1438 = tpu.vector_load %arg6[%swap3A_1436, %swap3A_1437] {strides = array<i32>} : memref<16x32xi32, #tpu.memory_space<vmem>>, vector<16xi32>,
    tpu.vector_store %arg6[%swap3A_1436, %swap3A_1437], %add3A_1434 {strides = array<i32>} : memref<16x32xi32, #tpu.memory_space<vmem>>, vector<16xi32>,
    %get3A_1439 = arith.constant 2 : i32
    %get3A_1440 = arith.index_cast %get3A_1439 : i32 to index
    %get3A_1441 = arith.constant 16 : index
    %get3A_1442 = tpu.vector_load %arg6[%get3A_1440, %get3A_1441] {strides = array<i32>} : memref<16x32xi32, #tpu.memory_space<vmem>>, vector<16xi32>,
    %sub3A_1443 = arith.constant 1 : i32
    %sub3A_1444 = vector.broadcast %sub3A_1443 : i32 to vector<16xi32>
    %sub3A_1445 = arith.subi %get3A_1442, %sub3A_1444 : vector<16xi32>
    %min3A_1446 = arith.constant 1 : i32
    %min3A_1447 = vector.broadcast %min3A_1446 : i32 to vector<16xi32>
    %min3A_1448 = arith.minsi %sub3A_1445, %min3A_1447 : vector<16xi32>
    %mul3A_1449 = vector.broadcast %reduce_max3A_1353 : i32 to vector<16xi32>
    %mul3A_1450 = arith.muli %mul3A_1449, %min3A_1448 : vector<16xi32>
    %add3A_1451 = arith.addi %get3A_1442, %mul3A_1450 : vector<16xi32>
    %swap3A_1452 = arith.constant 2 : i32
    %swap3A_1453 = arith.index_cast %swap3A_1452 : i32 to index
    %swap3A_1454 = arith.constant 16 : index
    %swap3A_1455 = tpu.vector_load %arg6[%swap3A_1453, %swap3A_1454] {strides = array<i32>} : memref<16x32xi32, #tpu.memory_space<vmem>>, vector<16xi32>,
    tpu.vector_store %arg6[%swap3A_1453, %swap3A_1454], %add3A_1451 {strides = array<i32>} : memref<16x32xi32, #tpu.memory_space<vmem>>, vector<16xi32>,
    %get3A_1456 = arith.constant 3 : i32
    %get3A_1457 = arith.index_cast %get3A_1456 : i32 to index
    %get3A_1458 = arith.constant 0 : index
    %get3A_1459 = tpu.vector_load %arg6[%get3A_1457, %get3A_1458] {strides = array<i32>} : memref<16x32xi32, #tpu.memory_space<vmem>>, vector<16xi32>,
    %sub3A_1460 = arith.constant 1 : i32
    %sub3A_1461 = vector.broadcast %sub3A_1460 : i32 to vector<16xi32>
    %sub3A_1462 = arith.subi %get3A_1459, %sub3A_1461 : vector<16xi32>
    %min3A_1463 = arith.constant 1 : i32
    %min3A_1464 = vector.broadcast %min3A_1463 : i32 to vector<16xi32>
    %min3A_1465 = arith.minsi %sub3A_1462, %min3A_1464 : vector<16xi32>
    %mul3A_1466 = vector.broadcast %reduce_max3A_1353 : i32 to vector<16xi32>
    %mul3A_1467 = arith.muli %mul3A_1466, %min3A_1465 : vector<16xi32>
    %add3A_1468 = arith.addi %get3A_1459, %mul3A_1467 : vector<16xi32>
    %swap3A_1469 = arith.constant 3 : i32
    %swap3A_1470 = arith.index_cast %swap3A_1469 : i32 to index
    %swap3A_1471 = arith.constant 0 : index
    %swap3A_1472 = tpu.vector_load %arg6[%swap3A_1470, %swap3A_1471] {strides = array<i32>} : memref<16x32xi32, #tpu.memory_space<vmem>>, vector<16xi32>,
    tpu.vector_store %arg6[%swap3A_1470, %swap3A_1471], %add3A_1468 {strides = array<i32>} : memref<16x32xi32, #tpu.memory_space<vmem>>, vector<16xi32>,
    %get3A_1473 = arith.constant 3 : i32
    %get3A_1474 = arith.index_cast %get3A_1473 : i32 to index
    %get3A_1475 = arith.constant 16 : index
    %get3A_1476 = tpu.vector_load %arg6[%get3A_1474, %get3A_1475] {strides = array<i32>} : memref<16x32xi32, #tpu.memory_space<vmem>>, vector<16xi32>,
    %sub3A_1477 = arith.constant 1 : i32
    %sub3A_1478 = vector.broadcast %sub3A_1477 : i32 to vector<16xi32>
    %sub3A_1479 = arith.subi %get3A_1476, %sub3A_1478 : vector<16xi32>
    %min3A_1480 = arith.constant 1 : i32
    %min3A_1481 = vector.broadcast %min3A_1480 : i32 to vector<16xi32>
    %min3A_1482 = arith.minsi %sub3A_1479, %min3A_1481 : vector<16xi32>
    %mul3A_1483 = vector.broadcast %reduce_max3A_1353 : i32 to vector<16xi32>
    %mul3A_1484 = arith.muli %mul3A_1483, %min3A_1482 : vector<16xi32>
    %add3A_1485 = arith.addi %get3A_1476, %mul3A_1484 : vector<16xi32>
    %swap3A_1486 = arith.constant 3 : i32
    %swap3A_1487 = arith.index_cast %swap3A_1486 : i32 to index
    %swap3A_1488 = arith.constant 16 : index
    %swap3A_1489 = tpu.vector_load %arg6[%swap3A_1487, %swap3A_1488] {strides = array<i32>} : memref<16x32xi32, #tpu.memory_space<vmem>>, vector<16xi32>,
    tpu.vector_store %arg6[%swap3A_1487, %swap3A_1488], %add3A_1485 {strides = array<i32>} : memref<16x32xi32, #tpu.memory_space<vmem>>, vector<16xi32>,
    %get3A_1490 = arith.constant 4 : i32
    %get3A_1491 = arith.index_cast %get3A_1490 : i32 to index
    %get3A_1492 = arith.constant 0 : index
    %get3A_1493 = tpu.vector_load %arg6[%get3A_1491, %get3A_1492] {strides = array<i32>} : memref<16x32xi32, #tpu.memory_space<vmem>>, vector<16xi32>,
    %sub3A_1494 = arith.constant 1 : i32
    %sub3A_1495 = vector.broadcast %sub3A_1494 : i32 to vector<16xi32>
    %sub3A_1496 = arith.subi %get3A_1493, %sub3A_1495 : vector<16xi32>
    %min3A_1497 = arith.constant 1 : i32
    %min3A_1498 = vector.broadcast %min3A_1497 : i32 to vector<16xi32>
    %min3A_1499 = arith.minsi %sub3A_1496, %min3A_1498 : vector<16xi32>
    %mul3A_1500 = vector.broadcast %reduce_max3A_1353 : i32 to vector<16xi32>
    %mul3A_1501 = arith.muli %mul3A_1500, %min3A_1499 : vector<16xi32>
    %add3A_1502 = arith.addi %get3A_1493, %mul3A_1501 : vector<16xi32>
    %swap3A_1503 = arith.constant 4 : i32
    %swap3A_1504 = arith.index_cast %swap3A_1503 : i32 to index
    %swap3A_1505 = arith.constant 0 : index
    %swap3A_1506 = tpu.vector_load %arg6[%swap3A_1504, %swap3A_1505] {strides = array<i32>} : memref<16x32xi32, #tpu.memory_space<vmem>>, vector<16xi32>,
    tpu.vector_store %arg6[%swap3A_1504, %swap3A_1505], %add3A_1502 {strides = array<i32>} : memref<16x32xi32, #tpu.memory_space<vmem>>, vector<16xi32>,
    %get3A_1507 = arith.constant 4 : i32
    %get3A_1508 = arith.index_cast %get3A_1507 : i32 to index
    %get3A_1509 = arith.constant 16 : index
    %get3A_1510 = tpu.vector_load %arg6[%get3A_1508, %get3A_1509] {strides = array<i32>} : memref<16x32xi32, #tpu.memory_space<vmem>>, vector<16xi32>,
    %sub3A_1511 = arith.constant 1 : i32
    %sub3A_1512 = vector.broadcast %sub3A_1511 : i32 to vector<16xi32>
    %sub3A_1513 = arith.subi %get3A_1510, %sub3A_1512 : vector<16xi32>
    %min3A_1514 = arith.constant 1 : i32
    %min3A_1515 = vector.broadcast %min3A_1514 : i32 to vector<16xi32>
    %min3A_1516 = arith.minsi %sub3A_1513, %min3A_1515 : vector<16xi32>
    %mul3A_1517 = vector.broadcast %reduce_max3A_1353 : i32 to vector<16xi32>
    %mul3A_1518 = arith.muli %mul3A_1517, %min3A_1516 : vector<16xi32>
    %add3A_1519 = arith.addi %get3A_1510, %mul3A_1518 : vector<16xi32>
    %swap3A_1520 = arith.constant 4 : i32
    %swap3A_1521 = arith.index_cast %swap3A_1520 : i32 to index
    %swap3A_1522 = arith.constant 16 : index
    %swap3A_1523 = tpu.vector_load %arg6[%swap3A_1521, %swap3A_1522] {strides = array<i32>} : memref<16x32xi32, #tpu.memory_space<vmem>>, vector<16xi32>,
    tpu.vector_store %arg6[%swap3A_1521, %swap3A_1522], %add3A_1519 {strides = array<i32>} : memref<16x32xi32, #tpu.memory_space<vmem>>, vector<16xi32>,
    %get3A_1524 = arith.constant 5 : i32
    %get3A_1525 = arith.index_cast %get3A_1524 : i32 to index
    %get3A_1526 = arith.constant 0 : index
    %get3A_1527 = tpu.vector_load %arg6[%get3A_1525, %get3A_1526] {strides = array<i32>} : memref<16x32xi32, #tpu.memory_space<vmem>>, vector<16xi32>,
    %sub3A_1528 = arith.constant 1 : i32
    %sub3A_1529 = vector.broadcast %sub3A_1528 : i32 to vector<16xi32>
    %sub3A_1530 = arith.subi %get3A_1527, %sub3A_1529 : vector<16xi32>
    %min3A_1531 = arith.constant 1 : i32
    %min3A_1532 = vector.broadcast %min3A_1531 : i32 to vector<16xi32>
    %min3A_1533 = arith.minsi %sub3A_1530, %min3A_1532 : vector<16xi32>
    %mul3A_1534 = vector.broadcast %reduce_max3A_1353 : i32 to vector<16xi32>
    %mul3A_1535 = arith.muli %mul3A_1534, %min3A_1533 : vector<16xi32>
    %add3A_1536 = arith.addi %get3A_1527, %mul3A_1535 : vector<16xi32>
    %swap3A_1537 = arith.constant 5 : i32
    %swap3A_1538 = arith.index_cast %swap3A_1537 : i32 to index
    %swap3A_1539 = arith.constant 0 : index
    %swap3A_1540 = tpu.vector_load %arg6[%swap3A_1538, %swap3A_1539] {strides = array<i32>} : memref<16x32xi32, #tpu.memory_space<vmem>>, vector<16xi32>,
    tpu.vector_store %arg6[%swap3A_1538, %swap3A_1539], %add3A_1536 {strides = array<i32>} : memref<16x32xi32, #tpu.memory_space<vmem>>, vector<16xi32>,
    %get3A_1541 = arith.constant 5 : i32
    %get3A_1542 = arith.index_cast %get3A_1541 : i32 to index
    %get3A_1543 = arith.constant 16 : index
    %get3A_1544 = tpu.vector_load %arg6[%get3A_1542, %get3A_1543] {strides = array<i32>} : memref<16x32xi32, #tpu.memory_space<vmem>>, vector<16xi32>,
    %sub3A_1545 = arith.constant 1 : i32
    %sub3A_1546 = vector.broadcast %sub3A_1545 : i32 to vector<16xi32>
    %sub3A_1547 = arith.subi %get3A_1544, %sub3A_1546 : vector<16xi32>
    %min3A_1548 = arith.constant 1 : i32
    %min3A_1549 = vector.broadcast %min3A_1548 : i32 to vector<16xi32>
    %min3A_1550 = arith.minsi %sub3A_1547, %min3A_1549 : vector<16xi32>
    %mul3A_1551 = vector.broadcast %reduce_max3A_1353 : i32 to vector<16xi32>
    %mul3A_1552 = arith.muli %mul3A_1551, %min3A_1550 : vector<16xi32>
    %add3A_1553 = arith.addi %get3A_1544, %mul3A_1552 : vector<16xi32>
    %swap3A_1554 = arith.constant 5 : i32
    %swap3A_1555 = arith.index_cast %swap3A_1554 : i32 to index
    %swap3A_1556 = arith.constant 16 : index
    %swap3A_1557 = tpu.vector_load %arg6[%swap3A_1555, %swap3A_1556] {strides = array<i32>} : memref<16x32xi32, #tpu.memory_space<vmem>>, vector<16xi32>,
    tpu.vector_store %arg6[%swap3A_1555, %swap3A_1556], %add3A_1553 {strides = array<i32>} : memref<16x32xi32, #tpu.memory_space<vmem>>, vector<16xi32>,
    %get3A_1558 = arith.constant 6 : i32
    %get3A_1559 = arith.index_cast %get3A_1558 : i32 to index
    %get3A_1560 = arith.constant 0 : index
    %get3A_1561 = tpu.vector_load %arg6[%get3A_1559, %get3A_1560] {strides = array<i32>} : memref<16x32xi32, #tpu.memory_space<vmem>>, vector<16xi32>,
    %sub3A_1562 = arith.constant 1 : i32
    %sub3A_1563 = vector.broadcast %sub3A_1562 : i32 to vector<16xi32>
    %sub3A_1564 = arith.subi %get3A_1561, %sub3A_1563 : vector<16xi32>
    %min3A_1565 = arith.constant 1 : i32
    %min3A_1566 = vector.broadcast %min3A_1565 : i32 to vector<16xi32>
    %min3A_1567 = arith.minsi %sub3A_1564, %min3A_1566 : vector<16xi32>
    %mul3A_1568 = vector.broadcast %reduce_max3A_1353 : i32 to vector<16xi32>
    %mul3A_1569 = arith.muli %mul3A_1568, %min3A_1567 : vector<16xi32>
    %add3A_1570 = arith.addi %get3A_1561, %mul3A_1569 : vector<16xi32>
    %swap3A_1571 = arith.constant 6 : i32
    %swap3A_1572 = arith.index_cast %swap3A_1571 : i32 to index
    %swap3A_1573 = arith.constant 0 : index
    %swap3A_1574 = tpu.vector_load %arg6[%swap3A_1572, %swap3A_1573] {strides = array<i32>} : memref<16x32xi32, #tpu.memory_space<vmem>>, vector<16xi32>,
    tpu.vector_store %arg6[%swap3A_1572, %swap3A_1573], %add3A_1570 {strides = array<i32>} : memref<16x32xi32, #tpu.memory_space<vmem>>, vector<16xi32>,
    %get3A_1575 = arith.constant 6 : i32
    %get3A_1576 = arith.index_cast %get3A_1575 : i32 to index
    %get3A_1577 = arith.constant 16 : index
    %get3A_1578 = tpu.vector_load %arg6[%get3A_1576, %get3A_1577] {strides = array<i32>} : memref<16x32xi32, #tpu.memory_space<vmem>>, vector<16xi32>,
    %sub3A_1579 = arith.constant 1 : i32
    %sub3A_1580 = vector.broadcast %sub3A_1579 : i32 to vector<16xi32>
    %sub3A_1581 = arith.subi %get3A_1578, %sub3A_1580 : vector<16xi32>
    %min3A_1582 = arith.constant 1 : i32
    %min3A_1583 = vector.broadcast %min3A_1582 : i32 to vector<16xi32>
    %min3A_1584 = arith.minsi %sub3A_1581, %min3A_1583 : vector<16xi32>
    %mul3A_1585 = vector.broadcast %reduce_max3A_1353 : i32 to vector<16xi32>
    %mul3A_1586 = arith.muli %mul3A_1585, %min3A_1584 : vector<16xi32>
    %add3A_1587 = arith.addi %get3A_1578, %mul3A_1586 : vector<16xi32>
    %swap3A_1588 = arith.constant 6 : i32
    %swap3A_1589 = arith.index_cast %swap3A_1588 : i32 to index
    %swap3A_1590 = arith.constant 16 : index
    %swap3A_1591 = tpu.vector_load %arg6[%swap3A_1589, %swap3A_1590] {strides = array<i32>} : memref<16x32xi32, #tpu.memory_space<vmem>>, vector<16xi32>,
    tpu.vector_store %arg6[%swap3A_1589, %swap3A_1590], %add3A_1587 {strides = array<i32>} : memref<16x32xi32, #tpu.memory_space<vmem>>, vector<16xi32>,
    %get3A_1592 = arith.constant 7 : i32
    %get3A_1593 = arith.index_cast %get3A_1592 : i32 to index
    %get3A_1594 = arith.constant 0 : index
    %get3A_1595 = tpu.vector_load %arg6[%get3A_1593, %get3A_1594] {strides = array<i32>} : memref<16x32xi32, #tpu.memory_space<vmem>>, vector<16xi32>,
    %sub3A_1596 = arith.constant 1 : i32
    %sub3A_1597 = vector.broadcast %sub3A_1596 : i32 to vector<16xi32>
    %sub3A_1598 = arith.subi %get3A_1595, %sub3A_1597 : vector<16xi32>
    %min3A_1599 = arith.constant 1 : i32
    %min3A_1600 = vector.broadcast %min3A_1599 : i32 to vector<16xi32>
    %min3A_1601 = arith.minsi %sub3A_1598, %min3A_1600 : vector<16xi32>
    %mul3A_1602 = vector.broadcast %reduce_max3A_1353 : i32 to vector<16xi32>
    %mul3A_1603 = arith.muli %mul3A_1602, %min3A_1601 : vector<16xi32>
    %add3A_1604 = arith.addi %get3A_1595, %mul3A_1603 : vector<16xi32>
    %swap3A_1605 = arith.constant 7 : i32
    %swap3A_1606 = arith.index_cast %swap3A_1605 : i32 to index
    %swap3A_1607 = arith.constant 0 : index
    %swap3A_1608 = tpu.vector_load %arg6[%swap3A_1606, %swap3A_1607] {strides = array<i32>} : memref<16x32xi32, #tpu.memory_space<vmem>>, vector<16xi32>,
    tpu.vector_store %arg6[%swap3A_1606, %swap3A_1607], %add3A_1604 {strides = array<i32>} : memref<16x32xi32, #tpu.memory_space<vmem>>, vector<16xi32>,
    %get3A_1609 = arith.constant 7 : i32
    %get3A_1610 = arith.index_cast %get3A_1609 : i32 to index
    %get3A_1611 = arith.constant 16 : index
    %get3A_1612 = tpu.vector_load %arg6[%get3A_1610, %get3A_1611] {strides = array<i32>} : memref<16x32xi32, #tpu.memory_space<vmem>>, vector<16xi32>,
    %sub3A_1613 = arith.constant 1 : i32
    %sub3A_1614 = vector.broadcast %sub3A_1613 : i32 to vector<16xi32>
    %sub3A_1615 = arith.subi %get3A_1612, %sub3A_1614 : vector<16xi32>
    %min3A_1616 = arith.constant 1 : i32
    %min3A_1617 = vector.broadcast %min3A_1616 : i32 to vector<16xi32>
    %min3A_1618 = arith.minsi %sub3A_1615, %min3A_1617 : vector<16xi32>
    %mul3A_1619 = vector.broadcast %reduce_max3A_1353 : i32 to vector<16xi32>
    %mul3A_1620 = arith.muli %mul3A_1619, %min3A_1618 : vector<16xi32>
    %add3A_1621 = arith.addi %get3A_1612, %mul3A_1620 : vector<16xi32>
    %swap3A_1622 = arith.constant 7 : i32
    %swap3A_1623 = arith.index_cast %swap3A_1622 : i32 to index
    %swap3A_1624 = arith.constant 16 : index
    %swap3A_1625 = tpu.vector_load %arg6[%swap3A_1623, %swap3A_1624] {strides = array<i32>} : memref<16x32xi32, #tpu.memory_space<vmem>>, vector<16xi32>,
    tpu.vector_store %arg6[%swap3A_1623, %swap3A_1624], %add3A_1621 {strides = array<i32>} : memref<16x32xi32, #tpu.memory_space<vmem>>, vector<16xi32>,
    %get3A_1626 = arith.constant 8 : i32
    %get3A_1627 = arith.index_cast %get3A_1626 : i32 to index
    %get3A_1628 = arith.constant 0 : index
    %get3A_1629 = tpu.vector_load %arg6[%get3A_1627, %get3A_1628] {strides = array<i32>} : memref<16x32xi32, #tpu.memory_space<vmem>>, vector<16xi32>,
    %sub3A_1630 = arith.constant 1 : i32
    %sub3A_1631 = vector.broadcast %sub3A_1630 : i32 to vector<16xi32>
    %sub3A_1632 = arith.subi %get3A_1629, %sub3A_1631 : vector<16xi32>
    %min3A_1633 = arith.constant 1 : i32
    %min3A_1634 = vector.broadcast %min3A_1633 : i32 to vector<16xi32>
    %min3A_1635 = arith.minsi %sub3A_1632, %min3A_1634 : vector<16xi32>
    %mul3A_1636 = vector.broadcast %reduce_max3A_1353 : i32 to vector<16xi32>
    %mul3A_1637 = arith.muli %mul3A_1636, %min3A_1635 : vector<16xi32>
    %add3A_1638 = arith.addi %get3A_1629, %mul3A_1637 : vector<16xi32>
    %swap3A_1639 = arith.constant 8 : i32
    %swap3A_1640 = arith.index_cast %swap3A_1639 : i32 to index
    %swap3A_1641 = arith.constant 0 : index
    %swap3A_1642 = tpu.vector_load %arg6[%swap3A_1640, %swap3A_1641] {strides = array<i32>} : memref<16x32xi32, #tpu.memory_space<vmem>>, vector<16xi32>,
    tpu.vector_store %arg6[%swap3A_1640, %swap3A_1641], %add3A_1638 {strides = array<i32>} : memref<16x32xi32, #tpu.memory_space<vmem>>, vector<16xi32>,
    %get3A_1643 = arith.constant 8 : i32
    %get3A_1644 = arith.index_cast %get3A_1643 : i32 to index
    %get3A_1645 = arith.constant 16 : index
    %get3A_1646 = tpu.vector_load %arg6[%get3A_1644, %get3A_1645] {strides = array<i32>} : memref<16x32xi32, #tpu.memory_space<vmem>>, vector<16xi32>,
    %sub3A_1647 = arith.constant 1 : i32
    %sub3A_1648 = vector.broadcast %sub3A_1647 : i32 to vector<16xi32>
    %sub3A_1649 = arith.subi %get3A_1646, %sub3A_1648 : vector<16xi32>
    %min3A_1650 = arith.constant 1 : i32
    %min3A_1651 = vector.broadcast %min3A_1650 : i32 to vector<16xi32>
    %min3A_1652 = arith.minsi %sub3A_1649, %min3A_1651 : vector<16xi32>
    %mul3A_1653 = vector.broadcast %reduce_max3A_1353 : i32 to vector<16xi32>
    %mul3A_1654 = arith.muli %mul3A_1653, %min3A_1652 : vector<16xi32>
    %add3A_1655 = arith.addi %get3A_1646, %mul3A_1654 : vector<16xi32>
    %swap3A_1656 = arith.constant 8 : i32
    %swap3A_1657 = arith.index_cast %swap3A_1656 : i32 to index
    %swap3A_1658 = arith.constant 16 : index
    %swap3A_1659 = tpu.vector_load %arg6[%swap3A_1657, %swap3A_1658] {strides = array<i32>} : memref<16x32xi32, #tpu.memory_space<vmem>>, vector<16xi32>,
    tpu.vector_store %arg6[%swap3A_1657, %swap3A_1658], %add3A_1655 {strides = array<i32>} : memref<16x32xi32, #tpu.memory_space<vmem>>, vector<16xi32>,
    %get3A_1660 = arith.constant 9 : i32
    %get3A_1661 = arith.index_cast %get3A_1660 : i32 to index
    %get3A_1662 = arith.constant 0 : index
    %get3A_1663 = tpu.vector_load %arg6[%get3A_1661, %get3A_1662] {strides = array<i32>} : memref<16x32xi32, #tpu.memory_space<vmem>>, vector<16xi32>,
    %sub3A_1664 = arith.constant 1 : i32
    %sub3A_1665 = vector.broadcast %sub3A_1664 : i32 to vector<16xi32>
    %sub3A_1666 = arith.subi %get3A_1663, %sub3A_1665 : vector<16xi32>
    %min3A_1667 = arith.constant 1 : i32
    %min3A_1668 = vector.broadcast %min3A_1667 : i32 to vector<16xi32>
    %min3A_1669 = arith.minsi %sub3A_1666, %min3A_1668 : vector<16xi32>
    %mul3A_1670 = vector.broadcast %reduce_max3A_1353 : i32 to vector<16xi32>
    %mul3A_1671 = arith.muli %mul3A_1670, %min3A_1669 : vector<16xi32>
    %add3A_1672 = arith.addi %get3A_1663, %mul3A_1671 : vector<16xi32>
    %swap3A_1673 = arith.constant 9 : i32
    %swap3A_1674 = arith.index_cast %swap3A_1673 : i32 to index
    %swap3A_1675 = arith.constant 0 : index
    %swap3A_1676 = tpu.vector_load %arg6[%swap3A_1674, %swap3A_1675] {strides = array<i32>} : memref<16x32xi32, #tpu.memory_space<vmem>>, vector<16xi32>,
    tpu.vector_store %arg6[%swap3A_1674, %swap3A_1675], %add3A_1672 {strides = array<i32>} : memref<16x32xi32, #tpu.memory_space<vmem>>, vector<16xi32>,
    %get3A_1677 = arith.constant 9 : i32
    %get3A_1678 = arith.index_cast %get3A_1677 : i32 to index
    %get3A_1679 = arith.constant 16 : index
    %get3A_1680 = tpu.vector_load %arg6[%get3A_1678, %get3A_1679] {strides = array<i32>} : memref<16x32xi32, #tpu.memory_space<vmem>>, vector<16xi32>,
    %sub3A_1681 = arith.constant 1 : i32
    %sub3A_1682 = vector.broadcast %sub3A_1681 : i32 to vector<16xi32>
    %sub3A_1683 = arith.subi %get3A_1680, %sub3A_1682 : vector<16xi32>
    %min3A_1684 = arith.constant 1 : i32
    %min3A_1685 = vector.broadcast %min3A_1684 : i32 to vector<16xi32>
    %min3A_1686 = arith.minsi %sub3A_1683, %min3A_1685 : vector<16xi32>
    %mul3A_1687 = vector.broadcast %reduce_max3A_1353 : i32 to vector<16xi32>
    %mul3A_1688 = arith.muli %mul3A_1687, %min3A_1686 : vector<16xi32>
    %add3A_1689 = arith.addi %get3A_1680, %mul3A_1688 : vector<16xi32>
    %swap3A_1690 = arith.constant 9 : i32
    %swap3A_1691 = arith.index_cast %swap3A_1690 : i32 to index
    %swap3A_1692 = arith.constant 16 : index
    %swap3A_1693 = tpu.vector_load %arg6[%swap3A_1691, %swap3A_1692] {strides = array<i32>} : memref<16x32xi32, #tpu.memory_space<vmem>>, vector<16xi32>,
    tpu.vector_store %arg6[%swap3A_1691, %swap3A_1692], %add3A_1689 {strides = array<i32>} : memref<16x32xi32, #tpu.memory_space<vmem>>, vector<16xi32>,
    %get3A_1694 = arith.constant 10 : i32
    %get3A_1695 = arith.index_cast %get3A_1694 : i32 to index
    %get3A_1696 = arith.constant 0 : index
    %get3A_1697 = tpu.vector_load %arg6[%get3A_1695, %get3A_1696] {strides = array<i32>} : memref<16x32xi32, #tpu.memory_space<vmem>>, vector<16xi32>,
    %sub3A_1698 = arith.constant 1 : i32
    %sub3A_1699 = vector.broadcast %sub3A_1698 : i32 to vector<16xi32>
    %sub3A_1700 = arith.subi %get3A_1697, %sub3A_1699 : vector<16xi32>
    %min3A_1701 = arith.constant 1 : i32
    %min3A_1702 = vector.broadcast %min3A_1701 : i32 to vector<16xi32>
    %min3A_1703 = arith.minsi %sub3A_1700, %min3A_1702 : vector<16xi32>
    %mul3A_1704 = vector.broadcast %reduce_max3A_1353 : i32 to vector<16xi32>
    %mul3A_1705 = arith.muli %mul3A_1704, %min3A_1703 : vector<16xi32>
    %add3A_1706 = arith.addi %get3A_1697, %mul3A_1705 : vector<16xi32>
    %swap3A_1707 = arith.constant 10 : i32
    %swap3A_1708 = arith.index_cast %swap3A_1707 : i32 to index
    %swap3A_1709 = arith.constant 0 : index
    %swap3A_1710 = tpu.vector_load %arg6[%swap3A_1708, %swap3A_1709] {strides = array<i32>} : memref<16x32xi32, #tpu.memory_space<vmem>>, vector<16xi32>,
    tpu.vector_store %arg6[%swap3A_1708, %swap3A_1709], %add3A_1706 {strides = array<i32>} : memref<16x32xi32, #tpu.memory_space<vmem>>, vector<16xi32>,
    %get3A_1711 = arith.constant 10 : i32
    %get3A_1712 = arith.index_cast %get3A_1711 : i32 to index
    %get3A_1713 = arith.constant 16 : index
    %get3A_1714 = tpu.vector_load %arg6[%get3A_1712, %get3A_1713] {strides = array<i32>} : memref<16x32xi32, #tpu.memory_space<vmem>>, vector<16xi32>,
    %sub3A_1715 = arith.constant 1 : i32
    %sub3A_1716 = vector.broadcast %sub3A_1715 : i32 to vector<16xi32>
    %sub3A_1717 = arith.subi %get3A_1714, %sub3A_1716 : vector<16xi32>
    %min3A_1718 = arith.constant 1 : i32
    %min3A_1719 = vector.broadcast %min3A_1718 : i32 to vector<16xi32>
    %min3A_1720 = arith.minsi %sub3A_1717, %min3A_1719 : vector<16xi32>
    %mul3A_1721 = vector.broadcast %reduce_max3A_1353 : i32 to vector<16xi32>
    %mul3A_1722 = arith.muli %mul3A_1721, %min3A_1720 : vector<16xi32>
    %add3A_1723 = arith.addi %get3A_1714, %mul3A_1722 : vector<16xi32>
    %swap3A_1724 = arith.constant 10 : i32
    %swap3A_1725 = arith.index_cast %swap3A_1724 : i32 to index
    %swap3A_1726 = arith.constant 16 : index
    %swap3A_1727 = tpu.vector_load %arg6[%swap3A_1725, %swap3A_1726] {strides = array<i32>} : memref<16x32xi32, #tpu.memory_space<vmem>>, vector<16xi32>,
    tpu.vector_store %arg6[%swap3A_1725, %swap3A_1726], %add3A_1723 {strides = array<i32>} : memref<16x32xi32, #tpu.memory_space<vmem>>, vector<16xi32>,
    %get3A_1728 = arith.constant 11 : i32
    %get3A_1729 = arith.index_cast %get3A_1728 : i32 to index
    %get3A_1730 = arith.constant 0 : index
    %get3A_1731 = tpu.vector_load %arg6[%get3A_1729, %get3A_1730] {strides = array<i32>} : memref<16x32xi32, #tpu.memory_space<vmem>>, vector<16xi32>,
    %sub3A_1732 = arith.constant 1 : i32
    %sub3A_1733 = vector.broadcast %sub3A_1732 : i32 to vector<16xi32>
    %sub3A_1734 = arith.subi %get3A_1731, %sub3A_1733 : vector<16xi32>
    %min3A_1735 = arith.constant 1 : i32
    %min3A_1736 = vector.broadcast %min3A_1735 : i32 to vector<16xi32>
    %min3A_1737 = arith.minsi %sub3A_1734, %min3A_1736 : vector<16xi32>
    %mul3A_1738 = vector.broadcast %reduce_max3A_1353 : i32 to vector<16xi32>
    %mul3A_1739 = arith.muli %mul3A_1738, %min3A_1737 : vector<16xi32>
    %add3A_1740 = arith.addi %get3A_1731, %mul3A_1739 : vector<16xi32>
    %swap3A_1741 = arith.constant 11 : i32
    %swap3A_1742 = arith.index_cast %swap3A_1741 : i32 to index
    %swap3A_1743 = arith.constant 0 : index
    %swap3A_1744 = tpu.vector_load %arg6[%swap3A_1742, %swap3A_1743] {strides = array<i32>} : memref<16x32xi32, #tpu.memory_space<vmem>>, vector<16xi32>,
    tpu.vector_store %arg6[%swap3A_1742, %swap3A_1743], %add3A_1740 {strides = array<i32>} : memref<16x32xi32, #tpu.memory_space<vmem>>, vector<16xi32>,
    %get3A_1745 = arith.constant 11 : i32
    %get3A_1746 = arith.index_cast %get3A_1745 : i32 to index
    %get3A_1747 = arith.constant 16 : index
    %get3A_1748 = tpu.vector_load %arg6[%get3A_1746, %get3A_1747] {strides = array<i32>} : memref<16x32xi32, #tpu.memory_space<vmem>>, vector<16xi32>,
    %sub3A_1749 = arith.constant 1 : i32
    %sub3A_1750 = vector.broadcast %sub3A_1749 : i32 to vector<16xi32>
    %sub3A_1751 = arith.subi %get3A_1748, %sub3A_1750 : vector<16xi32>
    %min3A_1752 = arith.constant 1 : i32
    %min3A_1753 = vector.broadcast %min3A_1752 : i32 to vector<16xi32>
    %min3A_1754 = arith.minsi %sub3A_1751, %min3A_1753 : vector<16xi32>
    %mul3A_1755 = vector.broadcast %reduce_max3A_1353 : i32 to vector<16xi32>
    %mul3A_1756 = arith.muli %mul3A_1755, %min3A_1754 : vector<16xi32>
    %add3A_1757 = arith.addi %get3A_1748, %mul3A_1756 : vector<16xi32>
    %swap3A_1758 = arith.constant 11 : i32
    %swap3A_1759 = arith.index_cast %swap3A_1758 : i32 to index
    %swap3A_1760 = arith.constant 16 : index
    %swap3A_1761 = tpu.vector_load %arg6[%swap3A_1759, %swap3A_1760] {strides = array<i32>} : memref<16x32xi32, #tpu.memory_space<vmem>>, vector<16xi32>,
    tpu.vector_store %arg6[%swap3A_1759, %swap3A_1760], %add3A_1757 {strides = array<i32>} : memref<16x32xi32, #tpu.memory_space<vmem>>, vector<16xi32>,
    %get3A_1762 = arith.constant 12 : i32
    %get3A_1763 = arith.index_cast %get3A_1762 : i32 to index
    %get3A_1764 = arith.constant 0 : index
    %get3A_1765 = tpu.vector_load %arg6[%get3A_1763, %get3A_1764] {strides = array<i32>} : memref<16x32xi32, #tpu.memory_space<vmem>>, vector<16xi32>,
    %sub3A_1766 = arith.constant 1 : i32
    %sub3A_1767 = vector.broadcast %sub3A_1766 : i32 to vector<16xi32>
    %sub3A_1768 = arith.subi %get3A_1765, %sub3A_1767 : vector<16xi32>
    %min3A_1769 = arith.constant 1 : i32
    %min3A_1770 = vector.broadcast %min3A_1769 : i32 to vector<16xi32>
    %min3A_1771 = arith.minsi %sub3A_1768, %min3A_1770 : vector<16xi32>
    %mul3A_1772 = vector.broadcast %reduce_max3A_1353 : i32 to vector<16xi32>
    %mul3A_1773 = arith.muli %mul3A_1772, %min3A_1771 : vector<16xi32>
    %add3A_1774 = arith.addi %get3A_1765, %mul3A_1773 : vector<16xi32>
    %swap3A_1775 = arith.constant 12 : i32
    %swap3A_1776 = arith.index_cast %swap3A_1775 : i32 to index
    %swap3A_1777 = arith.constant 0 : index
    %swap3A_1778 = tpu.vector_load %arg6[%swap3A_1776, %swap3A_1777] {strides = array<i32>} : memref<16x32xi32, #tpu.memory_space<vmem>>, vector<16xi32>,
    tpu.vector_store %arg6[%swap3A_1776, %swap3A_1777], %add3A_1774 {strides = array<i32>} : memref<16x32xi32, #tpu.memory_space<vmem>>, vector<16xi32>,
    %get3A_1779 = arith.constant 12 : i32
    %get3A_1780 = arith.index_cast %get3A_1779 : i32 to index
    %get3A_1781 = arith.constant 16 : index
    %get3A_1782 = tpu.vector_load %arg6[%get3A_1780, %get3A_1781] {strides = array<i32>} : memref<16x32xi32, #tpu.memory_space<vmem>>, vector<16xi32>,
    %sub3A_1783 = arith.constant 1 : i32
    %sub3A_1784 = vector.broadcast %sub3A_1783 : i32 to vector<16xi32>
    %sub3A_1785 = arith.subi %get3A_1782, %sub3A_1784 : vector<16xi32>
    %min3A_1786 = arith.constant 1 : i32
    %min3A_1787 = vector.broadcast %min3A_1786 : i32 to vector<16xi32>
    %min3A_1788 = arith.minsi %sub3A_1785, %min3A_1787 : vector<16xi32>
    %mul3A_1789 = vector.broadcast %reduce_max3A_1353 : i32 to vector<16xi32>
    %mul3A_1790 = arith.muli %mul3A_1789, %min3A_1788 : vector<16xi32>
    %add3A_1791 = arith.addi %get3A_1782, %mul3A_1790 : vector<16xi32>
    %swap3A_1792 = arith.constant 12 : i32
    %swap3A_1793 = arith.index_cast %swap3A_1792 : i32 to index
    %swap3A_1794 = arith.constant 16 : index
    %swap3A_1795 = tpu.vector_load %arg6[%swap3A_1793, %swap3A_1794] {strides = array<i32>} : memref<16x32xi32, #tpu.memory_space<vmem>>, vector<16xi32>,
    tpu.vector_store %arg6[%swap3A_1793, %swap3A_1794], %add3A_1791 {strides = array<i32>} : memref<16x32xi32, #tpu.memory_space<vmem>>, vector<16xi32>,
    %get3A_1796 = arith.constant 13 : i32
    %get3A_1797 = arith.index_cast %get3A_1796 : i32 to index
    %get3A_1798 = arith.constant 0 : index
    %get3A_1799 = tpu.vector_load %arg6[%get3A_1797, %get3A_1798] {strides = array<i32>} : memref<16x32xi32, #tpu.memory_space<vmem>>, vector<16xi32>,
    %sub3A_1800 = arith.constant 1 : i32
    %sub3A_1801 = vector.broadcast %sub3A_1800 : i32 to vector<16xi32>
    %sub3A_1802 = arith.subi %get3A_1799, %sub3A_1801 : vector<16xi32>
    %min3A_1803 = arith.constant 1 : i32
    %min3A_1804 = vector.broadcast %min3A_1803 : i32 to vector<16xi32>
    %min3A_1805 = arith.minsi %sub3A_1802, %min3A_1804 : vector<16xi32>
    %mul3A_1806 = vector.broadcast %reduce_max3A_1353 : i32 to vector<16xi32>
    %mul3A_1807 = arith.muli %mul3A_1806, %min3A_1805 : vector<16xi32>
    %add3A_1808 = arith.addi %get3A_1799, %mul3A_1807 : vector<16xi32>
    %swap3A_1809 = arith.constant 13 : i32
    %swap3A_1810 = arith.index_cast %swap3A_1809 : i32 to index
    %swap3A_1811 = arith.constant 0 : index
    %swap3A_1812 = tpu.vector_load %arg6[%swap3A_1810, %swap3A_1811] {strides = array<i32>} : memref<16x32xi32, #tpu.memory_space<vmem>>, vector<16xi32>,
    tpu.vector_store %arg6[%swap3A_1810, %swap3A_1811], %add3A_1808 {strides = array<i32>} : memref<16x32xi32, #tpu.memory_space<vmem>>, vector<16xi32>,
    %get3A_1813 = arith.constant 13 : i32
    %get3A_1814 = arith.index_cast %get3A_1813 : i32 to index
    %get3A_1815 = arith.constant 16 : index
    %get3A_1816 = tpu.vector_load %arg6[%get3A_1814, %get3A_1815] {strides = array<i32>} : memref<16x32xi32, #tpu.memory_space<vmem>>, vector<16xi32>,
    %sub3A_1817 = arith.constant 1 : i32
    %sub3A_1818 = vector.broadcast %sub3A_1817 : i32 to vector<16xi32>
    %sub3A_1819 = arith.subi %get3A_1816, %sub3A_1818 : vector<16xi32>
    %min3A_1820 = arith.constant 1 : i32
    %min3A_1821 = vector.broadcast %min3A_1820 : i32 to vector<16xi32>
    %min3A_1822 = arith.minsi %sub3A_1819, %min3A_1821 : vector<16xi32>
    %mul3A_1823 = vector.broadcast %reduce_max3A_1353 : i32 to vector<16xi32>
    %mul3A_1824 = arith.muli %mul3A_1823, %min3A_1822 : vector<16xi32>
    %add3A_1825 = arith.addi %get3A_1816, %mul3A_1824 : vector<16xi32>
    %swap3A_1826 = arith.constant 13 : i32
    %swap3A_1827 = arith.index_cast %swap3A_1826 : i32 to index
    %swap3A_1828 = arith.constant 16 : index
    %swap3A_1829 = tpu.vector_load %arg6[%swap3A_1827, %swap3A_1828] {strides = array<i32>} : memref<16x32xi32, #tpu.memory_space<vmem>>, vector<16xi32>,
    tpu.vector_store %arg6[%swap3A_1827, %swap3A_1828], %add3A_1825 {strides = array<i32>} : memref<16x32xi32, #tpu.memory_space<vmem>>, vector<16xi32>,
    %get3A_1830 = arith.constant 14 : i32
    %get3A_1831 = arith.index_cast %get3A_1830 : i32 to index
    %get3A_1832 = arith.constant 0 : index
    %get3A_1833 = tpu.vector_load %arg6[%get3A_1831, %get3A_1832] {strides = array<i32>} : memref<16x32xi32, #tpu.memory_space<vmem>>, vector<16xi32>,
    %sub3A_1834 = arith.constant 1 : i32
    %sub3A_1835 = vector.broadcast %sub3A_1834 : i32 to vector<16xi32>
    %sub3A_1836 = arith.subi %get3A_1833, %sub3A_1835 : vector<16xi32>
    %min3A_1837 = arith.constant 1 : i32
    %min3A_1838 = vector.broadcast %min3A_1837 : i32 to vector<16xi32>
    %min3A_1839 = arith.minsi %sub3A_1836, %min3A_1838 : vector<16xi32>
    %mul3A_1840 = vector.broadcast %reduce_max3A_1353 : i32 to vector<16xi32>
    %mul3A_1841 = arith.muli %mul3A_1840, %min3A_1839 : vector<16xi32>
    %add3A_1842 = arith.addi %get3A_1833, %mul3A_1841 : vector<16xi32>
    %swap3A_1843 = arith.constant 14 : i32
    %swap3A_1844 = arith.index_cast %swap3A_1843 : i32 to index
    %swap3A_1845 = arith.constant 0 : index
    %swap3A_1846 = tpu.vector_load %arg6[%swap3A_1844, %swap3A_1845] {strides = array<i32>} : memref<16x32xi32, #tpu.memory_space<vmem>>, vector<16xi32>,
    tpu.vector_store %arg6[%swap3A_1844, %swap3A_1845], %add3A_1842 {strides = array<i32>} : memref<16x32xi32, #tpu.memory_space<vmem>>, vector<16xi32>,
    %get3A_1847 = arith.constant 14 : i32
    %get3A_1848 = arith.index_cast %get3A_1847 : i32 to index
    %get3A_1849 = arith.constant 16 : index
    %get3A_1850 = tpu.vector_load %arg6[%get3A_1848, %get3A_1849] {strides = array<i32>} : memref<16x32xi32, #tpu.memory_space<vmem>>, vector<16xi32>,
    %sub3A_1851 = arith.constant 1 : i32
    %sub3A_1852 = vector.broadcast %sub3A_1851 : i32 to vector<16xi32>
    %sub3A_1853 = arith.subi %get3A_1850, %sub3A_1852 : vector<16xi32>
    %min3A_1854 = arith.constant 1 : i32
    %min3A_1855 = vector.broadcast %min3A_1854 : i32 to vector<16xi32>
    %min3A_1856 = arith.minsi %sub3A_1853, %min3A_1855 : vector<16xi32>
    %mul3A_1857 = vector.broadcast %reduce_max3A_1353 : i32 to vector<16xi32>
    %mul3A_1858 = arith.muli %mul3A_1857, %min3A_1856 : vector<16xi32>
    %add3A_1859 = arith.addi %get3A_1850, %mul3A_1858 : vector<16xi32>
    %swap3A_1860 = arith.constant 14 : i32
    %swap3A_1861 = arith.index_cast %swap3A_1860 : i32 to index
    %swap3A_1862 = arith.constant 16 : index
    %swap3A_1863 = tpu.vector_load %arg6[%swap3A_1861, %swap3A_1862] {strides = array<i32>} : memref<16x32xi32, #tpu.memory_space<vmem>>, vector<16xi32>,
    tpu.vector_store %arg6[%swap3A_1861, %swap3A_1862], %add3A_1859 {strides = array<i32>} : memref<16x32xi32, #tpu.memory_space<vmem>>, vector<16xi32>,
    %get3A_1864 = arith.constant 15 : i32
    %get3A_1865 = arith.index_cast %get3A_1864 : i32 to index
    %get3A_1866 = arith.constant 0 : index
    %get3A_1867 = tpu.vector_load %arg6[%get3A_1865, %get3A_1866] {strides = array<i32>} : memref<16x32xi32, #tpu.memory_space<vmem>>, vector<16xi32>,
    %sub3A_1868 = arith.constant 1 : i32
    %sub3A_1869 = vector.broadcast %sub3A_1868 : i32 to vector<16xi32>
    %sub3A_1870 = arith.subi %get3A_1867, %sub3A_1869 : vector<16xi32>
    %min3A_1871 = arith.constant 1 : i32
    %min3A_1872 = vector.broadcast %min3A_1871 : i32 to vector<16xi32>
    %min3A_1873 = arith.minsi %sub3A_1870, %min3A_1872 : vector<16xi32>
    %mul3A_1874 = vector.broadcast %reduce_max3A_1353 : i32 to vector<16xi32>
    %mul3A_1875 = arith.muli %mul3A_1874, %min3A_1873 : vector<16xi32>
    %add3A_1876 = arith.addi %get3A_1867, %mul3A_1875 : vector<16xi32>
    %swap3A_1877 = arith.constant 15 : i32
    %swap3A_1878 = arith.index_cast %swap3A_1877 : i32 to index
    %swap3A_1879 = arith.constant 0 : index
    %swap3A_1880 = tpu.vector_load %arg6[%swap3A_1878, %swap3A_1879] {strides = array<i32>} : memref<16x32xi32, #tpu.memory_space<vmem>>, vector<16xi32>,
    tpu.vector_store %arg6[%swap3A_1878, %swap3A_1879], %add3A_1876 {strides = array<i32>} : memref<16x32xi32, #tpu.memory_space<vmem>>, vector<16xi32>,
    %get3A_1881 = arith.constant 15 : i32
    %get3A_1882 = arith.index_cast %get3A_1881 : i32 to index
    %get3A_1883 = arith.constant 16 : index
    %get3A_1884 = tpu.vector_load %arg6[%get3A_1882, %get3A_1883] {strides = array<i32>} : memref<16x32xi32, #tpu.memory_space<vmem>>, vector<16xi32>,
    %sub3A_1885 = arith.constant 1 : i32
    %sub3A_1886 = vector.broadcast %sub3A_1885 : i32 to vector<16xi32>
    %sub3A_1887 = arith.subi %get3A_1884, %sub3A_1886 : vector<16xi32>
    %min3A_1888 = arith.constant 1 : i32
    %min3A_1889 = vector.broadcast %min3A_1888 : i32 to vector<16xi32>
    %min3A_1890 = arith.minsi %sub3A_1887, %min3A_1889 : vector<16xi32>
    %mul3A_1891 = vector.broadcast %reduce_max3A_1353 : i32 to vector<16xi32>
    %mul3A_1892 = arith.muli %mul3A_1891, %min3A_1890 : vector<16xi32>
    %add3A_1893 = arith.addi %get3A_1884, %mul3A_1892 : vector<16xi32>
    %swap3A_1894 = arith.constant 15 : i32
    %swap3A_1895 = arith.index_cast %swap3A_1894 : i32 to index
    %swap3A_1896 = arith.constant 16 : index
    %swap3A_1897 = tpu.vector_load %arg6[%swap3A_1895, %swap3A_1896] {strides = array<i32>} : memref<16x32xi32, #tpu.memory_space<vmem>>, vector<16xi32>,
    tpu.vector_store %arg6[%swap3A_1895, %swap3A_1896], %add3A_1893 {strides = array<i32>} : memref<16x32xi32, #tpu.memory_space<vmem>>, vector<16xi32>,
    %dma_start3A = arith.constant 0 : i32
    %dma_start3A_1898 = arith.constant 0 : i32
    %dma_start3A_1899 = tpu.memref_slice %arg6[%dma_start3A, %dma_start3A_1898] : memref<16x32xi32, #tpu.memory_space<vmem>> -> memref<1x32xi32, #tpu.memory_space<vmem>>
    %dma_start3A_1900 = tpu.memref_squeeze %dma_start3A_1899 : memref<1x32xi32, #tpu.memory_space<vmem>> -> memref<32xi32, #tpu.memory_space<vmem>>
    %dma_start3A_1901 = arith.constant 0 : i32
    %dma_start3A_1902 = arith.constant 0 : i32
    %dma_start3A_1903 = tpu.memref_slice %arg3[%dma_start3A_1901, %dma_start3A_1902] : memref<4100x1024xf32, #tpu.memory_space<hbm>> -> memref<4100x1024xf32, #tpu.memory_space<hbm>>
    tpu.enqueue_indirect_dma source(%dma_start3A_1903 : memref<4100x1024xf32, #tpu.memory_space<hbm>>) target(%arg10 : memref<32x1024xf32, #tpu.memory_space<vmem>>) offsets(%dma_start3A_1900 : memref<32xi32, #tpu.memory_space<vmem>>) semaphore(%arg13 : memref<!tpu.dma_semaphore, #tpu.memory_space<semaphore_mem>>)
    %dma_wait3A = arith.constant 0 : i32
    %dma_wait3A_1904 = arith.constant 0 : i32
    %dma_wait3A_1905 = tpu.memref_slice %arg6[%dma_wait3A, %dma_wait3A_1904] : memref<16x32xi32, #tpu.memory_space<vmem>> -> memref<1x32xi32, #tpu.memory_space<vmem>>
    %dma_wait3A_1906 = tpu.memref_squeeze %dma_wait3A_1905 : memref<1x32xi32, #tpu.memory_space<vmem>> -> memref<32xi32, #tpu.memory_space<vmem>>
    %dma_wait3A_1907 = arith.constant 0 : i32
    %dma_wait3A_1908 = arith.constant 0 : i32
    %dma_wait3A_1909 = tpu.memref_slice %arg3[%dma_wait3A_1907, %dma_wait3A_1908] : memref<4100x1024xf32, #tpu.memory_space<hbm>> -> memref<4100x1024xf32, #tpu.memory_space<hbm>>
    tpu.wait_indirect_dma semaphore(%arg13 : memref<!tpu.dma_semaphore, #tpu.memory_space<semaphore_mem>>) src(%dma_wait3A_1909 : memref<4100x1024xf32, #tpu.memory_space<hbm>>) dst(%arg10 : memref<32x1024xf32, #tpu.memory_space<vmem>>)
    %dma_start3A_1910 = arith.constant 1 : i32
    %dma_start3A_1911 = arith.constant 0 : i32
    %dma_start3A_1912 = tpu.memref_slice %arg6[%dma_start3A_1910, %dma_start3A_1911] : memref<16x32xi32, #tpu.memory_space<vmem>> -> memref<1x32xi32, #tpu.memory_space<vmem>>
    %dma_start3A_1913 = tpu.memref_squeeze %dma_start3A_1912 : memref<1x32xi32, #tpu.memory_space<vmem>> -> memref<32xi32, #tpu.memory_space<vmem>>
    %dma_start3A_1914 = arith.constant 0 : i32
    %dma_start3A_1915 = arith.constant 0 : i32
    %dma_start3A_1916 = tpu.memref_slice %arg3[%dma_start3A_1914, %dma_start3A_1915] : memref<4100x1024xf32, #tpu.memory_space<hbm>> -> memref<4100x1024xf32, #tpu.memory_space<hbm>>
    tpu.enqueue_indirect_dma source(%dma_start3A_1916 : memref<4100x1024xf32, #tpu.memory_space<hbm>>) target(%arg11 : memref<32x1024xf32, #tpu.memory_space<vmem>>) offsets(%dma_start3A_1913 : memref<32xi32, #tpu.memory_space<vmem>>) semaphore(%arg13 : memref<!tpu.dma_semaphore, #tpu.memory_space<semaphore_mem>>)
    %add3A_1917 = arith.constant 0 : i32
    %add3A_1918 = arith.addi %mul3A_2, %add3A_1917 : i32
    %dma_start3A_1919 = arith.constant 0 : i32
    %dma_start3A_1920 = tpu.memref_slice %arg4[%add3A_1918, %dma_start3A_1919] : memref<16384x1024xf32, #tpu.memory_space<hbm>> -> memref<32x1024xf32, #tpu.memory_space<hbm>>
    %dma_start3A_1921 = arith.constant 0 : i32
    %dma_start3A_1922 = tpu.memref_slice %arg4[%add3A_1918, %dma_start3A_1921] : memref<16384x1024xf32, #tpu.memory_space<hbm>> -> memref<32x1024xf32, #tpu.memory_space<hbm>>
    tpu.enqueue_dma source(%arg10 : memref<32x1024xf32, #tpu.memory_space<vmem>>) target(%dma_start3A_1922 : memref<32x1024xf32, #tpu.memory_space<hbm>>) target_semaphore(%arg14 : memref<!tpu.dma_semaphore, #tpu.memory_space<semaphore_mem>>)
    %dma_wait3A_1923 = arith.constant 1 : i32
    %dma_wait3A_1924 = arith.constant 0 : i32
    %dma_wait3A_1925 = tpu.memref_slice %arg6[%dma_wait3A_1923, %dma_wait3A_1924] : memref<16x32xi32, #tpu.memory_space<vmem>> -> memref<1x32xi32, #tpu.memory_space<vmem>>
    %dma_wait3A_1926 = tpu.memref_squeeze %dma_wait3A_1925 : memref<1x32xi32, #tpu.memory_space<vmem>> -> memref<32xi32, #tpu.memory_space<vmem>>
    %dma_wait3A_1927 = arith.constant 0 : i32
    %dma_wait3A_1928 = arith.constant 0 : i32
    %dma_wait3A_1929 = tpu.memref_slice %arg3[%dma_wait3A_1927, %dma_wait3A_1928] : memref<4100x1024xf32, #tpu.memory_space<hbm>> -> memref<4100x1024xf32, #tpu.memory_space<hbm>>
    tpu.wait_indirect_dma semaphore(%arg13 : memref<!tpu.dma_semaphore, #tpu.memory_space<semaphore_mem>>) src(%dma_wait3A_1929 : memref<4100x1024xf32, #tpu.memory_space<hbm>>) dst(%arg11 : memref<32x1024xf32, #tpu.memory_space<vmem>>)
    %dma_start3A_1930 = arith.constant 2 : i32
    %dma_start3A_1931 = arith.constant 0 : i32
    %dma_start3A_1932 = tpu.memref_slice %arg6[%dma_start3A_1930, %dma_start3A_1931] : memref<16x32xi32, #tpu.memory_space<vmem>> -> memref<1x32xi32, #tpu.memory_space<vmem>>
    %dma_start3A_1933 = tpu.memref_squeeze %dma_start3A_1932 : memref<1x32xi32, #tpu.memory_space<vmem>> -> memref<32xi32, #tpu.memory_space<vmem>>
    %dma_start3A_1934 = arith.constant 0 : i32
    %dma_start3A_1935 = arith.constant 0 : i32
    %dma_start3A_1936 = tpu.memref_slice %arg3[%dma_start3A_1934, %dma_start3A_1935] : memref<4100x1024xf32, #tpu.memory_space<hbm>> -> memref<4100x1024xf32, #tpu.memory_space<hbm>>
    tpu.enqueue_indirect_dma source(%dma_start3A_1936 : memref<4100x1024xf32, #tpu.memory_space<hbm>>) target(%arg12 : memref<32x1024xf32, #tpu.memory_space<vmem>>) offsets(%dma_start3A_1933 : memref<32xi32, #tpu.memory_space<vmem>>) semaphore(%arg13 : memref<!tpu.dma_semaphore, #tpu.memory_space<semaphore_mem>>)
    %add3A_1937 = arith.constant 32 : i32
    %add3A_1938 = arith.addi %mul3A_2, %add3A_1937 : i32
    %dma_start3A_1939 = arith.constant 0 : i32
    %dma_start3A_1940 = tpu.memref_slice %arg4[%add3A_1938, %dma_start3A_1939] : memref<16384x1024xf32, #tpu.memory_space<hbm>> -> memref<32x1024xf32, #tpu.memory_space<hbm>>
    %dma_start3A_1941 = arith.constant 0 : i32
    %dma_start3A_1942 = tpu.memref_slice %arg4[%add3A_1938, %dma_start3A_1941] : memref<16384x1024xf32, #tpu.memory_space<hbm>> -> memref<32x1024xf32, #tpu.memory_space<hbm>>
    tpu.enqueue_dma source(%arg11 : memref<32x1024xf32, #tpu.memory_space<vmem>>) target(%dma_start3A_1942 : memref<32x1024xf32, #tpu.memory_space<hbm>>) target_semaphore(%arg14 : memref<!tpu.dma_semaphore, #tpu.memory_space<semaphore_mem>>)
    %dma_wait3A_1943 = arith.constant 2 : i32
    %dma_wait3A_1944 = arith.constant 0 : i32
    %dma_wait3A_1945 = tpu.memref_slice %arg6[%dma_wait3A_1943, %dma_wait3A_1944] : memref<16x32xi32, #tpu.memory_space<vmem>> -> memref<1x32xi32, #tpu.memory_space<vmem>>
    %dma_wait3A_1946 = tpu.memref_squeeze %dma_wait3A_1945 : memref<1x32xi32, #tpu.memory_space<vmem>> -> memref<32xi32, #tpu.memory_space<vmem>>
    %dma_wait3A_1947 = arith.constant 0 : i32
    %dma_wait3A_1948 = arith.constant 0 : i32
    %dma_wait3A_1949 = tpu.memref_slice %arg3[%dma_wait3A_1947, %dma_wait3A_1948] : memref<4100x1024xf32, #tpu.memory_space<hbm>> -> memref<4100x1024xf32, #tpu.memory_space<hbm>>
    tpu.wait_indirect_dma semaphore(%arg13 : memref<!tpu.dma_semaphore, #tpu.memory_space<semaphore_mem>>) src(%dma_wait3A_1949 : memref<4100x1024xf32, #tpu.memory_space<hbm>>) dst(%arg12 : memref<32x1024xf32, #tpu.memory_space<vmem>>)
    %dma_wait3A_1950 = arith.constant 0 : i32
    %dma_wait3A_1951 = tpu.memref_slice %arg4[%add3A_1918, %dma_wait3A_1950] : memref<16384x1024xf32, #tpu.memory_space<hbm>> -> memref<32x1024xf32, #tpu.memory_space<hbm>>
    %dma_wait3A_1952 = arith.constant 0 : i32
    %dma_wait3A_1953 = tpu.memref_slice %arg4[%add3A_1918, %dma_wait3A_1952] : memref<16384x1024xf32, #tpu.memory_space<hbm>> -> memref<32x1024xf32, #tpu.memory_space<hbm>>
    tpu.wait_dma2 semaphore(%arg14 : memref<!tpu.dma_semaphore, #tpu.memory_space<semaphore_mem>>) src(%arg10 : memref<32x1024xf32, #tpu.memory_space<vmem>>) dst(%dma_wait3A_1953 : memref<32x1024xf32, #tpu.memory_space<hbm>>)
    %dma_start3A_1954 = arith.constant 3 : i32
    %dma_start3A_1955 = arith.constant 0 : i32
    %dma_start3A_1956 = tpu.memref_slice %arg6[%dma_start3A_1954, %dma_start3A_1955] : memref<16x32xi32, #tpu.memory_space<vmem>> -> memref<1x32xi32, #tpu.memory_space<vmem>>
    %dma_start3A_1957 = tpu.memref_squeeze %dma_start3A_1956 : memref<1x32xi32, #tpu.memory_space<vmem>> -> memref<32xi32, #tpu.memory_space<vmem>>
    %dma_start3A_1958 = arith.constant 0 : i32
    %dma_start3A_1959 = arith.constant 0 : i32
    %dma_start3A_1960 = tpu.memref_slice %arg3[%dma_start3A_1958, %dma_start3A_1959] : memref<4100x1024xf32, #tpu.memory_space<hbm>> -> memref<4100x1024xf32, #tpu.memory_space<hbm>>
    tpu.enqueue_indirect_dma source(%dma_start3A_1960 : memref<4100x1024xf32, #tpu.memory_space<hbm>>) target(%arg10 : memref<32x1024xf32, #tpu.memory_space<vmem>>) offsets(%dma_start3A_1957 : memref<32xi32, #tpu.memory_space<vmem>>) semaphore(%arg13 : memref<!tpu.dma_semaphore, #tpu.memory_space<semaphore_mem>>)
    %add3A_1961 = arith.constant 64 : i32
    %add3A_1962 = arith.addi %mul3A_2, %add3A_1961 : i32
    %dma_start3A_1963 = arith.constant 0 : i32
    %dma_start3A_1964 = tpu.memref_slice %arg4[%add3A_1962, %dma_start3A_1963] : memref<16384x1024xf32, #tpu.memory_space<hbm>> -> memref<32x1024xf32, #tpu.memory_space<hbm>>
    %dma_start3A_1965 = arith.constant 0 : i32
    %dma_start3A_1966 = tpu.memref_slice %arg4[%add3A_1962, %dma_start3A_1965] : memref<16384x1024xf32, #tpu.memory_space<hbm>> -> memref<32x1024xf32, #tpu.memory_space<hbm>>
    tpu.enqueue_dma source(%arg12 : memref<32x1024xf32, #tpu.memory_space<vmem>>) target(%dma_start3A_1966 : memref<32x1024xf32, #tpu.memory_space<hbm>>) target_semaphore(%arg14 : memref<!tpu.dma_semaphore, #tpu.memory_space<semaphore_mem>>)
    %dma_wait3A_1967 = arith.constant 3 : i32
    %dma_wait3A_1968 = arith.constant 0 : i32
    %dma_wait3A_1969 = tpu.memref_slice %arg6[%dma_wait3A_1967, %dma_wait3A_1968] : memref<16x32xi32, #tpu.memory_space<vmem>> -> memref<1x32xi32, #tpu.memory_space<vmem>>
    %dma_wait3A_1970 = tpu.memref_squeeze %dma_wait3A_1969 : memref<1x32xi32, #tpu.memory_space<vmem>> -> memref<32xi32, #tpu.memory_space<vmem>>
    %dma_wait3A_1971 = arith.constant 0 : i32
    %dma_wait3A_1972 = arith.constant 0 : i32
    %dma_wait3A_1973 = tpu.memref_slice %arg3[%dma_wait3A_1971, %dma_wait3A_1972] : memref<4100x1024xf32, #tpu.memory_space<hbm>> -> memref<4100x1024xf32, #tpu.memory_space<hbm>>
    tpu.wait_indirect_dma semaphore(%arg13 : memref<!tpu.dma_semaphore, #tpu.memory_space<semaphore_mem>>) src(%dma_wait3A_1973 : memref<4100x1024xf32, #tpu.memory_space<hbm>>) dst(%arg10 : memref<32x1024xf32, #tpu.memory_space<vmem>>)
    %dma_wait3A_1974 = arith.constant 0 : i32
    %dma_wait3A_1975 = tpu.memref_slice %arg4[%add3A_1938, %dma_wait3A_1974] : memref<16384x1024xf32, #tpu.memory_space<hbm>> -> memref<32x1024xf32, #tpu.memory_space<hbm>>
    %dma_wait3A_1976 = arith.constant 0 : i32
    %dma_wait3A_1977 = tpu.memref_slice %arg4[%add3A_1938, %dma_wait3A_1976] : memref<16384x1024xf32, #tpu.memory_space<hbm>> -> memref<32x1024xf32, #tpu.memory_space<hbm>>
    tpu.wait_dma2 semaphore(%arg14 : memref<!tpu.dma_semaphore, #tpu.memory_space<semaphore_mem>>) src(%arg11 : memref<32x1024xf32, #tpu.memory_space<vmem>>) dst(%dma_wait3A_1977 : memref<32x1024xf32, #tpu.memory_space<hbm>>)
    %dma_start3A_1978 = arith.constant 4 : i32
    %dma_start3A_1979 = arith.constant 0 : i32
    %dma_start3A_1980 = tpu.memref_slice %arg6[%dma_start3A_1978, %dma_start3A_1979] : memref<16x32xi32, #tpu.memory_space<vmem>> -> memref<1x32xi32, #tpu.memory_space<vmem>>
    %dma_start3A_1981 = tpu.memref_squeeze %dma_start3A_1980 : memref<1x32xi32, #tpu.memory_space<vmem>> -> memref<32xi32, #tpu.memory_space<vmem>>
    %dma_start3A_1982 = arith.constant 0 : i32
    %dma_start3A_1983 = arith.constant 0 : i32
    %dma_start3A_1984 = tpu.memref_slice %arg3[%dma_start3A_1982, %dma_start3A_1983] : memref<4100x1024xf32, #tpu.memory_space<hbm>> -> memref<4100x1024xf32, #tpu.memory_space<hbm>>
    tpu.enqueue_indirect_dma source(%dma_start3A_1984 : memref<4100x1024xf32, #tpu.memory_space<hbm>>) target(%arg11 : memref<32x1024xf32, #tpu.memory_space<vmem>>) offsets(%dma_start3A_1981 : memref<32xi32, #tpu.memory_space<vmem>>) semaphore(%arg13 : memref<!tpu.dma_semaphore, #tpu.memory_space<semaphore_mem>>)
    %add3A_1985 = arith.constant 96 : i32
    %add3A_1986 = arith.addi %mul3A_2, %add3A_1985 : i32
    %dma_start3A_1987 = arith.constant 0 : i32
    %dma_start3A_1988 = tpu.memref_slice %arg4[%add3A_1986, %dma_start3A_1987] : memref<16384x1024xf32, #tpu.memory_space<hbm>> -> memref<32x1024xf32, #tpu.memory_space<hbm>>
    %dma_start3A_1989 = arith.constant 0 : i32
    %dma_start3A_1990 = tpu.memref_slice %arg4[%add3A_1986, %dma_start3A_1989] : memref<16384x1024xf32, #tpu.memory_space<hbm>> -> memref<32x1024xf32, #tpu.memory_space<hbm>>
    tpu.enqueue_dma source(%arg10 : memref<32x1024xf32, #tpu.memory_space<vmem>>) target(%dma_start3A_1990 : memref<32x1024xf32, #tpu.memory_space<hbm>>) target_semaphore(%arg14 : memref<!tpu.dma_semaphore, #tpu.memory_space<semaphore_mem>>)
    %dma_wait3A_1991 = arith.constant 4 : i32
    %dma_wait3A_1992 = arith.constant 0 : i32
    %dma_wait3A_1993 = tpu.memref_slice %arg6[%dma_wait3A_1991, %dma_wait3A_1992] : memref<16x32xi32, #tpu.memory_space<vmem>> -> memref<1x32xi32, #tpu.memory_space<vmem>>
    %dma_wait3A_1994 = tpu.memref_squeeze %dma_wait3A_1993 : memref<1x32xi32, #tpu.memory_space<vmem>> -> memref<32xi32, #tpu.memory_space<vmem>>
    %dma_wait3A_1995 = arith.constant 0 : i32
    %dma_wait3A_1996 = arith.constant 0 : i32
    %dma_wait3A_1997 = tpu.memref_slice %arg3[%dma_wait3A_1995, %dma_wait3A_1996] : memref<4100x1024xf32, #tpu.memory_space<hbm>> -> memref<4100x1024xf32, #tpu.memory_space<hbm>>
    tpu.wait_indirect_dma semaphore(%arg13 : memref<!tpu.dma_semaphore, #tpu.memory_space<semaphore_mem>>) src(%dma_wait3A_1997 : memref<4100x1024xf32, #tpu.memory_space<hbm>>) dst(%arg11 : memref<32x1024xf32, #tpu.memory_space<vmem>>)
    %dma_wait3A_1998 = arith.constant 0 : i32
    %dma_wait3A_1999 = tpu.memref_slice %arg4[%add3A_1962, %dma_wait3A_1998] : memref<16384x1024xf32, #tpu.memory_space<hbm>> -> memref<32x1024xf32, #tpu.memory_space<hbm>>
    %dma_wait3A_2000 = arith.constant 0 : i32
    %dma_wait3A_2001 = tpu.memref_slice %arg4[%add3A_1962, %dma_wait3A_2000] : memref<16384x1024xf32, #tpu.memory_space<hbm>> -> memref<32x1024xf32, #tpu.memory_space<hbm>>
    tpu.wait_dma2 semaphore(%arg14 : memref<!tpu.dma_semaphore, #tpu.memory_space<semaphore_mem>>) src(%arg12 : memref<32x1024xf32, #tpu.memory_space<vmem>>) dst(%dma_wait3A_2001 : memref<32x1024xf32, #tpu.memory_space<hbm>>)
    %dma_start3A_2002 = arith.constant 5 : i32
    %dma_start3A_2003 = arith.constant 0 : i32
    %dma_start3A_2004 = tpu.memref_slice %arg6[%dma_start3A_2002, %dma_start3A_2003] : memref<16x32xi32, #tpu.memory_space<vmem>> -> memref<1x32xi32, #tpu.memory_space<vmem>>
    %dma_start3A_2005 = tpu.memref_squeeze %dma_start3A_2004 : memref<1x32xi32, #tpu.memory_space<vmem>> -> memref<32xi32, #tpu.memory_space<vmem>>
    %dma_start3A_2006 = arith.constant 0 : i32
    %dma_start3A_2007 = arith.constant 0 : i32
    %dma_start3A_2008 = tpu.memref_slice %arg3[%dma_start3A_2006, %dma_start3A_2007] : memref<4100x1024xf32, #tpu.memory_space<hbm>> -> memref<4100x1024xf32, #tpu.memory_space<hbm>>
    tpu.enqueue_indirect_dma source(%dma_start3A_2008 : memref<4100x1024xf32, #tpu.memory_space<hbm>>) target(%arg12 : memref<32x1024xf32, #tpu.memory_space<vmem>>) offsets(%dma_start3A_2005 : memref<32xi32, #tpu.memory_space<vmem>>) semaphore(%arg13 : memref<!tpu.dma_semaphore, #tpu.memory_space<semaphore_mem>>)
    %add3A_2009 = arith.constant 128 : i32
    %add3A_2010 = arith.addi %mul3A_2, %add3A_2009 : i32
    %dma_start3A_2011 = arith.constant 0 : i32
    %dma_start3A_2012 = tpu.memref_slice %arg4[%add3A_2010, %dma_start3A_2011] : memref<16384x1024xf32, #tpu.memory_space<hbm>> -> memref<32x1024xf32, #tpu.memory_space<hbm>>
    %dma_start3A_2013 = arith.constant 0 : i32
    %dma_start3A_2014 = tpu.memref_slice %arg4[%add3A_2010, %dma_start3A_2013] : memref<16384x1024xf32, #tpu.memory_space<hbm>> -> memref<32x1024xf32, #tpu.memory_space<hbm>>
    tpu.enqueue_dma source(%arg11 : memref<32x1024xf32, #tpu.memory_space<vmem>>) target(%dma_start3A_2014 : memref<32x1024xf32, #tpu.memory_space<hbm>>) target_semaphore(%arg14 : memref<!tpu.dma_semaphore, #tpu.memory_space<semaphore_mem>>)
    %dma_wait3A_2015 = arith.constant 5 : i32
    %dma_wait3A_2016 = arith.constant 0 : i32
    %dma_wait3A_2017 = tpu.memref_slice %arg6[%dma_wait3A_2015, %dma_wait3A_2016] : memref<16x32xi32, #tpu.memory_space<vmem>> -> memref<1x32xi32, #tpu.memory_space<vmem>>
    %dma_wait3A_2018 = tpu.memref_squeeze %dma_wait3A_2017 : memref<1x32xi32, #tpu.memory_space<vmem>> -> memref<32xi32, #tpu.memory_space<vmem>>
    %dma_wait3A_2019 = arith.constant 0 : i32
    %dma_wait3A_2020 = arith.constant 0 : i32
    %dma_wait3A_2021 = tpu.memref_slice %arg3[%dma_wait3A_2019, %dma_wait3A_2020] : memref<4100x1024xf32, #tpu.memory_space<hbm>> -> memref<4100x1024xf32, #tpu.memory_space<hbm>>
    tpu.wait_indirect_dma semaphore(%arg13 : memref<!tpu.dma_semaphore, #tpu.memory_space<semaphore_mem>>) src(%dma_wait3A_2021 : memref<4100x1024xf32, #tpu.memory_space<hbm>>) dst(%arg12 : memref<32x1024xf32, #tpu.memory_space<vmem>>)
    %dma_wait3A_2022 = arith.constant 0 : i32
    %dma_wait3A_2023 = tpu.memref_slice %arg4[%add3A_1986, %dma_wait3A_2022] : memref<16384x1024xf32, #tpu.memory_space<hbm>> -> memref<32x1024xf32, #tpu.memory_space<hbm>>
    %dma_wait3A_2024 = arith.constant 0 : i32
    %dma_wait3A_2025 = tpu.memref_slice %arg4[%add3A_1986, %dma_wait3A_2024] : memref<16384x1024xf32, #tpu.memory_space<hbm>> -> memref<32x1024xf32, #tpu.memory_space<hbm>>
    tpu.wait_dma2 semaphore(%arg14 : memref<!tpu.dma_semaphore, #tpu.memory_space<semaphore_mem>>) src(%arg10 : memref<32x1024xf32, #tpu.memory_space<vmem>>) dst(%dma_wait3A_2025 : memref<32x1024xf32, #tpu.memory_space<hbm>>)
    %dma_start3A_2026 = arith.constant 6 : i32
    %dma_start3A_2027 = arith.constant 0 : i32
    %dma_start3A_2028 = tpu.memref_slice %arg6[%dma_start3A_2026, %dma_start3A_2027] : memref<16x32xi32, #tpu.memory_space<vmem>> -> memref<1x32xi32, #tpu.memory_space<vmem>>
    %dma_start3A_2029 = tpu.memref_squeeze %dma_start3A_2028 : memref<1x32xi32, #tpu.memory_space<vmem>> -> memref<32xi32, #tpu.memory_space<vmem>>
    %dma_start3A_2030 = arith.constant 0 : i32
    %dma_start3A_2031 = arith.constant 0 : i32
    %dma_start3A_2032 = tpu.memref_slice %arg3[%dma_start3A_2030, %dma_start3A_2031] : memref<4100x1024xf32, #tpu.memory_space<hbm>> -> memref<4100x1024xf32, #tpu.memory_space<hbm>>
    tpu.enqueue_indirect_dma source(%dma_start3A_2032 : memref<4100x1024xf32, #tpu.memory_space<hbm>>) target(%arg10 : memref<32x1024xf32, #tpu.memory_space<vmem>>) offsets(%dma_start3A_2029 : memref<32xi32, #tpu.memory_space<vmem>>) semaphore(%arg13 : memref<!tpu.dma_semaphore, #tpu.memory_space<semaphore_mem>>)
    %add3A_2033 = arith.constant 160 : i32
    %add3A_2034 = arith.addi %mul3A_2, %add3A_2033 : i32
    %dma_start3A_2035 = arith.constant 0 : i32
    %dma_start3A_2036 = tpu.memref_slice %arg4[%add3A_2034, %dma_start3A_2035] : memref<16384x1024xf32, #tpu.memory_space<hbm>> -> memref<32x1024xf32, #tpu.memory_space<hbm>>
    %dma_start3A_2037 = arith.constant 0 : i32
    %dma_start3A_2038 = tpu.memref_slice %arg4[%add3A_2034, %dma_start3A_2037] : memref<16384x1024xf32, #tpu.memory_space<hbm>> -> memref<32x1024xf32, #tpu.memory_space<hbm>>
    tpu.enqueue_dma source(%arg12 : memref<32x1024xf32, #tpu.memory_space<vmem>>) target(%dma_start3A_2038 : memref<32x1024xf32, #tpu.memory_space<hbm>>) target_semaphore(%arg14 : memref<!tpu.dma_semaphore, #tpu.memory_space<semaphore_mem>>)
    %dma_wait3A_2039 = arith.constant 6 : i32
    %dma_wait3A_2040 = arith.constant 0 : i32
    %dma_wait3A_2041 = tpu.memref_slice %arg6[%dma_wait3A_2039, %dma_wait3A_2040] : memref<16x32xi32, #tpu.memory_space<vmem>> -> memref<1x32xi32, #tpu.memory_space<vmem>>
    %dma_wait3A_2042 = tpu.memref_squeeze %dma_wait3A_2041 : memref<1x32xi32, #tpu.memory_space<vmem>> -> memref<32xi32, #tpu.memory_space<vmem>>
    %dma_wait3A_2043 = arith.constant 0 : i32
    %dma_wait3A_2044 = arith.constant 0 : i32
    %dma_wait3A_2045 = tpu.memref_slice %arg3[%dma_wait3A_2043, %dma_wait3A_2044] : memref<4100x1024xf32, #tpu.memory_space<hbm>> -> memref<4100x1024xf32, #tpu.memory_space<hbm>>
    tpu.wait_indirect_dma semaphore(%arg13 : memref<!tpu.dma_semaphore, #tpu.memory_space<semaphore_mem>>) src(%dma_wait3A_2045 : memref<4100x1024xf32, #tpu.memory_space<hbm>>) dst(%arg10 : memref<32x1024xf32, #tpu.memory_space<vmem>>)
    %dma_wait3A_2046 = arith.constant 0 : i32
    %dma_wait3A_2047 = tpu.memref_slice %arg4[%add3A_2010, %dma_wait3A_2046] : memref<16384x1024xf32, #tpu.memory_space<hbm>> -> memref<32x1024xf32, #tpu.memory_space<hbm>>
    %dma_wait3A_2048 = arith.constant 0 : i32
    %dma_wait3A_2049 = tpu.memref_slice %arg4[%add3A_2010, %dma_wait3A_2048] : memref<16384x1024xf32, #tpu.memory_space<hbm>> -> memref<32x1024xf32, #tpu.memory_space<hbm>>
    tpu.wait_dma2 semaphore(%arg14 : memref<!tpu.dma_semaphore, #tpu.memory_space<semaphore_mem>>) src(%arg11 : memref<32x1024xf32, #tpu.memory_space<vmem>>) dst(%dma_wait3A_2049 : memref<32x1024xf32, #tpu.memory_space<hbm>>)
    %dma_start3A_2050 = arith.constant 7 : i32
    %dma_start3A_2051 = arith.constant 0 : i32
    %dma_start3A_2052 = tpu.memref_slice %arg6[%dma_start3A_2050, %dma_start3A_2051] : memref<16x32xi32, #tpu.memory_space<vmem>> -> memref<1x32xi32, #tpu.memory_space<vmem>>
    %dma_start3A_2053 = tpu.memref_squeeze %dma_start3A_2052 : memref<1x32xi32, #tpu.memory_space<vmem>> -> memref<32xi32, #tpu.memory_space<vmem>>
    %dma_start3A_2054 = arith.constant 0 : i32
    %dma_start3A_2055 = arith.constant 0 : i32
    %dma_start3A_2056 = tpu.memref_slice %arg3[%dma_start3A_2054, %dma_start3A_2055] : memref<4100x1024xf32, #tpu.memory_space<hbm>> -> memref<4100x1024xf32, #tpu.memory_space<hbm>>
    tpu.enqueue_indirect_dma source(%dma_start3A_2056 : memref<4100x1024xf32, #tpu.memory_space<hbm>>) target(%arg11 : memref<32x1024xf32, #tpu.memory_space<vmem>>) offsets(%dma_start3A_2053 : memref<32xi32, #tpu.memory_space<vmem>>) semaphore(%arg13 : memref<!tpu.dma_semaphore, #tpu.memory_space<semaphore_mem>>)
    %add3A_2057 = arith.constant 192 : i32
    %add3A_2058 = arith.addi %mul3A_2, %add3A_2057 : i32
    %dma_start3A_2059 = arith.constant 0 : i32
    %dma_start3A_2060 = tpu.memref_slice %arg4[%add3A_2058, %dma_start3A_2059] : memref<16384x1024xf32, #tpu.memory_space<hbm>> -> memref<32x1024xf32, #tpu.memory_space<hbm>>
    %dma_start3A_2061 = arith.constant 0 : i32
    %dma_start3A_2062 = tpu.memref_slice %arg4[%add3A_2058, %dma_start3A_2061] : memref<16384x1024xf32, #tpu.memory_space<hbm>> -> memref<32x1024xf32, #tpu.memory_space<hbm>>
    tpu.enqueue_dma source(%arg10 : memref<32x1024xf32, #tpu.memory_space<vmem>>) target(%dma_start3A_2062 : memref<32x1024xf32, #tpu.memory_space<hbm>>) target_semaphore(%arg14 : memref<!tpu.dma_semaphore, #tpu.memory_space<semaphore_mem>>)
    %dma_wait3A_2063 = arith.constant 7 : i32
    %dma_wait3A_2064 = arith.constant 0 : i32
    %dma_wait3A_2065 = tpu.memref_slice %arg6[%dma_wait3A_2063, %dma_wait3A_2064] : memref<16x32xi32, #tpu.memory_space<vmem>> -> memref<1x32xi32, #tpu.memory_space<vmem>>
    %dma_wait3A_2066 = tpu.memref_squeeze %dma_wait3A_2065 : memref<1x32xi32, #tpu.memory_space<vmem>> -> memref<32xi32, #tpu.memory_space<vmem>>
    %dma_wait3A_2067 = arith.constant 0 : i32
    %dma_wait3A_2068 = arith.constant 0 : i32
    %dma_wait3A_2069 = tpu.memref_slice %arg3[%dma_wait3A_2067, %dma_wait3A_2068] : memref<4100x1024xf32, #tpu.memory_space<hbm>> -> memref<4100x1024xf32, #tpu.memory_space<hbm>>
    tpu.wait_indirect_dma semaphore(%arg13 : memref<!tpu.dma_semaphore, #tpu.memory_space<semaphore_mem>>) src(%dma_wait3A_2069 : memref<4100x1024xf32, #tpu.memory_space<hbm>>) dst(%arg11 : memref<32x1024xf32, #tpu.memory_space<vmem>>)
    %dma_wait3A_2070 = arith.constant 0 : i32
    %dma_wait3A_2071 = tpu.memref_slice %arg4[%add3A_2034, %dma_wait3A_2070] : memref<16384x1024xf32, #tpu.memory_space<hbm>> -> memref<32x1024xf32, #tpu.memory_space<hbm>>
    %dma_wait3A_2072 = arith.constant 0 : i32
    %dma_wait3A_2073 = tpu.memref_slice %arg4[%add3A_2034, %dma_wait3A_2072] : memref<16384x1024xf32, #tpu.memory_space<hbm>> -> memref<32x1024xf32, #tpu.memory_space<hbm>>
    tpu.wait_dma2 semaphore(%arg14 : memref<!tpu.dma_semaphore, #tpu.memory_space<semaphore_mem>>) src(%arg12 : memref<32x1024xf32, #tpu.memory_space<vmem>>) dst(%dma_wait3A_2073 : memref<32x1024xf32, #tpu.memory_space<hbm>>)
    %dma_start3A_2074 = arith.constant 8 : i32
    %dma_start3A_2075 = arith.constant 0 : i32
    %dma_start3A_2076 = tpu.memref_slice %arg6[%dma_start3A_2074, %dma_start3A_2075] : memref<16x32xi32, #tpu.memory_space<vmem>> -> memref<1x32xi32, #tpu.memory_space<vmem>>
    %dma_start3A_2077 = tpu.memref_squeeze %dma_start3A_2076 : memref<1x32xi32, #tpu.memory_space<vmem>> -> memref<32xi32, #tpu.memory_space<vmem>>
    %dma_start3A_2078 = arith.constant 0 : i32
    %dma_start3A_2079 = arith.constant 0 : i32
    %dma_start3A_2080 = tpu.memref_slice %arg3[%dma_start3A_2078, %dma_start3A_2079] : memref<4100x1024xf32, #tpu.memory_space<hbm>> -> memref<4100x1024xf32, #tpu.memory_space<hbm>>
    tpu.enqueue_indirect_dma source(%dma_start3A_2080 : memref<4100x1024xf32, #tpu.memory_space<hbm>>) target(%arg12 : memref<32x1024xf32, #tpu.memory_space<vmem>>) offsets(%dma_start3A_2077 : memref<32xi32, #tpu.memory_space<vmem>>) semaphore(%arg13 : memref<!tpu.dma_semaphore, #tpu.memory_space<semaphore_mem>>)
    %add3A_2081 = arith.constant 224 : i32
    %add3A_2082 = arith.addi %mul3A_2, %add3A_2081 : i32
    %dma_start3A_2083 = arith.constant 0 : i32
    %dma_start3A_2084 = tpu.memref_slice %arg4[%add3A_2082, %dma_start3A_2083] : memref<16384x1024xf32, #tpu.memory_space<hbm>> -> memref<32x1024xf32, #tpu.memory_space<hbm>>
    %dma_start3A_2085 = arith.constant 0 : i32
    %dma_start3A_2086 = tpu.memref_slice %arg4[%add3A_2082, %dma_start3A_2085] : memref<16384x1024xf32, #tpu.memory_space<hbm>> -> memref<32x1024xf32, #tpu.memory_space<hbm>>
    tpu.enqueue_dma source(%arg11 : memref<32x1024xf32, #tpu.memory_space<vmem>>) target(%dma_start3A_2086 : memref<32x1024xf32, #tpu.memory_space<hbm>>) target_semaphore(%arg14 : memref<!tpu.dma_semaphore, #tpu.memory_space<semaphore_mem>>)
    %dma_wait3A_2087 = arith.constant 8 : i32
    %dma_wait3A_2088 = arith.constant 0 : i32
    %dma_wait3A_2089 = tpu.memref_slice %arg6[%dma_wait3A_2087, %dma_wait3A_2088] : memref<16x32xi32, #tpu.memory_space<vmem>> -> memref<1x32xi32, #tpu.memory_space<vmem>>
    %dma_wait3A_2090 = tpu.memref_squeeze %dma_wait3A_2089 : memref<1x32xi32, #tpu.memory_space<vmem>> -> memref<32xi32, #tpu.memory_space<vmem>>
    %dma_wait3A_2091 = arith.constant 0 : i32
    %dma_wait3A_2092 = arith.constant 0 : i32
    %dma_wait3A_2093 = tpu.memref_slice %arg3[%dma_wait3A_2091, %dma_wait3A_2092] : memref<4100x1024xf32, #tpu.memory_space<hbm>> -> memref<4100x1024xf32, #tpu.memory_space<hbm>>
    tpu.wait_indirect_dma semaphore(%arg13 : memref<!tpu.dma_semaphore, #tpu.memory_space<semaphore_mem>>) src(%dma_wait3A_2093 : memref<4100x1024xf32, #tpu.memory_space<hbm>>) dst(%arg12 : memref<32x1024xf32, #tpu.memory_space<vmem>>)
    %dma_wait3A_2094 = arith.constant 0 : i32
    %dma_wait3A_2095 = tpu.memref_slice %arg4[%add3A_2058, %dma_wait3A_2094] : memref<16384x1024xf32, #tpu.memory_space<hbm>> -> memref<32x1024xf32, #tpu.memory_space<hbm>>
    %dma_wait3A_2096 = arith.constant 0 : i32
    %dma_wait3A_2097 = tpu.memref_slice %arg4[%add3A_2058, %dma_wait3A_2096] : memref<16384x1024xf32, #tpu.memory_space<hbm>> -> memref<32x1024xf32, #tpu.memory_space<hbm>>
    tpu.wait_dma2 semaphore(%arg14 : memref<!tpu.dma_semaphore, #tpu.memory_space<semaphore_mem>>) src(%arg10 : memref<32x1024xf32, #tpu.memory_space<vmem>>) dst(%dma_wait3A_2097 : memref<32x1024xf32, #tpu.memory_space<hbm>>)
    %dma_start3A_2098 = arith.constant 9 : i32
    %dma_start3A_2099 = arith.constant 0 : i32
    %dma_start3A_2100 = tpu.memref_slice %arg6[%dma_start3A_2098, %dma_start3A_2099] : memref<16x32xi32, #tpu.memory_space<vmem>> -> memref<1x32xi32, #tpu.memory_space<vmem>>
    %dma_start3A_2101 = tpu.memref_squeeze %dma_start3A_2100 : memref<1x32xi32, #tpu.memory_space<vmem>> -> memref<32xi32, #tpu.memory_space<vmem>>
    %dma_start3A_2102 = arith.constant 0 : i32
    %dma_start3A_2103 = arith.constant 0 : i32
    %dma_start3A_2104 = tpu.memref_slice %arg3[%dma_start3A_2102, %dma_start3A_2103] : memref<4100x1024xf32, #tpu.memory_space<hbm>> -> memref<4100x1024xf32, #tpu.memory_space<hbm>>
    tpu.enqueue_indirect_dma source(%dma_start3A_2104 : memref<4100x1024xf32, #tpu.memory_space<hbm>>) target(%arg10 : memref<32x1024xf32, #tpu.memory_space<vmem>>) offsets(%dma_start3A_2101 : memref<32xi32, #tpu.memory_space<vmem>>) semaphore(%arg13 : memref<!tpu.dma_semaphore, #tpu.memory_space<semaphore_mem>>)
    %add3A_2105 = arith.constant 256 : i32
    %add3A_2106 = arith.addi %mul3A_2, %add3A_2105 : i32
    %dma_start3A_2107 = arith.constant 0 : i32
    %dma_start3A_2108 = tpu.memref_slice %arg4[%add3A_2106, %dma_start3A_2107] : memref<16384x1024xf32, #tpu.memory_space<hbm>> -> memref<32x1024xf32, #tpu.memory_space<hbm>>
    %dma_start3A_2109 = arith.constant 0 : i32
    %dma_start3A_2110 = tpu.memref_slice %arg4[%add3A_2106, %dma_start3A_2109] : memref<16384x1024xf32, #tpu.memory_space<hbm>> -> memref<32x1024xf32, #tpu.memory_space<hbm>>
    tpu.enqueue_dma source(%arg12 : memref<32x1024xf32, #tpu.memory_space<vmem>>) target(%dma_start3A_2110 : memref<32x1024xf32, #tpu.memory_space<hbm>>) target_semaphore(%arg14 : memref<!tpu.dma_semaphore, #tpu.memory_space<semaphore_mem>>)
    %dma_wait3A_2111 = arith.constant 9 : i32
    %dma_wait3A_2112 = arith.constant 0 : i32
    %dma_wait3A_2113 = tpu.memref_slice %arg6[%dma_wait3A_2111, %dma_wait3A_2112] : memref<16x32xi32, #tpu.memory_space<vmem>> -> memref<1x32xi32, #tpu.memory_space<vmem>>
    %dma_wait3A_2114 = tpu.memref_squeeze %dma_wait3A_2113 : memref<1x32xi32, #tpu.memory_space<vmem>> -> memref<32xi32, #tpu.memory_space<vmem>>
    %dma_wait3A_2115 = arith.constant 0 : i32
    %dma_wait3A_2116 = arith.constant 0 : i32
    %dma_wait3A_2117 = tpu.memref_slice %arg3[%dma_wait3A_2115, %dma_wait3A_2116] : memref<4100x1024xf32, #tpu.memory_space<hbm>> -> memref<4100x1024xf32, #tpu.memory_space<hbm>>
    tpu.wait_indirect_dma semaphore(%arg13 : memref<!tpu.dma_semaphore, #tpu.memory_space<semaphore_mem>>) src(%dma_wait3A_2117 : memref<4100x1024xf32, #tpu.memory_space<hbm>>) dst(%arg10 : memref<32x1024xf32, #tpu.memory_space<vmem>>)
    %dma_wait3A_2118 = arith.constant 0 : i32
    %dma_wait3A_2119 = tpu.memref_slice %arg4[%add3A_2082, %dma_wait3A_2118] : memref<16384x1024xf32, #tpu.memory_space<hbm>> -> memref<32x1024xf32, #tpu.memory_space<hbm>>
    %dma_wait3A_2120 = arith.constant 0 : i32
    %dma_wait3A_2121 = tpu.memref_slice %arg4[%add3A_2082, %dma_wait3A_2120] : memref<16384x1024xf32, #tpu.memory_space<hbm>> -> memref<32x1024xf32, #tpu.memory_space<hbm>>
    tpu.wait_dma2 semaphore(%arg14 : memref<!tpu.dma_semaphore, #tpu.memory_space<semaphore_mem>>) src(%arg11 : memref<32x1024xf32, #tpu.memory_space<vmem>>) dst(%dma_wait3A_2121 : memref<32x1024xf32, #tpu.memory_space<hbm>>)
    %dma_start3A_2122 = arith.constant 10 : i32
    %dma_start3A_2123 = arith.constant 0 : i32
    %dma_start3A_2124 = tpu.memref_slice %arg6[%dma_start3A_2122, %dma_start3A_2123] : memref<16x32xi32, #tpu.memory_space<vmem>> -> memref<1x32xi32, #tpu.memory_space<vmem>>
    %dma_start3A_2125 = tpu.memref_squeeze %dma_start3A_2124 : memref<1x32xi32, #tpu.memory_space<vmem>> -> memref<32xi32, #tpu.memory_space<vmem>>
    %dma_start3A_2126 = arith.constant 0 : i32
    %dma_start3A_2127 = arith.constant 0 : i32
    %dma_start3A_2128 = tpu.memref_slice %arg3[%dma_start3A_2126, %dma_start3A_2127] : memref<4100x1024xf32, #tpu.memory_space<hbm>> -> memref<4100x1024xf32, #tpu.memory_space<hbm>>
    tpu.enqueue_indirect_dma source(%dma_start3A_2128 : memref<4100x1024xf32, #tpu.memory_space<hbm>>) target(%arg11 : memref<32x1024xf32, #tpu.memory_space<vmem>>) offsets(%dma_start3A_2125 : memref<32xi32, #tpu.memory_space<vmem>>) semaphore(%arg13 : memref<!tpu.dma_semaphore, #tpu.memory_space<semaphore_mem>>)
    %add3A_2129 = arith.constant 288 : i32
    %add3A_2130 = arith.addi %mul3A_2, %add3A_2129 : i32
    %dma_start3A_2131 = arith.constant 0 : i32
    %dma_start3A_2132 = tpu.memref_slice %arg4[%add3A_2130, %dma_start3A_2131] : memref<16384x1024xf32, #tpu.memory_space<hbm>> -> memref<32x1024xf32, #tpu.memory_space<hbm>>
    %dma_start3A_2133 = arith.constant 0 : i32
    %dma_start3A_2134 = tpu.memref_slice %arg4[%add3A_2130, %dma_start3A_2133] : memref<16384x1024xf32, #tpu.memory_space<hbm>> -> memref<32x1024xf32, #tpu.memory_space<hbm>>
    tpu.enqueue_dma source(%arg10 : memref<32x1024xf32, #tpu.memory_space<vmem>>) target(%dma_start3A_2134 : memref<32x1024xf32, #tpu.memory_space<hbm>>) target_semaphore(%arg14 : memref<!tpu.dma_semaphore, #tpu.memory_space<semaphore_mem>>)
    %dma_wait3A_2135 = arith.constant 10 : i32
    %dma_wait3A_2136 = arith.constant 0 : i32
    %dma_wait3A_2137 = tpu.memref_slice %arg6[%dma_wait3A_2135, %dma_wait3A_2136] : memref<16x32xi32, #tpu.memory_space<vmem>> -> memref<1x32xi32, #tpu.memory_space<vmem>>
    %dma_wait3A_2138 = tpu.memref_squeeze %dma_wait3A_2137 : memref<1x32xi32, #tpu.memory_space<vmem>> -> memref<32xi32, #tpu.memory_space<vmem>>
    %dma_wait3A_2139 = arith.constant 0 : i32
    %dma_wait3A_2140 = arith.constant 0 : i32
    %dma_wait3A_2141 = tpu.memref_slice %arg3[%dma_wait3A_2139, %dma_wait3A_2140] : memref<4100x1024xf32, #tpu.memory_space<hbm>> -> memref<4100x1024xf32, #tpu.memory_space<hbm>>
    tpu.wait_indirect_dma semaphore(%arg13 : memref<!tpu.dma_semaphore, #tpu.memory_space<semaphore_mem>>) src(%dma_wait3A_2141 : memref<4100x1024xf32, #tpu.memory_space<hbm>>) dst(%arg11 : memref<32x1024xf32, #tpu.memory_space<vmem>>)
    %dma_wait3A_2142 = arith.constant 0 : i32
    %dma_wait3A_2143 = tpu.memref_slice %arg4[%add3A_2106, %dma_wait3A_2142] : memref<16384x1024xf32, #tpu.memory_space<hbm>> -> memref<32x1024xf32, #tpu.memory_space<hbm>>
    %dma_wait3A_2144 = arith.constant 0 : i32
    %dma_wait3A_2145 = tpu.memref_slice %arg4[%add3A_2106, %dma_wait3A_2144] : memref<16384x1024xf32, #tpu.memory_space<hbm>> -> memref<32x1024xf32, #tpu.memory_space<hbm>>
    tpu.wait_dma2 semaphore(%arg14 : memref<!tpu.dma_semaphore, #tpu.memory_space<semaphore_mem>>) src(%arg12 : memref<32x1024xf32, #tpu.memory_space<vmem>>) dst(%dma_wait3A_2145 : memref<32x1024xf32, #tpu.memory_space<hbm>>)
    %dma_start3A_2146 = arith.constant 11 : i32
    %dma_start3A_2147 = arith.constant 0 : i32
    %dma_start3A_2148 = tpu.memref_slice %arg6[%dma_start3A_2146, %dma_start3A_2147] : memref<16x32xi32, #tpu.memory_space<vmem>> -> memref<1x32xi32, #tpu.memory_space<vmem>>
    %dma_start3A_2149 = tpu.memref_squeeze %dma_start3A_2148 : memref<1x32xi32, #tpu.memory_space<vmem>> -> memref<32xi32, #tpu.memory_space<vmem>>
    %dma_start3A_2150 = arith.constant 0 : i32
    %dma_start3A_2151 = arith.constant 0 : i32
    %dma_start3A_2152 = tpu.memref_slice %arg3[%dma_start3A_2150, %dma_start3A_2151] : memref<4100x1024xf32, #tpu.memory_space<hbm>> -> memref<4100x1024xf32, #tpu.memory_space<hbm>>
    tpu.enqueue_indirect_dma source(%dma_start3A_2152 : memref<4100x1024xf32, #tpu.memory_space<hbm>>) target(%arg12 : memref<32x1024xf32, #tpu.memory_space<vmem>>) offsets(%dma_start3A_2149 : memref<32xi32, #tpu.memory_space<vmem>>) semaphore(%arg13 : memref<!tpu.dma_semaphore, #tpu.memory_space<semaphore_mem>>)
    %add3A_2153 = arith.constant 320 : i32
    %add3A_2154 = arith.addi %mul3A_2, %add3A_2153 : i32
    %dma_start3A_2155 = arith.constant 0 : i32
    %dma_start3A_2156 = tpu.memref_slice %arg4[%add3A_2154, %dma_start3A_2155] : memref<16384x1024xf32, #tpu.memory_space<hbm>> -> memref<32x1024xf32, #tpu.memory_space<hbm>>
    %dma_start3A_2157 = arith.constant 0 : i32
    %dma_start3A_2158 = tpu.memref_slice %arg4[%add3A_2154, %dma_start3A_2157] : memref<16384x1024xf32, #tpu.memory_space<hbm>> -> memref<32x1024xf32, #tpu.memory_space<hbm>>
    tpu.enqueue_dma source(%arg11 : memref<32x1024xf32, #tpu.memory_space<vmem>>) target(%dma_start3A_2158 : memref<32x1024xf32, #tpu.memory_space<hbm>>) target_semaphore(%arg14 : memref<!tpu.dma_semaphore, #tpu.memory_space<semaphore_mem>>)
    %dma_wait3A_2159 = arith.constant 11 : i32
    %dma_wait3A_2160 = arith.constant 0 : i32
    %dma_wait3A_2161 = tpu.memref_slice %arg6[%dma_wait3A_2159, %dma_wait3A_2160] : memref<16x32xi32, #tpu.memory_space<vmem>> -> memref<1x32xi32, #tpu.memory_space<vmem>>
    %dma_wait3A_2162 = tpu.memref_squeeze %dma_wait3A_2161 : memref<1x32xi32, #tpu.memory_space<vmem>> -> memref<32xi32, #tpu.memory_space<vmem>>
    %dma_wait3A_2163 = arith.constant 0 : i32
    %dma_wait3A_2164 = arith.constant 0 : i32
    %dma_wait3A_2165 = tpu.memref_slice %arg3[%dma_wait3A_2163, %dma_wait3A_2164] : memref<4100x1024xf32, #tpu.memory_space<hbm>> -> memref<4100x1024xf32, #tpu.memory_space<hbm>>
    tpu.wait_indirect_dma semaphore(%arg13 : memref<!tpu.dma_semaphore, #tpu.memory_space<semaphore_mem>>) src(%dma_wait3A_2165 : memref<4100x1024xf32, #tpu.memory_space<hbm>>) dst(%arg12 : memref<32x1024xf32, #tpu.memory_space<vmem>>)
    %dma_wait3A_2166 = arith.constant 0 : i32
    %dma_wait3A_2167 = tpu.memref_slice %arg4[%add3A_2130, %dma_wait3A_2166] : memref<16384x1024xf32, #tpu.memory_space<hbm>> -> memref<32x1024xf32, #tpu.memory_space<hbm>>
    %dma_wait3A_2168 = arith.constant 0 : i32
    %dma_wait3A_2169 = tpu.memref_slice %arg4[%add3A_2130, %dma_wait3A_2168] : memref<16384x1024xf32, #tpu.memory_space<hbm>> -> memref<32x1024xf32, #tpu.memory_space<hbm>>
    tpu.wait_dma2 semaphore(%arg14 : memref<!tpu.dma_semaphore, #tpu.memory_space<semaphore_mem>>) src(%arg10 : memref<32x1024xf32, #tpu.memory_space<vmem>>) dst(%dma_wait3A_2169 : memref<32x1024xf32, #tpu.memory_space<hbm>>)
    %dma_start3A_2170 = arith.constant 12 : i32
    %dma_start3A_2171 = arith.constant 0 : i32
    %dma_start3A_2172 = tpu.memref_slice %arg6[%dma_start3A_2170, %dma_start3A_2171] : memref<16x32xi32, #tpu.memory_space<vmem>> -> memref<1x32xi32, #tpu.memory_space<vmem>>
    %dma_start3A_2173 = tpu.memref_squeeze %dma_start3A_2172 : memref<1x32xi32, #tpu.memory_space<vmem>> -> memref<32xi32, #tpu.memory_space<vmem>>
    %dma_start3A_2174 = arith.constant 0 : i32
    %dma_start3A_2175 = arith.constant 0 : i32
    %dma_start3A_2176 = tpu.memref_slice %arg3[%dma_start3A_2174, %dma_start3A_2175] : memref<4100x1024xf32, #tpu.memory_space<hbm>> -> memref<4100x1024xf32, #tpu.memory_space<hbm>>
    tpu.enqueue_indirect_dma source(%dma_start3A_2176 : memref<4100x1024xf32, #tpu.memory_space<hbm>>) target(%arg10 : memref<32x1024xf32, #tpu.memory_space<vmem>>) offsets(%dma_start3A_2173 : memref<32xi32, #tpu.memory_space<vmem>>) semaphore(%arg13 : memref<!tpu.dma_semaphore, #tpu.memory_space<semaphore_mem>>)
    %add3A_2177 = arith.constant 352 : i32
    %add3A_2178 = arith.addi %mul3A_2, %add3A_2177 : i32
    %dma_start3A_2179 = arith.constant 0 : i32
    %dma_start3A_2180 = tpu.memref_slice %arg4[%add3A_2178, %dma_start3A_2179] : memref<16384x1024xf32, #tpu.memory_space<hbm>> -> memref<32x1024xf32, #tpu.memory_space<hbm>>
    %dma_start3A_2181 = arith.constant 0 : i32
    %dma_start3A_2182 = tpu.memref_slice %arg4[%add3A_2178, %dma_start3A_2181] : memref<16384x1024xf32, #tpu.memory_space<hbm>> -> memref<32x1024xf32, #tpu.memory_space<hbm>>
    tpu.enqueue_dma source(%arg12 : memref<32x1024xf32, #tpu.memory_space<vmem>>) target(%dma_start3A_2182 : memref<32x1024xf32, #tpu.memory_space<hbm>>) target_semaphore(%arg14 : memref<!tpu.dma_semaphore, #tpu.memory_space<semaphore_mem>>)
    %dma_wait3A_2183 = arith.constant 12 : i32
    %dma_wait3A_2184 = arith.constant 0 : i32
    %dma_wait3A_2185 = tpu.memref_slice %arg6[%dma_wait3A_2183, %dma_wait3A_2184] : memref<16x32xi32, #tpu.memory_space<vmem>> -> memref<1x32xi32, #tpu.memory_space<vmem>>
    %dma_wait3A_2186 = tpu.memref_squeeze %dma_wait3A_2185 : memref<1x32xi32, #tpu.memory_space<vmem>> -> memref<32xi32, #tpu.memory_space<vmem>>
    %dma_wait3A_2187 = arith.constant 0 : i32
    %dma_wait3A_2188 = arith.constant 0 : i32
    %dma_wait3A_2189 = tpu.memref_slice %arg3[%dma_wait3A_2187, %dma_wait3A_2188] : memref<4100x1024xf32, #tpu.memory_space<hbm>> -> memref<4100x1024xf32, #tpu.memory_space<hbm>>
    tpu.wait_indirect_dma semaphore(%arg13 : memref<!tpu.dma_semaphore, #tpu.memory_space<semaphore_mem>>) src(%dma_wait3A_2189 : memref<4100x1024xf32, #tpu.memory_space<hbm>>) dst(%arg10 : memref<32x1024xf32, #tpu.memory_space<vmem>>)
    %dma_wait3A_2190 = arith.constant 0 : i32
    %dma_wait3A_2191 = tpu.memref_slice %arg4[%add3A_2154, %dma_wait3A_2190] : memref<16384x1024xf32, #tpu.memory_space<hbm>> -> memref<32x1024xf32, #tpu.memory_space<hbm>>
    %dma_wait3A_2192 = arith.constant 0 : i32
    %dma_wait3A_2193 = tpu.memref_slice %arg4[%add3A_2154, %dma_wait3A_2192] : memref<16384x1024xf32, #tpu.memory_space<hbm>> -> memref<32x1024xf32, #tpu.memory_space<hbm>>
    tpu.wait_dma2 semaphore(%arg14 : memref<!tpu.dma_semaphore, #tpu.memory_space<semaphore_mem>>) src(%arg11 : memref<32x1024xf32, #tpu.memory_space<vmem>>) dst(%dma_wait3A_2193 : memref<32x1024xf32, #tpu.memory_space<hbm>>)
    %dma_start3A_2194 = arith.constant 13 : i32
    %dma_start3A_2195 = arith.constant 0 : i32
    %dma_start3A_2196 = tpu.memref_slice %arg6[%dma_start3A_2194, %dma_start3A_2195] : memref<16x32xi32, #tpu.memory_space<vmem>> -> memref<1x32xi32, #tpu.memory_space<vmem>>
    %dma_start3A_2197 = tpu.memref_squeeze %dma_start3A_2196 : memref<1x32xi32, #tpu.memory_space<vmem>> -> memref<32xi32, #tpu.memory_space<vmem>>
    %dma_start3A_2198 = arith.constant 0 : i32
    %dma_start3A_2199 = arith.constant 0 : i32
    %dma_start3A_2200 = tpu.memref_slice %arg3[%dma_start3A_2198, %dma_start3A_2199] : memref<4100x1024xf32, #tpu.memory_space<hbm>> -> memref<4100x1024xf32, #tpu.memory_space<hbm>>
    tpu.enqueue_indirect_dma source(%dma_start3A_2200 : memref<4100x1024xf32, #tpu.memory_space<hbm>>) target(%arg11 : memref<32x1024xf32, #tpu.memory_space<vmem>>) offsets(%dma_start3A_2197 : memref<32xi32, #tpu.memory_space<vmem>>) semaphore(%arg13 : memref<!tpu.dma_semaphore, #tpu.memory_space<semaphore_mem>>)
    %add3A_2201 = arith.constant 384 : i32
    %add3A_2202 = arith.addi %mul3A_2, %add3A_2201 : i32
    %dma_start3A_2203 = arith.constant 0 : i32
    %dma_start3A_2204 = tpu.memref_slice %arg4[%add3A_2202, %dma_start3A_2203] : memref<16384x1024xf32, #tpu.memory_space<hbm>> -> memref<32x1024xf32, #tpu.memory_space<hbm>>
    %dma_start3A_2205 = arith.constant 0 : i32
    %dma_start3A_2206 = tpu.memref_slice %arg4[%add3A_2202, %dma_start3A_2205] : memref<16384x1024xf32, #tpu.memory_space<hbm>> -> memref<32x1024xf32, #tpu.memory_space<hbm>>
    tpu.enqueue_dma source(%arg10 : memref<32x1024xf32, #tpu.memory_space<vmem>>) target(%dma_start3A_2206 : memref<32x1024xf32, #tpu.memory_space<hbm>>) target_semaphore(%arg14 : memref<!tpu.dma_semaphore, #tpu.memory_space<semaphore_mem>>)
    %dma_wait3A_2207 = arith.constant 13 : i32
    %dma_wait3A_2208 = arith.constant 0 : i32
    %dma_wait3A_2209 = tpu.memref_slice %arg6[%dma_wait3A_2207, %dma_wait3A_2208] : memref<16x32xi32, #tpu.memory_space<vmem>> -> memref<1x32xi32, #tpu.memory_space<vmem>>
    %dma_wait3A_2210 = tpu.memref_squeeze %dma_wait3A_2209 : memref<1x32xi32, #tpu.memory_space<vmem>> -> memref<32xi32, #tpu.memory_space<vmem>>
    %dma_wait3A_2211 = arith.constant 0 : i32
    %dma_wait3A_2212 = arith.constant 0 : i32
    %dma_wait3A_2213 = tpu.memref_slice %arg3[%dma_wait3A_2211, %dma_wait3A_2212] : memref<4100x1024xf32, #tpu.memory_space<hbm>> -> memref<4100x1024xf32, #tpu.memory_space<hbm>>
    tpu.wait_indirect_dma semaphore(%arg13 : memref<!tpu.dma_semaphore, #tpu.memory_space<semaphore_mem>>) src(%dma_wait3A_2213 : memref<4100x1024xf32, #tpu.memory_space<hbm>>) dst(%arg11 : memref<32x1024xf32, #tpu.memory_space<vmem>>)
    %dma_wait3A_2214 = arith.constant 0 : i32
    %dma_wait3A_2215 = tpu.memref_slice %arg4[%add3A_2178, %dma_wait3A_2214] : memref<16384x1024xf32, #tpu.memory_space<hbm>> -> memref<32x1024xf32, #tpu.memory_space<hbm>>
    %dma_wait3A_2216 = arith.constant 0 : i32
    %dma_wait3A_2217 = tpu.memref_slice %arg4[%add3A_2178, %dma_wait3A_2216] : memref<16384x1024xf32, #tpu.memory_space<hbm>> -> memref<32x1024xf32, #tpu.memory_space<hbm>>
    tpu.wait_dma2 semaphore(%arg14 : memref<!tpu.dma_semaphore, #tpu.memory_space<semaphore_mem>>) src(%arg12 : memref<32x1024xf32, #tpu.memory_space<vmem>>) dst(%dma_wait3A_2217 : memref<32x1024xf32, #tpu.memory_space<hbm>>)
    %dma_start3A_2218 = arith.constant 14 : i32
    %dma_start3A_2219 = arith.constant 0 : i32
    %dma_start3A_2220 = tpu.memref_slice %arg6[%dma_start3A_2218, %dma_start3A_2219] : memref<16x32xi32, #tpu.memory_space<vmem>> -> memref<1x32xi32, #tpu.memory_space<vmem>>
    %dma_start3A_2221 = tpu.memref_squeeze %dma_start3A_2220 : memref<1x32xi32, #tpu.memory_space<vmem>> -> memref<32xi32, #tpu.memory_space<vmem>>
    %dma_start3A_2222 = arith.constant 0 : i32
    %dma_start3A_2223 = arith.constant 0 : i32
    %dma_start3A_2224 = tpu.memref_slice %arg3[%dma_start3A_2222, %dma_start3A_2223] : memref<4100x1024xf32, #tpu.memory_space<hbm>> -> memref<4100x1024xf32, #tpu.memory_space<hbm>>
    tpu.enqueue_indirect_dma source(%dma_start3A_2224 : memref<4100x1024xf32, #tpu.memory_space<hbm>>) target(%arg12 : memref<32x1024xf32, #tpu.memory_space<vmem>>) offsets(%dma_start3A_2221 : memref<32xi32, #tpu.memory_space<vmem>>) semaphore(%arg13 : memref<!tpu.dma_semaphore, #tpu.memory_space<semaphore_mem>>)
    %add3A_2225 = arith.constant 416 : i32
    %add3A_2226 = arith.addi %mul3A_2, %add3A_2225 : i32
    %dma_start3A_2227 = arith.constant 0 : i32
    %dma_start3A_2228 = tpu.memref_slice %arg4[%add3A_2226, %dma_start3A_2227] : memref<16384x1024xf32, #tpu.memory_space<hbm>> -> memref<32x1024xf32, #tpu.memory_space<hbm>>
    %dma_start3A_2229 = arith.constant 0 : i32
    %dma_start3A_2230 = tpu.memref_slice %arg4[%add3A_2226, %dma_start3A_2229] : memref<16384x1024xf32, #tpu.memory_space<hbm>> -> memref<32x1024xf32, #tpu.memory_space<hbm>>
    tpu.enqueue_dma source(%arg11 : memref<32x1024xf32, #tpu.memory_space<vmem>>) target(%dma_start3A_2230 : memref<32x1024xf32, #tpu.memory_space<hbm>>) target_semaphore(%arg14 : memref<!tpu.dma_semaphore, #tpu.memory_space<semaphore_mem>>)
    %dma_wait3A_2231 = arith.constant 14 : i32
    %dma_wait3A_2232 = arith.constant 0 : i32
    %dma_wait3A_2233 = tpu.memref_slice %arg6[%dma_wait3A_2231, %dma_wait3A_2232] : memref<16x32xi32, #tpu.memory_space<vmem>> -> memref<1x32xi32, #tpu.memory_space<vmem>>
    %dma_wait3A_2234 = tpu.memref_squeeze %dma_wait3A_2233 : memref<1x32xi32, #tpu.memory_space<vmem>> -> memref<32xi32, #tpu.memory_space<vmem>>
    %dma_wait3A_2235 = arith.constant 0 : i32
    %dma_wait3A_2236 = arith.constant 0 : i32
    %dma_wait3A_2237 = tpu.memref_slice %arg3[%dma_wait3A_2235, %dma_wait3A_2236] : memref<4100x1024xf32, #tpu.memory_space<hbm>> -> memref<4100x1024xf32, #tpu.memory_space<hbm>>
    tpu.wait_indirect_dma semaphore(%arg13 : memref<!tpu.dma_semaphore, #tpu.memory_space<semaphore_mem>>) src(%dma_wait3A_2237 : memref<4100x1024xf32, #tpu.memory_space<hbm>>) dst(%arg12 : memref<32x1024xf32, #tpu.memory_space<vmem>>)
    %dma_wait3A_2238 = arith.constant 0 : i32
    %dma_wait3A_2239 = tpu.memref_slice %arg4[%add3A_2202, %dma_wait3A_2238] : memref<16384x1024xf32, #tpu.memory_space<hbm>> -> memref<32x1024xf32, #tpu.memory_space<hbm>>
    %dma_wait3A_2240 = arith.constant 0 : i32
    %dma_wait3A_2241 = tpu.memref_slice %arg4[%add3A_2202, %dma_wait3A_2240] : memref<16384x1024xf32, #tpu.memory_space<hbm>> -> memref<32x1024xf32, #tpu.memory_space<hbm>>
    tpu.wait_dma2 semaphore(%arg14 : memref<!tpu.dma_semaphore, #tpu.memory_space<semaphore_mem>>) src(%arg10 : memref<32x1024xf32, #tpu.memory_space<vmem>>) dst(%dma_wait3A_2241 : memref<32x1024xf32, #tpu.memory_space<hbm>>)
    %dma_start3A_2242 = arith.constant 15 : i32
    %dma_start3A_2243 = arith.constant 0 : i32
    %dma_start3A_2244 = tpu.memref_slice %arg6[%dma_start3A_2242, %dma_start3A_2243] : memref<16x32xi32, #tpu.memory_space<vmem>> -> memref<1x32xi32, #tpu.memory_space<vmem>>
    %dma_start3A_2245 = tpu.memref_squeeze %dma_start3A_2244 : memref<1x32xi32, #tpu.memory_space<vmem>> -> memref<32xi32, #tpu.memory_space<vmem>>
    %dma_start3A_2246 = arith.constant 0 : i32
    %dma_start3A_2247 = arith.constant 0 : i32
    %dma_start3A_2248 = tpu.memref_slice %arg3[%dma_start3A_2246, %dma_start3A_2247] : memref<4100x1024xf32, #tpu.memory_space<hbm>> -> memref<4100x1024xf32, #tpu.memory_space<hbm>>
    tpu.enqueue_indirect_dma source(%dma_start3A_2248 : memref<4100x1024xf32, #tpu.memory_space<hbm>>) target(%arg10 : memref<32x1024xf32, #tpu.memory_space<vmem>>) offsets(%dma_start3A_2245 : memref<32xi32, #tpu.memory_space<vmem>>) semaphore(%arg13 : memref<!tpu.dma_semaphore, #tpu.memory_space<semaphore_mem>>)
    %add3A_2249 = arith.constant 448 : i32
    %add3A_2250 = arith.addi %mul3A_2, %add3A_2249 : i32
    %dma_start3A_2251 = arith.constant 0 : i32
    %dma_start3A_2252 = tpu.memref_slice %arg4[%add3A_2250, %dma_start3A_2251] : memref<16384x1024xf32, #tpu.memory_space<hbm>> -> memref<32x1024xf32, #tpu.memory_space<hbm>>
    %dma_start3A_2253 = arith.constant 0 : i32
    %dma_start3A_2254 = tpu.memref_slice %arg4[%add3A_2250, %dma_start3A_2253] : memref<16384x1024xf32, #tpu.memory_space<hbm>> -> memref<32x1024xf32, #tpu.memory_space<hbm>>
    tpu.enqueue_dma source(%arg12 : memref<32x1024xf32, #tpu.memory_space<vmem>>) target(%dma_start3A_2254 : memref<32x1024xf32, #tpu.memory_space<hbm>>) target_semaphore(%arg14 : memref<!tpu.dma_semaphore, #tpu.memory_space<semaphore_mem>>)
    %dma_wait3A_2255 = arith.constant 15 : i32
    %dma_wait3A_2256 = arith.constant 0 : i32
    %dma_wait3A_2257 = tpu.memref_slice %arg6[%dma_wait3A_2255, %dma_wait3A_2256] : memref<16x32xi32, #tpu.memory_space<vmem>> -> memref<1x32xi32, #tpu.memory_space<vmem>>
    %dma_wait3A_2258 = tpu.memref_squeeze %dma_wait3A_2257 : memref<1x32xi32, #tpu.memory_space<vmem>> -> memref<32xi32, #tpu.memory_space<vmem>>
    %dma_wait3A_2259 = arith.constant 0 : i32
    %dma_wait3A_2260 = arith.constant 0 : i32
    %dma_wait3A_2261 = tpu.memref_slice %arg3[%dma_wait3A_2259, %dma_wait3A_2260] : memref<4100x1024xf32, #tpu.memory_space<hbm>> -> memref<4100x1024xf32, #tpu.memory_space<hbm>>
    tpu.wait_indirect_dma semaphore(%arg13 : memref<!tpu.dma_semaphore, #tpu.memory_space<semaphore_mem>>) src(%dma_wait3A_2261 : memref<4100x1024xf32, #tpu.memory_space<hbm>>) dst(%arg10 : memref<32x1024xf32, #tpu.memory_space<vmem>>)
    %add3A_2262 = arith.constant 480 : i32
    %add3A_2263 = arith.addi %mul3A_2, %add3A_2262 : i32
    %dma_start3A_2264 = arith.constant 0 : i32
    %dma_start3A_2265 = tpu.memref_slice %arg4[%add3A_2263, %dma_start3A_2264] : memref<16384x1024xf32, #tpu.memory_space<hbm>> -> memref<32x1024xf32, #tpu.memory_space<hbm>>
    %dma_start3A_2266 = arith.constant 0 : i32
    %dma_start3A_2267 = tpu.memref_slice %arg4[%add3A_2263, %dma_start3A_2266] : memref<16384x1024xf32, #tpu.memory_space<hbm>> -> memref<32x1024xf32, #tpu.memory_space<hbm>>
    tpu.enqueue_dma source(%arg10 : memref<32x1024xf32, #tpu.memory_space<vmem>>) target(%dma_start3A_2267 : memref<32x1024xf32, #tpu.memory_space<hbm>>) target_semaphore(%arg14 : memref<!tpu.dma_semaphore, #tpu.memory_space<semaphore_mem>>)
    %dma_wait3A_2268 = arith.constant 0 : i32
    %dma_wait3A_2269 = tpu.memref_slice %arg4[%add3A_2250, %dma_wait3A_2268] : memref<16384x1024xf32, #tpu.memory_space<hbm>> -> memref<32x1024xf32, #tpu.memory_space<hbm>>
    %dma_wait3A_2270 = arith.constant 0 : i32
    %dma_wait3A_2271 = tpu.memref_slice %arg4[%add3A_2250, %dma_wait3A_2270] : memref<16384x1024xf32, #tpu.memory_space<hbm>> -> memref<32x1024xf32, #tpu.memory_space<hbm>>
    tpu.wait_dma2 semaphore(%arg14 : memref<!tpu.dma_semaphore, #tpu.memory_space<semaphore_mem>>) src(%arg12 : memref<32x1024xf32, #tpu.memory_space<vmem>>) dst(%dma_wait3A_2271 : memref<32x1024xf32, #tpu.memory_space<hbm>>)
    %dma_wait3A_2272 = arith.constant 0 : i32
    %dma_wait3A_2273 = tpu.memref_slice %arg4[%add3A_2263, %dma_wait3A_2272] : memref<16384x1024xf32, #tpu.memory_space<hbm>> -> memref<32x1024xf32, #tpu.memory_space<hbm>>
    %dma_wait3A_2274 = arith.constant 0 : i32
    %dma_wait3A_2275 = tpu.memref_slice %arg4[%add3A_2263, %dma_wait3A_2274] : memref<16384x1024xf32, #tpu.memory_space<hbm>> -> memref<32x1024xf32, #tpu.memory_space<hbm>>
    tpu.wait_dma2 semaphore(%arg14 : memref<!tpu.dma_semaphore, #tpu.memory_space<semaphore_mem>>) src(%arg10 : memref<32x1024xf32, #tpu.memory_space<vmem>>) dst(%dma_wait3A_2275 : memref<32x1024xf32, #tpu.memory_space<hbm>>)
    return
  }
}

</mosaic_0001>

<sc_bundles>
// kernel: kernel.3.cloned.1.call-start
scs
__scs_entry_jumppad:
0x0: {  	(pc) =	sbr.rel $0x88, $3  }
0x1: {  	(tag) =	ssettag $0x0;
	lr =	simm.s32 $0x1  }
0x2: {  	[smem:$0x3F9F] =	sst lr;
	_ =	strace $0xD0000000  }
0x3: {  	_ = 	snop  }
0x4: {  	_ = 	snop  }
0x5: {  	_ = 	snop  }
0x6: {  	_ = 	snop  }
0x7: {  	_ = 	snop  }
__scs_overlays_trampoline_lowered:
0x8: {  	[smem:$0x3FAE] =	sst s0  }
0x9: {  	[smem:$0x3FAF] =	sst s1  }
0xa: {  	[smem:$0x3FB0] =	sst s2  }
0xb: {  	[smem:$0x3FB1] =	sst s3  }
0xc: {  	[smem:$0x3FB2] =	sst s4  }
0xd: {  	[smem:$0x3FB3] =	sst s5  }
0xe: {  	[smem:$0x3FB4] =	sst s6  }
0xf: {  	[smem:$0x3FB5] =	sst s7  }
0x10: {  	[smem:$0x3FB6] =	sst s8  }
0x11: {  	[smem:$0x3FB7] =	sst s9;
	s0 =	simm.s32 @!p0 $0x0  }
0x12: {  	s1 =	sld [smem:$0x3F9D];
	s0 =	simm.s32 @p0 $0x1  }
0x13: {  	[smem:$0x3FB8] =	sst s0;
	s0 =	simm.s32 @!p1 $0x0  }
0x14: {  	s2 =	sld [smem:$0x3F9C];
	s0 =	simm.s32 @p1 $0x1  }
0x15: {  	[smem:$0x3FB9] =	sst s0;
	s0 =	simm.s32 @!p2 $0x0  }
0x16: {  	s3 =	sld [smem:$0x3FDB];
	s0 =	simm.s32 @p2 $0x1  }
0x17: {  	s4 =	simm.s32 $0x1BF5;
	[smem:$0x3FBB] =	sst s0  }
0x18: {  	s0 =	sld [smem:$0x3F9E];
	_ =	swait.ge [sflag:s4], $0x0  }
0x19: {  	s7 =	sld [smem:$0x3F9F]  }
0x1a: {  	s8 =	sadd.s32 $0xFFFFE003, lr  }
0x1b: {  	s9 =	sadd.s32 $0xFFFFFEF7, lr;
	s5 =	simm.s32 $0xFFFFFFFF;
	p2 =	slt.u32 s8, $0xFFFFF086  }
0x1c: {  	p1 =	slt.u32 s9, $0xF7A;
	s5 =	simm.s32 @!p2 $0x0  }
0x1d: {  	s5 =	simm.s32 @p1 $0x1;
	p0 =	seq.s32 s7, s2  }
0x1e: {  	s7 =	smul.u32 @!p0 $0xF7A, s2;
	p2 =	seq.s32 @!p0 s5, $0x0  }
0x1f: {  	s9 =	smul.u32 $0xF7A, s1;
	s8 =	simm.s32 @!p0 $0x1BF5;
	p2 =	por !p2, p0  }
0x20: {  	[sflag:s8] =	ssyncset.s32 @!p0 $0xFFFFF086;
	s6 =	sadd.s32 @!p0 s3, s7;
	s7 =	simm.s32 @!p0 $0x108  }
0x21: {  	s3 =	sadd.s32 s3, s9;
	s6 =	sadd.s32 @!p0 $0x88, s6;
	s7 =	simm.s32 @p2 $0x1082  }
0x22: {  	[simem:s7], [sflag:s8] =	dma.local @!p0 [hbm:s6], $0xF7A  }
0x23: {  	s9 =	sor.u32 $0xD0000000, s2;
	s6 =	simm.s32 $0x108;
	_ =	swait.ge @!p0 [sflag:s8], $0x0  }
0x24: {  	s3 =	sadd.s32 $0x88, s3;
	s6 =	simm.s32 @!p1 $0x1082;
	[sflag:s4] =	ssyncset.s32 $0xFFFFF086  }
0x25: {  	[simem:s6], [sflag:s4] =	dma.local [hbm:s3], $0xF7A  }
0x26: {  	[smem:$0x3F9F] =	sst s1;
	(tag) =	ssettag s2;
	_ =	strace s9  }
0x27: {  	s1 =	sld [smem:$0x3FAF]  }
0x28: {  	s2 =	sld [smem:$0x3FB0]  }
0x29: {  	s4 =	sld [smem:$0x3FB2]  }
0x2a: {  	p0 =	seq.s32 s5, $0x0;
	s5 =	sld [smem:$0x3FB3]  }
0x2b: {  	s6 =	sld [smem:$0x3FB4]  }
0x2c: {  	s7 =	sld [smem:$0x3FB5]  }
0x2d: {  	s3 =	simm.s32 $0x108;
	s8 =	sld [smem:$0x3FB6]  }
0x2e: {  	s3 =	simm.s32 @!p0 $0x1082;
	s9 =	sld [smem:$0x3FB7]  }
0x2f: {  	lr =	sadd.s32 s0, s3;
	s0 =	sld [smem:$0x3FAE]  }
0x30: {  	s3 =	sld [smem:$0x3FB1]  }
0x31: {  	[smem:$0x3FBA] =	sst s10  }
0x32: {  	s10 =	sld [smem:$0x3FB8];
	_ =	sdelay $0x3  }
0x33: {  	p0 =	seq.s32 s10, $0x1;
	s10 =	sld [smem:$0x3FBA];
	_ =	sdelay $0x3  }
0x34: {  	[smem:$0x3FBA] =	sst s10  }
0x35: {  	s10 =	sld [smem:$0x3FB9];
	_ =	sdelay $0x3  }
0x36: {  	p1 =	seq.s32 s10, $0x1;
	s10 =	sld [smem:$0x3FBA];
	_ =	sdelay $0x3  }
0x37: {  	[smem:$0x3FBA] =	sst s10  }
0x38: {  	s10 =	sld [smem:$0x3FBB]  }
0x39: {  	_ = 	snop;
	(pc) =	sbr.ind lr, $3  }
0x3a: {  	_ = 	snop  }
0x3b: {  	_ = 	snop  }
0x3c: {  	p2 =	seq.s32 s10, $0x1;
	s10 =	sld [smem:$0x3FBA]  }
0x3d: {  	_ =	shalt  }
0x3e: {  	_ =	shalt  }
0x3f: {  	_ =	shalt  }
0x40: {  	_ =	shalt  }
0x41: {  	_ =	shalt  }
0x42: {  	_ =	shalt  }
0x43: {  	_ =	shalt  }
0x44: {  	_ =	shalt  }
0x45: {  	_ =	shalt  }
0x46: {  	_ =	shalt  }
0x47: {  	_ =	shalt  }
0x48: {  	_ =	shalt  }
0x49: {  	_ =	shalt  }
0x4a: {  	_ =	shalt  }
0x4b: {  	_ =	shalt  }
0x4c: {  	_ =	shalt  }
0x4d: {  	_ =	shalt  }
0x4e: {  	_ =	shalt  }
0x4f: {  	_ =	shalt  }
0x50: {  	_ =	shalt  }
0x51: {  	_ =	shalt  }
0x52: {  	_ =	shalt  }
0x53: {  	_ =	shalt  }
0x54: {  	_ =	shalt  }
0x55: {  	_ =	shalt  }
0x56: {  	_ =	shalt  }
0x57: {  	_ =	shalt  }
0x58: {  	_ =	shalt  }
0x59: {  	_ =	shalt  }
0x5a: {  	_ =	shalt  }
0x5b: {  	_ =	shalt  }
0x5c: {  	_ =	shalt  }
0x5d: {  	_ =	shalt  }
0x5e: {  	_ =	shalt  }
0x5f: {  	_ =	shalt  }
0x60: {  	_ =	shalt  }
0x61: {  	_ =	shalt  }
0x62: {  	_ =	shalt  }
0x63: {  	_ =	shalt  }
0x64: {  	_ =	shalt  }
0x65: {  	_ =	shalt  }
0x66: {  	_ =	shalt  }
0x67: {  	_ =	shalt  }
0x68: {  	_ =	shalt  }
0x69: {  	_ =	shalt  }
0x6a: {  	_ =	shalt  }
0x6b: {  	_ =	shalt  }
0x6c: {  	_ =	shalt  }
0x6d: {  	_ =	shalt  }
0x6e: {  	_ =	shalt  }
0x6f: {  	_ =	shalt  }
0x70: {  	_ =	shalt  }
0x71: {  	_ =	shalt  }
0x72: {  	_ =	shalt  }
0x73: {  	_ =	shalt  }
0x74: {  	_ =	shalt  }
0x75: {  	_ =	shalt  }
0x76: {  	_ =	shalt  }
0x77: {  	_ =	shalt  }
0x78: {  	_ =	shalt  }
0x79: {  	_ =	shalt  }
0x7a: {  	_ =	shalt  }
0x7b: {  	_ =	shalt  }
0x7c: {  	_ =	shalt  }
0x7d: {  	_ =	shalt  }
0x7e: {  	_ =	shalt  }
0x7f: {  	_ =	shalt  }
0x80: {  	_ =	shalt  }
0x81: {  	_ =	shalt  }
0x82: {  	_ =	shalt  }
0x83: {  	_ =	shalt  }
0x84: {  	_ =	shalt  }
0x85: {  	_ =	shalt  }
0x86: {  	_ =	shalt  }
0x87: {  	_ =	shalt  }
.Lfunc_end0:
.L_simem_size_0:
called_computation_lowered:
.L_overlay_start_0:
0x88: {  	s2 =	sld [smem:$0x3FD9]  }
0x89: {  	s3 =	sld [smem:$0x3FFE];
	_ =	sdelay $0x1  }
0x8a: {  	s1 =	srdreg.scid  }
0x8b: {  	s0 =	sand.u32 $0x1, s1  }
0x8c: {  	s17 =	sshll.u32 s0, $0xA;
	s2 =	sadd.s32 s3, s2  }
0x8d: {  	s2 =	sadd.s32 s2, s17  }
0x8e: {  	[smem:$0x3FC6] =	sst s2  }
0x8f: {  	_ = 	snop  }
0x90: {  	s2 =	sld [smem:$0x3FC8]  }
0x91: {  	s18 =	sld [smem:$0x3FD0];
	(tm) =	ssettm $0x1  }
0x92: {  	s4 =	sld [smem:$0x3FFB];
	_ =	sdelay $0x3  }
0x93: {  	_ =	strace s4  }
0x94: {  	s4 =	sld [smem:$0x3FFC];
	_ =	sdelay $0x3  }
0x95: {  	_ =	strace s4  }
0x96: {  	s4 =	sld [smem:$0x3FFD];
	_ =	sdelay $0x3  }
0x97: {  	_ =	strace s4  }
0x98: {  	_ =	strace $0x8FFFFFFF  }
0x99: {  	s19 =	sld [smem:$0x3FDB];
	_ =	sdelay $0x1  }
0x9a: {  	s5 =	simm.s32 $_scs_section_size  }
0x9b: {  	s6 =	simm.s32 $_size__tile_overlayer_lowered;
	s7 =	simm.s32 $_tile_overlayer_lowered  }
0x9c: {  	s22 =	simm.s32 $0x1BFF;
	s21 =	sshll.u32 s7, $0x1;
	s4 =	sadd.s32 s5, s19  }
0x9d: {  	s8 =	simm.s32 $0x0;
	s20 =	sshll.u32 s6, $0x1;
	s6 =	sadd.s32 s21, s4  }
0x9e: {  	[timem:s8], [sflag:s22] =	dma.local [hbm:s6], s20  }
0x9f: {  	_ =	swait.ge [sflag:s22], s20  }
0xa0: {  	s5 =	ssub.s32 $0x0, s20;
	[sflag:s22] =	ssyncset.done $0x0  }
0xa1: {  	[sflag:s22] =	ssyncadd.s32 s5;
	_ =	sdelay $0x1  }
0xa2: {  	s23 =	simm.s32 $0x1B8B  }
0xa3: {  	_ =	swait.ge [sflag:s23], $0x1  }
0xa4: {  	[sflag:s23] =	ssyncset.done $0x0  }
0xa5: {  	s25 =	simm.s32 $0x1B8E;
	s24 =	sld [smem:$0x3FFE];
	[sflag:s23] =	ssyncadd.s32 $0xFFFFFFFF  }
0xa6: {  	s26 =	simm.s32 $execute0_lowered;
	[smem:$0x3FD2] =	sst s25  }
0xa7: {  	s6 =	sshll.u32 s26, $0x1;
	_ =	strace $0x80000046;
	[dreg:$0x1] =	wrdreg $0xFFFFFFFF  }
0xa8: {  	s28 =	simm.s32 $_size_execute0_lowered;
	s4 =	sadd.s32 s4, s6;
	[dreg:$0x0] =	wrdreg $0x0  }
0xa9: {  	s6 =	sshll.u32 s28, $0x1;
	[dreg:$0x2] =	wrdreg s4  }
0xaa: {  	[dreg:$0x3] =	wrdreg s6  }
0xab: {  	[dreg:$0x4] =	wrdreg $0xC0  }
0xac: {  	_ =	task [dreg:s8], $0x5FFFF  }
0xad: {  	[dreg:$0x1] =	wrdreg $0xFFFFFFFF  }
0xae: {  	[dreg:$0x0] =	wrdreg $0x60  }
0xaf: {  	[dreg:$0x2] =	wrdreg s24  }
0xb0: {  	[dreg:$0x3] =	wrdreg s2  }
0xb1: {  	[dreg:$0x4] =	wrdreg s18  }
0xb2: {  	[dreg:$0x5] =	wrdreg $0x12800  }
0xb3: {  	[dreg:$0x6] =	wrdreg $0x9  }
0xb4: {  	_ =	task.clear_ibuf [dreg:s8], $0x7FFFF;
	_ =	strace $0x90000046  }
0xb5: {  	s29 =	simm.s32 $0x9;
	_ =	strace $0x80000048  }
0xb6: {  	_ =	swait.ge [sflag:s29], $0x1  }
0xb7: {  	[sflag:s29] =	ssyncadd.s32 $0xFFFFFFFF  }
0xb8: {  	_ =	strace $0x90000048  }
0xb9: {  	_ =	sfence  }
0xba: {  	s30 =	sld [smem:$0x0];
	_ =	sdelay $0x2  }
0xbb: {  	s31 =	sshll.u32 s1, $0xD;
	s1 =	sshrl.u32 s1, $0x2  }
0xbc: {  	s3 =	sand.u32 $0x4000, s31;
	s1 =	sadd.s32 s1, s30  }
0xbd: {  	s0 =	sor.u32 s3, s0;
	s1 =	sshll.u32 s1, $0x11  }
0xbe: {  	s0 =	sor.u32 s1, s0  }
0xbf: {  	s0 =	sadd.s32 $0x8F2B, s0  }
0xc0: {  	[sflag:s0] =	ssyncadd.remote.s32 $0x1  }
0xc1: {  	_ =	sfence.sel $0xFFFF  }
0xc2: {  	[dreg:$0x0] =	wrdreg $0xFFFFFFFF;
	(pc) =	sbr.abs _section_cstart, $3  }
0xc3: {  	[dreg:$0x1] =	wrdreg $0xFFFFFFFF  }
0xc4: {  	_ =	task.clear_ibuf [dreg:s8], $0x2FFFF;
	_ =	strace $0x9FFFFFFF  }
0xc5: {  	(tm) =	ssettm $0x7FFFFFFF  }
tec
execute0_lowered:
.L_overlay_start_1:
0x0: {  	(tag) =	ssettag $0x1  }
0x1: {  	s3 =	rddreg [dreg:$0x0]  }
0x2: {  	s1 =	rddreg [dreg:$0x1]  }
0x3: {  	s5 =	rddreg [dreg:$0x2]  }
0x4: {  	s11 =	rddreg [dreg:$0x3];
	s4 =	simm.s32 $0x0;
	s0 =	srdreg.scid  }
0x5: {  	s12 =	stileid.u32;
	[smem:$0x7FF] =	sst s4;
	s0 =	sand.u32 $0x1, s0  }
0x6: {  	s6 =	sshll.u32 s12, $0x9;
	p0 =	seq.s32 s12, $0x0;
	_ =	strace $0x80000047  }
0x7: {  	s2 =	sshll.u32 s0, $0xD;
	s8 =	ssub.s32 $0x2, s0;
	s0 =	sshrl.u32 s12, $0x3  }
0x8: {  	s23 =	sshrl.u32 s6, $0x2;
	s7 =	sor.u32 s6, s2;
	s10 =	sshrl.u32 s8, $0x1  }
0x9: {  	s2 =	sxor.u32 $0x1, s0;
	s18 =	smov.u32 s0;
	s19 =	smov.u32 s0  }
0xa: {  	s20 =	smov.u32 s0;
	s31 =	smov.u32 s0;
	s9 =	sshrl.u32 s7, $0x3  }
0xb: {  	s10 =	ssub.s32 s8, s10;
	s13 =	smov.u32 s2;
	s24 =	sshll.u32 s7, $0x7  }
0xc: {  	s14 =	smov.u32 s2;
	s3 =	sadd.s32 s9, s3;
	s8 =	sadd.s32 s5, s24  }
0xd: {  	s15 =	smov.u32 s2;
	s3 =	sadd.s32 $0x400, s3;
	[dreg:$0x18] =	wrdreg s8  }
0xe: {  	s16 =	smov.u32 s2;
	s5 =	sadd.s32 $0x1000, s8;
	[dreg:$0x5] =	wrdreg s3  }
0xf: {  	s17 =	smov.u32 s2;
	s25 =	sadd.s32 $0x2000, s8;
	[dreg:$0x7] =	wrdreg s5  }
0x10: {  	s13 =	simm.s32 @p0 $0x0;
	s26 =	sadd.s32 $0x3000, s8;
	[dreg:$0x8] =	wrdreg s25  }
0x11: {  	p0 =	sgt.u32 s12, $0x1;
	s28 =	sadd.s32 $0x4000, s8;
	[dreg:$0x9] =	wrdreg s26  }
0x12: {  	s10 =	smax.u32 s10, $0x1;
	s29 =	sadd.s32 $0x5000, s8;
	[dreg:$0xa] =	wrdreg s28  }
0x13: {  	s14 =	simm.s32 @!p0 $0x0;
	s30 =	sadd.s32 $0x6000, s8;
	[dreg:$0xb] =	wrdreg s29  }
0x14: {  	p0 =	sgt.u32 s12, $0x2;
	s6 =	sadd.s32 $0x7000, s8;
	[dreg:$0xc] =	wrdreg s30  }
0x15: {  	s7 =	sadd.s32 $0x8000, s8;
	s9 =	sadd.s32 $0x9000, s8;
	[dreg:$0xd] =	wrdreg s6  }
0x16: {  	s21 =	sadd.s32 $0xA000, s8;
	s22 =	sadd.s32 $0xB000, s8;
	[dreg:$0xe] =	wrdreg s7  }
0x17: {  	s24 =	sadd.s32 $0xD000, s8;
	s15 =	simm.s32 @!p0 $0x0;
	[dreg:$0xf] =	wrdreg s9  }
0x18: {  	v0 =	vmov s13;
	p0 =	sgt.u32 s12, $0x3;
	s3 =	sadd.s32 s23, s11;
	[dreg:$0x10] =	wrdreg s21  }
0x19: {  	s11 =	smov.u32 s2;
	s30 =	smov.u32 s0;
	[dreg:$0x11] =	wrdreg s22;
	[tilespmem:$0x1FF10] =	vst v0;
	v49 =	vmov s14  }
0x1a: {  	s16 =	simm.s32 @!p0 $0x0;
	p0 =	sgt.u32 s12, $0x4;
	[dreg:$0x6] =	wrdreg s3;
	[tilespmem:$0x1FF20] =	vst v49;
	v50 =	vmov s15  }
0x1b: {  	s3 =	smov.u32 s2;
	s11 =	simm.s32 @!p0 $0x0;
	p0 =	sgt.u32 s12, $0x5;
	[tilespmem:$0x1FF30] =	vst v50;
	v51 =	vmov s16  }
0x1c: {  	s23 =	sadd.s32 $0xC000, s8;
	s3 =	simm.s32 @!p0 $0x0;
	p0 =	sgt.u32 s12, $0x6;
	[tilespmem:$0x1FF40] =	vst v51;
	v52 =	vmov s11  }
0x1d: {  	s6 =	simm.s32 $0x1;
	s17 =	simm.s32 @!p0 $0x0;
	p0 =	sgt.u32 s12, $0x7;
	[tilespmem:$0x1FF50] =	vst v52;
	v53 =	vmov s3  }
0x1e: {  	[dreg:$0x13] =	wrdreg s24;
	s2 =	simm.s32 @!p0 $0x0;
	p0 =	sgt.u32 s12, $0x8;
	[tilespmem:$0x1FF60] =	vst v53;
	v54 =	vmov s17  }
0x1f: {  	s25 =	sadd.s32 $0xE000, s8;
	s18 =	simm.s32 @!p0 $0x0;
	p0 =	sgt.u32 s12, $0x9;
	[tilespmem:$0x1FF70] =	vst v54;
	v55 =	vmov s2  }
0x20: {  	s5 =	simm.s32 $0x1;
	s19 =	simm.s32 @!p0 $0x0;
	p0 =	sgt.u32 s12, $0xA;
	[tilespmem:$0x1FF80] =	vst v55;
	v56 =	vmov s18  }
0x21: {  	s26 =	sadd.s32 $0xF000, s8;
	s20 =	simm.s32 @!p0 $0x0;
	p0 =	sgt.u32 s12, $0xB;
	[tilespmem:$0x1FF90] =	vst v56;
	v57 =	vmov s19  }
0x22: {  	s28 =	simm.s32 $0xA00;
	s31 =	simm.s32 @!p0 $0x0;
	p0 =	sgt.u32 s12, $0xC;
	[tilespmem:$0x1FFA0] =	vst v57;
	v58 =	vmov s20  }
0x23: {  	[dreg:$0x12] =	wrdreg s23;
	s30 =	simm.s32 @!p0 $0x0;
	p0 =	sgt.u32 s12, $0xD;
	[tilespmem:$0x1FFB0] =	vst v58;
	v59 =	vmov s31  }
0x24: {  	[dreg:$0x14] =	wrdreg s25;
	s0 =	simm.s32 @!p0 $0x0;
	p0 =	seq.s32 s12, $0xF;
	[tilespmem:$0x1FFC0] =	vst v59;
	v60 =	vmov s30  }
0x25: {  	v62 =	vlaneseq.u32;
	s7 =	sadd.s32 $0x100, s1;
	[dreg:$0x15] =	wrdreg s26;
	s5 =	simm.s32 @!p0 $0x0;
	[tilespmem:$0x1FFD0] =	vst v60;
	v61 =	vmov s0  }
0x26: {  	vm0 =	vmmov $0xffff;
	v63 =	vshrl.u32 v62, $0x3;
	s29 =	simm.s32 $0xA80;
	s8 =	sadd.s32 $0x200, s1;
	[dreg:$0x16] =	wrdreg s28;
	[tilespmem:$0x1FFE0] =	vst v61;
	v1 =	vmov s5  }
0x27: {  	v15 =	vand.u32 $0x7, v62;
	v17 =	vor.u32 $0x8, v62;
	v16 =	vmul.u32 $0x8, v63;
	s9 =	sadd.s32 $0x300, s1;
	[dreg:$0x17] =	wrdreg s29;
	s2 =	simm.s32 $0x2;
	[tilespmem:$0x1FFF0] =	vst v1  }
.LBB2_1:
0x28: {  	[dreg:$0x19] =	wrdreg s10  }
0x29: {  	s5 =	rddreg [dreg:$0x5];
	s11 =	simm.s32 $0x3  }
0x2a: {  	[tilespmem:s4], [sflag:$0x3] =	stream.linear.gather [hbm4b:s5+s4], $0x200, $0x38;
	[tilespmem:$0x19290] =	vst v63  }
0x2b: {  	_ =	swait.ge [sflag:s11], $0x200  }
0x2c: {  	[sflag:s11] =	ssyncset.done $0x0  }
0x2d: {  	[sflag:s11] =	ssyncadd.s32 $0xFFFFFE00  }
0x2e: {  	v0 =	vld [tilespmem:$0x0];
	_ =	sdelay $0x4  }
0x2f: {  	v0 =	vadd.s32 $0xFFFFFFFF, v0  }
0x30: {  	v1 =	vsub.s32 $0x0, v0  }
0x31: {  	v0 =	vmin.u32 v0, v1  }
0x32: {  	vm1 =	vlt.s32 v0, $0x1  }
0x33: {  	v33 =	vld [tilespmem:$0x10];
	v1 =	vnsel vm1, $0x1, v0  }
0x34: {  	(xrf0) =	vadd.scan.msk.s32 $0xffff, v1;
	_ =	sdelay $0x3  }
0x35: {  	v0 =	vadd.s32 $0xFFFFFFFF, v33  }
0x36: {  	v34 =	vsub.s32 $0x0, v0  }
0x37: {  	v0 =	vmin.u32 v0, v34;
	v2, _, _ =	vpop (xrf0)  }
0x38: {  	vm1 =	vlt.s32 v0, $0x1;
	v35 =	vxor.u32 $0x80000000, v2  }
0x39: {  	v37 =	vld [tilespmem:$0x20];
	v36 =	vnsel vm1, $0x1, v0;
	(xrf0) =	vmax.scan.msk.u32 $0xffff, v35  }
0x3a: {  	(xrf0) =	vadd.scan.msk.s32 $0xffff, v36;
	_ =	sdelay $0x3  }
0x3b: {  	v0 =	vadd.s32 $0xFFFFFFFF, v37  }
0x3c: {  	v39 =	vsub.s32 $0x0, v0;
	v38, _, _ =	vpop (xrf0)  }
0x3d: {  	v0 =	vmin.u32 v0, v39;
	v25, _, _ =	vpop (xrf0)  }
0x3e: {  	vm1 =	vlt.s32 v0, $0x1;
	v40 =	vxor.u32 $0x80000000, v25  }
0x3f: {  	v42 =	vld [tilespmem:$0x30];
	v41 =	vnsel vm1, $0x1, v0;
	(xrf0) =	vmax.scan.msk.u32 $0xffff, v40  }
0x40: {  	(xrf0) =	vadd.scan.msk.s32 $0xffff, v41;
	_ =	sdelay $0x3  }
0x41: {  	v0 =	vadd.s32 $0xFFFFFFFF, v42  }
0x42: {  	v44 =	vsub.s32 $0x0, v0;
	v43, _, _ =	vpop (xrf0)  }
0x43: {  	v0 =	vmin.u32 v0, v44;
	v28, _, _ =	vpop (xrf0)  }
0x44: {  	vm1 =	vlt.s32 v0, $0x1;
	v45 =	vxor.u32 $0x80000000, v28  }
0x45: {  	v47 =	vld [tilespmem:$0x40];
	v46 =	vnsel vm1, $0x1, v0;
	(xrf0) =	vmax.scan.msk.u32 $0xffff, v45  }
0x46: {  	(xrf0) =	vadd.scan.msk.s32 $0xffff, v46;
	_ =	sdelay $0x3  }
0x47: {  	v0 =	vadd.s32 $0xFFFFFFFF, v47  }
0x48: {  	v49 =	vsub.s32 $0x0, v0;
	v48, _, _ =	vpop (xrf0)  }
0x49: {  	v0 =	vmin.u32 v0, v49;
	v30, _, _ =	vpop (xrf0)  }
0x4a: {  	vm1 =	vlt.s32 v0, $0x1;
	v50 =	vxor.u32 $0x80000000, v30  }
0x4b: {  	v52 =	vld [tilespmem:$0x50];
	v51 =	vnsel vm1, $0x1, v0;
	(xrf0) =	vmax.scan.msk.u32 $0xffff, v50  }
0x4c: {  	(xrf0) =	vadd.scan.msk.s32 $0xffff, v51;
	_ =	sdelay $0x3  }
0x4d: {  	v0 =	vadd.s32 $0xFFFFFFFF, v52  }
0x4e: {  	v53 =	vsub.s32 $0x0, v0;
	v23, _, _ =	vpop (xrf0)  }
0x4f: {  	v0 =	vmin.u32 v0, v53;
	v34, _, _ =	vpop (xrf0)  }
0x50: {  	vm1 =	vlt.s32 v0, $0x1;
	v54 =	vxor.u32 $0x80000000, v34  }
0x51: {  	v56 =	vld [tilespmem:$0x60];
	v55 =	vnsel vm1, $0x1, v0;
	(xrf0) =	vmax.scan.msk.u32 $0xffff, v54  }
0x52: {  	(xrf0) =	vadd.scan.msk.s32 $0xffff, v55;
	_ =	sdelay $0x3  }
0x53: {  	v0 =	vadd.s32 $0xFFFFFFFF, v56  }
0x54: {  	v57 =	vsub.s32 $0x0, v0;
	v18, _, _ =	vpop (xrf0)  }
0x55: {  	[tilespmem:$0x1FEC0] =	vst v36;
	v0 =	vmin.u32 v0, v57;
	v36, _, _ =	vpop (xrf0)  }
0x56: {  	vm1 =	vlt.s32 v0, $0x1;
	v58 =	vxor.u32 $0x80000000, v36  }
0x57: {  	v59 =	vld [tilespmem:$0x70];
	v26 =	vnsel vm1, $0x1, v0;
	(xrf0) =	vmax.scan.msk.u32 $0xffff, v58  }
0x58: {  	(xrf0) =	vadd.scan.msk.s32 $0xffff, v26;
	_ =	sdelay $0x3  }
0x59: {  	v0 =	vadd.s32 $0xFFFFFFFF, v59  }
0x5a: {  	v60 =	vsub.s32 $0x0, v0;
	v22, _, _ =	vpop (xrf0)  }
0x5b: {  	[tilespmem:$0x1FE70] =	vst v38;
	v0 =	vmin.u32 v0, v60;
	v38, _, _ =	vpop (xrf0)  }
0x5c: {  	vm1 =	vlt.s32 v0, $0x1;
	v61 =	vxor.u32 $0x80000000, v38  }
0x5d: {  	v62 =	vld [tilespmem:$0x80];
	v27 =	vnsel vm1, $0x1, v0;
	(xrf0) =	vmax.scan.msk.u32 $0xffff, v61  }
0x5e: {  	(xrf0) =	vadd.scan.msk.s32 $0xffff, v27;
	_ =	sdelay $0x3  }
0x5f: {  	v0 =	vadd.s32 $0xFFFFFFFF, v62  }
0x60: {  	v63 =	vsub.s32 $0x0, v0;
	v21, _, _ =	vpop (xrf0)  }
0x61: {  	v0 =	vmin.u32 v0, v63;
	v40, _, _ =	vpop (xrf0)  }
0x62: {  	vm1 =	vlt.s32 v0, $0x1;
	v4 =	vxor.u32 $0x80000000, v40  }
0x63: {  	v5 =	vld [tilespmem:$0x90];
	v29 =	vnsel vm1, $0x1, v0;
	(xrf0) =	vmax.scan.msk.u32 $0xffff, v4  }
0x64: {  	(xrf0) =	vadd.scan.msk.s32 $0xffff, v29;
	_ =	sdelay $0x3  }
0x65: {  	v0 =	vadd.s32 $0xFFFFFFFF, v5  }
0x66: {  	v6 =	vsub.s32 $0x0, v0;
	v20, _, _ =	vpop (xrf0)  }
0x67: {  	v0 =	vmin.u32 v0, v6;
	v45, _, _ =	vpop (xrf0)  }
0x68: {  	vm1 =	vlt.s32 v0, $0x1;
	v7 =	vxor.u32 $0x80000000, v45  }
0x69: {  	v8 =	vld [tilespmem:$0xA0];
	v31 =	vnsel vm1, $0x1, v0;
	(xrf0) =	vmax.scan.msk.u32 $0xffff, v7  }
0x6a: {  	(xrf0) =	vadd.scan.msk.s32 $0xffff, v31;
	_ =	sdelay $0x3  }
0x6b: {  	v0 =	vadd.s32 $0xFFFFFFFF, v8  }
0x6c: {  	v9 =	vsub.s32 $0x0, v0;
	v19, _, _ =	vpop (xrf0)  }
0x6d: {  	[tilespmem:$0x1FE90] =	vst v48;
	v0 =	vmin.u32 v0, v9;
	v48, _, _ =	vpop (xrf0)  }
0x6e: {  	vm1 =	vlt.s32 v0, $0x1;
	v10 =	vxor.u32 $0x80000000, v48  }
0x6f: {  	v11 =	vld [tilespmem:$0xB0];
	v32 =	vnsel vm1, $0x1, v0;
	(xrf0) =	vmax.scan.msk.u32 $0xffff, v10  }
0x70: {  	(xrf0) =	vadd.scan.msk.s32 $0xffff, v32;
	_ =	sdelay $0x3  }
0x71: {  	v0 =	vadd.s32 $0xFFFFFFFF, v11  }
0x72: {  	v24 =	vsub.s32 $0x0, v0;
	v6, _, _ =	vpop (xrf0)  }
0x73: {  	[tilespmem:$0x1FF00] =	vst v55;
	v0 =	vmin.u32 v0, v24;
	v55, _, _ =	vpop (xrf0)  }
0x74: {  	vm1 =	vlt.s32 v0, $0x1;
	v33 =	vxor.u32 $0x80000000, v55  }
0x75: {  	v35 =	vld [tilespmem:$0xC0];
	(xrf0) =	vmax.scan.msk.u32 $0xffff, v33;
	v33 =	vnsel vm1, $0x1, v0  }
0x76: {  	(xrf0) =	vadd.scan.msk.s32 $0xffff, v33;
	_ =	sdelay $0x3  }
0x77: {  	v0 =	vadd.s32 $0xFFFFFFFF, v35  }
0x78: {  	v37 =	vsub.s32 $0x0, v0;
	v11, _, _ =	vpop (xrf0)  }
0x79: {  	[tilespmem:$0x1FEF0] =	vst v51;
	v0 =	vmin.u32 v0, v37;
	v51, _, _ =	vpop (xrf0)  }
0x7a: {  	vm1 =	vlt.s32 v0, $0x1;
	v39 =	vxor.u32 $0x80000000, v51  }
0x7b: {  	[tilespmem:$0x1FED0] =	vst v41;
	v41 =	vld [tilespmem:$0xD0];
	v35 =	vnsel vm1, $0x1, v0;
	(xrf0) =	vmax.scan.msk.u32 $0xffff, v39  }
0x7c: {  	(xrf0) =	vadd.scan.msk.s32 $0xffff, v35;
	_ =	sdelay $0x3  }
0x7d: {  	v0 =	vadd.s32 $0xFFFFFFFF, v41  }
0x7e: {  	v42 =	vsub.s32 $0x0, v0;
	v12, _, _ =	vpop (xrf0)  }
0x7f: {  	v0 =	vmin.u32 v0, v42;
	v52, _, _ =	vpop (xrf0)  }
0x80: {  	[tilespmem:$0x1FE80] =	vst v43;
	vm1 =	vlt.s32 v0, $0x1;
	v43 =	vxor.u32 $0x80000000, v52  }
0x81: {  	v44 =	vld [tilespmem:$0xE0];
	v37 =	vnsel vm1, $0x1, v0;
	(xrf0) =	vmax.scan.msk.u32 $0xffff, v43  }
0x82: {  	(xrf0) =	vadd.scan.msk.s32 $0xffff, v37;
	_ =	sdelay $0x3  }
0x83: {  	v0 =	vadd.s32 $0xFFFFFFFF, v44  }
0x84: {  	[tilespmem:$0x1FEE0] =	vst v46;
	v46 =	vsub.s32 $0x0, v0;
	v13, _, _ =	vpop (xrf0)  }
0x85: {  	v0 =	vmin.u32 v0, v46;
	v53, _, _ =	vpop (xrf0)  }
0x86: {  	vm1 =	vlt.s32 v0, $0x1;
	v47 =	vxor.u32 $0x80000000, v53  }
0x87: {  	v49 =	vld [tilespmem:$0xF0];
	v39 =	vnsel vm1, $0x1, v0;
	(xrf0) =	vmax.scan.msk.u32 $0xffff, v47  }
0x88: {  	(xrf0) =	vadd.scan.msk.s32 $0xffff, v39;
	_ =	sdelay $0x3  }
0x89: {  	v0 =	vadd.s32 $0xFFFFFFFF, v49  }
0x8a: {  	v50 =	vsub.s32 $0x0, v0;
	v14, _, _ =	vpop (xrf0)  }
0x8b: {  	v0 =	vmin.u32 v0, v50;
	v54, _, _ =	vpop (xrf0)  }
0x8c: {  	vm1 =	vlt.s32 v0, $0x1;
	v57 =	vxor.u32 $0x80000000, v54  }
0x8d: {  	v58 =	vld [tilespmem:$0x100];
	v43 =	vnsel vm1, $0x1, v0;
	(xrf0) =	vmax.scan.msk.u32 $0xffff, v57  }
0x8e: {  	(xrf0) =	vadd.scan.msk.s32 $0xffff, v43;
	_ =	sdelay $0x3  }
0x8f: {  	v0 =	vadd.s32 $0xFFFFFFFF, v58  }
0x90: {  	v59 =	vsub.s32 $0x0, v0;
	v5, _, _ =	vpop (xrf0)  }
0x91: {  	v0 =	vmin.u32 v0, v59;
	v49, _, _ =	vpop (xrf0)  }
0x92: {  	vm1 =	vlt.s32 v0, $0x1;
	v60 =	vxor.u32 $0x80000000, v49  }
0x93: {  	v61 =	vld [tilespmem:$0x110];
	v41 =	vnsel vm1, $0x1, v0;
	(xrf0) =	vmax.scan.msk.u32 $0xffff, v60  }
0x94: {  	(xrf0) =	vadd.scan.msk.s32 $0xffff, v41;
	_ =	sdelay $0x3  }
0x95: {  	v0 =	vadd.s32 $0xFFFFFFFF, v61  }
0x96: {  	v62 =	vsub.s32 $0x0, v0;
	v9, _, _ =	vpop (xrf0)  }
0x97: {  	v0 =	vmin.u32 v0, v62;
	v50, _, _ =	vpop (xrf0)  }
0x98: {  	vm1 =	vlt.s32 v0, $0x1;
	v63 =	vxor.u32 $0x80000000, v50  }
0x99: {  	v4 =	vld [tilespmem:$0x120];
	v42 =	vnsel vm1, $0x1, v0;
	(xrf0) =	vmax.scan.msk.u32 $0xffff, v63  }
0x9a: {  	(xrf0) =	vadd.scan.msk.s32 $0xffff, v42;
	_ =	sdelay $0x3  }
0x9b: {  	v0 =	vadd.s32 $0xFFFFFFFF, v4  }
0x9c: {  	v10 =	vsub.s32 $0x0, v0;
	v8, _, _ =	vpop (xrf0)  }
0x9d: {  	v0 =	vmin.u32 v0, v10;
	v57, _, _ =	vpop (xrf0)  }
0x9e: {  	vm1 =	vlt.s32 v0, $0x1;
	v7 =	vxor.u32 $0x80000000, v57  }
0x9f: {  	v10 =	vld [tilespmem:$0x130];
	v44 =	vnsel vm1, $0x1, v0;
	(xrf0) =	vmax.scan.msk.u32 $0xffff, v7  }
0xa0: {  	(xrf0) =	vadd.scan.msk.s32 $0xffff, v44;
	_ =	sdelay $0x3  }
0xa1: {  	v24 =	vadd.s32 $0xFFFFFFFF, v10  }
0xa2: {  	v46 =	vsub.s32 $0x0, v24;
	v7, _, _ =	vpop (xrf0)  }
0xa3: {  	v10 =	vmin.u32 v24, v46;
	v56, _, _ =	vpop (xrf0)  }
0xa4: {  	vm1 =	vlt.s32 v10, $0x1;
	v58 =	vxor.u32 $0x80000000, v56  }
0xa5: {  	v59 =	vld [tilespmem:$0x140];
	v46 =	vnsel vm1, $0x1, v10;
	(xrf0) =	vmax.scan.msk.u32 $0xffff, v58  }
0xa6: {  	(xrf0) =	vadd.scan.msk.s32 $0xffff, v46;
	_ =	sdelay $0x3  }
0xa7: {  	v10 =	vadd.s32 $0xFFFFFFFF, v59  }
0xa8: {  	v47 =	vsub.s32 $0x0, v10;
	v4, _, _ =	vpop (xrf0)  }
0xa9: {  	v10 =	vmin.u32 v10, v47;
	v59, _, _ =	vpop (xrf0)  }
0xaa: {  	vm1 =	vlt.s32 v10, $0x1;
	v60 =	vxor.u32 $0x80000000, v59  }
0xab: {  	v61 =	vld [tilespmem:$0x150];
	v47 =	vnsel vm1, $0x1, v10;
	(xrf0) =	vmax.scan.msk.u32 $0xffff, v60  }
0xac: {  	(xrf0) =	vadd.scan.msk.s32 $0xffff, v47;
	_ =	sdelay $0x3  }
0xad: {  	v10 =	vadd.s32 $0xFFFFFFFF, v61  }
0xae: {  	v58 =	vsub.s32 $0x0, v10;
	v3, _, _ =	vpop (xrf0)  }
0xaf: {  	v10 =	vmin.u32 v10, v58;
	v61, _, _ =	vpop (xrf0)  }
0xb0: {  	vm1 =	vlt.s32 v10, $0x1;
	v62 =	vxor.u32 $0x80000000, v61  }
0xb1: {  	v63 =	vld [tilespmem:$0x160];
	v58 =	vnsel vm1, $0x1, v10;
	(xrf0) =	vmax.scan.msk.u32 $0xffff, v62  }
0xb2: {  	(xrf0) =	vadd.scan.msk.s32 $0xffff, v58;
	_ =	sdelay $0x3  }
0xb3: {  	v24 =	vld [tilespmem:$0x1FE70];
	v10 =	vadd.s32 $0xFFFFFFFF, v63  }
0xb4: {  	[tilespmem:$0x1FEB0] =	vst v2;
	v60 =	vsub.s32 $0x0, v10;
	v2, _, _ =	vpop (xrf0)  }
0xb5: {  	v10 =	vmin.u32 v10, v60;
	v63, _, _ =	vpop (xrf0)  }
0xb6: {  	[tilespmem:$0x1FEA0] =	vst v1;
	v1 =	vld [tilespmem:$0x170];
	vm1 =	vlt.s32 v10, $0x1;
	v0 =	vxor.u32 $0x80000000, v63  }
0xb7: {  	v60 =	vnsel vm1, $0x1, v10;
	(xrf0) =	vmax.scan.msk.u32 $0xffff, v0  }
0xb8: {  	(v2sf) =	vpush v24, $0xF;
	v24 =	vld [tilespmem:$0x1FE80];
	(xrf0) =	vadd.scan.msk.s32 $0xffff, v60;
	_ =	sdelay $0x2  }
0xb9: {  	v10 =	vadd.s32 $0xFFFFFFFF, v1;
	_ =	sdelay $0x1  }
0xba: {  	(v2sf) =	vpush v24, $0xF;
	v24 =	vld [tilespmem:$0x1FE90];
	v62 =	vsub.s32 $0x0, v10;
	v1, _, _ =	vpop (xrf0)  }
0xbb: {  	v62 =	vmin.u32 v10, v62;
	v10, _, _ =	vpop (xrf0)  }
0xbc: {  	v0 =	vxor.u32 $0x80000000, v10  }
0xbd: {  	(xrf0) =	vmax.scan.msk.u32 $0xffff, v0;
	v0 =	vld [tilespmem:$0x180]  }
0xbe: {  	vm1 =	vlt.s32 v62, $0x1  }
0xbf: {  	(v2sf) =	vpush v24, $0xF;
	v62 =	vnsel vm1, $0x1, v62  }
0xc0: {  	(xrf0) =	vadd.scan.msk.s32 $0xffff, v62  }
0xc1: {  	(v2sf) =	vpush v23, $0xF  }
0xc2: {  	v0 =	vadd.s32 $0xFFFFFFFF, v0  }
0xc3: {  	(v2sf) =	vpush v18, $0xF;
	v18 =	vsub.s32 $0x0, v0;
	_ =	sdelay $0x1  }
0xc4: {  	(v2sf) =	vpush v22, $0xF;
	v23, _, _ =	vpop (xrf0)  }
0xc5: {  	v0 =	vmin.u32 v0, v18;
	v18, _, _ =	vpop (xrf0)  }
0xc6: {  	(v2sf) =	vpush v21, $0xF;
	v24 =	vxor.u32 $0x80000000, v18  }
0xc7: {  	(xrf0) =	vmax.scan.msk.u32 $0xffff, v24;
	v24 =	vld [tilespmem:$0x190]  }
0xc8: {  	(v2sf) =	vpush v20, $0xF;
	vm1 =	vlt.s32 v0, $0x1  }
0xc9: {  	v22 =	vnsel vm1, $0x1, v0  }
0xca: {  	s3 =	spop (v2sf);
	(v2sf) =	vpush v19, $0xF;
	(xrf0) =	vadd.scan.msk.s32 $0xffff, v22  }
0xcb: {  	s5 =	sxor.u32 $0x80000000, s3;
	s30 =	spop (v2sf)  }
0xcc: {  	(v2sf) =	vpush v6, $0xF;
	s30 =	sadd.s32 s30, s5;
	v0 =	vadd.s32 $0xFFFFFFFF, v24  }
0xcd: {  	s30 =	sadd.s32 $0x80000000, s30;
	s31 =	spop (v2sf);
	v19 =	vsub.s32 $0x0, v0  }
0xce: {  	(v2sf) =	vpush v11, $0xF;
	s31 =	sadd.s32 s31, s30  }
0xcf: {  	s0 =	spop (v2sf);
	s31 =	sadd.s32 $0x80000000, s31;
	v20, _, _ =	vpop (xrf0)  }
0xd0: {  	(v2sf) =	vpush v12, $0xF;
	s0 =	sadd.s32 s0, s31;
	v0 =	vmin.u32 v0, v19;
	v19, _, _ =	vpop (xrf0)  }
0xd1: {  	s13 =	spop (v2sf);
	s0 =	sadd.s32 $0x80000000, s0;
	vm1 =	vlt.s32 v0, $0x1;
	v24 =	vxor.u32 $0x80000000, v19  }
0xd2: {  	v21 =	vld [tilespmem:$0x1A0];
	(v2sf) =	vpush v13, $0xF;
	s13 =	sadd.s32 s13, s0;
	v11 =	vnsel vm1, $0x1, v0;
	(xrf0) =	vmax.scan.msk.u32 $0xffff, v24  }
0xd3: {  	s14 =	spop (v2sf);
	s13 =	sadd.s32 $0x80000000, s13;
	(xrf0) =	vadd.scan.msk.s32 $0xffff, v11  }
0xd4: {  	(v2sf) =	vpush v14, $0xF;
	s14 =	sadd.s32 s14, s13  }
0xd5: {  	s15 =	spop (v2sf);
	s14 =	sadd.s32 $0x80000000, s14  }
0xd6: {  	(v2sf) =	vpush v5, $0xF;
	s15 =	sadd.s32 s15, s14  }
0xd7: {  	s16 =	spop (v2sf);
	s15 =	sadd.s32 $0x80000000, s15;
	v0 =	vadd.s32 $0xFFFFFFFF, v21  }
0xd8: {  	(v2sf) =	vpush v9, $0xF;
	s16 =	sadd.s32 s16, s15;
	v24 =	vsub.s32 $0x0, v0;
	v12, _, _ =	vpop (xrf0)  }
0xd9: {  	s17 =	spop (v2sf);
	s16 =	sadd.s32 $0x80000000, s16;
	v0 =	vmin.u32 v0, v24;
	v6, _, _ =	vpop (xrf0)  }
0xda: {  	(v2sf) =	vpush v8, $0xF;
	s17 =	sadd.s32 s17, s16;
	vm1 =	vlt.s32 v0, $0x1;
	v21 =	vxor.u32 $0x80000000, v6  }
0xdb: {  	s18 =	spop (v2sf);
	s17 =	sadd.s32 $0x80000000, s17;
	v24 =	vld [tilespmem:$0x1B0];
	v5 =	vnsel vm1, $0x1, v0;
	(xrf0) =	vmax.scan.msk.u32 $0xffff, v21  }
0xdc: {  	(v2sf) =	vpush v7, $0xF;
	s18 =	sadd.s32 s18, s17;
	(xrf0) =	vadd.scan.msk.s32 $0xffff, v5  }
0xdd: {  	s19 =	spop (v2sf);
	s18 =	sadd.s32 $0x80000000, s18  }
0xde: {  	(v2sf) =	vpush v4, $0xF;
	s19 =	sadd.s32 s19, s18  }
0xdf: {  	s20 =	spop (v2sf);
	s19 =	sadd.s32 $0x80000000, s19  }
0xe0: {  	v14 =	vadd.s32 s14, v38;
	v38 =	vld [tilespmem:$0x1FEA0];
	s20 =	sadd.s32 s20, s19;
	(v2sf) =	vpush v3, $0xF;
	v0 =	vadd.s32 $0xFFFFFFFF, v24  }
0xe1: {  	s21 =	spop (v2sf);
	s20 =	sadd.s32 $0x80000000, s20;
	v3 =	vadd.s32 s30, v28;
	v28 =	vld [tilespmem:$0x1FEB0];
	v21 =	vsub.s32 $0x0, v0;
	v9, _, _ =	vpop (xrf0)  }
0xe2: {  	s10 =	sadd.s32 s21, s20;
	(v2sf) =	vpush v2, $0xF;
	v2 =	vadd.s32 s31, v30;
	v30 =	vld [tilespmem:$0x1FEC0];
	v0 =	vmin.u32 v0, v21;
	v8, _, _ =	vpop (xrf0)  }
0xe3: {  	v13 =	vadd.s32 s13, v36;
	s13 =	spop (v2sf);
	s12 =	sadd.s32 $0x80000000, s10;
	vm1 =	vlt.s32 v0, $0x1;
	v24 =	vxor.u32 $0x80000000, v8  }
0xe4: {  	(v2sf) =	vpush v1, $0xF;
	v7 =	vnsel vm1, $0x1, v0;
	v0 =	vadd.s32 s5, v25;
	s5 =	sadd.s32 s13, s12;
	(xrf0) =	vmax.scan.msk.u32 $0xffff, v24  }
0xe5: {  	v36 =	vld [tilespmem:$0x1FED0];
	v25 =	vadd.s32 s16, v45;
	s16 =	spop (v2sf);
	s5 =	sadd.s32 $0x80000000, s5;
	(xrf0) =	vadd.scan.msk.s32 $0xffff, v7  }
0xe6: {  	v1 =	vadd.s32 s15, v40;
	(v2sf) =	vpush v23, $0xF;
	s13 =	sadd.s32 s16, s5  }
0xe7: {  	v40 =	vld [tilespmem:$0x1FEE0];
	v21 =	vmul.u32 v38, v28;
	v38 =	vadd.s32 s18, v55;
	v0 =	vmul.u32 v30, v0;
	s18 =	spop (v2sf);
	s13 =	sadd.s32 $0x80000000, s13  }
0xe8: {  	(v2sf) =	vpush v20, $0xF;
	s14 =	sadd.s32 s18, s13  }
0xe9: {  	v55 =	vadd.s32 s19, v51;
	s19 =	spop (v2sf);
	s14 =	sadd.s32 $0x80000000, s14  }
0xea: {  	v4 =	vadd.s32 s0, v34;
	v3 =	vmul.u32 v36, v3;
	(v2sf) =	vpush v12, $0xF;
	s15 =	sadd.s32 s19, s14;
	v23, _, _ =	vpop (xrf0)  }
0xeb: {  	v28 =	vadd.s32 s17, v48;
	v48 =	vld [tilespmem:$0x1FEF0];
	v21 =	vadd.s32 $0x1, v21;
	v34 =	vadd.s32 $0x1, v0;
	s21 =	spop (v2sf);
	s15 =	sadd.s32 $0x80000000, s15;
	v0, _, _ =	vpop (xrf0)  }
0xec: {  	v2 =	vmul.u32 v40, v2;
	[tilespmem:$0x200] =	vst v21;
	v21 =	vld [tilespmem:$0x1FF00];
	s16 =	sadd.s32 s21, s15;
	v45 =	vxor.u32 $0x80000000, v0  }
0xed: {  	v3 =	vadd.s32 $0x1, v3;
	v1 =	vmul.u32 v27, v1;
	s23 =	spop (v2sf);
	v24 =	vmul.u32 v26, v14;
	v14 =	vld [tilespmem:$0x1C0];
	s22 =	sadd.s32 $0x80000000, s16;
	(xrf0) =	vmax.scan.msk.u32 $0xffff, v45  }
0xee: {  	v27 =	vadd.s32 s12, v53;
	v2 =	vadd.s32 $0x1, v2;
	v28 =	vmul.u32 v31, v28;
	s16 =	sadd.s32 s23, s22  }
0xef: {  	v30 =	vmul.u32 v32, v38;
	v32 =	vmul.u32 v33, v55;
	v12 =	vadd.s32 s20, v52;
	s25 =	spop (v2sf);
	s24 =	sadd.s32 $0x80000000, s16  }
0xf0: {  	v33 =	vmul.u32 v35, v12;
	(v2sf) =	vpush v9, $0xF;
	v12 =	vadd.s32 s13, v49;
	s16 =	sadd.s32 s25, s24  }
0xf1: {  	v4 =	vmul.u32 v48, v4;
	[tilespmem:$0x210] =	vst v34;
	v34 =	vmul.u32 v37, v27;
	v36 =	vmul.u32 v43, v12;
	s26 =	spop (v2sf);
	s16 =	sadd.s32 $0x80000000, s16  }
0xf2: {  	[tilespmem:$0x280] =	vst v3;
	v3 =	vmul.u32 v21, v13;
	v12 =	vadd.s32 $0xFFFFFFFF, v14;
	(v2sf) =	vpush v23, $0xF;
	s13 =	sadd.s32 s26, s16  }
0xf3: {  	[tilespmem:$0x290] =	vst v2;
	v37 =	vadd.s32 s14, v50;
	s28 =	spop (v2sf);
	v2 =	vadd.s32 $0x1, v24;
	s13 =	sadd.s32 $0x80000000, s13;
	v45 =	vsub.s32 $0x0, v12;
	v13, _, _ =	vpop (xrf0)  }
0xf4: {  	[tilespmem:$0x380] =	vst v2;
	v2 =	vadd.s32 $0x1, v28;
	s14 =	sadd.s32 s28, s13;
	v48 =	vmin.u32 v12, v45;
	(v2sf) =	vpush v13, $0xF  }
0xf5: {  	s29 =	spop (v2sf);
	[tilespmem:$0x410] =	vst v2;
	v2 =	vadd.s32 $0x1, v33;
	s14 =	sadd.s32 $0x80000000, s14;
	vm1 =	vlt.s32 v48, $0x1  }
0xf6: {  	[tilespmem:$0x500] =	vst v2;
	s30 =	sadd.s32 s29, s14;
	v2 =	vnsel vm1, $0x1, v48  }
0xf7: {  	s31 =	spop (v2sf);
	s0 =	sadd.s32 $0x80000000, s30;
	(xrf0) =	vadd.scan.msk.s32 $0xffff, v2  }
0xf8: {  	s3 =	sadd.s32 s31, s0  }
0xf9: {  	v1 =	vadd.s32 $0x1, v1;
	v31 =	vadd.s32 s5, v54;
	v26 =	vmul.u32 v29, v25;
	s10 =	spop (v2sf);
	s5 =	sadd.s32 $0x80000000, s3  }
0xfa: {  	[tilespmem:$0x390] =	vst v1;
	v35 =	vmul.u32 v39, v31;
	v1 =	vadd.s32 $0x1, v32;
	s12 =	sadd.s32 s10, s5  }
0xfb: {  	v38 =	vadd.s32 $0x1, v34;
	v34 =	vld [tilespmem:$0x1D0];
	v49 =	vadd.s32 s22, v56;
	v12 =	vadd.s32 s13, v63;
	s13 =	sadd.s32 $0x80000000, s12  }
0xfc: {  	[tilespmem:$0x490] =	vst v1;
	v1 =	vadd.s32 $0x1, v36;
	v52 =	vmul.u32 v44, v49;
	v25 =	vadd.s32 s13, v6  }
0xfd: {  	v40 =	vadd.s32 $0x1, v35;
	v29 =	vadd.s32 $0x1, v26;
	[tilespmem:$0x590] =	vst v1;
	v27 =	vmul.u32 v11, v25;
	v26, _, _ =	vpop (xrf0)  }
0xfe: {  	v39 =	vadd.s32 s15, v57;
	[tilespmem:$0x400] =	vst v29;
	v1 =	vadd.s32 $0x1, v52;
	v29 =	vxor.u32 $0x80000000, v26  }
0xff: {  	v51 =	vadd.s32 s24, v59;
	[tilespmem:$0x680] =	vst v1;
	s15 =	spop (v2sf);
	v1 =	vadd.s32 $0x1, v27;
	(xrf0) =	vmax.scan.msk.u32 $0xffff, v29  }
0x100: {  	v53 =	vadd.s32 s16, v61;
	v57 =	vadd.s32 s14, v10;
	s16 =	sadd.s32 s15, s13;
	[tilespmem:$0x810] =	vst v1;
	v1 =	vadd.s32 $0xFFFFFFFF, v34  }
0x101: {  	v59 =	vmul.u32 v60, v57;
	v60 =	vadd.s32 s0, v18;
	s0 =	sadd.s32 $0x80000000, s16;
	s17 =	spop (v2sf);
	v35 =	vsub.s32 $0x0, v1  }
0x102: {  	s18 =	sadd.s32 s17, s0;
	v1 =	vmin.u32 v1, v35  }
0x103: {  	v20 =	vadd.s32 s5, v19;
	s5 =	sadd.s32 $0x80000000, s18;
	vm1 =	vlt.s32 v1, $0x1;
	s19 =	spop (v2sf)  }
0x104: {  	v36 =	vld [tilespmem:$0x1E0];
	v1 =	vnsel vm1, $0x1, v1;
	s20 =	sadd.s32 s19, s5  }
0x105: {  	v3 =	vadd.s32 $0x1, v3;
	v28 =	vadd.s32 s0, v8;
	v33, _, _ =	vpop (xrf0);
	(xrf0) =	vadd.scan.msk.s32 $0xffff, v1;
	s0 =	sadd.s32 $0x80000000, s20  }
0x106: {  	[tilespmem:$0x310] =	vst v3;
	v3 =	vadd.s32 $0x1, v30;
	v30 =	vadd.s32 s0, v26  }
0x107: {  	v2 =	vmul.u32 v2, v30;
	_ =	sdelay $0x1  }
0x108: {  	v32 =	vadd.s32 $0x1, v2;
	v2 =	vadd.s32 $0xFFFFFFFF, v36  }
0x109: {  	v43 =	vmul.u32 v41, v37;
	v37 =	vsub.s32 $0x0, v2  }
0x10a: {  	[tilespmem:$0x510] =	vst v38;
	v38, _, _ =	vpop (xrf0);
	v2 =	vmin.u32 v2, v37  }
0x10b: {  	[tilespmem:$0x480] =	vst v3;
	v3 =	vmul.u32 v42, v39;
	v39 =	vxor.u32 $0x80000000, v38;
	vm1 =	vlt.s32 v2, $0x1  }
0x10c: {  	[tilespmem:$0x580] =	vst v40;
	v40 =	vld [tilespmem:$0x1F0];
	(xrf0) =	vmax.scan.msk.u32 $0xffff, v39;
	v2 =	vnsel vm1, $0x1, v2  }
0x10d: {  	(xrf0) =	vadd.scan.msk.s32 $0xffff, v2  }
0x10e: {  	v24 =	vmul.u32 v22, v20  }
0x10f: {  	v3 =	vadd.s32 $0x1, v3  }
0x110: {  	[tilespmem:$0x610] =	vst v3;
	v3 =	vadd.s32 $0x1, v24  }
0x111: {  	[tilespmem:$0x800] =	vst v3;
	v3 =	vadd.s32 $0xFFFFFFFF, v40  }
0x112: {  	v42 =	vsub.s32 $0x0, v3;
	v41, _, _ =	vpop (xrf0)  }
0x113: {  	v50 =	vadd.s32 $0x1, v43;
	v3 =	vmin.u32 v3, v42;
	v43, _, _ =	vpop (xrf0)  }
0x114: {  	vm1 =	vlt.s32 v3, $0x1;
	v44 =	vxor.u32 $0x80000000, v43  }
0x115: {  	v3 =	vnsel vm1, $0x1, v3;
	(xrf0) =	vmax.scan.msk.u32 $0xffff, v44  }
0x116: {  	(xrf0) =	vadd.scan.msk.s32 $0xffff, v3  }
0x117: {  	v4 =	vadd.s32 $0x1, v4  }
0x118: {  	[tilespmem:$0x300] =	vst v4;
	v4 =	vmul.u32 v46, v51  }
0x119: {  	v54 =	vmul.u32 v47, v53  }
0x11a: {  	[tilespmem:$0x600] =	vst v50;
	v55 =	vadd.s32 $0x1, v4;
	v56 =	vmul.u32 v58, v12  }
0x11b: {  	[tilespmem:$0x690] =	vst v55;
	v58 =	vadd.s32 $0x1, v54;
	v6, _, _ =	vpop (xrf0)  }
0x11c: {  	[tilespmem:$0x700] =	vst v58;
	v61 =	vadd.s32 $0x1, v56;
	v45, _, _ =	vpop (xrf0)  }
0x11d: {  	[tilespmem:$0x710] =	vst v61;
	v63 =	vmul.u32 v62, v60;
	(v2sf) =	vpush v33, $0xF;
	v46 =	vxor.u32 $0x80000000, v45  }
0x11e: {  	v21 =	vadd.s32 $0x1, v59;
	v4 =	vmul.u32 v5, v28;
	v0 =	vadd.s32 s5, v0;
	(xrf0) =	vmax.scan.msk.u32 $0xffff, v46  }
0x11f: {  	[tilespmem:$0x780] =	vst v21;
	v23 =	vadd.s32 $0x1, v63;
	v0 =	vmul.u32 v7, v0;
	(v2sf) =	vpush v41, $0xF  }
0x120: {  	[tilespmem:$0x790] =	vst v23;
	v31 =	vadd.s32 $0x1, v4  }
0x121: {  	[tilespmem:$0x880] =	vst v31;
	v0 =	vadd.s32 $0x1, v0;
	(v2sf) =	vpush v6, $0xF  }
0x122: {  	[tilespmem:$0x890] =	vst v0  }
0x123: {  	[tilespmem:$0x900] =	vst v32  }
0x124: {  	v0, _, _ =	vpop (xrf0)  }
0x125: {  	(v2sf) =	vpush v0, $0xF;
	_ =	sdelay $0x6  }
0x126: {  	s21 =	spop (v2sf)  }
0x127: {  	s0 =	sadd.s32 s21, s0  }
0x128: {  	s22 =	spop (v2sf);
	s0 =	sadd.s32 $0x80000000, s0  }
0x129: {  	s5 =	sadd.s32 s22, s0  }
0x12a: {  	s5 =	sadd.s32 $0x80000000, s5;
	s23 =	spop (v2sf)  }
0x12b: {  	v47 =	vadd.s32 s0, v38;
	s24 =	sadd.s32 s23, s5  }
0x12c: {  	v0 =	vmul.u32 v1, v47;
	v48 =	vadd.s32 s5, v43;
	s0 =	sadd.s32 $0x80000000, s24  }
0x12d: {  	v1 =	vmul.u32 v2, v48;
	v49 =	vadd.s32 s0, v45  }
0x12e: {  	v0 =	vadd.s32 $0x1, v0;
	v2 =	vmul.u32 v3, v49;
	s25 =	spop (v2sf)  }
0x12f: {  	[tilespmem:$0x910] =	vst v0;
	v50 =	vadd.s32 $0x1, v1;
	s0 =	sadd.s32 s25, s0  }
0x130: {  	[tilespmem:$0x980] =	vst v50;
	v51 =	vadd.s32 $0x1, v2;
	s0 =	sadd.s32 $0x80000000, s0  }
0x131: {  	s26 =	rddreg [dreg:$0x6];
	[tilespmem:$0x990] =	vst v51;
	v52 =	vmov s0  }
0x132: {  	s28 =	rddreg [dreg:$0x16];
	[tilespmem:$0xA00] =	vst v52  }
0x133: {  	[spmem:s26] =	stream.linear.scatter [tilespmem:s28], [sflag:$0x3], $0x80, $0x38;
	[tilespmem:$0x19290] =	vst v63  }
0x134: {  	_ =	swait.ge [sflag:s11], $0x80  }
0x135: {  	[sflag:s11] =	ssyncset.done $0x0  }
0x136: {  	[sflag:s11] =	ssyncadd.s32 $0xFFFFFF80  }
0x137: {  	[bflag:$0x0] =	sbarrier.arrive $0xFFFF  }
0x138: {  	s29 =	rddreg [dreg:$0x17]  }
0x139: {  	s30 =	rddreg [dreg:$0x3]  }
0x13a: {  	[tilespmem:s29], [sflag:$0x3] =	stream.linear.gather [spmem:s30], $0x800, $0x38;
	[tilespmem:$0x19290] =	vst v63  }
0x13b: {  	_ =	swait.ge [sflag:s11], $0x800  }
0x13c: {  	v59 =	vld [tilespmem:$0x1FF10]  }
0x13d: {  	v60 =	vld [tilespmem:$0x1FF20]  }
0x13e: {  	v62 =	vld [tilespmem:$0x1FF30]  }
0x13f: {  	v9 =	vld [tilespmem:$0x1FF40]  }
0x140: {  	v11 =	vld [tilespmem:$0x1FF50]  }
0x141: {  	v21 =	vld [tilespmem:$0x1FF60]  }
0x142: {  	v23 =	vld [tilespmem:$0x1FF70]  }
0x143: {  	v25 =	vld [tilespmem:$0x1FF80]  }
0x144: {  	v27 =	vld [tilespmem:$0x1FF90]  }
0x145: {  	v29 =	vld [tilespmem:$0x1FFA0]  }
0x146: {  	v31 =	vld [tilespmem:$0x1FFB0]  }
0x147: {  	v32 =	vld [tilespmem:$0x1FFC0]  }
0x148: {  	v33 =	vld [tilespmem:$0x1FFD0]  }
0x149: {  	[sflag:s11] =	ssyncset.done $0x0;
	v34 =	vld [tilespmem:$0x1FFE0]  }
0x14a: {  	v35 =	vld [tilespmem:$0x1FFF0];
	[sflag:s11] =	ssyncadd.s32 $0xFFFFF800  }
0x14b: {  	v53 =	vld [tilespmem:$0xA80]  }
0x14c: {  	v54 =	vld [tilespmem:$0xB00]  }
0x14d: {  	v55 =	vld [tilespmem:$0xB80]  }
0x14e: {  	v56 =	vld [tilespmem:$0xC00]  }
0x14f: {  	v57 =	vld [tilespmem:$0xC80]  }
0x150: {  	v58 =	vld [tilespmem:$0xD00]  }
0x151: {  	v61 =	vld [tilespmem:$0xD80];
	v0 =	vmul.u32 v59, v53;
	v1 =	vmul.u32 v60, v54  }
0x152: {  	v63 =	vld [tilespmem:$0xE00];
	v2 =	vmul.u32 v62, v55  }
0x153: {  	v10 =	vld [tilespmem:$0xE80];
	v0 =	vadd.s32 v0, v1;
	v1 =	vmul.u32 v9, v56  }
0x154: {  	v20 =	vld [tilespmem:$0xF00];
	v0 =	vadd.s32 v2, v0;
	v2 =	vmul.u32 v11, v57  }
0x155: {  	v22 =	vld [tilespmem:$0xF80];
	v0 =	vadd.s32 v1, v0;
	v1 =	vmul.u32 v21, v58  }
0x156: {  	v24 =	vld [tilespmem:$0x1000];
	v0 =	vadd.s32 v2, v0;
	v2 =	vmul.u32 v23, v61  }
0x157: {  	v26 =	vld [tilespmem:$0x1080];
	v0 =	vadd.s32 v1, v0;
	v1 =	vmul.u32 v25, v63  }
0x158: {  	v28 =	vld [tilespmem:$0x1100];
	v0 =	vadd.s32 v2, v0;
	v2 =	vmul.u32 v27, v10  }
0x159: {  	v30 =	vld [tilespmem:$0x1180];
	v0 =	vadd.s32 v1, v0;
	v1 =	vmul.u32 v29, v20  }
0x15a: {  	v0 =	vadd.s32 v2, v0;
	v2 =	vmul.u32 v31, v22  }
0x15b: {  	v0 =	vadd.s32 v1, v0;
	v1 =	vmul.u32 v32, v24  }
0x15c: {  	v0 =	vadd.s32 v2, v0;
	v2 =	vmul.u32 v33, v26  }
0x15d: {  	v0 =	vadd.s32 v1, v0;
	v1 =	vmul.u32 v34, v28  }
0x15e: {  	v0 =	vadd.s32 v2, v0;
	v2 =	vmul.u32 v35, v30  }
0x15f: {  	v0 =	vadd.s32 v1, v0  }
0x160: {  	v0 =	vadd.s32 v2, v0  }
0x161: {  	v0 =	vxor.u32 $0x80000000, v0  }
0x162: {  	(xrf0) =	vmax.scan.msk.u32 $0xffff, v0;
	_ =	sdelay $0x5  }
0x163: {  	v36 =	vld [tilespmem:$0x200];
	v0, _, _ =	vpop (xrf0)  }
0x164: {  	v37 =	vld [tilespmem:$0x210];
	(v2sf) =	vpush v0, $0xF  }
0x165: {  	v39 =	vld [tilespmem:$0x280]  }
0x166: {  	v40 =	vld [tilespmem:$0x290]  }
0x167: {  	v41 =	vld [tilespmem:$0x300]  }
0x168: {  	v43 =	vld [tilespmem:$0x310]  }
0x169: {  	v48 =	vld [tilespmem:$0x380]  }
0x16a: {  	v12 =	vld [tilespmem:$0x390]  }
0x16b: {  	v13 =	vld [tilespmem:$0x400]  }
0x16c: {  	v14 =	vld [tilespmem:$0x410]  }
0x16d: {  	v38 =	vadd.s32 $0xFFFFFFFF, v36;
	v42 =	vadd.s32 $0xFFFFFFFF, v37;
	v45 =	vadd.s32 $0xFFFFFFFF, v39;
	v54 =	vld [tilespmem:$0x480]  }
0x16e: {  	v46 =	vadd.s32 $0xFFFFFFFF, v40;
	v47 =	vadd.s32 $0xFFFFFFFF, v41;
	v49 =	vadd.s32 $0xFFFFFFFF, v43;
	v60 =	vld [tilespmem:$0x580]  }
0x16f: {  	v52 =	vadd.s32 $0xFFFFFFFF, v48;
	v53 =	vadd.s32 $0xFFFFFFFF, v12;
	vm1 =	vlt.s32 v38, $0x1;
	v31 =	vld [tilespmem:$0x690]  }
0x170: {  	v55 =	vadd.s32 $0xFFFFFFFF, v13;
	v2 =	vnsel vm1, $0x1, v38;
	vm1 =	vlt.s32 v42, $0x1  }
0x171: {  	v56 =	vadd.s32 $0xFFFFFFFF, v14;
	v44 =	vnsel vm1, $0x1, v42;
	vm1 =	vlt.s32 v45, $0x1  }
0x172: {  	v59 =	vadd.s32 $0xFFFFFFFF, v54;
	v6 =	vnsel vm1, $0x1, v45;
	vm1 =	vlt.s32 v46, $0x1  }
0x173: {  	v62 =	vadd.s32 $0xFFFFFFFF, v60;
	v8 =	vnsel vm1, $0x1, v46;
	vm1 =	vlt.s32 v47, $0x1;
	s31 =	spop (v2sf)  }
0x174: {  	v38 =	vadd.s32 $0xFFFFFFFF, v31;
	v9 =	vnsel vm1, $0x1, v47;
	vm1 =	vlt.s32 v49, $0x1;
	s0 =	sxor.u32 $0x80000000, s31  }
0x175: {  	v34 =	vld [tilespmem:$0x700];
	v11 =	vnsel vm1, $0x1, v49;
	vm1 =	vlt.s32 v52, $0x1;
	v2 =	vmul.u32 s0, v2  }
0x176: {  	v6 =	vmul.u32 s0, v6;
	v8 =	vmul.u32 s0, v8;
	v9 =	vmul.u32 s0, v9  }
0x177: {  	v51 =	vmul.u32 s0, v11;
	v0 =	vadd.s32 v36, v2;
	v2 =	vmul.u32 s0, v44  }
0x178: {  	v50 =	vadd.s32 v39, v6;
	v4 =	vadd.s32 v40, v8;
	v5 =	vadd.s32 v41, v9  }
0x179: {  	v3 =	vadd.s32 v43, v51;
	v6 =	vnsel vm1, $0x1, v52;
	vm1 =	vlt.s32 v53, $0x1  }
0x17a: {  	v18 =	vld [tilespmem:$0x490];
	v39 =	vadd.s32 $0xFFFFFFFF, v34;
	v7 =	vnsel vm1, $0x1, v53;
	vm1 =	vlt.s32 v55, $0x1  }
0x17b: {  	v19 =	vld [tilespmem:$0x500];
	v6 =	vmul.u32 s0, v6;
	v1 =	vadd.s32 v37, v2;
	v9 =	vnsel vm1, $0x1, v55  }
0x17c: {  	v57 =	vld [tilespmem:$0x510];
	vm1 =	vlt.s32 v56, $0x1;
	v7 =	vmul.u32 s0, v7;
	v9 =	vmul.u32 s0, v9  }
0x17d: {  	v11 =	vnsel vm1, $0x1, v56;
	v6 =	vadd.s32 v48, v6;
	vm1 =	vlt.s32 v59, $0x1  }
0x17e: {  	v58 =	vmul.u32 s0, v11;
	v7 =	vadd.s32 v12, v7;
	v11 =	vnsel vm1, $0x1, v59  }
0x17f: {  	v12 =	vadd.s32 $0xFFFFFFFF, v18;
	v9 =	vadd.s32 v13, v9;
	v11 =	vmul.u32 s0, v11  }
0x180: {  	v61 =	vld [tilespmem:$0x590];
	vm1 =	vlt.s32 v12, $0x1;
	v13 =	vadd.s32 $0xFFFFFFFF, v19;
	v10 =	vadd.s32 v14, v58  }
0x181: {  	v63 =	vld [tilespmem:$0x600];
	v12 =	vnsel vm1, $0x1, v12;
	vm1 =	vlt.s32 v13, $0x1;
	v14 =	vadd.s32 $0xFFFFFFFF, v57  }
0x182: {  	v28 =	vld [tilespmem:$0x610];
	v13 =	vnsel vm1, $0x1, v13;
	vm1 =	vlt.s32 v14, $0x1;
	v12 =	vmul.u32 s0, v12  }
0x183: {  	v8 =	vadd.s32 v54, v11;
	v14 =	vnsel vm1, $0x1, v14;
	vm1 =	vlt.s32 v62, $0x1  }
0x184: {  	v40 =	vld [tilespmem:$0x790];
	v13 =	vmul.u32 s0, v13;
	v14 =	vmul.u32 s0, v14;
	v23 =	vnsel vm1, $0x1, v62  }
0x185: {  	v29 =	vld [tilespmem:$0x680];
	v30 =	vadd.s32 v18, v12;
	v18 =	vadd.s32 $0xFFFFFFFF, v61;
	v12 =	vmul.u32 s0, v23  }
0x186: {  	v42 =	vld [tilespmem:$0x800];
	v13 =	vadd.s32 v19, v13;
	vm1 =	vlt.s32 v18, $0x1;
	v19 =	vadd.s32 $0xFFFFFFFF, v63  }
0x187: {  	[tilespmem:$0x280] =	vst v50;
	v54 =	vld [tilespmem:$0x990];
	v32 =	vnsel vm1, $0x1, v18;
	vm1 =	vlt.s32 v19, $0x1;
	v18 =	vadd.s32 $0xFFFFFFFF, v28  }
0x188: {  	[tilespmem:$0x200] =	vst v0;
	v14 =	vadd.s32 v57, v14;
	v33 =	vnsel vm1, $0x1, v19;
	vm1 =	vlt.s32 v18, $0x1  }
0x189: {  	[tilespmem:$0x500] =	vst v13;
	v13 =	vadd.s32 $0xFFFFFFFF, v40;
	v57 =	vshll.u32 v0, $0x3;
	v35 =	vnsel vm1, $0x1, v18;
	v18 =	vld [tilespmem:$0x710]  }
0x18a: {  	[tilespmem:$0x210] =	vst v1;
	v0 =	vand.u32 $0x7, v0;
	v12 =	vadd.s32 v60, v12;
	v19 =	vadd.s32 $0xFFFFFFFF, v29  }
0x18b: {  	v1 =	vmul.u32 s0, v32;
	[tilespmem:$0x510] =	vst v14;
	v14 =	vadd.s32 $0xFFFFFFFF, v42;
	vm1 =	vlt.s32 v19, $0x1  }
0x18c: {  	[tilespmem:$0x290] =	vst v4;
	v60 =	vadd.s32 $0xFFFFFFFF, v54;
	v2 =	vmul.u32 s0, v33;
	v36 =	vnsel vm1, $0x1, v19;
	v19 =	vld [tilespmem:$0x780]  }
0x18d: {  	[tilespmem:$0x300] =	vst v5;
	v4 =	vmul.u32 s0, v35;
	v1 =	vadd.s32 v61, v1;
	vm1 =	vlt.s32 v38, $0x1  }
0x18e: {  	[tilespmem:$0x310] =	vst v3;
	v5 =	vnsel vm1, $0x1, v38;
	vm1 =	vlt.s32 v39, $0x1;
	v41 =	vadd.s32 $0xFFFFFFFF, v18  }
0x18f: {  	[tilespmem:$0x380] =	vst v6;
	v37 =	vmul.u32 s0, v36;
	v6 =	vnsel vm1, $0x1, v39;
	vm1 =	vlt.s32 v41, $0x1  }
0x190: {  	v45 =	vld [tilespmem:$0x810];
	[tilespmem:$0x390] =	vst v7;
	v2 =	vadd.s32 v63, v2;
	v4 =	vadd.s32 v28, v4;
	v44 =	vnsel vm1, $0x1, v41  }
0x191: {  	v46 =	vld [tilespmem:$0x880];
	[tilespmem:$0x480] =	vst v8;
	v5 =	vmul.u32 s0, v5;
	v43 =	vadd.s32 $0xFFFFFFFF, v19;
	v8 =	vmul.u32 s0, v44  }
0x192: {  	v47 =	vld [tilespmem:$0x890];
	[tilespmem:$0x400] =	vst v9;
	v3 =	vadd.s32 v29, v37;
	v6 =	vmul.u32 s0, v6;
	vm1 =	vlt.s32 v43, $0x1  }
0x193: {  	[tilespmem:$0x410] =	vst v10;
	v10 =	vnsel vm1, $0x1, v43;
	vm1 =	vlt.s32 v13, $0x1;
	v8 =	vadd.s32 v18, v8;
	v18 =	vld [tilespmem:$0x900]  }
0x194: {  	[tilespmem:$0x580] =	vst v12;
	v5 =	vadd.s32 v31, v5;
	v12 =	vnsel vm1, $0x1, v13;
	vm1 =	vlt.s32 v14, $0x1  }
0x195: {  	[tilespmem:$0x490] =	vst v30;
	v13 =	vadd.s32 $0xFFFFFFFF, v45;
	v48 =	vmul.u32 s0, v12;
	v12 =	vnsel vm1, $0x1, v14  }
0x196: {  	[tilespmem:$0x590] =	vst v1;
	vm1 =	vlt.s32 v13, $0x1;
	v49 =	vmul.u32 s0, v12;
	v12 =	vadd.s32 $0xFFFFFFFF, v46  }
0x197: {  	[tilespmem:$0x600] =	vst v2;
	v50 =	vnsel vm1, $0x1, v13;
	v13 =	vadd.s32 $0xFFFFFFFF, v47;
	vm1 =	vlt.s32 v12, $0x1  }
0x198: {  	[tilespmem:$0x610] =	vst v4;
	v51 =	vnsel vm1, $0x1, v12;
	vm1 =	vlt.s32 v13, $0x1;
	v12 =	vadd.s32 $0xFFFFFFFF, v18  }
0x199: {  	[tilespmem:$0x680] =	vst v3;
	v10 =	vmul.u32 s0, v10;
	v14 =	vld [tilespmem:$0x910];
	v52 =	vnsel vm1, $0x1, v13;
	vm1 =	vlt.s32 v12, $0x1  }
0x19a: {  	v6 =	vadd.s32 v34, v6;
	[tilespmem:$0x710] =	vst v8;
	v8 =	vand.u32 $0xFFFFFFC0, v57;
	v53 =	vnsel vm1, $0x1, v12;
	v12 =	vld [tilespmem:$0x980]  }
0x19b: {  	[tilespmem:$0x690] =	vst v5;
	v10 =	vadd.s32 v19, v10;
	v4 =	vmul.u32 s0, v50;
	v0 =	vor.u32 v0, v8  }
0x19c: {  	[tilespmem:$0x700] =	vst v6;
	v1 =	vadd.s32 v40, v48;
	v8 =	vperm.xlane v0, v15;
	v3 =	vmul.u32 s0, v51  }
0x19d: {  	[tilespmem:$0x780] =	vst v10;
	v2 =	vadd.s32 v42, v49;
	v4 =	vadd.s32 v45, v4;
	v5 =	vmul.u32 s0, v52  }
0x19e: {  	[tilespmem:$0x790] =	vst v1;
	v56 =	vadd.s32 $0xFFFFFFFF, v14;
	v62 =	vadd.s32 v16, v8;
	v3 =	vadd.s32 v46, v3  }
0x19f: {  	[tilespmem:$0x800] =	vst v2;
	v5 =	vadd.s32 v47, v5;
	vm1 =	vlt.s32 v56, $0x1;
	v59 =	vadd.s32 $0xFFFFFFFF, v12  }
0x1a0: {  	[tilespmem:$0x810] =	vst v4;
	v6 =	vmul.u32 s0, v53;
	v58 =	vnsel vm1, $0x1, v56;
	vm1 =	vlt.s32 v59, $0x1  }
0x1a1: {  	[tilespmem:$0x880] =	vst v3;
	v2 =	vmul.u32 s0, v58;
	v61 =	vnsel vm1, $0x1, v59;
	vm1 =	vlt.s32 v60, $0x1  }
0x1a2: {  	[tilespmem:$0x890] =	vst v5;
	v55 =	vadd.s32 v18, v6;
	v4 =	vnsel vm1, $0x1, v60;
	v3 =	vmul.u32 s0, v61  }
0x1a3: {  	[tilespmem:$0x900] =	vst v55;
	v63 =	vadd.s32 v14, v2;
	v6 =	vmul.u32 s0, v4  }
0x1a4: {  	[tilespmem:$0x910] =	vst v63;
	v8 =	vadd.s32 v12, v3  }
0x1a5: {  	[tilespmem:$0x980] =	vst v8;
	v9 =	vadd.s32 v54, v6  }
0x1a6: {  	s3 =	simm.s32 $0x1290;
	[tilespmem:$0x990] =	vst v9  }
0x1a7: {  	[tilespmem:s3], [sflag:$0x1] =	stream.indirect_vreg.gather [hbm4b:s1+s4], $0x80, v62, vm0, $0xb8;
	[tilespmem:$0x19290] =	vst v63  }
0x1a8: {  	s5 =	simm.s32 $0x1A90;
	v0 =	vperm.xlane v0, v17  }
0x1a9: {  	[tilespmem:s5], [sflag:$0x1] =	stream.indirect_vreg.gather [hbm4b:s7+s4], $0x80, v62, vm0, $0xb8;
	[tilespmem:$0x19290] =	vst v63  }
0x1aa: {  	s10 =	simm.s32 $0x2290;
	v0 =	vadd.s32 v16, v0  }
0x1ab: {  	[tilespmem:s10], [sflag:$0x1] =	stream.indirect_vreg.gather [hbm4b:s8+s4], $0x80, v62, vm0, $0xb8;
	[tilespmem:$0x19290] =	vst v63  }
0x1ac: {  	s12 =	simm.s32 $0x2A90  }
0x1ad: {  	[tilespmem:s12], [sflag:$0x1] =	stream.indirect_vreg.gather [hbm4b:s9+s4], $0x80, v62, vm0, $0xb8;
	[tilespmem:$0x19290] =	vst v63  }
0x1ae: {  	s13 =	simm.s32 $0x3290  }
0x1af: {  	[tilespmem:s13], [sflag:$0x1] =	stream.indirect_vreg.gather [hbm4b:s1+s4], $0x80, v0, vm0, $0xb8;
	[tilespmem:$0x19290] =	vst v63  }
0x1b0: {  	s14 =	simm.s32 $0x3A90  }
0x1b1: {  	[tilespmem:s14], [sflag:$0x1] =	stream.indirect_vreg.gather [hbm4b:s7+s4], $0x80, v0, vm0, $0xb8;
	[tilespmem:$0x19290] =	vst v63  }
0x1b2: {  	s15 =	simm.s32 $0x4290  }
0x1b3: {  	[tilespmem:s15], [sflag:$0x1] =	stream.indirect_vreg.gather [hbm4b:s8+s4], $0x80, v0, vm0, $0xb8;
	[tilespmem:$0x19290] =	vst v63  }
0x1b4: {  	s16 =	simm.s32 $0x4A90  }
0x1b5: {  	[tilespmem:s16], [sflag:$0x1] =	stream.indirect_vreg.gather [hbm4b:s9+s4], $0x80, v0, vm0, $0xb8;
	[tilespmem:$0x19290] =	vst v63  }
0x1b6: {  	v0 =	vld [tilespmem:$0x210];
	_ =	sdelay $0x4  }
0x1b7: {  	v10 =	vshll.u32 v0, $0x3  }
0x1b8: {  	v0 =	vand.u32 $0x7, v0;
	v1 =	vand.u32 $0xFFFFFFC0, v10  }
0x1b9: {  	v0 =	vor.u32 v0, v1  }
0x1ba: {  	v1 =	vperm.xlane v0, v15;
	_ =	sdelay $0x1  }
0x1bb: {  	v1 =	vadd.s32 v16, v1;
	_ =	sdelay $0x3  }
0x1bc: {  	s20 =	simm.s32 $0x5290  }
0x1bd: {  	[tilespmem:s20], [sflag:$0x1] =	stream.indirect_vreg.gather [hbm4b:s1+s4], $0x80, v1, vm0, $0xb8;
	[tilespmem:$0x19290] =	vst v63  }
0x1be: {  	s22 =	simm.s32 $0x5A90;
	v0 =	vperm.xlane v0, v17  }
0x1bf: {  	[tilespmem:s22], [sflag:$0x1] =	stream.indirect_vreg.gather [hbm4b:s7+s4], $0x80, v1, vm0, $0xb8;
	[tilespmem:$0x19290] =	vst v63  }
0x1c0: {  	s23 =	simm.s32 $0x6290;
	v0 =	vadd.s32 v16, v0  }
0x1c1: {  	[tilespmem:s23], [sflag:$0x1] =	stream.indirect_vreg.gather [hbm4b:s8+s4], $0x80, v1, vm0, $0xb8;
	[tilespmem:$0x19290] =	vst v63  }
0x1c2: {  	s25 =	simm.s32 $0x6A90  }
0x1c3: {  	[tilespmem:s25], [sflag:$0x1] =	stream.indirect_vreg.gather [hbm4b:s9+s4], $0x80, v1, vm0, $0xb8;
	[tilespmem:$0x19290] =	vst v63  }
0x1c4: {  	s26 =	simm.s32 $0x7290  }
0x1c5: {  	[tilespmem:s26], [sflag:$0x1] =	stream.indirect_vreg.gather [hbm4b:s1+s4], $0x80, v0, vm0, $0xb8;
	[tilespmem:$0x19290] =	vst v63  }
0x1c6: {  	s28 =	simm.s32 $0x7A90  }
0x1c7: {  	[tilespmem:s28], [sflag:$0x1] =	stream.indirect_vreg.gather [hbm4b:s7+s4], $0x80, v0, vm0, $0xb8;
	[tilespmem:$0x19290] =	vst v63  }
0x1c8: {  	s29 =	simm.s32 $0x8290  }
0x1c9: {  	[tilespmem:s29], [sflag:$0x1] =	stream.indirect_vreg.gather [hbm4b:s8+s4], $0x80, v0, vm0, $0xb8;
	[tilespmem:$0x19290] =	vst v63  }
0x1ca: {  	s30 =	simm.s32 $0x8A90  }
0x1cb: {  	[tilespmem:s30], [sflag:$0x1] =	stream.indirect_vreg.gather [hbm4b:s9+s4], $0x80, v0, vm0, $0xb8;
	[tilespmem:$0x19290] =	vst v63  }
0x1cc: {  	_ =	swait.ge [sflag:s6], $0x8000  }
0x1cd: {  	[sflag:s6] =	ssyncset.done $0x0  }
0x1ce: {  	[sflag:s6] =	ssyncadd.s32 $0xFFFF8000  }
0x1cf: {  	v11 =	vld [tilespmem:$0x280];
	_ =	sdelay $0x4  }
0x1d0: {  	v20 =	vshll.u32 v11, $0x3  }
0x1d1: {  	v0 =	vand.u32 $0x7, v11;
	v1 =	vand.u32 $0xFFFFFFC0, v20  }
0x1d2: {  	v0 =	vor.u32 v0, v1  }
0x1d3: {  	v1 =	vperm.xlane v0, v15;
	_ =	sdelay $0x1  }
0x1d4: {  	v1 =	vadd.s32 v16, v1;
	_ =	sdelay $0x3  }
0x1d5: {  	s31 =	simm.s32 $0x9290  }
0x1d6: {  	[tilespmem:s31], [sflag:$0x1] =	stream.indirect_vreg.gather [hbm4b:s1+s4], $0x80, v1, vm0, $0xb8;
	[tilespmem:$0x19290] =	vst v63  }
0x1d7: {  	s22 =	simm.s32 $0x9A90;
	v0 =	vperm.xlane v0, v17  }
0x1d8: {  	[tilespmem:s22], [sflag:$0x1] =	stream.indirect_vreg.gather [hbm4b:s7+s4], $0x80, v1, vm0, $0xb8;
	[tilespmem:$0x19290] =	vst v63  }
0x1d9: {  	s23 =	simm.s32 $0xA290;
	v0 =	vadd.s32 v16, v0  }
0x1da: {  	[tilespmem:s23], [sflag:$0x1] =	stream.indirect_vreg.gather [hbm4b:s8+s4], $0x80, v1, vm0, $0xb8;
	[tilespmem:$0x19290] =	vst v63  }
0x1db: {  	s26 =	simm.s32 $0xAA90  }
0x1dc: {  	[tilespmem:s26], [sflag:$0x1] =	stream.indirect_vreg.gather [hbm4b:s9+s4], $0x80, v1, vm0, $0xb8;
	[tilespmem:$0x19290] =	vst v63  }
0x1dd: {  	s28 =	simm.s32 $0xB290  }
0x1de: {  	[tilespmem:s28], [sflag:$0x1] =	stream.indirect_vreg.gather [hbm4b:s1+s4], $0x80, v0, vm0, $0xb8;
	[tilespmem:$0x19290] =	vst v63  }
0x1df: {  	s29 =	simm.s32 $0xBA90  }
0x1e0: {  	[tilespmem:s29], [sflag:$0x1] =	stream.indirect_vreg.gather [hbm4b:s7+s4], $0x80, v0, vm0, $0xb8;
	[tilespmem:$0x19290] =	vst v63  }
0x1e1: {  	s30 =	simm.s32 $0xC290  }
0x1e2: {  	[tilespmem:s30], [sflag:$0x1] =	stream.indirect_vreg.gather [hbm4b:s8+s4], $0x80, v0, vm0, $0xb8;
	[tilespmem:$0x19290] =	vst v63  }
0x1e3: {  	s31 =	simm.s32 $0xCA90  }
0x1e4: {  	[tilespmem:s31], [sflag:$0x1] =	stream.indirect_vreg.gather [hbm4b:s9+s4], $0x80, v0, vm0, $0xb8;
	[tilespmem:$0x19290] =	vst v63  }
0x1e5: {  	v0 =	vld [tilespmem:$0x290];
	_ =	sdelay $0x4  }
0x1e6: {  	v21 =	vshll.u32 v0, $0x3  }
0x1e7: {  	v0 =	vand.u32 $0x7, v0;
	v1 =	vand.u32 $0xFFFFFFC0, v21  }
0x1e8: {  	v0 =	vor.u32 v0, v1  }
0x1e9: {  	v1 =	vperm.xlane v0, v15;
	_ =	sdelay $0x1  }
0x1ea: {  	v1 =	vadd.s32 v16, v1;
	_ =	sdelay $0x3  }
0x1eb: {  	s23 =	simm.s32 $0xD290  }
0x1ec: {  	[tilespmem:s23], [sflag:$0x1] =	stream.indirect_vreg.gather [hbm4b:s1+s4], $0x80, v1, vm0, $0xb8;
	[tilespmem:$0x19290] =	vst v63  }
0x1ed: {  	s26 =	simm.s32 $0xDA90;
	v0 =	vperm.xlane v0, v17  }
0x1ee: {  	[tilespmem:s26], [sflag:$0x1] =	stream.indirect_vreg.gather [hbm4b:s7+s4], $0x80, v1, vm0, $0xb8;
	[tilespmem:$0x19290] =	vst v63  }
0x1ef: {  	s28 =	simm.s32 $0xE290;
	v0 =	vadd.s32 v16, v0  }
0x1f0: {  	[tilespmem:s28], [sflag:$0x1] =	stream.indirect_vreg.gather [hbm4b:s8+s4], $0x80, v1, vm0, $0xb8;
	[tilespmem:$0x19290] =	vst v63  }
0x1f1: {  	s23 =	simm.s32 $0xEA90  }
0x1f2: {  	[tilespmem:s23], [sflag:$0x1] =	stream.indirect_vreg.gather [hbm4b:s9+s4], $0x80, v1, vm0, $0xb8;
	[tilespmem:$0x19290] =	vst v63  }
0x1f3: {  	s26 =	simm.s32 $0xF290  }
0x1f4: {  	[tilespmem:s26], [sflag:$0x1] =	stream.indirect_vreg.gather [hbm4b:s1+s4], $0x80, v0, vm0, $0xb8;
	[tilespmem:$0x19290] =	vst v63  }
0x1f5: {  	s28 =	simm.s32 $0xFA90  }
0x1f6: {  	[tilespmem:s28], [sflag:$0x1] =	stream.indirect_vreg.gather [hbm4b:s7+s4], $0x80, v0, vm0, $0xb8;
	[tilespmem:$0x19290] =	vst v63  }
0x1f7: {  	s23 =	simm.s32 $0x10290  }
0x1f8: {  	[tilespmem:s23], [sflag:$0x1] =	stream.indirect_vreg.gather [hbm4b:s8+s4], $0x80, v0, vm0, $0xb8;
	[tilespmem:$0x19290] =	vst v63  }
0x1f9: {  	s26 =	simm.s32 $0x10A90  }
0x1fa: {  	[tilespmem:s26], [sflag:$0x1] =	stream.indirect_vreg.gather [hbm4b:s9+s4], $0x80, v0, vm0, $0xb8;
	[tilespmem:$0x19290] =	vst v63  }
0x1fb: {  	s21 =	simm.s32 $0x1290;
	s28 =	rddreg [dreg:$0x18]  }
0x1fc: {  	[hbm4b:s28+s4] =	stream.linear.scatter [tilespmem:s21], [sflag:$0x2], $0x8000, $0x38;
	[tilespmem:$0x19290] =	vst v63  }
0x1fd: {  	_ =	swait.ge [sflag:s6], $0x8000  }
0x1fe: {  	[sflag:s6] =	ssyncset.done $0x0  }
0x1ff: {  	[sflag:s6] =	ssyncadd.s32 $0xFFFF8000  }
0x200: {  	v22 =	vld [tilespmem:$0x300];
	_ =	sdelay $0x4  }
0x201: {  	v23 =	vshll.u32 v22, $0x3  }
0x202: {  	v0 =	vand.u32 $0x7, v22;
	v1 =	vand.u32 $0xFFFFFFC0, v23  }
0x203: {  	v0 =	vor.u32 v0, v1  }
0x204: {  	v1 =	vperm.xlane v0, v15;
	_ =	sdelay $0x1  }
0x205: {  	v1 =	vadd.s32 v16, v1;
	_ =	sdelay $0x3  }
0x206: {  	s23 =	simm.s32 $0x11290  }
0x207: {  	[tilespmem:s23], [sflag:$0x1] =	stream.indirect_vreg.gather [hbm4b:s1+s4], $0x80, v1, vm0, $0xb8;
	[tilespmem:$0x19290] =	vst v63  }
0x208: {  	s26 =	simm.s32 $0x11A90;
	v0 =	vperm.xlane v0, v17  }
0x209: {  	[tilespmem:s26], [sflag:$0x1] =	stream.indirect_vreg.gather [hbm4b:s7+s4], $0x80, v1, vm0, $0xb8;
	[tilespmem:$0x19290] =	vst v63  }
0x20a: {  	s28 =	simm.s32 $0x12290;
	v0 =	vadd.s32 v16, v0  }
0x20b: {  	[tilespmem:s28], [sflag:$0x1] =	stream.indirect_vreg.gather [hbm4b:s8+s4], $0x80, v1, vm0, $0xb8;
	[tilespmem:$0x19290] =	vst v63  }
0x20c: {  	s21 =	simm.s32 $0x12A90  }
0x20d: {  	[tilespmem:s21], [sflag:$0x1] =	stream.indirect_vreg.gather [hbm4b:s9+s4], $0x80, v1, vm0, $0xb8;
	[tilespmem:$0x19290] =	vst v63  }
0x20e: {  	s23 =	simm.s32 $0x13290  }
0x20f: {  	[tilespmem:s23], [sflag:$0x1] =	stream.indirect_vreg.gather [hbm4b:s1+s4], $0x80, v0, vm0, $0xb8;
	[tilespmem:$0x19290] =	vst v63  }
0x210: {  	s26 =	simm.s32 $0x13A90  }
0x211: {  	[tilespmem:s26], [sflag:$0x1] =	stream.indirect_vreg.gather [hbm4b:s7+s4], $0x80, v0, vm0, $0xb8;
	[tilespmem:$0x19290] =	vst v63  }
0x212: {  	s28 =	simm.s32 $0x14290  }
0x213: {  	[tilespmem:s28], [sflag:$0x1] =	stream.indirect_vreg.gather [hbm4b:s8+s4], $0x80, v0, vm0, $0xb8;
	[tilespmem:$0x19290] =	vst v63  }
0x214: {  	s21 =	simm.s32 $0x14A90  }
0x215: {  	[tilespmem:s21], [sflag:$0x1] =	stream.indirect_vreg.gather [hbm4b:s9+s4], $0x80, v0, vm0, $0xb8;
	[tilespmem:$0x19290] =	vst v63  }
0x216: {  	v0 =	vld [tilespmem:$0x310];
	_ =	sdelay $0x4  }
0x217: {  	v24 =	vshll.u32 v0, $0x3  }
0x218: {  	v0 =	vand.u32 $0x7, v0;
	v1 =	vand.u32 $0xFFFFFFC0, v24  }
0x219: {  	v0 =	vor.u32 v0, v1  }
0x21a: {  	v1 =	vperm.xlane v0, v15;
	_ =	sdelay $0x1  }
0x21b: {  	v1 =	vadd.s32 v16, v1;
	_ =	sdelay $0x3  }
0x21c: {  	s23 =	simm.s32 $0x15290  }
0x21d: {  	[tilespmem:s23], [sflag:$0x1] =	stream.indirect_vreg.gather [hbm4b:s1+s4], $0x80, v1, vm0, $0xb8;
	[tilespmem:$0x19290] =	vst v63  }
0x21e: {  	s26 =	simm.s32 $0x15A90;
	v0 =	vperm.xlane v0, v17  }
0x21f: {  	[tilespmem:s26], [sflag:$0x1] =	stream.indirect_vreg.gather [hbm4b:s7+s4], $0x80, v1, vm0, $0xb8;
	[tilespmem:$0x19290] =	vst v63  }
0x220: {  	s28 =	simm.s32 $0x16290;
	v0 =	vadd.s32 v16, v0  }
0x221: {  	[tilespmem:s28], [sflag:$0x1] =	stream.indirect_vreg.gather [hbm4b:s8+s4], $0x80, v1, vm0, $0xb8;
	[tilespmem:$0x19290] =	vst v63  }
0x222: {  	s21 =	simm.s32 $0x16A90  }
0x223: {  	[tilespmem:s21], [sflag:$0x1] =	stream.indirect_vreg.gather [hbm4b:s9+s4], $0x80, v1, vm0, $0xb8;
	[tilespmem:$0x19290] =	vst v63  }
0x224: {  	s23 =	simm.s32 $0x17290  }
0x225: {  	[tilespmem:s23], [sflag:$0x1] =	stream.indirect_vreg.gather [hbm4b:s1+s4], $0x80, v0, vm0, $0xb8;
	[tilespmem:$0x19290] =	vst v63  }
0x226: {  	s26 =	simm.s32 $0x17A90  }
0x227: {  	[tilespmem:s26], [sflag:$0x1] =	stream.indirect_vreg.gather [hbm4b:s7+s4], $0x80, v0, vm0, $0xb8;
	[tilespmem:$0x19290] =	vst v63  }
0x228: {  	s28 =	simm.s32 $0x18290  }
0x229: {  	[tilespmem:s28], [sflag:$0x1] =	stream.indirect_vreg.gather [hbm4b:s8+s4], $0x80, v0, vm0, $0xb8;
	[tilespmem:$0x19290] =	vst v63  }
0x22a: {  	s26 =	simm.s32 $0x18A90  }
0x22b: {  	[tilespmem:s26], [sflag:$0x1] =	stream.indirect_vreg.gather [hbm4b:s9+s4], $0x80, v0, vm0, $0xb8;
	[tilespmem:$0x19290] =	vst v63  }
0x22c: {  	s21 =	rddreg [dreg:$0x7];
	s23 =	simm.s32 $0x9290  }
0x22d: {  	[hbm4b:s21+s4] =	stream.linear.scatter [tilespmem:s23], [sflag:$0x2], $0x8000, $0x38;
	[tilespmem:$0x19290] =	vst v63  }
0x22e: {  	_ =	swait.ge [sflag:s6], $0x8000  }
0x22f: {  	[sflag:s6] =	ssyncset.done $0x0  }
0x230: {  	[sflag:s6] =	ssyncadd.s32 $0xFFFF8000  }
0x231: {  	_ =	swait.ge [sflag:s2], $0x8000  }
0x232: {  	[sflag:s2] =	ssyncset.done $0x0  }
0x233: {  	[sflag:s2] =	ssyncadd.s32 $0xFFFF8000  }
0x234: {  	v25 =	vld [tilespmem:$0x380];
	_ =	sdelay $0x4  }
0x235: {  	v26 =	vshll.u32 v25, $0x3  }
0x236: {  	v0 =	vand.u32 $0x7, v25;
	v1 =	vand.u32 $0xFFFFFFC0, v26  }
0x237: {  	v0 =	vor.u32 v0, v1  }
0x238: {  	v1 =	vperm.xlane v0, v15;
	_ =	sdelay $0x1  }
0x239: {  	v1 =	vadd.s32 v16, v1;
	_ =	sdelay $0x3  }
0x23a: {  	s26 =	simm.s32 $0x1290  }
0x23b: {  	[tilespmem:s26], [sflag:$0x1] =	stream.indirect_vreg.gather [hbm4b:s1+s4], $0x80, v1, vm0, $0xb8;
	[tilespmem:$0x19290] =	vst v63  }
0x23c: {  	s11 =	simm.s32 $0x1A90;
	v0 =	vperm.xlane v0, v17  }
0x23d: {  	[tilespmem:s11], [sflag:$0x1] =	stream.indirect_vreg.gather [hbm4b:s7+s4], $0x80, v1, vm0, $0xb8;
	[tilespmem:$0x19290] =	vst v63  }
0x23e: {  	s17 =	simm.s32 $0x2290;
	v0 =	vadd.s32 v16, v0  }
0x23f: {  	[tilespmem:s17], [sflag:$0x1] =	stream.indirect_vreg.gather [hbm4b:s8+s4], $0x80, v1, vm0, $0xb8;
	[tilespmem:$0x19290] =	vst v63  }
0x240: {  	s18 =	simm.s32 $0x2A90  }
0x241: {  	[tilespmem:s18], [sflag:$0x1] =	stream.indirect_vreg.gather [hbm4b:s9+s4], $0x80, v1, vm0, $0xb8;
	[tilespmem:$0x19290] =	vst v63  }
0x242: {  	s19 =	simm.s32 $0x3290  }
0x243: {  	[tilespmem:s19], [sflag:$0x1] =	stream.indirect_vreg.gather [hbm4b:s1+s4], $0x80, v0, vm0, $0xb8;
	[tilespmem:$0x19290] =	vst v63  }
0x244: {  	s24 =	simm.s32 $0x3A90  }
0x245: {  	[tilespmem:s24], [sflag:$0x1] =	stream.indirect_vreg.gather [hbm4b:s7+s4], $0x80, v0, vm0, $0xb8;
	[tilespmem:$0x19290] =	vst v63  }
0x246: {  	s15 =	simm.s32 $0x4290  }
0x247: {  	[tilespmem:s15], [sflag:$0x1] =	stream.indirect_vreg.gather [hbm4b:s8+s4], $0x80, v0, vm0, $0xb8;
	[tilespmem:$0x19290] =	vst v63  }
0x248: {  	s12 =	simm.s32 $0x4A90  }
0x249: {  	[tilespmem:s12], [sflag:$0x1] =	stream.indirect_vreg.gather [hbm4b:s9+s4], $0x80, v0, vm0, $0xb8;
	[tilespmem:$0x19290] =	vst v63  }
0x24a: {  	v0 =	vld [tilespmem:$0x390];
	_ =	sdelay $0x4  }
0x24b: {  	v27 =	vshll.u32 v0, $0x3  }
0x24c: {  	v0 =	vand.u32 $0x7, v0;
	v1 =	vand.u32 $0xFFFFFFC0, v27  }
0x24d: {  	v0 =	vor.u32 v0, v1  }
0x24e: {  	v1 =	vperm.xlane v0, v15;
	_ =	sdelay $0x1  }
0x24f: {  	v1 =	vadd.s32 v16, v1;
	_ =	sdelay $0x3  }
0x250: {  	s13 =	simm.s32 $0x5290  }
0x251: {  	[tilespmem:s13], [sflag:$0x1] =	stream.indirect_vreg.gather [hbm4b:s1+s4], $0x80, v1, vm0, $0xb8;
	[tilespmem:$0x19290] =	vst v63  }
0x252: {  	s14 =	simm.s32 $0x5A90;
	v0 =	vperm.xlane v0, v17  }
0x253: {  	[tilespmem:s14], [sflag:$0x1] =	stream.indirect_vreg.gather [hbm4b:s7+s4], $0x80, v1, vm0, $0xb8;
	[tilespmem:$0x19290] =	vst v63  }
0x254: {  	s3 =	simm.s32 $0x6290;
	v0 =	vadd.s32 v16, v0  }
0x255: {  	[tilespmem:s3], [sflag:$0x1] =	stream.indirect_vreg.gather [hbm4b:s8+s4], $0x80, v1, vm0, $0xb8;
	[tilespmem:$0x19290] =	vst v63  }
0x256: {  	s5 =	simm.s32 $0x6A90  }
0x257: {  	[tilespmem:s5], [sflag:$0x1] =	stream.indirect_vreg.gather [hbm4b:s9+s4], $0x80, v1, vm0, $0xb8;
	[tilespmem:$0x19290] =	vst v63  }
0x258: {  	s10 =	simm.s32 $0x7290  }
0x259: {  	[tilespmem:s10], [sflag:$0x1] =	stream.indirect_vreg.gather [hbm4b:s1+s4], $0x80, v0, vm0, $0xb8;
	[tilespmem:$0x19290] =	vst v63  }
0x25a: {  	s16 =	simm.s32 $0x7A90  }
0x25b: {  	[tilespmem:s16], [sflag:$0x1] =	stream.indirect_vreg.gather [hbm4b:s7+s4], $0x80, v0, vm0, $0xb8;
	[tilespmem:$0x19290] =	vst v63  }
0x25c: {  	s20 =	simm.s32 $0x8290  }
0x25d: {  	[tilespmem:s20], [sflag:$0x1] =	stream.indirect_vreg.gather [hbm4b:s8+s4], $0x80, v0, vm0, $0xb8;
	[tilespmem:$0x19290] =	vst v63  }
0x25e: {  	s25 =	simm.s32 $0x8A90  }
0x25f: {  	[tilespmem:s25], [sflag:$0x1] =	stream.indirect_vreg.gather [hbm4b:s9+s4], $0x80, v0, vm0, $0xb8;
	[tilespmem:$0x19290] =	vst v63  }
0x260: {  	s24 =	rddreg [dreg:$0x8];
	s25 =	simm.s32 $0x11290  }
0x261: {  	[hbm4b:s24+s4] =	stream.linear.scatter [tilespmem:s25], [sflag:$0x2], $0x8000, $0x38;
	[tilespmem:$0x19290] =	vst v63  }
0x262: {  	_ =	swait.ge [sflag:s6], $0x8000  }
0x263: {  	[sflag:s6] =	ssyncset.done $0x0  }
0x264: {  	[sflag:s6] =	ssyncadd.s32 $0xFFFF8000  }
0x265: {  	_ =	swait.ge [sflag:s2], $0x8000  }
0x266: {  	[sflag:s2] =	ssyncset.done $0x0  }
0x267: {  	[sflag:s2] =	ssyncadd.s32 $0xFFFF8000  }
0x268: {  	v28 =	vld [tilespmem:$0x400];
	_ =	sdelay $0x4  }
0x269: {  	v29 =	vshll.u32 v28, $0x3  }
0x26a: {  	v0 =	vand.u32 $0x7, v28;
	v1 =	vand.u32 $0xFFFFFFC0, v29  }
0x26b: {  	v0 =	vor.u32 v0, v1  }
0x26c: {  	v1 =	vperm.xlane v0, v15;
	_ =	sdelay $0x1  }
0x26d: {  	v1 =	vadd.s32 v16, v1;
	_ =	sdelay $0x4  }
0x26e: {  	[tilespmem:s23], [sflag:$0x1] =	stream.indirect_vreg.gather [hbm4b:s1+s4], $0x80, v1, vm0, $0xb8;
	[tilespmem:$0x19290] =	vst v63  }
0x26f: {  	s22 =	simm.s32 $0x9A90;
	v0 =	vperm.xlane v0, v17  }
0x270: {  	[tilespmem:s22], [sflag:$0x1] =	stream.indirect_vreg.gather [hbm4b:s7+s4], $0x80, v1, vm0, $0xb8;
	[tilespmem:$0x19290] =	vst v63  }
0x271: {  	s19 =	simm.s32 $0xA290;
	v0 =	vadd.s32 v16, v0  }
0x272: {  	[tilespmem:s19], [sflag:$0x1] =	stream.indirect_vreg.gather [hbm4b:s8+s4], $0x80, v1, vm0, $0xb8;
	[tilespmem:$0x19290] =	vst v63  }
0x273: {  	s21 =	simm.s32 $0xAA90  }
0x274: {  	[tilespmem:s21], [sflag:$0x1] =	stream.indirect_vreg.gather [hbm4b:s9+s4], $0x80, v1, vm0, $0xb8;
	[tilespmem:$0x19290] =	vst v63  }
0x275: {  	s22 =	simm.s32 $0xB290  }
0x276: {  	[tilespmem:s22], [sflag:$0x1] =	stream.indirect_vreg.gather [hbm4b:s1+s4], $0x80, v0, vm0, $0xb8;
	[tilespmem:$0x19290] =	vst v63  }
0x277: {  	s23 =	simm.s32 $0xBA90  }
0x278: {  	[tilespmem:s23], [sflag:$0x1] =	stream.indirect_vreg.gather [hbm4b:s7+s4], $0x80, v0, vm0, $0xb8;
	[tilespmem:$0x19290] =	vst v63  }
0x279: {  	s28 =	simm.s32 $0xC290  }
0x27a: {  	[tilespmem:s28], [sflag:$0x1] =	stream.indirect_vreg.gather [hbm4b:s8+s4], $0x80, v0, vm0, $0xb8;
	[tilespmem:$0x19290] =	vst v63  }
0x27b: {  	s29 =	simm.s32 $0xCA90  }
0x27c: {  	[tilespmem:s29], [sflag:$0x1] =	stream.indirect_vreg.gather [hbm4b:s9+s4], $0x80, v0, vm0, $0xb8;
	[tilespmem:$0x19290] =	vst v63  }
0x27d: {  	v0 =	vld [tilespmem:$0x410];
	_ =	sdelay $0x4  }
0x27e: {  	v30 =	vshll.u32 v0, $0x3  }
0x27f: {  	v0 =	vand.u32 $0x7, v0;
	v1 =	vand.u32 $0xFFFFFFC0, v30  }
0x280: {  	v0 =	vor.u32 v0, v1  }
0x281: {  	v1 =	vperm.xlane v0, v15;
	_ =	sdelay $0x1  }
0x282: {  	v1 =	vadd.s32 v16, v1;
	_ =	sdelay $0x3  }
0x283: {  	s30 =	simm.s32 $0xD290  }
0x284: {  	[tilespmem:s30], [sflag:$0x1] =	stream.indirect_vreg.gather [hbm4b:s1+s4], $0x80, v1, vm0, $0xb8;
	[tilespmem:$0x19290] =	vst v63  }
0x285: {  	s31 =	simm.s32 $0xDA90;
	v0 =	vperm.xlane v0, v17  }
0x286: {  	[tilespmem:s31], [sflag:$0x1] =	stream.indirect_vreg.gather [hbm4b:s7+s4], $0x80, v1, vm0, $0xb8;
	[tilespmem:$0x19290] =	vst v63  }
0x287: {  	s29 =	simm.s32 $0xE290;
	v0 =	vadd.s32 v16, v0  }
0x288: {  	[tilespmem:s29], [sflag:$0x1] =	stream.indirect_vreg.gather [hbm4b:s8+s4], $0x80, v1, vm0, $0xb8;
	[tilespmem:$0x19290] =	vst v63  }
0x289: {  	s30 =	simm.s32 $0xEA90  }
0x28a: {  	[tilespmem:s30], [sflag:$0x1] =	stream.indirect_vreg.gather [hbm4b:s9+s4], $0x80, v1, vm0, $0xb8;
	[tilespmem:$0x19290] =	vst v63  }
0x28b: {  	s31 =	simm.s32 $0xF290  }
0x28c: {  	[tilespmem:s31], [sflag:$0x1] =	stream.indirect_vreg.gather [hbm4b:s1+s4], $0x80, v0, vm0, $0xb8;
	[tilespmem:$0x19290] =	vst v63  }
0x28d: {  	s11 =	simm.s32 $0xFA90  }
0x28e: {  	[tilespmem:s11], [sflag:$0x1] =	stream.indirect_vreg.gather [hbm4b:s7+s4], $0x80, v0, vm0, $0xb8;
	[tilespmem:$0x19290] =	vst v63  }
0x28f: {  	s12 =	simm.s32 $0x10290  }
0x290: {  	[tilespmem:s12], [sflag:$0x1] =	stream.indirect_vreg.gather [hbm4b:s8+s4], $0x80, v0, vm0, $0xb8;
	[tilespmem:$0x19290] =	vst v63  }
0x291: {  	s18 =	simm.s32 $0x10A90  }
0x292: {  	[tilespmem:s18], [sflag:$0x1] =	stream.indirect_vreg.gather [hbm4b:s9+s4], $0x80, v0, vm0, $0xb8;
	[tilespmem:$0x19290] =	vst v63  }
0x293: {  	s13 =	rddreg [dreg:$0x9]  }
0x294: {  	[hbm4b:s13+s4] =	stream.linear.scatter [tilespmem:s26], [sflag:$0x2], $0x8000, $0x38;
	[tilespmem:$0x19290] =	vst v63  }
0x295: {  	_ =	swait.ge [sflag:s6], $0x8000  }
0x296: {  	[sflag:s6] =	ssyncset.done $0x0  }
0x297: {  	[sflag:s6] =	ssyncadd.s32 $0xFFFF8000  }
0x298: {  	_ =	swait.ge [sflag:s2], $0x8000  }
0x299: {  	[sflag:s2] =	ssyncset.done $0x0  }
0x29a: {  	[sflag:s2] =	ssyncadd.s32 $0xFFFF8000  }
0x29b: {  	v31 =	vld [tilespmem:$0x480];
	_ =	sdelay $0x4  }
0x29c: {  	v32 =	vshll.u32 v31, $0x3  }
0x29d: {  	v0 =	vand.u32 $0x7, v31;
	v1 =	vand.u32 $0xFFFFFFC0, v32  }
0x29e: {  	v0 =	vor.u32 v0, v1  }
0x29f: {  	v1 =	vperm.xlane v0, v15;
	_ =	sdelay $0x1  }
0x2a0: {  	v1 =	vadd.s32 v16, v1;
	_ =	sdelay $0x4  }
0x2a1: {  	[tilespmem:s25], [sflag:$0x1] =	stream.indirect_vreg.gather [hbm4b:s1+s4], $0x80, v1, vm0, $0xb8;
	[tilespmem:$0x19290] =	vst v63  }
0x2a2: {  	s14 =	simm.s32 $0x11A90;
	v0 =	vperm.xlane v0, v17  }
0x2a3: {  	[tilespmem:s14], [sflag:$0x1] =	stream.indirect_vreg.gather [hbm4b:s7+s4], $0x80, v1, vm0, $0xb8;
	[tilespmem:$0x19290] =	vst v63  }
0x2a4: {  	v0 =	vadd.s32 v16, v0;
	s14 =	simm.s32 $0x12290  }
0x2a5: {  	[tilespmem:s14], [sflag:$0x1] =	stream.indirect_vreg.gather [hbm4b:s8+s4], $0x80, v1, vm0, $0xb8;
	[tilespmem:$0x19290] =	vst v63  }
0x2a6: {  	s20 =	simm.s32 $0x12A90  }
0x2a7: {  	[tilespmem:s20], [sflag:$0x1] =	stream.indirect_vreg.gather [hbm4b:s9+s4], $0x80, v1, vm0, $0xb8;
	[tilespmem:$0x19290] =	vst v63  }
0x2a8: {  	s24 =	simm.s32 $0x13290  }
0x2a9: {  	[tilespmem:s24], [sflag:$0x1] =	stream.indirect_vreg.gather [hbm4b:s1+s4], $0x80, v0, vm0, $0xb8;
	[tilespmem:$0x19290] =	vst v63  }
0x2aa: {  	s25 =	simm.s32 $0x13A90  }
0x2ab: {  	[tilespmem:s25], [sflag:$0x1] =	stream.indirect_vreg.gather [hbm4b:s7+s4], $0x80, v0, vm0, $0xb8;
	[tilespmem:$0x19290] =	vst v63  }
0x2ac: {  	s26 =	simm.s32 $0x14290  }
0x2ad: {  	[tilespmem:s26], [sflag:$0x1] =	stream.indirect_vreg.gather [hbm4b:s8+s4], $0x80, v0, vm0, $0xb8;
	[tilespmem:$0x19290] =	vst v63  }
0x2ae: {  	s15 =	simm.s32 $0x14A90  }
0x2af: {  	[tilespmem:s15], [sflag:$0x1] =	stream.indirect_vreg.gather [hbm4b:s9+s4], $0x80, v0, vm0, $0xb8;
	[tilespmem:$0x19290] =	vst v63  }
0x2b0: {  	v0 =	vld [tilespmem:$0x490];
	_ =	sdelay $0x4  }
0x2b1: {  	v33 =	vshll.u32 v0, $0x3  }
0x2b2: {  	v0 =	vand.u32 $0x7, v0;
	v1 =	vand.u32 $0xFFFFFFC0, v33  }
0x2b3: {  	v0 =	vor.u32 v0, v1  }
0x2b4: {  	v1 =	vperm.xlane v0, v15;
	_ =	sdelay $0x1  }
0x2b5: {  	v1 =	vadd.s32 v16, v1;
	_ =	sdelay $0x3  }
0x2b6: {  	s16 =	simm.s32 $0x15290  }
0x2b7: {  	[tilespmem:s16], [sflag:$0x1] =	stream.indirect_vreg.gather [hbm4b:s1+s4], $0x80, v1, vm0, $0xb8;
	[tilespmem:$0x19290] =	vst v63  }
0x2b8: {  	v0 =	vperm.xlane v0, v17;
	s16 =	simm.s32 $0x15A90  }
0x2b9: {  	[tilespmem:s16], [sflag:$0x1] =	stream.indirect_vreg.gather [hbm4b:s7+s4], $0x80, v1, vm0, $0xb8;
	[tilespmem:$0x19290] =	vst v63  }
0x2ba: {  	s17 =	simm.s32 $0x16290;
	v0 =	vadd.s32 v16, v0  }
0x2bb: {  	[tilespmem:s17], [sflag:$0x1] =	stream.indirect_vreg.gather [hbm4b:s8+s4], $0x80, v1, vm0, $0xb8;
	[tilespmem:$0x19290] =	vst v63  }
0x2bc: {  	s12 =	simm.s32 $0x16A90  }
0x2bd: {  	[tilespmem:s12], [sflag:$0x1] =	stream.indirect_vreg.gather [hbm4b:s9+s4], $0x80, v1, vm0, $0xb8;
	[tilespmem:$0x19290] =	vst v63  }
0x2be: {  	s13 =	simm.s32 $0x17290  }
0x2bf: {  	[tilespmem:s13], [sflag:$0x1] =	stream.indirect_vreg.gather [hbm4b:s1+s4], $0x80, v0, vm0, $0xb8;
	[tilespmem:$0x19290] =	vst v63  }
0x2c0: {  	s15 =	simm.s32 $0x17A90  }
0x2c1: {  	[tilespmem:s15], [sflag:$0x1] =	stream.indirect_vreg.gather [hbm4b:s7+s4], $0x80, v0, vm0, $0xb8;
	[tilespmem:$0x19290] =	vst v63  }
0x2c2: {  	s17 =	simm.s32 $0x18290  }
0x2c3: {  	[tilespmem:s17], [sflag:$0x1] =	stream.indirect_vreg.gather [hbm4b:s8+s4], $0x80, v0, vm0, $0xb8;
	[tilespmem:$0x19290] =	vst v63  }
0x2c4: {  	s11 =	simm.s32 $0x18A90  }
0x2c5: {  	[tilespmem:s11], [sflag:$0x1] =	stream.indirect_vreg.gather [hbm4b:s9+s4], $0x80, v0, vm0, $0xb8;
	[tilespmem:$0x19290] =	vst v63  }
0x2c6: {  	s10 =	simm.s32 $0x9290;
	s0 =	rddreg [dreg:$0xa]  }
0x2c7: {  	[hbm4b:s0+s4] =	stream.linear.scatter [tilespmem:s10], [sflag:$0x2], $0x8000, $0x38;
	[tilespmem:$0x19290] =	vst v63  }
0x2c8: {  	_ =	swait.ge [sflag:s6], $0x8000  }
0x2c9: {  	[sflag:s6] =	ssyncset.done $0x0  }
0x2ca: {  	[sflag:s6] =	ssyncadd.s32 $0xFFFF8000  }
0x2cb: {  	_ =	swait.ge [sflag:s2], $0x8000  }
0x2cc: {  	[sflag:s2] =	ssyncset.done $0x0  }
0x2cd: {  	[sflag:s2] =	ssyncadd.s32 $0xFFFF8000  }
0x2ce: {  	v34 =	vld [tilespmem:$0x500];
	_ =	sdelay $0x4  }
0x2cf: {  	v35 =	vshll.u32 v34, $0x3  }
0x2d0: {  	v0 =	vand.u32 $0x7, v34;
	v1 =	vand.u32 $0xFFFFFFC0, v35  }
0x2d1: {  	v0 =	vor.u32 v0, v1  }
0x2d2: {  	v1 =	vperm.xlane v0, v15;
	_ =	sdelay $0x1  }
0x2d3: {  	v1 =	vadd.s32 v16, v1;
	_ =	sdelay $0x3  }
0x2d4: {  	s5 =	simm.s32 $0x1290  }
0x2d5: {  	[tilespmem:s5], [sflag:$0x1] =	stream.indirect_vreg.gather [hbm4b:s1+s4], $0x80, v1, vm0, $0xb8;
	[tilespmem:$0x19290] =	vst v63  }
0x2d6: {  	s11 =	simm.s32 $0x1A90;
	v0 =	vperm.xlane v0, v17  }
0x2d7: {  	[tilespmem:s11], [sflag:$0x1] =	stream.indirect_vreg.gather [hbm4b:s7+s4], $0x80, v1, vm0, $0xb8;
	[tilespmem:$0x19290] =	vst v63  }
0x2d8: {  	v0 =	vadd.s32 v16, v0;
	s11 =	simm.s32 $0x2290  }
0x2d9: {  	[tilespmem:s11], [sflag:$0x1] =	stream.indirect_vreg.gather [hbm4b:s8+s4], $0x80, v1, vm0, $0xb8;
	[tilespmem:$0x19290] =	vst v63  }
0x2da: {  	s11 =	simm.s32 $0x2A90  }
0x2db: {  	[tilespmem:s11], [sflag:$0x1] =	stream.indirect_vreg.gather [hbm4b:s9+s4], $0x80, v1, vm0, $0xb8;
	[tilespmem:$0x19290] =	vst v63  }
0x2dc: {  	s11 =	simm.s32 $0x3290  }
0x2dd: {  	[tilespmem:s11], [sflag:$0x1] =	stream.indirect_vreg.gather [hbm4b:s1+s4], $0x80, v0, vm0, $0xb8;
	[tilespmem:$0x19290] =	vst v63  }
0x2de: {  	s11 =	simm.s32 $0x3A90  }
0x2df: {  	[tilespmem:s11], [sflag:$0x1] =	stream.indirect_vreg.gather [hbm4b:s7+s4], $0x80, v0, vm0, $0xb8;
	[tilespmem:$0x19290] =	vst v63  }
0x2e0: {  	s11 =	simm.s32 $0x4290  }
0x2e1: {  	[tilespmem:s11], [sflag:$0x1] =	stream.indirect_vreg.gather [hbm4b:s8+s4], $0x80, v0, vm0, $0xb8;
	[tilespmem:$0x19290] =	vst v63  }
0x2e2: {  	s11 =	simm.s32 $0x4A90  }
0x2e3: {  	[tilespmem:s11], [sflag:$0x1] =	stream.indirect_vreg.gather [hbm4b:s9+s4], $0x80, v0, vm0, $0xb8;
	[tilespmem:$0x19290] =	vst v63  }
0x2e4: {  	v0 =	vld [tilespmem:$0x510];
	_ =	sdelay $0x4  }
0x2e5: {  	v36 =	vshll.u32 v0, $0x3  }
0x2e6: {  	v0 =	vand.u32 $0x7, v0;
	v1 =	vand.u32 $0xFFFFFFC0, v36  }
0x2e7: {  	v0 =	vor.u32 v0, v1  }
0x2e8: {  	v1 =	vperm.xlane v0, v15;
	_ =	sdelay $0x1  }
0x2e9: {  	v1 =	vadd.s32 v16, v1;
	_ =	sdelay $0x3  }
0x2ea: {  	s11 =	simm.s32 $0x5290  }
0x2eb: {  	[tilespmem:s11], [sflag:$0x1] =	stream.indirect_vreg.gather [hbm4b:s1+s4], $0x80, v1, vm0, $0xb8;
	[tilespmem:$0x19290] =	vst v63  }
0x2ec: {  	v0 =	vperm.xlane v0, v17;
	s11 =	simm.s32 $0x5A90  }
0x2ed: {  	[tilespmem:s11], [sflag:$0x1] =	stream.indirect_vreg.gather [hbm4b:s7+s4], $0x80, v1, vm0, $0xb8;
	[tilespmem:$0x19290] =	vst v63  }
0x2ee: {  	v0 =	vadd.s32 v16, v0;
	s11 =	simm.s32 $0x6290  }
0x2ef: {  	[tilespmem:s11], [sflag:$0x1] =	stream.indirect_vreg.gather [hbm4b:s8+s4], $0x80, v1, vm0, $0xb8;
	[tilespmem:$0x19290] =	vst v63  }
0x2f0: {  	s11 =	simm.s32 $0x6A90  }
0x2f1: {  	[tilespmem:s11], [sflag:$0x1] =	stream.indirect_vreg.gather [hbm4b:s9+s4], $0x80, v1, vm0, $0xb8;
	[tilespmem:$0x19290] =	vst v63  }
0x2f2: {  	s11 =	simm.s32 $0x7290  }
0x2f3: {  	[tilespmem:s11], [sflag:$0x1] =	stream.indirect_vreg.gather [hbm4b:s1+s4], $0x80, v0, vm0, $0xb8;
	[tilespmem:$0x19290] =	vst v63  }
0x2f4: {  	s11 =	simm.s32 $0x7A90  }
0x2f5: {  	[tilespmem:s11], [sflag:$0x1] =	stream.indirect_vreg.gather [hbm4b:s7+s4], $0x80, v0, vm0, $0xb8;
	[tilespmem:$0x19290] =	vst v63  }
0x2f6: {  	s11 =	simm.s32 $0x8290  }
0x2f7: {  	[tilespmem:s11], [sflag:$0x1] =	stream.indirect_vreg.gather [hbm4b:s8+s4], $0x80, v0, vm0, $0xb8;
	[tilespmem:$0x19290] =	vst v63  }
0x2f8: {  	s11 =	simm.s32 $0x8A90  }
0x2f9: {  	[tilespmem:s11], [sflag:$0x1] =	stream.indirect_vreg.gather [hbm4b:s9+s4], $0x80, v0, vm0, $0xb8;
	[tilespmem:$0x19290] =	vst v63  }
0x2fa: {  	s3 =	simm.s32 $0x11290;
	s0 =	rddreg [dreg:$0xb]  }
0x2fb: {  	[hbm4b:s0+s4] =	stream.linear.scatter [tilespmem:s3], [sflag:$0x2], $0x8000, $0x38;
	[tilespmem:$0x19290] =	vst v63  }
0x2fc: {  	_ =	swait.ge [sflag:s6], $0x8000  }
0x2fd: {  	[sflag:s6] =	ssyncset.done $0x0  }
0x2fe: {  	[sflag:s6] =	ssyncadd.s32 $0xFFFF8000  }
0x2ff: {  	_ =	swait.ge [sflag:s2], $0x8000  }
0x300: {  	[sflag:s2] =	ssyncset.done $0x0  }
0x301: {  	[sflag:s2] =	ssyncadd.s32 $0xFFFF8000  }
0x302: {  	v37 =	vld [tilespmem:$0x580];
	_ =	sdelay $0x4  }
0x303: {  	v38 =	vshll.u32 v37, $0x3  }
0x304: {  	v0 =	vand.u32 $0x7, v37;
	v1 =	vand.u32 $0xFFFFFFC0, v38  }
0x305: {  	v0 =	vor.u32 v0, v1  }
0x306: {  	v1 =	vperm.xlane v0, v15;
	_ =	sdelay $0x1  }
0x307: {  	v1 =	vadd.s32 v16, v1;
	_ =	sdelay $0x3  }
0x308: {  	s10 =	simm.s32 $0x9290  }
0x309: {  	[tilespmem:s10], [sflag:$0x1] =	stream.indirect_vreg.gather [hbm4b:s1+s4], $0x80, v1, vm0, $0xb8;
	[tilespmem:$0x19290] =	vst v63  }
0x30a: {  	s11 =	simm.s32 $0x9A90;
	v0 =	vperm.xlane v0, v17  }
0x30b: {  	[tilespmem:s11], [sflag:$0x1] =	stream.indirect_vreg.gather [hbm4b:s7+s4], $0x80, v1, vm0, $0xb8;
	[tilespmem:$0x19290] =	vst v63  }
0x30c: {  	v0 =	vadd.s32 v16, v0  }
0x30d: {  	[tilespmem:s19], [sflag:$0x1] =	stream.indirect_vreg.gather [hbm4b:s8+s4], $0x80, v1, vm0, $0xb8;
	[tilespmem:$0x19290] =	vst v63  }
0x30e: {  	_ = 	snop  }
0x30f: {  	[tilespmem:s21], [sflag:$0x1] =	stream.indirect_vreg.gather [hbm4b:s9+s4], $0x80, v1, vm0, $0xb8;
	[tilespmem:$0x19290] =	vst v63  }
0x310: {  	_ = 	snop  }
0x311: {  	[tilespmem:s22], [sflag:$0x1] =	stream.indirect_vreg.gather [hbm4b:s1+s4], $0x80, v0, vm0, $0xb8;
	[tilespmem:$0x19290] =	vst v63  }
0x312: {  	_ = 	snop  }
0x313: {  	[tilespmem:s23], [sflag:$0x1] =	stream.indirect_vreg.gather [hbm4b:s7+s4], $0x80, v0, vm0, $0xb8;
	[tilespmem:$0x19290] =	vst v63  }
0x314: {  	_ = 	snop  }
0x315: {  	[tilespmem:s28], [sflag:$0x1] =	stream.indirect_vreg.gather [hbm4b:s8+s4], $0x80, v0, vm0, $0xb8;
	[tilespmem:$0x19290] =	vst v63  }
0x316: {  	s11 =	simm.s32 $0xCA90  }
0x317: {  	[tilespmem:s11], [sflag:$0x1] =	stream.indirect_vreg.gather [hbm4b:s9+s4], $0x80, v0, vm0, $0xb8;
	[tilespmem:$0x19290] =	vst v63  }
0x318: {  	v0 =	vld [tilespmem:$0x590];
	_ =	sdelay $0x4  }
0x319: {  	v39 =	vshll.u32 v0, $0x3  }
0x31a: {  	v0 =	vand.u32 $0x7, v0;
	v1 =	vand.u32 $0xFFFFFFC0, v39  }
0x31b: {  	v0 =	vor.u32 v0, v1  }
0x31c: {  	v1 =	vperm.xlane v0, v15;
	_ =	sdelay $0x1  }
0x31d: {  	v1 =	vadd.s32 v16, v1;
	_ =	sdelay $0x3  }
0x31e: {  	s28 =	simm.s32 $0xD290  }
0x31f: {  	[tilespmem:s28], [sflag:$0x1] =	stream.indirect_vreg.gather [hbm4b:s1+s4], $0x80, v1, vm0, $0xb8;
	[tilespmem:$0x19290] =	vst v63  }
0x320: {  	s23 =	simm.s32 $0xDA90;
	v0 =	vperm.xlane v0, v17  }
0x321: {  	[tilespmem:s23], [sflag:$0x1] =	stream.indirect_vreg.gather [hbm4b:s7+s4], $0x80, v1, vm0, $0xb8;
	[tilespmem:$0x19290] =	vst v63  }
0x322: {  	v0 =	vadd.s32 v16, v0  }
0x323: {  	[tilespmem:s29], [sflag:$0x1] =	stream.indirect_vreg.gather [hbm4b:s8+s4], $0x80, v1, vm0, $0xb8;
	[tilespmem:$0x19290] =	vst v63  }
0x324: {  	_ = 	snop  }
0x325: {  	[tilespmem:s30], [sflag:$0x1] =	stream.indirect_vreg.gather [hbm4b:s9+s4], $0x80, v1, vm0, $0xb8;
	[tilespmem:$0x19290] =	vst v63  }
0x326: {  	_ = 	snop  }
0x327: {  	[tilespmem:s31], [sflag:$0x1] =	stream.indirect_vreg.gather [hbm4b:s1+s4], $0x80, v0, vm0, $0xb8;
	[tilespmem:$0x19290] =	vst v63  }
0x328: {  	s29 =	simm.s32 $0xFA90  }
0x329: {  	[tilespmem:s29], [sflag:$0x1] =	stream.indirect_vreg.gather [hbm4b:s7+s4], $0x80, v0, vm0, $0xb8;
	[tilespmem:$0x19290] =	vst v63  }
0x32a: {  	s30 =	simm.s32 $0x10290  }
0x32b: {  	[tilespmem:s30], [sflag:$0x1] =	stream.indirect_vreg.gather [hbm4b:s8+s4], $0x80, v0, vm0, $0xb8;
	[tilespmem:$0x19290] =	vst v63  }
0x32c: {  	_ = 	snop  }
0x32d: {  	[tilespmem:s18], [sflag:$0x1] =	stream.indirect_vreg.gather [hbm4b:s9+s4], $0x80, v0, vm0, $0xb8;
	[tilespmem:$0x19290] =	vst v63  }
0x32e: {  	s5 =	simm.s32 $0x1290;
	s31 =	rddreg [dreg:$0xc]  }
0x32f: {  	[hbm4b:s31+s4] =	stream.linear.scatter [tilespmem:s5], [sflag:$0x2], $0x8000, $0x38;
	[tilespmem:$0x19290] =	vst v63  }
0x330: {  	_ =	swait.ge [sflag:s6], $0x8000  }
0x331: {  	[sflag:s6] =	ssyncset.done $0x0  }
0x332: {  	[sflag:s6] =	ssyncadd.s32 $0xFFFF8000  }
0x333: {  	_ =	swait.ge [sflag:s2], $0x8000  }
0x334: {  	[sflag:s2] =	ssyncset.done $0x0  }
0x335: {  	[sflag:s2] =	ssyncadd.s32 $0xFFFF8000  }
0x336: {  	v40 =	vld [tilespmem:$0x600];
	_ =	sdelay $0x4  }
0x337: {  	v41 =	vshll.u32 v40, $0x3  }
0x338: {  	v0 =	vand.u32 $0x7, v40;
	v1 =	vand.u32 $0xFFFFFFC0, v41  }
0x339: {  	v0 =	vor.u32 v0, v1  }
0x33a: {  	v1 =	vperm.xlane v0, v15;
	_ =	sdelay $0x1  }
0x33b: {  	v1 =	vadd.s32 v16, v1;
	_ =	sdelay $0x3  }
0x33c: {  	s3 =	simm.s32 $0x11290  }
0x33d: {  	[tilespmem:s3], [sflag:$0x1] =	stream.indirect_vreg.gather [hbm4b:s1+s4], $0x80, v1, vm0, $0xb8;
	[tilespmem:$0x19290] =	vst v63  }
0x33e: {  	s19 =	simm.s32 $0x11A90;
	v0 =	vperm.xlane v0, v17  }
0x33f: {  	[tilespmem:s19], [sflag:$0x1] =	stream.indirect_vreg.gather [hbm4b:s7+s4], $0x80, v1, vm0, $0xb8;
	[tilespmem:$0x19290] =	vst v63  }
0x340: {  	v0 =	vadd.s32 v16, v0  }
0x341: {  	[tilespmem:s14], [sflag:$0x1] =	stream.indirect_vreg.gather [hbm4b:s8+s4], $0x80, v1, vm0, $0xb8;
	[tilespmem:$0x19290] =	vst v63  }
0x342: {  	_ = 	snop  }
0x343: {  	[tilespmem:s20], [sflag:$0x1] =	stream.indirect_vreg.gather [hbm4b:s9+s4], $0x80, v1, vm0, $0xb8;
	[tilespmem:$0x19290] =	vst v63  }
0x344: {  	_ = 	snop  }
0x345: {  	[tilespmem:s24], [sflag:$0x1] =	stream.indirect_vreg.gather [hbm4b:s1+s4], $0x80, v0, vm0, $0xb8;
	[tilespmem:$0x19290] =	vst v63  }
0x346: {  	_ = 	snop  }
0x347: {  	[tilespmem:s25], [sflag:$0x1] =	stream.indirect_vreg.gather [hbm4b:s7+s4], $0x80, v0, vm0, $0xb8;
	[tilespmem:$0x19290] =	vst v63  }
0x348: {  	_ = 	snop  }
0x349: {  	[tilespmem:s26], [sflag:$0x1] =	stream.indirect_vreg.gather [hbm4b:s8+s4], $0x80, v0, vm0, $0xb8;
	[tilespmem:$0x19290] =	vst v63  }
0x34a: {  	s21 =	simm.s32 $0x14A90  }
0x34b: {  	[tilespmem:s21], [sflag:$0x1] =	stream.indirect_vreg.gather [hbm4b:s9+s4], $0x80, v0, vm0, $0xb8;
	[tilespmem:$0x19290] =	vst v63  }
0x34c: {  	v0 =	vld [tilespmem:$0x610];
	_ =	sdelay $0x4  }
0x34d: {  	v42 =	vshll.u32 v0, $0x3  }
0x34e: {  	v0 =	vand.u32 $0x7, v0;
	v1 =	vand.u32 $0xFFFFFFC0, v42  }
0x34f: {  	v0 =	vor.u32 v0, v1  }
0x350: {  	v1 =	vperm.xlane v0, v15;
	_ =	sdelay $0x1  }
0x351: {  	v1 =	vadd.s32 v16, v1;
	_ =	sdelay $0x3  }
0x352: {  	s22 =	simm.s32 $0x15290  }
0x353: {  	[tilespmem:s22], [sflag:$0x1] =	stream.indirect_vreg.gather [hbm4b:s1+s4], $0x80, v1, vm0, $0xb8;
	[tilespmem:$0x19290] =	vst v63  }
0x354: {  	v0 =	vperm.xlane v0, v17  }
0x355: {  	[tilespmem:s16], [sflag:$0x1] =	stream.indirect_vreg.gather [hbm4b:s7+s4], $0x80, v1, vm0, $0xb8;
	[tilespmem:$0x19290] =	vst v63  }
0x356: {  	s23 =	simm.s32 $0x16290;
	v0 =	vadd.s32 v16, v0  }
0x357: {  	[tilespmem:s23], [sflag:$0x1] =	stream.indirect_vreg.gather [hbm4b:s8+s4], $0x80, v1, vm0, $0xb8;
	[tilespmem:$0x19290] =	vst v63  }
0x358: {  	_ = 	snop  }
0x359: {  	[tilespmem:s12], [sflag:$0x1] =	stream.indirect_vreg.gather [hbm4b:s9+s4], $0x80, v1, vm0, $0xb8;
	[tilespmem:$0x19290] =	vst v63  }
0x35a: {  	_ = 	snop  }
0x35b: {  	[tilespmem:s13], [sflag:$0x1] =	stream.indirect_vreg.gather [hbm4b:s1+s4], $0x80, v0, vm0, $0xb8;
	[tilespmem:$0x19290] =	vst v63  }
0x35c: {  	_ = 	snop  }
0x35d: {  	[tilespmem:s15], [sflag:$0x1] =	stream.indirect_vreg.gather [hbm4b:s7+s4], $0x80, v0, vm0, $0xb8;
	[tilespmem:$0x19290] =	vst v63  }
0x35e: {  	_ = 	snop  }
0x35f: {  	[tilespmem:s17], [sflag:$0x1] =	stream.indirect_vreg.gather [hbm4b:s8+s4], $0x80, v0, vm0, $0xb8;
	[tilespmem:$0x19290] =	vst v63  }
0x360: {  	s22 =	simm.s32 $0x18A90  }
0x361: {  	[tilespmem:s22], [sflag:$0x1] =	stream.indirect_vreg.gather [hbm4b:s9+s4], $0x80, v0, vm0, $0xb8;
	[tilespmem:$0x19290] =	vst v63  }
0x362: {  	s10 =	simm.s32 $0x9290;
	s24 =	rddreg [dreg:$0xd]  }
0x363: {  	[hbm4b:s24+s4] =	stream.linear.scatter [tilespmem:s10], [sflag:$0x2], $0x8000, $0x38;
	[tilespmem:$0x19290] =	vst v63  }
0x364: {  	_ =	swait.ge [sflag:s6], $0x8000  }
0x365: {  	[sflag:s6] =	ssyncset.done $0x0  }
0x366: {  	[sflag:s6] =	ssyncadd.s32 $0xFFFF8000  }
0x367: {  	_ =	swait.ge [sflag:s2], $0x8000  }
0x368: {  	[sflag:s2] =	ssyncset.done $0x0  }
0x369: {  	[sflag:s2] =	ssyncadd.s32 $0xFFFF8000  }
0x36a: {  	v43 =	vld [tilespmem:$0x680];
	_ =	sdelay $0x4  }
0x36b: {  	v44 =	vshll.u32 v43, $0x3  }
0x36c: {  	v0 =	vand.u32 $0x7, v43;
	v1 =	vand.u32 $0xFFFFFFC0, v44  }
0x36d: {  	v0 =	vor.u32 v0, v1  }
0x36e: {  	v1 =	vperm.xlane v0, v15;
	_ =	sdelay $0x1  }
0x36f: {  	v1 =	vadd.s32 v16, v1;
	_ =	sdelay $0x3  }
0x370: {  	s29 =	simm.s32 $0x1290  }
0x371: {  	[tilespmem:s29], [sflag:$0x1] =	stream.indirect_vreg.gather [hbm4b:s1+s4], $0x80, v1, vm0, $0xb8;
	[tilespmem:$0x19290] =	vst v63  }
0x372: {  	s25 =	simm.s32 $0x1A90;
	v0 =	vperm.xlane v0, v17  }
0x373: {  	[tilespmem:s25], [sflag:$0x1] =	stream.indirect_vreg.gather [hbm4b:s7+s4], $0x80, v1, vm0, $0xb8;
	[tilespmem:$0x19290] =	vst v63  }
0x374: {  	s23 =	simm.s32 $0x2290;
	v0 =	vadd.s32 v16, v0  }
0x375: {  	[tilespmem:s23], [sflag:$0x1] =	stream.indirect_vreg.gather [hbm4b:s8+s4], $0x80, v1, vm0, $0xb8;
	[tilespmem:$0x19290] =	vst v63  }
0x376: {  	s3 =	simm.s32 $0x2A90  }
0x377: {  	[tilespmem:s3], [sflag:$0x1] =	stream.indirect_vreg.gather [hbm4b:s9+s4], $0x80, v1, vm0, $0xb8;
	[tilespmem:$0x19290] =	vst v63  }
0x378: {  	s5 =	simm.s32 $0x3290  }
0x379: {  	[tilespmem:s5], [sflag:$0x1] =	stream.indirect_vreg.gather [hbm4b:s1+s4], $0x80, v0, vm0, $0xb8;
	[tilespmem:$0x19290] =	vst v63  }
0x37a: {  	s10 =	simm.s32 $0x3A90  }
0x37b: {  	[tilespmem:s10], [sflag:$0x1] =	stream.indirect_vreg.gather [hbm4b:s7+s4], $0x80, v0, vm0, $0xb8;
	[tilespmem:$0x19290] =	vst v63  }
0x37c: {  	s12 =	simm.s32 $0x4290  }
0x37d: {  	[tilespmem:s12], [sflag:$0x1] =	stream.indirect_vreg.gather [hbm4b:s8+s4], $0x80, v0, vm0, $0xb8;
	[tilespmem:$0x19290] =	vst v63  }
0x37e: {  	s19 =	simm.s32 $0x4A90  }
0x37f: {  	[tilespmem:s19], [sflag:$0x1] =	stream.indirect_vreg.gather [hbm4b:s9+s4], $0x80, v0, vm0, $0xb8;
	[tilespmem:$0x19290] =	vst v63  }
0x380: {  	v0 =	vld [tilespmem:$0x690];
	_ =	sdelay $0x4  }
0x381: {  	v45 =	vshll.u32 v0, $0x3  }
0x382: {  	v0 =	vand.u32 $0x7, v0;
	v1 =	vand.u32 $0xFFFFFFC0, v45  }
0x383: {  	v0 =	vor.u32 v0, v1  }
0x384: {  	v1 =	vperm.xlane v0, v15;
	_ =	sdelay $0x1  }
0x385: {  	v1 =	vadd.s32 v16, v1;
	_ =	sdelay $0x3  }
0x386: {  	s20 =	simm.s32 $0x5290  }
0x387: {  	[tilespmem:s20], [sflag:$0x1] =	stream.indirect_vreg.gather [hbm4b:s1+s4], $0x80, v1, vm0, $0xb8;
	[tilespmem:$0x19290] =	vst v63  }
0x388: {  	s21 =	simm.s32 $0x5A90;
	v0 =	vperm.xlane v0, v17  }
0x389: {  	[tilespmem:s21], [sflag:$0x1] =	stream.indirect_vreg.gather [hbm4b:s7+s4], $0x80, v1, vm0, $0xb8;
	[tilespmem:$0x19290] =	vst v63  }
0x38a: {  	s13 =	simm.s32 $0x6290;
	v0 =	vadd.s32 v16, v0  }
0x38b: {  	[tilespmem:s13], [sflag:$0x1] =	stream.indirect_vreg.gather [hbm4b:s8+s4], $0x80, v1, vm0, $0xb8;
	[tilespmem:$0x19290] =	vst v63  }
0x38c: {  	s14 =	simm.s32 $0x6A90  }
0x38d: {  	[tilespmem:s14], [sflag:$0x1] =	stream.indirect_vreg.gather [hbm4b:s9+s4], $0x80, v1, vm0, $0xb8;
	[tilespmem:$0x19290] =	vst v63  }
0x38e: {  	s15 =	simm.s32 $0x7290  }
0x38f: {  	[tilespmem:s15], [sflag:$0x1] =	stream.indirect_vreg.gather [hbm4b:s1+s4], $0x80, v0, vm0, $0xb8;
	[tilespmem:$0x19290] =	vst v63  }
0x390: {  	s16 =	simm.s32 $0x7A90  }
0x391: {  	[tilespmem:s16], [sflag:$0x1] =	stream.indirect_vreg.gather [hbm4b:s7+s4], $0x80, v0, vm0, $0xb8;
	[tilespmem:$0x19290] =	vst v63  }
0x392: {  	s18 =	simm.s32 $0x8290  }
0x393: {  	[tilespmem:s18], [sflag:$0x1] =	stream.indirect_vreg.gather [hbm4b:s8+s4], $0x80, v0, vm0, $0xb8;
	[tilespmem:$0x19290] =	vst v63  }
0x394: {  	s17 =	simm.s32 $0x8A90  }
0x395: {  	[tilespmem:s17], [sflag:$0x1] =	stream.indirect_vreg.gather [hbm4b:s9+s4], $0x80, v0, vm0, $0xb8;
	[tilespmem:$0x19290] =	vst v63  }
0x396: {  	s30 =	simm.s32 $0x11290;
	s26 =	rddreg [dreg:$0xe]  }
0x397: {  	[hbm4b:s26+s4] =	stream.linear.scatter [tilespmem:s30], [sflag:$0x2], $0x8000, $0x38;
	[tilespmem:$0x19290] =	vst v63  }
0x398: {  	_ =	swait.ge [sflag:s6], $0x8000  }
0x399: {  	[sflag:s6] =	ssyncset.done $0x0  }
0x39a: {  	[sflag:s6] =	ssyncadd.s32 $0xFFFF8000  }
0x39b: {  	_ =	swait.ge [sflag:s2], $0x8000  }
0x39c: {  	[sflag:s2] =	ssyncset.done $0x0  }
0x39d: {  	[sflag:s2] =	ssyncadd.s32 $0xFFFF8000  }
0x39e: {  	v46 =	vld [tilespmem:$0x700];
	_ =	sdelay $0x4  }
0x39f: {  	v47 =	vshll.u32 v46, $0x3  }
0x3a0: {  	v0 =	vand.u32 $0x7, v46;
	v1 =	vand.u32 $0xFFFFFFC0, v47  }
0x3a1: {  	v0 =	vor.u32 v0, v1  }
0x3a2: {  	v1 =	vperm.xlane v0, v15;
	_ =	sdelay $0x1  }
0x3a3: {  	v1 =	vadd.s32 v16, v1;
	_ =	sdelay $0x3  }
0x3a4: {  	s24 =	simm.s32 $0x9290  }
0x3a5: {  	[tilespmem:s24], [sflag:$0x1] =	stream.indirect_vreg.gather [hbm4b:s1+s4], $0x80, v1, vm0, $0xb8;
	[tilespmem:$0x19290] =	vst v63  }
0x3a6: {  	s31 =	simm.s32 $0x9A90;
	v0 =	vperm.xlane v0, v17  }
0x3a7: {  	[tilespmem:s31], [sflag:$0x1] =	stream.indirect_vreg.gather [hbm4b:s7+s4], $0x80, v1, vm0, $0xb8;
	[tilespmem:$0x19290] =	vst v63  }
0x3a8: {  	s25 =	simm.s32 $0xA290;
	v0 =	vadd.s32 v16, v0  }
0x3a9: {  	[tilespmem:s25], [sflag:$0x1] =	stream.indirect_vreg.gather [hbm4b:s8+s4], $0x80, v1, vm0, $0xb8;
	[tilespmem:$0x19290] =	vst v63  }
0x3aa: {  	s26 =	simm.s32 $0xAA90  }
0x3ab: {  	[tilespmem:s26], [sflag:$0x1] =	stream.indirect_vreg.gather [hbm4b:s9+s4], $0x80, v1, vm0, $0xb8;
	[tilespmem:$0x19290] =	vst v63  }
0x3ac: {  	s25 =	simm.s32 $0xB290  }
0x3ad: {  	[tilespmem:s25], [sflag:$0x1] =	stream.indirect_vreg.gather [hbm4b:s1+s4], $0x80, v0, vm0, $0xb8;
	[tilespmem:$0x19290] =	vst v63  }
0x3ae: {  	s26 =	simm.s32 $0xBA90  }
0x3af: {  	[tilespmem:s26], [sflag:$0x1] =	stream.indirect_vreg.gather [hbm4b:s7+s4], $0x80, v0, vm0, $0xb8;
	[tilespmem:$0x19290] =	vst v63  }
0x3b0: {  	s25 =	simm.s32 $0xC290  }
0x3b1: {  	[tilespmem:s25], [sflag:$0x1] =	stream.indirect_vreg.gather [hbm4b:s8+s4], $0x80, v0, vm0, $0xb8;
	[tilespmem:$0x19290] =	vst v63  }
0x3b2: {  	_ = 	snop  }
0x3b3: {  	[tilespmem:s11], [sflag:$0x1] =	stream.indirect_vreg.gather [hbm4b:s9+s4], $0x80, v0, vm0, $0xb8;
	[tilespmem:$0x19290] =	vst v63  }
0x3b4: {  	v0 =	vld [tilespmem:$0x710];
	_ =	sdelay $0x4  }
0x3b5: {  	v48 =	vshll.u32 v0, $0x3  }
0x3b6: {  	v0 =	vand.u32 $0x7, v0;
	v1 =	vand.u32 $0xFFFFFFC0, v48  }
0x3b7: {  	v0 =	vor.u32 v0, v1  }
0x3b8: {  	v1 =	vperm.xlane v0, v15;
	_ =	sdelay $0x1  }
0x3b9: {  	v1 =	vadd.s32 v16, v1;
	_ =	sdelay $0x4  }
0x3ba: {  	[tilespmem:s28], [sflag:$0x1] =	stream.indirect_vreg.gather [hbm4b:s1+s4], $0x80, v1, vm0, $0xb8;
	[tilespmem:$0x19290] =	vst v63  }
0x3bb: {  	s26 =	simm.s32 $0xDA90;
	v0 =	vperm.xlane v0, v17  }
0x3bc: {  	[tilespmem:s26], [sflag:$0x1] =	stream.indirect_vreg.gather [hbm4b:s7+s4], $0x80, v1, vm0, $0xb8;
	[tilespmem:$0x19290] =	vst v63  }
0x3bd: {  	s11 =	simm.s32 $0xE290;
	v0 =	vadd.s32 v16, v0  }
0x3be: {  	[tilespmem:s11], [sflag:$0x1] =	stream.indirect_vreg.gather [hbm4b:s8+s4], $0x80, v1, vm0, $0xb8;
	[tilespmem:$0x19290] =	vst v63  }
0x3bf: {  	s11 =	simm.s32 $0xEA90  }
0x3c0: {  	[tilespmem:s11], [sflag:$0x1] =	stream.indirect_vreg.gather [hbm4b:s9+s4], $0x80, v1, vm0, $0xb8;
	[tilespmem:$0x19290] =	vst v63  }
0x3c1: {  	s11 =	simm.s32 $0xF290  }
0x3c2: {  	[tilespmem:s11], [sflag:$0x1] =	stream.indirect_vreg.gather [hbm4b:s1+s4], $0x80, v0, vm0, $0xb8;
	[tilespmem:$0x19290] =	vst v63  }
0x3c3: {  	s11 =	simm.s32 $0xFA90  }
0x3c4: {  	[tilespmem:s11], [sflag:$0x1] =	stream.indirect_vreg.gather [hbm4b:s7+s4], $0x80, v0, vm0, $0xb8;
	[tilespmem:$0x19290] =	vst v63  }
0x3c5: {  	s11 =	simm.s32 $0x10290  }
0x3c6: {  	[tilespmem:s11], [sflag:$0x1] =	stream.indirect_vreg.gather [hbm4b:s8+s4], $0x80, v0, vm0, $0xb8;
	[tilespmem:$0x19290] =	vst v63  }
0x3c7: {  	s11 =	simm.s32 $0x10A90  }
0x3c8: {  	[tilespmem:s11], [sflag:$0x1] =	stream.indirect_vreg.gather [hbm4b:s9+s4], $0x80, v0, vm0, $0xb8;
	[tilespmem:$0x19290] =	vst v63  }
0x3c9: {  	s0 =	rddreg [dreg:$0xf]  }
0x3ca: {  	[hbm4b:s0+s4] =	stream.linear.scatter [tilespmem:s29], [sflag:$0x2], $0x8000, $0x38;
	[tilespmem:$0x19290] =	vst v63  }
0x3cb: {  	_ =	swait.ge [sflag:s6], $0x8000  }
0x3cc: {  	[sflag:s6] =	ssyncset.done $0x0  }
0x3cd: {  	[sflag:s6] =	ssyncadd.s32 $0xFFFF8000  }
0x3ce: {  	_ =	swait.ge [sflag:s2], $0x8000  }
0x3cf: {  	[sflag:s2] =	ssyncset.done $0x0  }
0x3d0: {  	[sflag:s2] =	ssyncadd.s32 $0xFFFF8000  }
0x3d1: {  	v49 =	vld [tilespmem:$0x780];
	_ =	sdelay $0x4  }
0x3d2: {  	v50 =	vshll.u32 v49, $0x3  }
0x3d3: {  	v0 =	vand.u32 $0x7, v49;
	v1 =	vand.u32 $0xFFFFFFC0, v50  }
0x3d4: {  	v0 =	vor.u32 v0, v1  }
0x3d5: {  	v1 =	vperm.xlane v0, v15;
	_ =	sdelay $0x1  }
0x3d6: {  	v1 =	vadd.s32 v16, v1;
	_ =	sdelay $0x4  }
0x3d7: {  	[tilespmem:s30], [sflag:$0x1] =	stream.indirect_vreg.gather [hbm4b:s1+s4], $0x80, v1, vm0, $0xb8;
	[tilespmem:$0x19290] =	vst v63  }
0x3d8: {  	s11 =	simm.s32 $0x11A90;
	v0 =	vperm.xlane v0, v17  }
0x3d9: {  	[tilespmem:s11], [sflag:$0x1] =	stream.indirect_vreg.gather [hbm4b:s7+s4], $0x80, v1, vm0, $0xb8;
	[tilespmem:$0x19290] =	vst v63  }
0x3da: {  	v0 =	vadd.s32 v16, v0;
	s11 =	simm.s32 $0x12290  }
0x3db: {  	[tilespmem:s11], [sflag:$0x1] =	stream.indirect_vreg.gather [hbm4b:s8+s4], $0x80, v1, vm0, $0xb8;
	[tilespmem:$0x19290] =	vst v63  }
0x3dc: {  	s11 =	simm.s32 $0x12A90  }
0x3dd: {  	[tilespmem:s11], [sflag:$0x1] =	stream.indirect_vreg.gather [hbm4b:s9+s4], $0x80, v1, vm0, $0xb8;
	[tilespmem:$0x19290] =	vst v63  }
0x3de: {  	s11 =	simm.s32 $0x13290  }
0x3df: {  	[tilespmem:s11], [sflag:$0x1] =	stream.indirect_vreg.gather [hbm4b:s1+s4], $0x80, v0, vm0, $0xb8;
	[tilespmem:$0x19290] =	vst v63  }
0x3e0: {  	s11 =	simm.s32 $0x13A90  }
0x3e1: {  	[tilespmem:s11], [sflag:$0x1] =	stream.indirect_vreg.gather [hbm4b:s7+s4], $0x80, v0, vm0, $0xb8;
	[tilespmem:$0x19290] =	vst v63  }
0x3e2: {  	s11 =	simm.s32 $0x14290  }
0x3e3: {  	[tilespmem:s11], [sflag:$0x1] =	stream.indirect_vreg.gather [hbm4b:s8+s4], $0x80, v0, vm0, $0xb8;
	[tilespmem:$0x19290] =	vst v63  }
0x3e4: {  	s11 =	simm.s32 $0x14A90  }
0x3e5: {  	[tilespmem:s11], [sflag:$0x1] =	stream.indirect_vreg.gather [hbm4b:s9+s4], $0x80, v0, vm0, $0xb8;
	[tilespmem:$0x19290] =	vst v63  }
0x3e6: {  	v0 =	vld [tilespmem:$0x790];
	_ =	sdelay $0x4  }
0x3e7: {  	v51 =	vshll.u32 v0, $0x3  }
0x3e8: {  	v0 =	vand.u32 $0x7, v0;
	v1 =	vand.u32 $0xFFFFFFC0, v51  }
0x3e9: {  	v0 =	vor.u32 v0, v1  }
0x3ea: {  	v1 =	vperm.xlane v0, v15;
	_ =	sdelay $0x1  }
0x3eb: {  	v1 =	vadd.s32 v16, v1;
	_ =	sdelay $0x3  }
0x3ec: {  	s11 =	simm.s32 $0x15290  }
0x3ed: {  	[tilespmem:s11], [sflag:$0x1] =	stream.indirect_vreg.gather [hbm4b:s1+s4], $0x80, v1, vm0, $0xb8;
	[tilespmem:$0x19290] =	vst v63  }
0x3ee: {  	v0 =	vperm.xlane v0, v17;
	s11 =	simm.s32 $0x15A90  }
0x3ef: {  	[tilespmem:s11], [sflag:$0x1] =	stream.indirect_vreg.gather [hbm4b:s7+s4], $0x80, v1, vm0, $0xb8;
	[tilespmem:$0x19290] =	vst v63  }
0x3f0: {  	v0 =	vadd.s32 v16, v0;
	s11 =	simm.s32 $0x16290  }
0x3f1: {  	[tilespmem:s11], [sflag:$0x1] =	stream.indirect_vreg.gather [hbm4b:s8+s4], $0x80, v1, vm0, $0xb8;
	[tilespmem:$0x19290] =	vst v63  }
0x3f2: {  	s11 =	simm.s32 $0x16A90  }
0x3f3: {  	[tilespmem:s11], [sflag:$0x1] =	stream.indirect_vreg.gather [hbm4b:s9+s4], $0x80, v1, vm0, $0xb8;
	[tilespmem:$0x19290] =	vst v63  }
0x3f4: {  	s11 =	simm.s32 $0x17290  }
0x3f5: {  	[tilespmem:s11], [sflag:$0x1] =	stream.indirect_vreg.gather [hbm4b:s1+s4], $0x80, v0, vm0, $0xb8;
	[tilespmem:$0x19290] =	vst v63  }
0x3f6: {  	s11 =	simm.s32 $0x17A90  }
0x3f7: {  	[tilespmem:s11], [sflag:$0x1] =	stream.indirect_vreg.gather [hbm4b:s7+s4], $0x80, v0, vm0, $0xb8;
	[tilespmem:$0x19290] =	vst v63  }
0x3f8: {  	s11 =	simm.s32 $0x18290  }
0x3f9: {  	[tilespmem:s11], [sflag:$0x1] =	stream.indirect_vreg.gather [hbm4b:s8+s4], $0x80, v0, vm0, $0xb8;
	[tilespmem:$0x19290] =	vst v63  }
0x3fa: {  	_ = 	snop  }
0x3fb: {  	[tilespmem:s22], [sflag:$0x1] =	stream.indirect_vreg.gather [hbm4b:s9+s4], $0x80, v0, vm0, $0xb8;
	[tilespmem:$0x19290] =	vst v63  }
0x3fc: {  	s11 =	rddreg [dreg:$0x10]  }
0x3fd: {  	[hbm4b:s11+s4] =	stream.linear.scatter [tilespmem:s24], [sflag:$0x2], $0x8000, $0x38;
	[tilespmem:$0x19290] =	vst v63  }
0x3fe: {  	_ =	swait.ge [sflag:s6], $0x8000  }
0x3ff: {  	[sflag:s6] =	ssyncset.done $0x0  }
0x400: {  	[sflag:s6] =	ssyncadd.s32 $0xFFFF8000  }
0x401: {  	_ =	swait.ge [sflag:s2], $0x8000  }
0x402: {  	[sflag:s2] =	ssyncset.done $0x0  }
0x403: {  	[sflag:s2] =	ssyncadd.s32 $0xFFFF8000  }
0x404: {  	v52 =	vld [tilespmem:$0x800];
	_ =	sdelay $0x4  }
0x405: {  	v53 =	vshll.u32 v52, $0x3  }
0x406: {  	v0 =	vand.u32 $0x7, v52;
	v1 =	vand.u32 $0xFFFFFFC0, v53  }
0x407: {  	v0 =	vor.u32 v0, v1  }
0x408: {  	v1 =	vperm.xlane v0, v15;
	_ =	sdelay $0x1  }
0x409: {  	v1 =	vadd.s32 v16, v1;
	_ =	sdelay $0x4  }
0x40a: {  	[tilespmem:s29], [sflag:$0x1] =	stream.indirect_vreg.gather [hbm4b:s1+s4], $0x80, v1, vm0, $0xb8;
	[tilespmem:$0x19290] =	vst v63  }
0x40b: {  	s11 =	simm.s32 $0x1A90;
	v0 =	vperm.xlane v0, v17  }
0x40c: {  	[tilespmem:s11], [sflag:$0x1] =	stream.indirect_vreg.gather [hbm4b:s7+s4], $0x80, v1, vm0, $0xb8;
	[tilespmem:$0x19290] =	vst v63  }
0x40d: {  	v0 =	vadd.s32 v16, v0  }
0x40e: {  	[tilespmem:s23], [sflag:$0x1] =	stream.indirect_vreg.gather [hbm4b:s8+s4], $0x80, v1, vm0, $0xb8;
	[tilespmem:$0x19290] =	vst v63  }
0x40f: {  	_ = 	snop  }
0x410: {  	[tilespmem:s3], [sflag:$0x1] =	stream.indirect_vreg.gather [hbm4b:s9+s4], $0x80, v1, vm0, $0xb8;
	[tilespmem:$0x19290] =	vst v63  }
0x411: {  	_ = 	snop  }
0x412: {  	[tilespmem:s5], [sflag:$0x1] =	stream.indirect_vreg.gather [hbm4b:s1+s4], $0x80, v0, vm0, $0xb8;
	[tilespmem:$0x19290] =	vst v63  }
0x413: {  	_ = 	snop  }
0x414: {  	[tilespmem:s10], [sflag:$0x1] =	stream.indirect_vreg.gather [hbm4b:s7+s4], $0x80, v0, vm0, $0xb8;
	[tilespmem:$0x19290] =	vst v63  }
0x415: {  	_ = 	snop  }
0x416: {  	[tilespmem:s12], [sflag:$0x1] =	stream.indirect_vreg.gather [hbm4b:s8+s4], $0x80, v0, vm0, $0xb8;
	[tilespmem:$0x19290] =	vst v63  }
0x417: {  	_ = 	snop  }
0x418: {  	[tilespmem:s19], [sflag:$0x1] =	stream.indirect_vreg.gather [hbm4b:s9+s4], $0x80, v0, vm0, $0xb8;
	[tilespmem:$0x19290] =	vst v63  }
0x419: {  	v0 =	vld [tilespmem:$0x810];
	_ =	sdelay $0x4  }
0x41a: {  	v54 =	vshll.u32 v0, $0x3  }
0x41b: {  	v0 =	vand.u32 $0x7, v0;
	v1 =	vand.u32 $0xFFFFFFC0, v54  }
0x41c: {  	v0 =	vor.u32 v0, v1  }
0x41d: {  	v1 =	vperm.xlane v0, v15;
	_ =	sdelay $0x1  }
0x41e: {  	v1 =	vadd.s32 v16, v1;
	_ =	sdelay $0x4  }
0x41f: {  	[tilespmem:s20], [sflag:$0x1] =	stream.indirect_vreg.gather [hbm4b:s1+s4], $0x80, v1, vm0, $0xb8;
	[tilespmem:$0x19290] =	vst v63  }
0x420: {  	v0 =	vperm.xlane v0, v17  }
0x421: {  	[tilespmem:s21], [sflag:$0x1] =	stream.indirect_vreg.gather [hbm4b:s7+s4], $0x80, v1, vm0, $0xb8;
	[tilespmem:$0x19290] =	vst v63  }
0x422: {  	v0 =	vadd.s32 v16, v0  }
0x423: {  	[tilespmem:s13], [sflag:$0x1] =	stream.indirect_vreg.gather [hbm4b:s8+s4], $0x80, v1, vm0, $0xb8;
	[tilespmem:$0x19290] =	vst v63  }
0x424: {  	_ = 	snop  }
0x425: {  	[tilespmem:s14], [sflag:$0x1] =	stream.indirect_vreg.gather [hbm4b:s9+s4], $0x80, v1, vm0, $0xb8;
	[tilespmem:$0x19290] =	vst v63  }
0x426: {  	_ = 	snop  }
0x427: {  	[tilespmem:s15], [sflag:$0x1] =	stream.indirect_vreg.gather [hbm4b:s1+s4], $0x80, v0, vm0, $0xb8;
	[tilespmem:$0x19290] =	vst v63  }
0x428: {  	_ = 	snop  }
0x429: {  	[tilespmem:s16], [sflag:$0x1] =	stream.indirect_vreg.gather [hbm4b:s7+s4], $0x80, v0, vm0, $0xb8;
	[tilespmem:$0x19290] =	vst v63  }
0x42a: {  	_ = 	snop  }
0x42b: {  	[tilespmem:s18], [sflag:$0x1] =	stream.indirect_vreg.gather [hbm4b:s8+s4], $0x80, v0, vm0, $0xb8;
	[tilespmem:$0x19290] =	vst v63  }
0x42c: {  	_ = 	snop  }
0x42d: {  	[tilespmem:s17], [sflag:$0x1] =	stream.indirect_vreg.gather [hbm4b:s9+s4], $0x80, v0, vm0, $0xb8;
	[tilespmem:$0x19290] =	vst v63  }
0x42e: {  	s10 =	rddreg [dreg:$0x11]  }
0x42f: {  	[hbm4b:s10+s4] =	stream.linear.scatter [tilespmem:s30], [sflag:$0x2], $0x8000, $0x38;
	[tilespmem:$0x19290] =	vst v63  }
0x430: {  	_ =	swait.ge [sflag:s6], $0x8000  }
0x431: {  	[sflag:s6] =	ssyncset.done $0x0  }
0x432: {  	[sflag:s6] =	ssyncadd.s32 $0xFFFF8000  }
0x433: {  	_ =	swait.ge [sflag:s2], $0x8000  }
0x434: {  	[sflag:s2] =	ssyncset.done $0x0  }
0x435: {  	[sflag:s2] =	ssyncadd.s32 $0xFFFF8000  }
0x436: {  	v55 =	vld [tilespmem:$0x880];
	_ =	sdelay $0x4  }
0x437: {  	v56 =	vshll.u32 v55, $0x3  }
0x438: {  	v0 =	vand.u32 $0x7, v55;
	v1 =	vand.u32 $0xFFFFFFC0, v56  }
0x439: {  	v0 =	vor.u32 v0, v1  }
0x43a: {  	v1 =	vperm.xlane v0, v15;
	_ =	sdelay $0x1  }
0x43b: {  	v1 =	vadd.s32 v16, v1;
	_ =	sdelay $0x4  }
0x43c: {  	[tilespmem:s24], [sflag:$0x1] =	stream.indirect_vreg.gather [hbm4b:s1+s4], $0x80, v1, vm0, $0xb8;
	[tilespmem:$0x19290] =	vst v63  }
0x43d: {  	s31 =	simm.s32 $0x9A90;
	v0 =	vperm.xlane v0, v17  }
0x43e: {  	[tilespmem:s31], [sflag:$0x1] =	stream.indirect_vreg.gather [hbm4b:s7+s4], $0x80, v1, vm0, $0xb8;
	[tilespmem:$0x19290] =	vst v63  }
0x43f: {  	s10 =	simm.s32 $0xA290;
	v0 =	vadd.s32 v16, v0  }
0x440: {  	[tilespmem:s10], [sflag:$0x1] =	stream.indirect_vreg.gather [hbm4b:s8+s4], $0x80, v1, vm0, $0xb8;
	[tilespmem:$0x19290] =	vst v63  }
0x441: {  	s31 =	simm.s32 $0xAA90  }
0x442: {  	[tilespmem:s31], [sflag:$0x1] =	stream.indirect_vreg.gather [hbm4b:s9+s4], $0x80, v1, vm0, $0xb8;
	[tilespmem:$0x19290] =	vst v63  }
0x443: {  	s10 =	simm.s32 $0xB290  }
0x444: {  	[tilespmem:s10], [sflag:$0x1] =	stream.indirect_vreg.gather [hbm4b:s1+s4], $0x80, v0, vm0, $0xb8;
	[tilespmem:$0x19290] =	vst v63  }
0x445: {  	s31 =	simm.s32 $0xBA90  }
0x446: {  	[tilespmem:s31], [sflag:$0x1] =	stream.indirect_vreg.gather [hbm4b:s7+s4], $0x80, v0, vm0, $0xb8;
	[tilespmem:$0x19290] =	vst v63  }
0x447: {  	s10 =	simm.s32 $0xC290  }
0x448: {  	[tilespmem:s10], [sflag:$0x1] =	stream.indirect_vreg.gather [hbm4b:s8+s4], $0x80, v0, vm0, $0xb8;
	[tilespmem:$0x19290] =	vst v63  }
0x449: {  	s25 =	simm.s32 $0xCA90  }
0x44a: {  	[tilespmem:s25], [sflag:$0x1] =	stream.indirect_vreg.gather [hbm4b:s9+s4], $0x80, v0, vm0, $0xb8;
	[tilespmem:$0x19290] =	vst v63  }
0x44b: {  	v0 =	vld [tilespmem:$0x890];
	_ =	sdelay $0x4  }
0x44c: {  	v57 =	vshll.u32 v0, $0x3  }
0x44d: {  	v0 =	vand.u32 $0x7, v0;
	v1 =	vand.u32 $0xFFFFFFC0, v57  }
0x44e: {  	v0 =	vor.u32 v0, v1  }
0x44f: {  	v1 =	vperm.xlane v0, v15;
	_ =	sdelay $0x1  }
0x450: {  	v1 =	vadd.s32 v16, v1;
	_ =	sdelay $0x3  }
0x451: {  	s28 =	simm.s32 $0xD290  }
0x452: {  	[tilespmem:s28], [sflag:$0x1] =	stream.indirect_vreg.gather [hbm4b:s1+s4], $0x80, v1, vm0, $0xb8;
	[tilespmem:$0x19290] =	vst v63  }
0x453: {  	s26 =	simm.s32 $0xDA90;
	v0 =	vperm.xlane v0, v17  }
0x454: {  	[tilespmem:s26], [sflag:$0x1] =	stream.indirect_vreg.gather [hbm4b:s7+s4], $0x80, v1, vm0, $0xb8;
	[tilespmem:$0x19290] =	vst v63  }
0x455: {  	s31 =	simm.s32 $0xE290;
	v0 =	vadd.s32 v16, v0  }
0x456: {  	[tilespmem:s31], [sflag:$0x1] =	stream.indirect_vreg.gather [hbm4b:s8+s4], $0x80, v1, vm0, $0xb8;
	[tilespmem:$0x19290] =	vst v63  }
0x457: {  	s10 =	simm.s32 $0xEA90  }
0x458: {  	[tilespmem:s10], [sflag:$0x1] =	stream.indirect_vreg.gather [hbm4b:s9+s4], $0x80, v1, vm0, $0xb8;
	[tilespmem:$0x19290] =	vst v63  }
0x459: {  	s25 =	simm.s32 $0xF290  }
0x45a: {  	[tilespmem:s25], [sflag:$0x1] =	stream.indirect_vreg.gather [hbm4b:s1+s4], $0x80, v0, vm0, $0xb8;
	[tilespmem:$0x19290] =	vst v63  }
0x45b: {  	s26 =	simm.s32 $0xFA90  }
0x45c: {  	[tilespmem:s26], [sflag:$0x1] =	stream.indirect_vreg.gather [hbm4b:s7+s4], $0x80, v0, vm0, $0xb8;
	[tilespmem:$0x19290] =	vst v63  }
0x45d: {  	s28 =	simm.s32 $0x10290  }
0x45e: {  	[tilespmem:s28], [sflag:$0x1] =	stream.indirect_vreg.gather [hbm4b:s8+s4], $0x80, v0, vm0, $0xb8;
	[tilespmem:$0x19290] =	vst v63  }
0x45f: {  	s25 =	simm.s32 $0x10A90  }
0x460: {  	[tilespmem:s25], [sflag:$0x1] =	stream.indirect_vreg.gather [hbm4b:s9+s4], $0x80, v0, vm0, $0xb8;
	[tilespmem:$0x19290] =	vst v63  }
0x461: {  	s31 =	rddreg [dreg:$0x12]  }
0x462: {  	[hbm4b:s31+s4] =	stream.linear.scatter [tilespmem:s29], [sflag:$0x2], $0x8000, $0x38;
	[tilespmem:$0x19290] =	vst v63  }
0x463: {  	_ =	swait.ge [sflag:s6], $0x8000  }
0x464: {  	[sflag:s6] =	ssyncset.done $0x0  }
0x465: {  	[sflag:s6] =	ssyncadd.s32 $0xFFFF8000  }
0x466: {  	_ =	swait.ge [sflag:s2], $0x8000  }
0x467: {  	[sflag:s2] =	ssyncset.done $0x0  }
0x468: {  	[sflag:s2] =	ssyncadd.s32 $0xFFFF8000  }
0x469: {  	v58 =	vld [tilespmem:$0x900];
	_ =	sdelay $0x4  }
0x46a: {  	v59 =	vshll.u32 v58, $0x3  }
0x46b: {  	v0 =	vand.u32 $0x7, v58;
	v1 =	vand.u32 $0xFFFFFFC0, v59  }
0x46c: {  	v0 =	vor.u32 v0, v1  }
0x46d: {  	v1 =	vperm.xlane v0, v15;
	_ =	sdelay $0x1  }
0x46e: {  	v1 =	vadd.s32 v16, v1;
	_ =	sdelay $0x4  }
0x46f: {  	[tilespmem:s30], [sflag:$0x1] =	stream.indirect_vreg.gather [hbm4b:s1+s4], $0x80, v1, vm0, $0xb8;
	[tilespmem:$0x19290] =	vst v63  }
0x470: {  	s26 =	simm.s32 $0x11A90;
	v0 =	vperm.xlane v0, v17  }
0x471: {  	[tilespmem:s26], [sflag:$0x1] =	stream.indirect_vreg.gather [hbm4b:s7+s4], $0x80, v1, vm0, $0xb8;
	[tilespmem:$0x19290] =	vst v63  }
0x472: {  	s28 =	simm.s32 $0x12290;
	v0 =	vadd.s32 v16, v0  }
0x473: {  	[tilespmem:s28], [sflag:$0x1] =	stream.indirect_vreg.gather [hbm4b:s8+s4], $0x80, v1, vm0, $0xb8;
	[tilespmem:$0x19290] =	vst v63  }
0x474: {  	s31 =	simm.s32 $0x12A90  }
0x475: {  	[tilespmem:s31], [sflag:$0x1] =	stream.indirect_vreg.gather [hbm4b:s9+s4], $0x80, v1, vm0, $0xb8;
	[tilespmem:$0x19290] =	vst v63  }
0x476: {  	s10 =	simm.s32 $0x13290  }
0x477: {  	[tilespmem:s10], [sflag:$0x1] =	stream.indirect_vreg.gather [hbm4b:s1+s4], $0x80, v0, vm0, $0xb8;
	[tilespmem:$0x19290] =	vst v63  }
0x478: {  	s25 =	simm.s32 $0x13A90  }
0x479: {  	[tilespmem:s25], [sflag:$0x1] =	stream.indirect_vreg.gather [hbm4b:s7+s4], $0x80, v0, vm0, $0xb8;
	[tilespmem:$0x19290] =	vst v63  }
0x47a: {  	s26 =	simm.s32 $0x14290  }
0x47b: {  	[tilespmem:s26], [sflag:$0x1] =	stream.indirect_vreg.gather [hbm4b:s8+s4], $0x80, v0, vm0, $0xb8;
	[tilespmem:$0x19290] =	vst v63  }
0x47c: {  	s28 =	simm.s32 $0x14A90  }
0x47d: {  	[tilespmem:s28], [sflag:$0x1] =	stream.indirect_vreg.gather [hbm4b:s9+s4], $0x80, v0, vm0, $0xb8;
	[tilespmem:$0x19290] =	vst v63  }
0x47e: {  	v0 =	vld [tilespmem:$0x910];
	_ =	sdelay $0x4  }
0x47f: {  	v60 =	vshll.u32 v0, $0x3  }
0x480: {  	v0 =	vand.u32 $0x7, v0;
	v1 =	vand.u32 $0xFFFFFFC0, v60  }
0x481: {  	v0 =	vor.u32 v0, v1  }
0x482: {  	v1 =	vperm.xlane v0, v15;
	_ =	sdelay $0x1  }
0x483: {  	v1 =	vadd.s32 v16, v1;
	_ =	sdelay $0x3  }
0x484: {  	s31 =	simm.s32 $0x15290  }
0x485: {  	[tilespmem:s31], [sflag:$0x1] =	stream.indirect_vreg.gather [hbm4b:s1+s4], $0x80, v1, vm0, $0xb8;
	[tilespmem:$0x19290] =	vst v63  }
0x486: {  	s10 =	simm.s32 $0x15A90;
	v0 =	vperm.xlane v0, v17  }
0x487: {  	[tilespmem:s10], [sflag:$0x1] =	stream.indirect_vreg.gather [hbm4b:s7+s4], $0x80, v1, vm0, $0xb8;
	[tilespmem:$0x19290] =	vst v63  }
0x488: {  	s25 =	simm.s32 $0x16290;
	v0 =	vadd.s32 v16, v0  }
0x489: {  	[tilespmem:s25], [sflag:$0x1] =	stream.indirect_vreg.gather [hbm4b:s8+s4], $0x80, v1, vm0, $0xb8;
	[tilespmem:$0x19290] =	vst v63  }
0x48a: {  	s26 =	simm.s32 $0x16A90  }
0x48b: {  	[tilespmem:s26], [sflag:$0x1] =	stream.indirect_vreg.gather [hbm4b:s9+s4], $0x80, v1, vm0, $0xb8;
	[tilespmem:$0x19290] =	vst v63  }
0x48c: {  	s28 =	simm.s32 $0x17290  }
0x48d: {  	[tilespmem:s28], [sflag:$0x1] =	stream.indirect_vreg.gather [hbm4b:s1+s4], $0x80, v0, vm0, $0xb8;
	[tilespmem:$0x19290] =	vst v63  }
0x48e: {  	s31 =	simm.s32 $0x17A90  }
0x48f: {  	[tilespmem:s31], [sflag:$0x1] =	stream.indirect_vreg.gather [hbm4b:s7+s4], $0x80, v0, vm0, $0xb8;
	[tilespmem:$0x19290] =	vst v63  }
0x490: {  	s10 =	simm.s32 $0x18290  }
0x491: {  	[tilespmem:s10], [sflag:$0x1] =	stream.indirect_vreg.gather [hbm4b:s8+s4], $0x80, v0, vm0, $0xb8;
	[tilespmem:$0x19290] =	vst v63  }
0x492: {  	s22 =	simm.s32 $0x18A90  }
0x493: {  	[tilespmem:s22], [sflag:$0x1] =	stream.indirect_vreg.gather [hbm4b:s9+s4], $0x80, v0, vm0, $0xb8;
	[tilespmem:$0x19290] =	vst v63  }
0x494: {  	s25 =	rddreg [dreg:$0x13]  }
0x495: {  	[hbm4b:s25+s4] =	stream.linear.scatter [tilespmem:s24], [sflag:$0x2], $0x8000, $0x38;
	[tilespmem:$0x19290] =	vst v63  }
0x496: {  	_ =	swait.ge [sflag:s6], $0x8000  }
0x497: {  	[sflag:s6] =	ssyncset.done $0x0  }
0x498: {  	[sflag:s6] =	ssyncadd.s32 $0xFFFF8000  }
0x499: {  	_ =	swait.ge [sflag:s2], $0x8000  }
0x49a: {  	[sflag:s2] =	ssyncset.done $0x0  }
0x49b: {  	[sflag:s2] =	ssyncadd.s32 $0xFFFF8000  }
0x49c: {  	v61 =	vld [tilespmem:$0x980];
	_ =	sdelay $0x4  }
0x49d: {  	v62 =	vshll.u32 v61, $0x3  }
0x49e: {  	v0 =	vand.u32 $0x7, v61;
	v1 =	vand.u32 $0xFFFFFFC0, v62  }
0x49f: {  	v0 =	vor.u32 v0, v1  }
0x4a0: {  	v1 =	vperm.xlane v0, v15;
	_ =	sdelay $0x1  }
0x4a1: {  	v1 =	vadd.s32 v16, v1;
	_ =	sdelay $0x4  }
0x4a2: {  	[tilespmem:s29], [sflag:$0x1] =	stream.indirect_vreg.gather [hbm4b:s1+s4], $0x80, v1, vm0, $0xb8;
	[tilespmem:$0x19290] =	vst v63  }
0x4a3: {  	s26 =	simm.s32 $0x1A90;
	v0 =	vperm.xlane v0, v17  }
0x4a4: {  	[tilespmem:s26], [sflag:$0x1] =	stream.indirect_vreg.gather [hbm4b:s7+s4], $0x80, v1, vm0, $0xb8;
	[tilespmem:$0x19290] =	vst v63  }
0x4a5: {  	s23 =	simm.s32 $0x2290;
	v0 =	vadd.s32 v16, v0  }
0x4a6: {  	[tilespmem:s23], [sflag:$0x1] =	stream.indirect_vreg.gather [hbm4b:s8+s4], $0x80, v1, vm0, $0xb8;
	[tilespmem:$0x19290] =	vst v63  }
0x4a7: {  	s3 =	simm.s32 $0x2A90  }
0x4a8: {  	[tilespmem:s3], [sflag:$0x1] =	stream.indirect_vreg.gather [hbm4b:s9+s4], $0x80, v1, vm0, $0xb8;
	[tilespmem:$0x19290] =	vst v63  }
0x4a9: {  	s5 =	simm.s32 $0x3290  }
0x4aa: {  	[tilespmem:s5], [sflag:$0x1] =	stream.indirect_vreg.gather [hbm4b:s1+s4], $0x80, v0, vm0, $0xb8;
	[tilespmem:$0x19290] =	vst v63  }
0x4ab: {  	s11 =	simm.s32 $0x3A90  }
0x4ac: {  	[tilespmem:s11], [sflag:$0x1] =	stream.indirect_vreg.gather [hbm4b:s7+s4], $0x80, v0, vm0, $0xb8;
	[tilespmem:$0x19290] =	vst v63  }
0x4ad: {  	s12 =	simm.s32 $0x4290  }
0x4ae: {  	[tilespmem:s12], [sflag:$0x1] =	stream.indirect_vreg.gather [hbm4b:s8+s4], $0x80, v0, vm0, $0xb8;
	[tilespmem:$0x19290] =	vst v63  }
0x4af: {  	s19 =	simm.s32 $0x4A90  }
0x4b0: {  	[tilespmem:s19], [sflag:$0x1] =	stream.indirect_vreg.gather [hbm4b:s9+s4], $0x80, v0, vm0, $0xb8;
	[tilespmem:$0x19290] =	vst v63  }
0x4b1: {  	v0 =	vld [tilespmem:$0x990];
	_ =	sdelay $0x4  }
0x4b2: {  	v63 =	vshll.u32 v0, $0x3  }
0x4b3: {  	v0 =	vand.u32 $0x7, v0;
	v1 =	vand.u32 $0xFFFFFFC0, v63  }
0x4b4: {  	v0 =	vor.u32 v0, v1  }
0x4b5: {  	v1 =	vperm.xlane v0, v15;
	_ =	sdelay $0x1  }
0x4b6: {  	v1 =	vadd.s32 v16, v1;
	_ =	sdelay $0x3  }
0x4b7: {  	s20 =	simm.s32 $0x5290  }
0x4b8: {  	[tilespmem:s20], [sflag:$0x1] =	stream.indirect_vreg.gather [hbm4b:s1+s4], $0x80, v1, vm0, $0xb8;
	[tilespmem:$0x19290] =	vst v63  }
0x4b9: {  	s21 =	simm.s32 $0x5A90;
	v0 =	vperm.xlane v0, v17  }
0x4ba: {  	[tilespmem:s21], [sflag:$0x1] =	stream.indirect_vreg.gather [hbm4b:s7+s4], $0x80, v1, vm0, $0xb8;
	[tilespmem:$0x19290] =	vst v63  }
0x4bb: {  	s13 =	simm.s32 $0x6290;
	v0 =	vadd.s32 v16, v0  }
0x4bc: {  	[tilespmem:s13], [sflag:$0x1] =	stream.indirect_vreg.gather [hbm4b:s8+s4], $0x80, v1, vm0, $0xb8;
	[tilespmem:$0x19290] =	vst v63  }
0x4bd: {  	s14 =	simm.s32 $0x6A90  }
0x4be: {  	[tilespmem:s14], [sflag:$0x1] =	stream.indirect_vreg.gather [hbm4b:s9+s4], $0x80, v1, vm0, $0xb8;
	[tilespmem:$0x19290] =	vst v63  }
0x4bf: {  	s15 =	simm.s32 $0x7290  }
0x4c0: {  	[tilespmem:s15], [sflag:$0x1] =	stream.indirect_vreg.gather [hbm4b:s1+s4], $0x80, v0, vm0, $0xb8;
	[tilespmem:$0x19290] =	vst v63  }
0x4c1: {  	s16 =	simm.s32 $0x7A90  }
0x4c2: {  	[tilespmem:s16], [sflag:$0x1] =	stream.indirect_vreg.gather [hbm4b:s7+s4], $0x80, v0, vm0, $0xb8;
	[tilespmem:$0x19290] =	vst v63  }
0x4c3: {  	s18 =	simm.s32 $0x8290  }
0x4c4: {  	[tilespmem:s18], [sflag:$0x1] =	stream.indirect_vreg.gather [hbm4b:s8+s4], $0x80, v0, vm0, $0xb8;
	[tilespmem:$0x19290] =	vst v63  }
0x4c5: {  	s17 =	simm.s32 $0x8A90  }
0x4c6: {  	[tilespmem:s17], [sflag:$0x1] =	stream.indirect_vreg.gather [hbm4b:s9+s4], $0x80, v0, vm0, $0xb8;
	[tilespmem:$0x19290] =	vst v63  }
0x4c7: {  	s28 =	rddreg [dreg:$0x14]  }
0x4c8: {  	[hbm4b:s28+s4] =	stream.linear.scatter [tilespmem:s30], [sflag:$0x2], $0x8000, $0x38;
	[tilespmem:$0x19290] =	vst v63  }
0x4c9: {  	_ =	swait.ge [sflag:s6], $0x8000  }
0x4ca: {  	s30 =	rddreg [dreg:$0x15];
	[sflag:s6] =	ssyncset.done $0x0  }
0x4cb: {  	s31 =	rddreg [dreg:$0x19];
	[sflag:s6] =	ssyncadd.s32 $0xFFFF8000  }
0x4cc: {  	[hbm4b:s30+s4] =	stream.linear.scatter [tilespmem:s29], [sflag:$0x2], $0x8000, $0x38;
	[tilespmem:$0x19290] =	vst v63  }
0x4cd: {  	p0 =	sne.s32 s31, $0x1;
	_ =	swait.ge [sflag:s2], $0x8000  }
.Ltmp0:
0x4ce: {  	[sflag:s2] =	ssyncset.done $0x0;
	(pc) =	sbr.rel @p0 .LBB2_1-.Ltmp0, $4  }
0x4cf: {  	[sflag:s2] =	ssyncadd.s32 $0xFFFF8000  }
0x4d0: {  	_ =	swait.ge [sflag:s2], $0x8000  }
0x4d1: {  	[sflag:s2] =	ssyncset.done $0x0  }
0x4d2: {  	s10 =	sadd.s32 $0xFFFFFFFF, s31;
	[sflag:s2] =	ssyncadd.s32 $0xFFFF8000  }
0x4d3: {  	_ =	sfence.sel $0x180000  }
0x4d4: {  	[bflag:$0x0] =	sbarrier.arrive $0xFFFF  }
0x4d5: {  	_ =	strace $0x90000047  }
0x4d6: {  	s0 =	stileid.u32;
	[bflag:$0x2] =	sbarrier.arrive $0xFFFF  }
0x4d7: {  	p0 =	sne.s32 s0, $0x0;
	s0 =	rddreg [dreg:$0x4]  }
0x4d8: {  	s0 =	sadd.s32 @!p0 $0x100000, s0  }
0x4d9: {  	[sflag:s0] =	ssyncadd.tile.s32 @!p0 $0x1;
	_ =	shalt  }
.Lfunc_end2:
_tile_overlayer_lowered:
.L_overlay_start_2:
0x4da: {  	(tag) =	ssettag $0x2  }
0x4db: {  	s0 =	rddreg [dreg:$0x0];
	s2 =	stileid.u32  }
0x4dc: {  	s1 =	rddreg [dreg:$0x1];
	p0 =	sne.s32 s2, $0x0  }
0x4dd: {  	s3 =	rddreg [dreg:$0x2];
	[bflag:$0x3] =	sbarrier.arrive $0xFFFF;
	s2 =	simm.s32 @!p0 $0x1C03  }
0x4de: {  	[timem:s3], [sflag:s2] =	dma.local @!p0 [hbm:s0], s1  }
0x4df: {  	s0 =	simm.s32 @!p0 $0x3  }
0x4e0: {  	_ =	swait.ge @!p0 [sflag:s0], s1  }
0x4e1: {  	s1 =	ssub.s32 @!p0 $0x0, s1;
	[sflag:s0] =	ssyncset.done @!p0 $0x0  }
0x4e2: {  	[sflag:s0] =	ssyncadd.s32 @!p0 s1  }
0x4e3: {  	[bflag:$0x3] =	sbarrier.arrive $0xFFFF  }
0x4e4: {  	_ =	shalt  }

</sc_bundles>
